<compile_context>
chip_gen: v7x
topology: tpu7x:2x2x1
jax: 0.10.2.dev20260603
libtpu: 0.0.44.dev20260713+nightly
codegen_flags: <defaults>
</compile_context>

<pallas_src>
import jax
import jax.numpy as jnp
from jax import lax
from jax.experimental import pallas as pl
from jax.experimental.pallas import tpu as pltpu
from jax.experimental.pallas import tpu_sc as plsc

N = 10000
D = 128
DH = D // 2
NLAYERS = 4
E_TOT = 320000 + N
NC, NS = 2, 16
CHUNK = 128
ROWS = 162
EPAD = NS * ROWS * CHUNK
HROWS = ROWS // 2
NP = 10240
RPT = NP // NS
EPS = 1e-5

_MESH = plsc.VectorSubcoreMesh(
    core_axis_name="c", subcore_axis_name="s", num_cores=NC, num_subcores=NS
)



def _sc_deg_body(dst_hbm, out_hbm, dst_v, val_v, acc, sem):
    cid = lax.axis_index("c")
    sid = lax.axis_index("s")
    pltpu.async_copy(dst_hbm.at[sid], dst_v, sem)

    zero16 = jnp.zeros((16,), jnp.float32)

    def _zrow(r, carry):
        val_v[r, pl.ds(0, 16)] = zero16
        return carry

    lax.fori_loop(0, CHUNK, _zrow, None)
    base = sid * RPT
    for k in range(RPT // CHUNK):
        pltpu.sync_copy(val_v, acc.at[pl.ds(base + k * CHUNK, CHUNK)])

    one16 = jnp.ones((16,), jnp.float32)

    def _orow(r, carry):
        val_v[r, pl.ds(0, 16)] = one16
        return carry

    lax.fori_loop(0, CHUNK, _orow, None)
    pltpu.make_async_copy(dst_hbm.at[sid], dst_v, sem).wait()
    plsc.subcore_barrier()

    e0 = cid * HROWS

    def _step(e, carry):
        pltpu.sync_copy(val_v, acc.at[dst_v.at[e0 + e]], add=True)
        return carry

    lax.fori_loop(0, HROWS, _step, None)
    plsc.subcore_barrier()
    pltpu.sync_copy(acc.at[pl.ds(base, RPT)], out_hbm.at[cid, pl.ds(base, RPT)])


_sc_deg = pl.kernel(
    _sc_deg_body,
    out_type=jax.ShapeDtypeStruct((NC, NP, 16), jnp.float32),
    mesh=_MESH,
    compiler_params=pltpu.CompilerParams(use_tc_tiling_on_sc=False),
    scratch_types=[
        pltpu.VMEM((ROWS, CHUNK), jnp.int32),
        pltpu.VMEM((CHUNK, 16), jnp.float32),
        pltpu.VMEM_SHARED((NP, 16), jnp.float32),
        pltpu.SemaphoreType.DMA,
    ],
)


def _sc_msg_body(z_hbm, src_hbm, dst_hbm, out_hbm, src_v, dst_v,
                 b0, b1, g0, g1, acc):
    bufs = (b0, b1)
    gsems = (g0, g1)
    cid = lax.axis_index("c")
    sid = lax.axis_index("s")
    zv = z_hbm.at[cid]
    pltpu.async_copy(src_hbm.at[sid], src_v, gsems[0])
    pltpu.async_copy(dst_hbm.at[sid], dst_v, gsems[1])

    zero16 = jnp.zeros((16,), jnp.float32)

    def _zrow(r, carry):
        for c in range(DH // 16):
            bufs[0][r, pl.ds(c * 16, 16)] = zero16
        return carry

    lax.fori_loop(0, CHUNK, _zrow, None)
    base = sid * RPT
    for k in range(RPT // CHUNK):
        pltpu.sync_copy(bufs[0], acc.at[pl.ds(base + k * CHUNK, CHUNK)])
    pltpu.make_async_copy(src_hbm.at[sid], src_v, gsems[0]).wait()
    pltpu.make_async_copy(dst_hbm.at[sid], dst_v, gsems[1]).wait()
    plsc.subcore_barrier()

    pltpu.async_copy(zv.at[src_v.at[0]], bufs[0], gsems[0])
    pltpu.async_copy(zv.at[src_v.at[1]], bufs[1], gsems[1])

    def _step(i, carry):
        for b in range(2):
            e = i * 2 + b
            pltpu.make_async_copy(zv.at[src_v.at[e]], bufs[b], gsems[b]).wait()
            pltpu.sync_copy(bufs[b], acc.at[dst_v.at[e]], add=True)

            @pl.when(i < ROWS // 2 - 1)
            def _prefetch():
                pltpu.async_copy(zv.at[src_v.at[e + 2]], bufs[b], gsems[b])

        return carry

    lax.fori_loop(0, ROWS // 2, _step, None)
    plsc.subcore_barrier()
    for k in range(RPT // CHUNK):
        r0 = base + k * CHUNK
        pltpu.sync_copy(acc.at[pl.ds(r0, CHUNK)], out_hbm.at[cid, pl.ds(r0, CHUNK)])


_sc_msg = pl.kernel(
    _sc_msg_body,
    out_type=jax.ShapeDtypeStruct((NC, NP, DH), jnp.float32),
    mesh=_MESH,
    compiler_params=pltpu.CompilerParams(use_tc_tiling_on_sc=False),
    scratch_types=[
        pltpu.VMEM((ROWS, CHUNK), jnp.int32),
        pltpu.VMEM((ROWS, CHUNK), jnp.int32),
        pltpu.VMEM((CHUNK, DH), jnp.float32),
        pltpu.VMEM((CHUNK, DH), jnp.float32),
        pltpu.SemaphoreType.DMA,
        pltpu.SemaphoreType.DMA,
        pltpu.VMEM_SHARED((NP, DH), jnp.float32),
    ],
)



def _graph_norm_dense(h, w, b, ms):
    m = jnp.mean(h, axis=0, keepdims=True)
    hc = h - m * ms[None, :]
    var = jnp.mean(hc * hc, axis=0, keepdims=True)
    return w[None, :] * hc * lax.rsqrt(var + EPS) + b[None, :]


def _store_z_halves(z_ref, z):
    z_ref[0, 0:N, :] = z[:, 0:DH]
    z_ref[1, 0:N, :] = z[:, DH:D]
    pad = jnp.zeros((NP - N, DH), jnp.float32)
    z_ref[0, N:NP, :] = pad
    z_ref[1, N:NP, :] = pad


def _tc_init_body(x_ref, degp_ref, gnw_ref, gnb_ref, gnms_ref, w_ref,
                  z_ref, dinv_ref):
    dsum = degp_ref[0] + degp_ref[1]
    deg = jnp.sum(dsum, axis=1, keepdims=True) * (1.0 / 16.0)
    dinv = jnp.where(deg > 0.0, lax.rsqrt(jnp.maximum(deg, 1.0)), 0.0)
    dinv_ref[...] = dinv
    y = _graph_norm_dense(x_ref[...], gnw_ref[...], gnb_ref[...], gnms_ref[...])
    z = jnp.dot(y, w_ref[...], preferred_element_type=jnp.float32)
    _store_z_halves(z_ref, z * dinv[0:N])


def _tc_mid_body(p_ref, dinv_ref, b_ref, gnw_ref, gnb_ref, gnms_ref, w_ref,
                 z_ref):
    dinv = dinv_ref[0:N]
    agg = jnp.concatenate([p_ref[0, 0:N, :], p_ref[1, 0:N, :]], axis=1)
    h = agg * dinv + b_ref[...][None, :]
    h = jnp.where(h >= 0.0, h, 0.01 * h)
    y = _graph_norm_dense(h, gnw_ref[...], gnb_ref[...], gnms_ref[...])
    z = jnp.dot(y, w_ref[...], preferred_element_type=jnp.float32)
    _store_z_halves(z_ref, z * dinv)


def _tc_final_body(p_ref, dinv_ref, b_ref, out_ref):
    dinv = dinv_ref[0:N]
    agg = jnp.concatenate([p_ref[0, 0:N, :], p_ref[1, 0:N, :]], axis=1)
    out_ref[...] = agg * dinv + b_ref[...][None, :]


_tc_init = pl.pallas_call(
    _tc_init_body,
    out_shape=(
        jax.ShapeDtypeStruct((NC, NP, DH), jnp.float32),
        jax.ShapeDtypeStruct((NP, 1), jnp.float32),
    ),
)

_tc_mid = pl.pallas_call(
    _tc_mid_body,
    out_shape=jax.ShapeDtypeStruct((NC, NP, DH), jnp.float32),
)

_tc_final = pl.pallas_call(
    _tc_final_body,
    out_shape=jax.ShapeDtypeStruct((N, D), jnp.float32),
)



def kernel(x, edge_index, gn_w, gn_b, gn_ms, Ws, bs):
    ei = edge_index.astype(jnp.int32)
    loops = jnp.arange(N, dtype=jnp.int32)
    pad = jnp.full((EPAD - E_TOT,), N, jnp.int32)
    srcp = jnp.concatenate([ei[0], loops, pad]).reshape(NS, ROWS, CHUNK)
    dstp = jnp.concatenate([ei[1], loops, pad]).reshape(NS, ROWS, CHUNK)

    degp = _sc_deg(dstp)
    z, dinv = _tc_init(x, degp, gn_w[0], gn_b[0], gn_ms[0], Ws[0])
    for i in range(1, NLAYERS):
        p = _sc_msg(z, srcp, dstp)
        z = _tc_mid(p, dinv, bs[i - 1], gn_w[i], gn_b[i], gn_ms[i], Ws[i])
    p = _sc_msg(z, srcp, dstp)
    return _tc_final(p, dinv, bs[NLAYERS - 1])

# --- scband reference (transcript-rebuilt; emitter-appended) ---
"""Pipeline reference for scband-gcn-72756745994559 (READ-ONLY COPY).

The authoritative reference and input builder live on the scoring server;
editing this copy changes nothing except your own understanding.
"""

import jax, jax.numpy as jnp
import numpy as np

N_NODES = 10000
N_EDGES = 320000
D = 128
N_LAYERS = 4  # GN+GCN x (1 input + 2 blocks + 1 output)


def setup_inputs(seed: int = 0) -> dict:
    key = jax.random.key(seed)
    ks = jax.random.split(key, 8)
    x = jax.random.normal(ks[0], (N_NODES, D), dtype=jnp.float32)
    edge_index = jax.random.randint(ks[1], (2, N_EDGES), 0, N_NODES, dtype=jnp.int64)
    # GraphNorm params per layer: weight, bias, mean_scale (all init like PyG: ones/zeros/ones,
    # but randomize slightly for a nontrivial reference)
    gn_w = jnp.ones((N_LAYERS, D), jnp.float32) + 0.01 * jax.random.normal(ks[2], (N_LAYERS, D))
    gn_b = 0.01 * jax.random.normal(ks[3], (N_LAYERS, D), dtype=jnp.float32)
    gn_ms = jnp.ones((N_LAYERS, D), jnp.float32) + 0.01 * jax.random.normal(ks[4], (N_LAYERS, D))
    # GCNConv params: W [in, out], b [out]; glorot-ish scale
    scale = 1.0 / np.sqrt(D)
    Ws = scale * jax.random.normal(ks[5], (N_LAYERS, D, D), dtype=jnp.float32)
    bs = 0.01 * jax.random.normal(ks[6], (N_LAYERS, D), dtype=jnp.float32)
    return {"x": x, "edge_index": edge_index, "gn_w": gn_w, "gn_b": gn_b, "gn_ms": gn_ms, "Ws": Ws, "bs": bs}


def _graph_norm(x, w, b, ms, eps=1e-5):
    # PyG GraphNorm for a single graph: per-feature mean/var over all nodes
    mean = jnp.mean(x, axis=0, keepdims=True)
    out = x - mean * ms[None, :]
    var = jnp.mean(out * out, axis=0, keepdims=True)
    return w[None, :] * out / jnp.sqrt(var + eps) + b[None, :]


def _gcn_conv(x, src, dst, W, b, n):
    # PyG GCNConv with add_self_loops=True (src/dst already include self loops),
    # edge_weight=1, symmetric normalization
    xw = x @ W
    deg = jnp.zeros((n,), xw.dtype).at[dst].add(1.0)
    dinv = jax.lax.rsqrt(deg)  # deg >= 1 thanks to self loops
    norm = dinv[src] * dinv[dst]
    msg = xw[src] * norm[:, None]
    out = jnp.zeros((n, xw.shape[1]), xw.dtype).at[dst].add(msg)
    return out + b[None, :]


def reference(x, edge_index, gn_w, gn_b, gn_ms, Ws, bs):
    n = x.shape[0]
    loops = jnp.arange(n, dtype=edge_index.dtype)
    src = jnp.concatenate([edge_index[0], loops])
    dst = jnp.concatenate([edge_index[1], loops])
    h = x
    for i in range(N_LAYERS):
        h = _graph_norm(h, gn_w[i], gn_b[i], gn_ms[i])
        h = _gcn_conv(h, src, dst, Ws[i], bs[i], n)
        if i < N_LAYERS - 1:
            h = jnp.where(h >= 0, h, 0.01 * h)  # LeakyReLU(0.01)
    return h

if __name__ == "__main__":
    import jax
    _d = setup_inputs()
    print(jax.jit(kernel)(*tuple(_d.values())))

</pallas_src>

<mosaic_0001>
#map = affine_map<(d0, d1) -> (0, 0, 0)>
module attributes {stable_mosaic.version = 14 : i64} {
  func.func @_sc_msg_body(%arg0: i32, %arg1: i32, %arg2: memref<2x10240x64xf32, #tpu.memory_space<hbm>>, %arg3: memref<16x162x128xi32, #tpu.memory_space<hbm>>, %arg4: memref<16x162x128xi32, #tpu.memory_space<hbm>>, %arg5: memref<2x10240x64xf32, #tpu.memory_space<hbm>>, %arg6: memref<162x128xi32, #tpu.memory_space<vmem>>, %arg7: memref<162x128xi32, #tpu.memory_space<vmem>>, %arg8: memref<128x64xf32, #tpu.memory_space<vmem>>, %arg9: memref<128x64xf32, #tpu.memory_space<vmem>>, %arg10: memref<!tpu.dma_semaphore, #tpu.memory_space<semaphore_mem>>, %arg11: memref<!tpu.dma_semaphore, #tpu.memory_space<semaphore_mem>>, %arg12: memref<10240x64xf32, #tpu.memory_space<vmem_shared>>) attributes {dimension_semantics = [#tpu.dimension_semantics<core_parallel>, #tpu.dimension_semantics<subcore_parallel>], iteration_bounds = array<i64: 2, 16>, scalar_prefetch = 0 : i64, scratch_operands = 7 : i64, tpu.core_type = #tpu.core_type<sc_vector_subcore>, window_params = [{transform_indices = #map}, {transform_indices = #map}, {transform_indices = #map}, {transform_indices = #map}]} {
    %dma_start3A = arith.constant 0 : i32
    %dma_start3A_0 = arith.constant 0 : i32
    %dma_start3A_1 = tpu.memref_slice %arg3[%arg1, %dma_start3A, %dma_start3A_0] : memref<16x162x128xi32, #tpu.memory_space<hbm>> -> memref<1x162x128xi32, #tpu.memory_space<hbm>>
    %dma_start3A_2 = tpu.memref_squeeze %dma_start3A_1 : memref<1x162x128xi32, #tpu.memory_space<hbm>> -> memref<162x128xi32, #tpu.memory_space<hbm>>
    %dma_start3A_3 = arith.constant 0 : i32
    %dma_start3A_4 = arith.constant 0 : i32
    %dma_start3A_5 = tpu.memref_slice %arg3[%arg1, %dma_start3A_3, %dma_start3A_4] : memref<16x162x128xi32, #tpu.memory_space<hbm>> -> memref<1x162x128xi32, #tpu.memory_space<hbm>>
    %dma_start3A_6 = tpu.memref_squeeze %dma_start3A_5 : memref<1x162x128xi32, #tpu.memory_space<hbm>> -> memref<162x128xi32, #tpu.memory_space<hbm>>
    tpu.enqueue_dma source(%dma_start3A_6 : memref<162x128xi32, #tpu.memory_space<hbm>>) target(%arg6 : memref<162x128xi32, #tpu.memory_space<vmem>>) target_semaphore(%arg10 : memref<!tpu.dma_semaphore, #tpu.memory_space<semaphore_mem>>)
    %dma_start3A_7 = arith.constant 0 : i32
    %dma_start3A_8 = arith.constant 0 : i32
    %dma_start3A_9 = tpu.memref_slice %arg4[%arg1, %dma_start3A_7, %dma_start3A_8] : memref<16x162x128xi32, #tpu.memory_space<hbm>> -> memref<1x162x128xi32, #tpu.memory_space<hbm>>
    %dma_start3A_10 = tpu.memref_squeeze %dma_start3A_9 : memref<1x162x128xi32, #tpu.memory_space<hbm>> -> memref<162x128xi32, #tpu.memory_space<hbm>>
    %dma_start3A_11 = arith.constant 0 : i32
    %dma_start3A_12 = arith.constant 0 : i32
    %dma_start3A_13 = tpu.memref_slice %arg4[%arg1, %dma_start3A_11, %dma_start3A_12] : memref<16x162x128xi32, #tpu.memory_space<hbm>> -> memref<1x162x128xi32, #tpu.memory_space<hbm>>
    %dma_start3A_14 = tpu.memref_squeeze %dma_start3A_13 : memref<1x162x128xi32, #tpu.memory_space<hbm>> -> memref<162x128xi32, #tpu.memory_space<hbm>>
    tpu.enqueue_dma source(%dma_start3A_14 : memref<162x128xi32, #tpu.memory_space<hbm>>) target(%arg7 : memref<162x128xi32, #tpu.memory_space<vmem>>) target_semaphore(%arg11 : memref<!tpu.dma_semaphore, #tpu.memory_space<semaphore_mem>>)
    %broadcast_in_dim3A = arith.constant 0.000000e+00 : f32
    %broadcast_in_dim3A_15 = vector.broadcast %broadcast_in_dim3A : f32 to vector<16xf32>
    %scan3A = arith.constant 0 : i32
    %scan3A_16 = arith.constant 128 : i32
    %scan3A_17 = arith.addi %scan3A, %scan3A_16 : i32
    %scan3A_18 = arith.constant 1 : i32
    scf.for %scan3A_83 = %scan3A to %scan3A_17 step %scan3A_18  : i32 {
      %swap3A = arith.index_cast %scan3A_83 : i32 to index
      %swap3A_84 = arith.constant 0 : index
      %swap3A_85 = tpu.vector_load %arg8[%swap3A, %swap3A_84] {strides = array<i32>} : memref<128x64xf32, #tpu.memory_space<vmem>>, vector<1x16xf32>,
      %swap3A_86 = vector.shape_cast %swap3A_85 : vector<1x16xf32> to vector<16xf32>
      %swap3A_87 = vector.shape_cast %broadcast_in_dim3A_15 : vector<16xf32> to vector<1x16xf32>
      tpu.vector_store %arg8[%swap3A, %swap3A_84], %swap3A_87 {strides = array<i32>} : memref<128x64xf32, #tpu.memory_space<vmem>>, vector<1x16xf32>,
      %swap3A_88 = arith.index_cast %scan3A_83 : i32 to index
      %swap3A_89 = arith.constant 16 : index
      %swap3A_90 = tpu.vector_load %arg8[%swap3A_88, %swap3A_89] {strides = array<i32>} : memref<128x64xf32, #tpu.memory_space<vmem>>, vector<1x16xf32>,
      %swap3A_91 = vector.shape_cast %swap3A_90 : vector<1x16xf32> to vector<16xf32>
      %swap3A_92 = vector.shape_cast %broadcast_in_dim3A_15 : vector<16xf32> to vector<1x16xf32>
      tpu.vector_store %arg8[%swap3A_88, %swap3A_89], %swap3A_92 {strides = array<i32>} : memref<128x64xf32, #tpu.memory_space<vmem>>, vector<1x16xf32>,
      %swap3A_93 = arith.index_cast %scan3A_83 : i32 to index
      %swap3A_94 = arith.constant 32 : index
      %swap3A_95 = tpu.vector_load %arg8[%swap3A_93, %swap3A_94] {strides = array<i32>} : memref<128x64xf32, #tpu.memory_space<vmem>>, vector<1x16xf32>,
      %swap3A_96 = vector.shape_cast %swap3A_95 : vector<1x16xf32> to vector<16xf32>
      %swap3A_97 = vector.shape_cast %broadcast_in_dim3A_15 : vector<16xf32> to vector<1x16xf32>
      tpu.vector_store %arg8[%swap3A_93, %swap3A_94], %swap3A_97 {strides = array<i32>} : memref<128x64xf32, #tpu.memory_space<vmem>>, vector<1x16xf32>,
      %swap3A_98 = arith.index_cast %scan3A_83 : i32 to index
      %swap3A_99 = arith.constant 48 : index
      %swap3A_100 = tpu.vector_load %arg8[%swap3A_98, %swap3A_99] {strides = array<i32>} : memref<128x64xf32, #tpu.memory_space<vmem>>, vector<1x16xf32>,
      %swap3A_101 = vector.shape_cast %swap3A_100 : vector<1x16xf32> to vector<16xf32>
      %swap3A_102 = vector.shape_cast %broadcast_in_dim3A_15 : vector<16xf32> to vector<1x16xf32>
      tpu.vector_store %arg8[%swap3A_98, %swap3A_99], %swap3A_102 {strides = array<i32>} : memref<128x64xf32, #tpu.memory_space<vmem>>, vector<1x16xf32>,
    }
    %scan3A_19 = arith.constant 128 : i32
    %mul3A = arith.constant 640 : i32
    %mul3A_20 = arith.muli %arg1, %mul3A : i32
    %add3A = arith.constant 0 : i32
    %add3A_21 = arith.addi %mul3A_20, %add3A : i32
    "tpu.region"() ({
      %run_scoped3A = tpu.sem_alloc : memref<!tpu.dma_semaphore, #tpu.memory_space<semaphore_mem>>
      %dma_start3A_83 = arith.constant 0 : i32
      %dma_start3A_84 = tpu.memref_slice %arg12[%add3A_21, %dma_start3A_83] : memref<10240x64xf32, #tpu.memory_space<vmem_shared>> -> memref<128x64xf32, #tpu.memory_space<vmem_shared>>
      %dma_start3A_85 = arith.constant 0 : i32
      %dma_start3A_86 = tpu.memref_slice %arg12[%add3A_21, %dma_start3A_85] : memref<10240x64xf32, #tpu.memory_space<vmem_shared>> -> memref<128x64xf32, #tpu.memory_space<vmem_shared>>
      tpu.enqueue_dma source(%arg8 : memref<128x64xf32, #tpu.memory_space<vmem>>) target(%dma_start3A_86 : memref<128x64xf32, #tpu.memory_space<vmem_shared>>) target_semaphore(%run_scoped3A : memref<!tpu.dma_semaphore, #tpu.memory_space<semaphore_mem>>)
      %dma_wait3A_87 = arith.constant 0 : i32
      %dma_wait3A_88 = tpu.memref_slice %arg12[%add3A_21, %dma_wait3A_87] : memref<10240x64xf32, #tpu.memory_space<vmem_shared>> -> memref<128x64xf32, #tpu.memory_space<vmem_shared>>
      %dma_wait3A_89 = arith.constant 0 : i32
      %dma_wait3A_90 = tpu.memref_slice %arg12[%add3A_21, %dma_wait3A_89] : memref<10240x64xf32, #tpu.memory_space<vmem_shared>> -> memref<128x64xf32, #tpu.memory_space<vmem_shared>>
      tpu.wait_dma2 semaphore(%run_scoped3A : memref<!tpu.dma_semaphore, #tpu.memory_space<semaphore_mem>>) src(%arg8 : memref<128x64xf32, #tpu.memory_space<vmem>>) dst(%dma_wait3A_90 : memref<128x64xf32, #tpu.memory_space<vmem_shared>>)
      tpu.yield
    }) : () -> ()
    %add3A_22 = arith.constant 128 : i32
    %add3A_23 = arith.addi %mul3A_20, %add3A_22 : i32
    "tpu.region"() ({
      %run_scoped3A = tpu.sem_alloc : memref<!tpu.dma_semaphore, #tpu.memory_space<semaphore_mem>>
      %dma_start3A_83 = arith.constant 0 : i32
      %dma_start3A_84 = tpu.memref_slice %arg12[%add3A_23, %dma_start3A_83] : memref<10240x64xf32, #tpu.memory_space<vmem_shared>> -> memref<128x64xf32, #tpu.memory_space<vmem_shared>>
      %dma_start3A_85 = arith.constant 0 : i32
      %dma_start3A_86 = tpu.memref_slice %arg12[%add3A_23, %dma_start3A_85] : memref<10240x64xf32, #tpu.memory_space<vmem_shared>> -> memref<128x64xf32, #tpu.memory_space<vmem_shared>>
      tpu.enqueue_dma source(%arg8 : memref<128x64xf32, #tpu.memory_space<vmem>>) target(%dma_start3A_86 : memref<128x64xf32, #tpu.memory_space<vmem_shared>>) target_semaphore(%run_scoped3A : memref<!tpu.dma_semaphore, #tpu.memory_space<semaphore_mem>>)
      %dma_wait3A_87 = arith.constant 0 : i32
      %dma_wait3A_88 = tpu.memref_slice %arg12[%add3A_23, %dma_wait3A_87] : memref<10240x64xf32, #tpu.memory_space<vmem_shared>> -> memref<128x64xf32, #tpu.memory_space<vmem_shared>>
      %dma_wait3A_89 = arith.constant 0 : i32
      %dma_wait3A_90 = tpu.memref_slice %arg12[%add3A_23, %dma_wait3A_89] : memref<10240x64xf32, #tpu.memory_space<vmem_shared>> -> memref<128x64xf32, #tpu.memory_space<vmem_shared>>
      tpu.wait_dma2 semaphore(%run_scoped3A : memref<!tpu.dma_semaphore, #tpu.memory_space<semaphore_mem>>) src(%arg8 : memref<128x64xf32, #tpu.memory_space<vmem>>) dst(%dma_wait3A_90 : memref<128x64xf32, #tpu.memory_space<vmem_shared>>)
      tpu.yield
    }) : () -> ()
    %add3A_24 = arith.constant 256 : i32
    %add3A_25 = arith.addi %mul3A_20, %add3A_24 : i32
    "tpu.region"() ({
      %run_scoped3A = tpu.sem_alloc : memref<!tpu.dma_semaphore, #tpu.memory_space<semaphore_mem>>
      %dma_start3A_83 = arith.constant 0 : i32
      %dma_start3A_84 = tpu.memref_slice %arg12[%add3A_25, %dma_start3A_83] : memref<10240x64xf32, #tpu.memory_space<vmem_shared>> -> memref<128x64xf32, #tpu.memory_space<vmem_shared>>
      %dma_start3A_85 = arith.constant 0 : i32
      %dma_start3A_86 = tpu.memref_slice %arg12[%add3A_25, %dma_start3A_85] : memref<10240x64xf32, #tpu.memory_space<vmem_shared>> -> memref<128x64xf32, #tpu.memory_space<vmem_shared>>
      tpu.enqueue_dma source(%arg8 : memref<128x64xf32, #tpu.memory_space<vmem>>) target(%dma_start3A_86 : memref<128x64xf32, #tpu.memory_space<vmem_shared>>) target_semaphore(%run_scoped3A : memref<!tpu.dma_semaphore, #tpu.memory_space<semaphore_mem>>)
      %dma_wait3A_87 = arith.constant 0 : i32
      %dma_wait3A_88 = tpu.memref_slice %arg12[%add3A_25, %dma_wait3A_87] : memref<10240x64xf32, #tpu.memory_space<vmem_shared>> -> memref<128x64xf32, #tpu.memory_space<vmem_shared>>
      %dma_wait3A_89 = arith.constant 0 : i32
      %dma_wait3A_90 = tpu.memref_slice %arg12[%add3A_25, %dma_wait3A_89] : memref<10240x64xf32, #tpu.memory_space<vmem_shared>> -> memref<128x64xf32, #tpu.memory_space<vmem_shared>>
      tpu.wait_dma2 semaphore(%run_scoped3A : memref<!tpu.dma_semaphore, #tpu.memory_space<semaphore_mem>>) src(%arg8 : memref<128x64xf32, #tpu.memory_space<vmem>>) dst(%dma_wait3A_90 : memref<128x64xf32, #tpu.memory_space<vmem_shared>>)
      tpu.yield
    }) : () -> ()
    %add3A_26 = arith.constant 384 : i32
    %add3A_27 = arith.addi %mul3A_20, %add3A_26 : i32
    "tpu.region"() ({
      %run_scoped3A = tpu.sem_alloc : memref<!tpu.dma_semaphore, #tpu.memory_space<semaphore_mem>>
      %dma_start3A_83 = arith.constant 0 : i32
      %dma_start3A_84 = tpu.memref_slice %arg12[%add3A_27, %dma_start3A_83] : memref<10240x64xf32, #tpu.memory_space<vmem_shared>> -> memref<128x64xf32, #tpu.memory_space<vmem_shared>>
      %dma_start3A_85 = arith.constant 0 : i32
      %dma_start3A_86 = tpu.memref_slice %arg12[%add3A_27, %dma_start3A_85] : memref<10240x64xf32, #tpu.memory_space<vmem_shared>> -> memref<128x64xf32, #tpu.memory_space<vmem_shared>>
      tpu.enqueue_dma source(%arg8 : memref<128x64xf32, #tpu.memory_space<vmem>>) target(%dma_start3A_86 : memref<128x64xf32, #tpu.memory_space<vmem_shared>>) target_semaphore(%run_scoped3A : memref<!tpu.dma_semaphore, #tpu.memory_space<semaphore_mem>>)
      %dma_wait3A_87 = arith.constant 0 : i32
      %dma_wait3A_88 = tpu.memref_slice %arg12[%add3A_27, %dma_wait3A_87] : memref<10240x64xf32, #tpu.memory_space<vmem_shared>> -> memref<128x64xf32, #tpu.memory_space<vmem_shared>>
      %dma_wait3A_89 = arith.constant 0 : i32
      %dma_wait3A_90 = tpu.memref_slice %arg12[%add3A_27, %dma_wait3A_89] : memref<10240x64xf32, #tpu.memory_space<vmem_shared>> -> memref<128x64xf32, #tpu.memory_space<vmem_shared>>
      tpu.wait_dma2 semaphore(%run_scoped3A : memref<!tpu.dma_semaphore, #tpu.memory_space<semaphore_mem>>) src(%arg8 : memref<128x64xf32, #tpu.memory_space<vmem>>) dst(%dma_wait3A_90 : memref<128x64xf32, #tpu.memory_space<vmem_shared>>)
      tpu.yield
    }) : () -> ()
    %add3A_28 = arith.constant 512 : i32
    %add3A_29 = arith.addi %mul3A_20, %add3A_28 : i32
    "tpu.region"() ({
      %run_scoped3A = tpu.sem_alloc : memref<!tpu.dma_semaphore, #tpu.memory_space<semaphore_mem>>
      %dma_start3A_83 = arith.constant 0 : i32
      %dma_start3A_84 = tpu.memref_slice %arg12[%add3A_29, %dma_start3A_83] : memref<10240x64xf32, #tpu.memory_space<vmem_shared>> -> memref<128x64xf32, #tpu.memory_space<vmem_shared>>
      %dma_start3A_85 = arith.constant 0 : i32
      %dma_start3A_86 = tpu.memref_slice %arg12[%add3A_29, %dma_start3A_85] : memref<10240x64xf32, #tpu.memory_space<vmem_shared>> -> memref<128x64xf32, #tpu.memory_space<vmem_shared>>
      tpu.enqueue_dma source(%arg8 : memref<128x64xf32, #tpu.memory_space<vmem>>) target(%dma_start3A_86 : memref<128x64xf32, #tpu.memory_space<vmem_shared>>) target_semaphore(%run_scoped3A : memref<!tpu.dma_semaphore, #tpu.memory_space<semaphore_mem>>)
      %dma_wait3A_87 = arith.constant 0 : i32
      %dma_wait3A_88 = tpu.memref_slice %arg12[%add3A_29, %dma_wait3A_87] : memref<10240x64xf32, #tpu.memory_space<vmem_shared>> -> memref<128x64xf32, #tpu.memory_space<vmem_shared>>
      %dma_wait3A_89 = arith.constant 0 : i32
      %dma_wait3A_90 = tpu.memref_slice %arg12[%add3A_29, %dma_wait3A_89] : memref<10240x64xf32, #tpu.memory_space<vmem_shared>> -> memref<128x64xf32, #tpu.memory_space<vmem_shared>>
      tpu.wait_dma2 semaphore(%run_scoped3A : memref<!tpu.dma_semaphore, #tpu.memory_space<semaphore_mem>>) src(%arg8 : memref<128x64xf32, #tpu.memory_space<vmem>>) dst(%dma_wait3A_90 : memref<128x64xf32, #tpu.memory_space<vmem_shared>>)
      tpu.yield
    }) : () -> ()
    %dma_wait3A = arith.constant 0 : i32
    %dma_wait3A_30 = arith.constant 0 : i32
    %dma_wait3A_31 = tpu.memref_slice %arg3[%arg1, %dma_wait3A, %dma_wait3A_30] : memref<16x162x128xi32, #tpu.memory_space<hbm>> -> memref<1x162x128xi32, #tpu.memory_space<hbm>>
    %dma_wait3A_32 = tpu.memref_squeeze %dma_wait3A_31 : memref<1x162x128xi32, #tpu.memory_space<hbm>> -> memref<162x128xi32, #tpu.memory_space<hbm>>
    %dma_wait3A_33 = arith.constant 0 : i32
    %dma_wait3A_34 = arith.constant 0 : i32
    %dma_wait3A_35 = tpu.memref_slice %arg3[%arg1, %dma_wait3A_33, %dma_wait3A_34] : memref<16x162x128xi32, #tpu.memory_space<hbm>> -> memref<1x162x128xi32, #tpu.memory_space<hbm>>
    %dma_wait3A_36 = tpu.memref_squeeze %dma_wait3A_35 : memref<1x162x128xi32, #tpu.memory_space<hbm>> -> memref<162x128xi32, #tpu.memory_space<hbm>>
    tpu.wait_dma2 semaphore(%arg10 : memref<!tpu.dma_semaphore, #tpu.memory_space<semaphore_mem>>) src(%dma_wait3A_36 : memref<162x128xi32, #tpu.memory_space<hbm>>) dst(%arg6 : memref<162x128xi32, #tpu.memory_space<vmem>>)
    %dma_wait3A_37 = arith.constant 0 : i32
    %dma_wait3A_38 = arith.constant 0 : i32
    %dma_wait3A_39 = tpu.memref_slice %arg4[%arg1, %dma_wait3A_37, %dma_wait3A_38] : memref<16x162x128xi32, #tpu.memory_space<hbm>> -> memref<1x162x128xi32, #tpu.memory_space<hbm>>
    %dma_wait3A_40 = tpu.memref_squeeze %dma_wait3A_39 : memref<1x162x128xi32, #tpu.memory_space<hbm>> -> memref<162x128xi32, #tpu.memory_space<hbm>>
    %dma_wait3A_41 = arith.constant 0 : i32
    %dma_wait3A_42 = arith.constant 0 : i32
    %dma_wait3A_43 = tpu.memref_slice %arg4[%arg1, %dma_wait3A_41, %dma_wait3A_42] : memref<16x162x128xi32, #tpu.memory_space<hbm>> -> memref<1x162x128xi32, #tpu.memory_space<hbm>>
    %dma_wait3A_44 = tpu.memref_squeeze %dma_wait3A_43 : memref<1x162x128xi32, #tpu.memory_space<hbm>> -> memref<162x128xi32, #tpu.memory_space<hbm>>
    tpu.wait_dma2 semaphore(%arg11 : memref<!tpu.dma_semaphore, #tpu.memory_space<semaphore_mem>>) src(%dma_wait3A_44 : memref<162x128xi32, #tpu.memory_space<hbm>>) dst(%arg7 : memref<162x128xi32, #tpu.memory_space<vmem>>)
    %barrier3A = arith.constant 0 : index
    tpu.barrier barrier_id(%barrier3A)
    %dma_start3A_45 = arith.constant 0 : i32
    %dma_start3A_46 = arith.constant 0 : i32
    %dma_start3A_47 = tpu.memref_slice %arg6[%dma_start3A_45, %dma_start3A_46] : memref<162x128xi32, #tpu.memory_space<vmem>> -> memref<1x128xi32, #tpu.memory_space<vmem>>
    %dma_start3A_48 = tpu.memref_squeeze %dma_start3A_47 : memref<1x128xi32, #tpu.memory_space<vmem>> -> memref<128xi32, #tpu.memory_space<vmem>>
    %dma_start3A_49 = arith.constant 0 : i32
    %dma_start3A_50 = arith.constant 0 : i32
    %dma_start3A_51 = tpu.memref_slice %arg2[%arg0, %dma_start3A_49, %dma_start3A_50] : memref<2x10240x64xf32, #tpu.memory_space<hbm>> -> memref<1x10240x64xf32, #tpu.memory_space<hbm>>
    %dma_start3A_52 = tpu.memref_squeeze %dma_start3A_51 : memref<1x10240x64xf32, #tpu.memory_space<hbm>> -> memref<10240x64xf32, #tpu.memory_space<hbm>>
    %dma_start3A_53 = arith.constant 0 : i32
    %dma_start3A_54 = arith.constant 0 : i32
    %dma_start3A_55 = tpu.memref_slice %dma_start3A_52[%dma_start3A_53, %dma_start3A_54] : memref<10240x64xf32, #tpu.memory_space<hbm>> -> memref<10240x64xf32, #tpu.memory_space<hbm>>
    tpu.enqueue_indirect_dma source(%dma_start3A_55 : memref<10240x64xf32, #tpu.memory_space<hbm>>) target(%arg8 : memref<128x64xf32, #tpu.memory_space<vmem>>) offsets(%dma_start3A_48 : memref<128xi32, #tpu.memory_space<vmem>>) semaphore(%arg10 : memref<!tpu.dma_semaphore, #tpu.memory_space<semaphore_mem>>)
    %dma_start3A_56 = arith.constant 1 : i32
    %dma_start3A_57 = arith.constant 0 : i32
    %dma_start3A_58 = tpu.memref_slice %arg6[%dma_start3A_56, %dma_start3A_57] : memref<162x128xi32, #tpu.memory_space<vmem>> -> memref<1x128xi32, #tpu.memory_space<vmem>>
    %dma_start3A_59 = tpu.memref_squeeze %dma_start3A_58 : memref<1x128xi32, #tpu.memory_space<vmem>> -> memref<128xi32, #tpu.memory_space<vmem>>
    %dma_start3A_60 = arith.constant 0 : i32
    %dma_start3A_61 = arith.constant 0 : i32
    %dma_start3A_62 = tpu.memref_slice %arg2[%arg0, %dma_start3A_60, %dma_start3A_61] : memref<2x10240x64xf32, #tpu.memory_space<hbm>> -> memref<1x10240x64xf32, #tpu.memory_space<hbm>>
    %dma_start3A_63 = tpu.memref_squeeze %dma_start3A_62 : memref<1x10240x64xf32, #tpu.memory_space<hbm>> -> memref<10240x64xf32, #tpu.memory_space<hbm>>
    %dma_start3A_64 = arith.constant 0 : i32
    %dma_start3A_65 = arith.constant 0 : i32
    %dma_start3A_66 = tpu.memref_slice %dma_start3A_63[%dma_start3A_64, %dma_start3A_65] : memref<10240x64xf32, #tpu.memory_space<hbm>> -> memref<10240x64xf32, #tpu.memory_space<hbm>>
    tpu.enqueue_indirect_dma source(%dma_start3A_66 : memref<10240x64xf32, #tpu.memory_space<hbm>>) target(%arg9 : memref<128x64xf32, #tpu.memory_space<vmem>>) offsets(%dma_start3A_59 : memref<128xi32, #tpu.memory_space<vmem>>) semaphore(%arg11 : memref<!tpu.dma_semaphore, #tpu.memory_space<semaphore_mem>>)
    %scan3A_67 = arith.constant 0 : i32
    %scan3A_68 = arith.constant 81 : i32
    %scan3A_69 = arith.addi %scan3A_67, %scan3A_68 : i32
    %scan3A_70 = arith.constant 1 : i32
    scf.for %scan3A_83 = %scan3A_67 to %scan3A_69 step %scan3A_70  : i32 {
      %mul3A_84 = arith.constant 2 : i32
      %mul3A_85 = arith.muli %scan3A_83, %mul3A_84 : i32
      %add3A_86 = arith.constant 0 : i32
      %add3A_87 = arith.addi %mul3A_85, %add3A_86 : i32
      %dma_wait3A_88 = arith.constant 0 : i32
      %dma_wait3A_89 = tpu.memref_slice %arg6[%add3A_87, %dma_wait3A_88] : memref<162x128xi32, #tpu.memory_space<vmem>> -> memref<1x128xi32, #tpu.memory_space<vmem>>
      %dma_wait3A_90 = tpu.memref_squeeze %dma_wait3A_89 : memref<1x128xi32, #tpu.memory_space<vmem>> -> memref<128xi32, #tpu.memory_space<vmem>>
      %dma_wait3A_91 = arith.constant 0 : i32
      %dma_wait3A_92 = arith.constant 0 : i32
      %dma_wait3A_93 = tpu.memref_slice %arg2[%arg0, %dma_wait3A_91, %dma_wait3A_92] : memref<2x10240x64xf32, #tpu.memory_space<hbm>> -> memref<1x10240x64xf32, #tpu.memory_space<hbm>>
      %dma_wait3A_94 = tpu.memref_squeeze %dma_wait3A_93 : memref<1x10240x64xf32, #tpu.memory_space<hbm>> -> memref<10240x64xf32, #tpu.memory_space<hbm>>
      %dma_wait3A_95 = arith.constant 0 : i32
      %dma_wait3A_96 = arith.constant 0 : i32
      %dma_wait3A_97 = tpu.memref_slice %dma_wait3A_94[%dma_wait3A_95, %dma_wait3A_96] : memref<10240x64xf32, #tpu.memory_space<hbm>> -> memref<10240x64xf32, #tpu.memory_space<hbm>>
      tpu.wait_indirect_dma semaphore(%arg10 : memref<!tpu.dma_semaphore, #tpu.memory_space<semaphore_mem>>) src(%dma_wait3A_97 : memref<10240x64xf32, #tpu.memory_space<hbm>>) dst(%arg8 : memref<128x64xf32, #tpu.memory_space<vmem>>)
      "tpu.region"() ({
        %run_scoped3A = tpu.sem_alloc : memref<!tpu.dma_semaphore, #tpu.memory_space<semaphore_mem>>
        %dma_start3A_119 = arith.constant 0 : i32
        %dma_start3A_120 = tpu.memref_slice %arg7[%add3A_87, %dma_start3A_119] : memref<162x128xi32, #tpu.memory_space<vmem>> -> memref<1x128xi32, #tpu.memory_space<vmem>>
        %dma_start3A_121 = tpu.memref_squeeze %dma_start3A_120 : memref<1x128xi32, #tpu.memory_space<vmem>> -> memref<128xi32, #tpu.memory_space<vmem>>
        %dma_start3A_122 = arith.constant 0 : i32
        %dma_start3A_123 = arith.constant 0 : i32
        %dma_start3A_124 = tpu.memref_slice %arg12[%dma_start3A_122, %dma_start3A_123] : memref<10240x64xf32, #tpu.memory_space<vmem_shared>> -> memref<10240x64xf32, #tpu.memory_space<vmem_shared>>
        tpu.enqueue_indirect_dma source(%arg8 : memref<128x64xf32, #tpu.memory_space<vmem>>) target(%dma_start3A_124 : memref<10240x64xf32, #tpu.memory_space<vmem_shared>>) offsets(%dma_start3A_121 : memref<128xi32, #tpu.memory_space<vmem>>) semaphore(%run_scoped3A : memref<!tpu.dma_semaphore, #tpu.memory_space<semaphore_mem>>) {add = true}
        %dma_wait3A_125 = arith.constant 0 : i32
        %dma_wait3A_126 = tpu.memref_slice %arg7[%add3A_87, %dma_wait3A_125] : memref<162x128xi32, #tpu.memory_space<vmem>> -> memref<1x128xi32, #tpu.memory_space<vmem>>
        %dma_wait3A_127 = tpu.memref_squeeze %dma_wait3A_126 : memref<1x128xi32, #tpu.memory_space<vmem>> -> memref<128xi32, #tpu.memory_space<vmem>>
        %dma_wait3A_128 = arith.constant 0 : i32
        %dma_wait3A_129 = arith.constant 0 : i32
        %dma_wait3A_130 = tpu.memref_slice %arg12[%dma_wait3A_128, %dma_wait3A_129] : memref<10240x64xf32, #tpu.memory_space<vmem_shared>> -> memref<10240x64xf32, #tpu.memory_space<vmem_shared>>
        tpu.wait_indirect_dma semaphore(%run_scoped3A : memref<!tpu.dma_semaphore, #tpu.memory_space<semaphore_mem>>) src(%arg8 : memref<128x64xf32, #tpu.memory_space<vmem>>) dst(%dma_wait3A_130 : memref<10240x64xf32, #tpu.memory_space<vmem_shared>>)
        tpu.yield
      }) : () -> ()
      %lt3A = arith.constant 80 : i32
      %lt3A_98 = arith.cmpi slt, %scan3A_83, %lt3A : i32
      %convert_element_type3A = arith.extui %lt3A_98 : i1 to i32
      %cond3A = arith.constant 0 : i32
      %cond3A_99 = arith.cmpi ne, %convert_element_type3A, %cond3A : i32
      scf.if %cond3A_99 {
        %add3A_119 = arith.constant 2 : i32
        %add3A_120 = arith.addi %add3A_87, %add3A_119 : i32
        %dma_start3A_121 = arith.constant 0 : i32
        %dma_start3A_122 = tpu.memref_slice %arg6[%add3A_120, %dma_start3A_121] : memref<162x128xi32, #tpu.memory_space<vmem>> -> memref<1x128xi32, #tpu.memory_space<vmem>>
        %dma_start3A_123 = tpu.memref_squeeze %dma_start3A_122 : memref<1x128xi32, #tpu.memory_space<vmem>> -> memref<128xi32, #tpu.memory_space<vmem>>
        %dma_start3A_124 = arith.constant 0 : i32
        %dma_start3A_125 = arith.constant 0 : i32
        %dma_start3A_126 = tpu.memref_slice %arg2[%arg0, %dma_start3A_124, %dma_start3A_125] : memref<2x10240x64xf32, #tpu.memory_space<hbm>> -> memref<1x10240x64xf32, #tpu.memory_space<hbm>>
        %dma_start3A_127 = tpu.memref_squeeze %dma_start3A_126 : memref<1x10240x64xf32, #tpu.memory_space<hbm>> -> memref<10240x64xf32, #tpu.memory_space<hbm>>
        %dma_start3A_128 = arith.constant 0 : i32
        %dma_start3A_129 = arith.constant 0 : i32
        %dma_start3A_130 = tpu.memref_slice %dma_start3A_127[%dma_start3A_128, %dma_start3A_129] : memref<10240x64xf32, #tpu.memory_space<hbm>> -> memref<10240x64xf32, #tpu.memory_space<hbm>>
        tpu.enqueue_indirect_dma source(%dma_start3A_130 : memref<10240x64xf32, #tpu.memory_space<hbm>>) target(%arg8 : memref<128x64xf32, #tpu.memory_space<vmem>>) offsets(%dma_start3A_123 : memref<128xi32, #tpu.memory_space<vmem>>) semaphore(%arg10 : memref<!tpu.dma_semaphore, #tpu.memory_space<semaphore_mem>>)
      } else {
      }
      %mul3A_100 = arith.constant 2 : i32
      %mul3A_101 = arith.muli %scan3A_83, %mul3A_100 : i32
      %add3A_102 = arith.constant 1 : i32
      %add3A_103 = arith.addi %mul3A_101, %add3A_102 : i32
      %dma_wait3A_104 = arith.constant 0 : i32
      %dma_wait3A_105 = tpu.memref_slice %arg6[%add3A_103, %dma_wait3A_104] : memref<162x128xi32, #tpu.memory_space<vmem>> -> memref<1x128xi32, #tpu.memory_space<vmem>>
      %dma_wait3A_106 = tpu.memref_squeeze %dma_wait3A_105 : memref<1x128xi32, #tpu.memory_space<vmem>> -> memref<128xi32, #tpu.memory_space<vmem>>
      %dma_wait3A_107 = arith.constant 0 : i32
      %dma_wait3A_108 = arith.constant 0 : i32
      %dma_wait3A_109 = tpu.memref_slice %arg2[%arg0, %dma_wait3A_107, %dma_wait3A_108] : memref<2x10240x64xf32, #tpu.memory_space<hbm>> -> memref<1x10240x64xf32, #tpu.memory_space<hbm>>
      %dma_wait3A_110 = tpu.memref_squeeze %dma_wait3A_109 : memref<1x10240x64xf32, #tpu.memory_space<hbm>> -> memref<10240x64xf32, #tpu.memory_space<hbm>>
      %dma_wait3A_111 = arith.constant 0 : i32
      %dma_wait3A_112 = arith.constant 0 : i32
      %dma_wait3A_113 = tpu.memref_slice %dma_wait3A_110[%dma_wait3A_111, %dma_wait3A_112] : memref<10240x64xf32, #tpu.memory_space<hbm>> -> memref<10240x64xf32, #tpu.memory_space<hbm>>
      tpu.wait_indirect_dma semaphore(%arg11 : memref<!tpu.dma_semaphore, #tpu.memory_space<semaphore_mem>>) src(%dma_wait3A_113 : memref<10240x64xf32, #tpu.memory_space<hbm>>) dst(%arg9 : memref<128x64xf32, #tpu.memory_space<vmem>>)
      "tpu.region"() ({
        %run_scoped3A = tpu.sem_alloc : memref<!tpu.dma_semaphore, #tpu.memory_space<semaphore_mem>>
        %dma_start3A_119 = arith.constant 0 : i32
        %dma_start3A_120 = tpu.memref_slice %arg7[%add3A_103, %dma_start3A_119] : memref<162x128xi32, #tpu.memory_space<vmem>> -> memref<1x128xi32, #tpu.memory_space<vmem>>
        %dma_start3A_121 = tpu.memref_squeeze %dma_start3A_120 : memref<1x128xi32, #tpu.memory_space<vmem>> -> memref<128xi32, #tpu.memory_space<vmem>>
        %dma_start3A_122 = arith.constant 0 : i32
        %dma_start3A_123 = arith.constant 0 : i32
        %dma_start3A_124 = tpu.memref_slice %arg12[%dma_start3A_122, %dma_start3A_123] : memref<10240x64xf32, #tpu.memory_space<vmem_shared>> -> memref<10240x64xf32, #tpu.memory_space<vmem_shared>>
        tpu.enqueue_indirect_dma source(%arg9 : memref<128x64xf32, #tpu.memory_space<vmem>>) target(%dma_start3A_124 : memref<10240x64xf32, #tpu.memory_space<vmem_shared>>) offsets(%dma_start3A_121 : memref<128xi32, #tpu.memory_space<vmem>>) semaphore(%run_scoped3A : memref<!tpu.dma_semaphore, #tpu.memory_space<semaphore_mem>>) {add = true}
        %dma_wait3A_125 = arith.constant 0 : i32
        %dma_wait3A_126 = tpu.memref_slice %arg7[%add3A_103, %dma_wait3A_125] : memref<162x128xi32, #tpu.memory_space<vmem>> -> memref<1x128xi32, #tpu.memory_space<vmem>>
        %dma_wait3A_127 = tpu.memref_squeeze %dma_wait3A_126 : memref<1x128xi32, #tpu.memory_space<vmem>> -> memref<128xi32, #tpu.memory_space<vmem>>
        %dma_wait3A_128 = arith.constant 0 : i32
        %dma_wait3A_129 = arith.constant 0 : i32
        %dma_wait3A_130 = tpu.memref_slice %arg12[%dma_wait3A_128, %dma_wait3A_129] : memref<10240x64xf32, #tpu.memory_space<vmem_shared>> -> memref<10240x64xf32, #tpu.memory_space<vmem_shared>>
        tpu.wait_indirect_dma semaphore(%run_scoped3A : memref<!tpu.dma_semaphore, #tpu.memory_space<semaphore_mem>>) src(%arg9 : memref<128x64xf32, #tpu.memory_space<vmem>>) dst(%dma_wait3A_130 : memref<10240x64xf32, #tpu.memory_space<vmem_shared>>)
        tpu.yield
      }) : () -> ()
      %lt3A_114 = arith.constant 80 : i32
      %lt3A_115 = arith.cmpi slt, %scan3A_83, %lt3A_114 : i32
      %convert_element_type3A_116 = arith.extui %lt3A_115 : i1 to i32
      %cond3A_117 = arith.constant 0 : i32
      %cond3A_118 = arith.cmpi ne, %convert_element_type3A_116, %cond3A_117 : i32
      scf.if %cond3A_118 {
        %add3A_119 = arith.constant 2 : i32
        %add3A_120 = arith.addi %add3A_103, %add3A_119 : i32
        %dma_start3A_121 = arith.constant 0 : i32
        %dma_start3A_122 = tpu.memref_slice %arg6[%add3A_120, %dma_start3A_121] : memref<162x128xi32, #tpu.memory_space<vmem>> -> memref<1x128xi32, #tpu.memory_space<vmem>>
        %dma_start3A_123 = tpu.memref_squeeze %dma_start3A_122 : memref<1x128xi32, #tpu.memory_space<vmem>> -> memref<128xi32, #tpu.memory_space<vmem>>
        %dma_start3A_124 = arith.constant 0 : i32
        %dma_start3A_125 = arith.constant 0 : i32
        %dma_start3A_126 = tpu.memref_slice %arg2[%arg0, %dma_start3A_124, %dma_start3A_125] : memref<2x10240x64xf32, #tpu.memory_space<hbm>> -> memref<1x10240x64xf32, #tpu.memory_space<hbm>>
        %dma_start3A_127 = tpu.memref_squeeze %dma_start3A_126 : memref<1x10240x64xf32, #tpu.memory_space<hbm>> -> memref<10240x64xf32, #tpu.memory_space<hbm>>
        %dma_start3A_128 = arith.constant 0 : i32
        %dma_start3A_129 = arith.constant 0 : i32
        %dma_start3A_130 = tpu.memref_slice %dma_start3A_127[%dma_start3A_128, %dma_start3A_129] : memref<10240x64xf32, #tpu.memory_space<hbm>> -> memref<10240x64xf32, #tpu.memory_space<hbm>>
        tpu.enqueue_indirect_dma source(%dma_start3A_130 : memref<10240x64xf32, #tpu.memory_space<hbm>>) target(%arg9 : memref<128x64xf32, #tpu.memory_space<vmem>>) offsets(%dma_start3A_123 : memref<128xi32, #tpu.memory_space<vmem>>) semaphore(%arg11 : memref<!tpu.dma_semaphore, #tpu.memory_space<semaphore_mem>>)
      } else {
      }
    }
    %scan3A_71 = arith.constant 81 : i32
    %barrier3A_72 = arith.constant 0 : index
    tpu.barrier barrier_id(%barrier3A_72)
    %add3A_73 = arith.constant 0 : i32
    %add3A_74 = arith.addi %mul3A_20, %add3A_73 : i32
    "tpu.region"() ({
      %run_scoped3A = tpu.sem_alloc : memref<!tpu.dma_semaphore, #tpu.memory_space<semaphore_mem>>
      %dma_start3A_83 = arith.constant 0 : i32
      %dma_start3A_84 = tpu.memref_slice %arg5[%arg0, %add3A_74, %dma_start3A_83] : memref<2x10240x64xf32, #tpu.memory_space<hbm>> -> memref<1x128x64xf32, #tpu.memory_space<hbm>>
      %dma_start3A_85 = tpu.memref_squeeze %dma_start3A_84 : memref<1x128x64xf32, #tpu.memory_space<hbm>> -> memref<128x64xf32, #tpu.memory_space<hbm>>
      %dma_start3A_86 = arith.constant 0 : i32
      %dma_start3A_87 = tpu.memref_slice %arg12[%add3A_74, %dma_start3A_86] : memref<10240x64xf32, #tpu.memory_space<vmem_shared>> -> memref<128x64xf32, #tpu.memory_space<vmem_shared>>
      tpu.enqueue_dma source(%dma_start3A_87 : memref<128x64xf32, #tpu.memory_space<vmem_shared>>) target(%dma_start3A_85 : memref<128x64xf32, #tpu.memory_space<hbm>>) target_semaphore(%run_scoped3A : memref<!tpu.dma_semaphore, #tpu.memory_space<semaphore_mem>>)
      %dma_wait3A_88 = arith.constant 0 : i32
      %dma_wait3A_89 = tpu.memref_slice %arg5[%arg0, %add3A_74, %dma_wait3A_88] : memref<2x10240x64xf32, #tpu.memory_space<hbm>> -> memref<1x128x64xf32, #tpu.memory_space<hbm>>
      %dma_wait3A_90 = tpu.memref_squeeze %dma_wait3A_89 : memref<1x128x64xf32, #tpu.memory_space<hbm>> -> memref<128x64xf32, #tpu.memory_space<hbm>>
      %dma_wait3A_91 = arith.constant 0 : i32
      %dma_wait3A_92 = tpu.memref_slice %arg12[%add3A_74, %dma_wait3A_91] : memref<10240x64xf32, #tpu.memory_space<vmem_shared>> -> memref<128x64xf32, #tpu.memory_space<vmem_shared>>
      tpu.wait_dma2 semaphore(%run_scoped3A : memref<!tpu.dma_semaphore, #tpu.memory_space<semaphore_mem>>) src(%dma_wait3A_92 : memref<128x64xf32, #tpu.memory_space<vmem_shared>>) dst(%dma_wait3A_90 : memref<128x64xf32, #tpu.memory_space<hbm>>)
      tpu.yield
    }) : () -> ()
    %add3A_75 = arith.constant 128 : i32
    %add3A_76 = arith.addi %mul3A_20, %add3A_75 : i32
    "tpu.region"() ({
      %run_scoped3A = tpu.sem_alloc : memref<!tpu.dma_semaphore, #tpu.memory_space<semaphore_mem>>
      %dma_start3A_83 = arith.constant 0 : i32
      %dma_start3A_84 = tpu.memref_slice %arg5[%arg0, %add3A_76, %dma_start3A_83] : memref<2x10240x64xf32, #tpu.memory_space<hbm>> -> memref<1x128x64xf32, #tpu.memory_space<hbm>>
      %dma_start3A_85 = tpu.memref_squeeze %dma_start3A_84 : memref<1x128x64xf32, #tpu.memory_space<hbm>> -> memref<128x64xf32, #tpu.memory_space<hbm>>
      %dma_start3A_86 = arith.constant 0 : i32
      %dma_start3A_87 = tpu.memref_slice %arg12[%add3A_76, %dma_start3A_86] : memref<10240x64xf32, #tpu.memory_space<vmem_shared>> -> memref<128x64xf32, #tpu.memory_space<vmem_shared>>
      tpu.enqueue_dma source(%dma_start3A_87 : memref<128x64xf32, #tpu.memory_space<vmem_shared>>) target(%dma_start3A_85 : memref<128x64xf32, #tpu.memory_space<hbm>>) target_semaphore(%run_scoped3A : memref<!tpu.dma_semaphore, #tpu.memory_space<semaphore_mem>>)
      %dma_wait3A_88 = arith.constant 0 : i32
      %dma_wait3A_89 = tpu.memref_slice %arg5[%arg0, %add3A_76, %dma_wait3A_88] : memref<2x10240x64xf32, #tpu.memory_space<hbm>> -> memref<1x128x64xf32, #tpu.memory_space<hbm>>
      %dma_wait3A_90 = tpu.memref_squeeze %dma_wait3A_89 : memref<1x128x64xf32, #tpu.memory_space<hbm>> -> memref<128x64xf32, #tpu.memory_space<hbm>>
      %dma_wait3A_91 = arith.constant 0 : i32
      %dma_wait3A_92 = tpu.memref_slice %arg12[%add3A_76, %dma_wait3A_91] : memref<10240x64xf32, #tpu.memory_space<vmem_shared>> -> memref<128x64xf32, #tpu.memory_space<vmem_shared>>
      tpu.wait_dma2 semaphore(%run_scoped3A : memref<!tpu.dma_semaphore, #tpu.memory_space<semaphore_mem>>) src(%dma_wait3A_92 : memref<128x64xf32, #tpu.memory_space<vmem_shared>>) dst(%dma_wait3A_90 : memref<128x64xf32, #tpu.memory_space<hbm>>)
      tpu.yield
    }) : () -> ()
    %add3A_77 = arith.constant 256 : i32
    %add3A_78 = arith.addi %mul3A_20, %add3A_77 : i32
    "tpu.region"() ({
      %run_scoped3A = tpu.sem_alloc : memref<!tpu.dma_semaphore, #tpu.memory_space<semaphore_mem>>
      %dma_start3A_83 = arith.constant 0 : i32
      %dma_start3A_84 = tpu.memref_slice %arg5[%arg0, %add3A_78, %dma_start3A_83] : memref<2x10240x64xf32, #tpu.memory_space<hbm>> -> memref<1x128x64xf32, #tpu.memory_space<hbm>>
      %dma_start3A_85 = tpu.memref_squeeze %dma_start3A_84 : memref<1x128x64xf32, #tpu.memory_space<hbm>> -> memref<128x64xf32, #tpu.memory_space<hbm>>
      %dma_start3A_86 = arith.constant 0 : i32
      %dma_start3A_87 = tpu.memref_slice %arg12[%add3A_78, %dma_start3A_86] : memref<10240x64xf32, #tpu.memory_space<vmem_shared>> -> memref<128x64xf32, #tpu.memory_space<vmem_shared>>
      tpu.enqueue_dma source(%dma_start3A_87 : memref<128x64xf32, #tpu.memory_space<vmem_shared>>) target(%dma_start3A_85 : memref<128x64xf32, #tpu.memory_space<hbm>>) target_semaphore(%run_scoped3A : memref<!tpu.dma_semaphore, #tpu.memory_space<semaphore_mem>>)
      %dma_wait3A_88 = arith.constant 0 : i32
      %dma_wait3A_89 = tpu.memref_slice %arg5[%arg0, %add3A_78, %dma_wait3A_88] : memref<2x10240x64xf32, #tpu.memory_space<hbm>> -> memref<1x128x64xf32, #tpu.memory_space<hbm>>
      %dma_wait3A_90 = tpu.memref_squeeze %dma_wait3A_89 : memref<1x128x64xf32, #tpu.memory_space<hbm>> -> memref<128x64xf32, #tpu.memory_space<hbm>>
      %dma_wait3A_91 = arith.constant 0 : i32
      %dma_wait3A_92 = tpu.memref_slice %arg12[%add3A_78, %dma_wait3A_91] : memref<10240x64xf32, #tpu.memory_space<vmem_shared>> -> memref<128x64xf32, #tpu.memory_space<vmem_shared>>
      tpu.wait_dma2 semaphore(%run_scoped3A : memref<!tpu.dma_semaphore, #tpu.memory_space<semaphore_mem>>) src(%dma_wait3A_92 : memref<128x64xf32, #tpu.memory_space<vmem_shared>>) dst(%dma_wait3A_90 : memref<128x64xf32, #tpu.memory_space<hbm>>)
      tpu.yield
    }) : () -> ()
    %add3A_79 = arith.constant 384 : i32
    %add3A_80 = arith.addi %mul3A_20, %add3A_79 : i32
    "tpu.region"() ({
      %run_scoped3A = tpu.sem_alloc : memref<!tpu.dma_semaphore, #tpu.memory_space<semaphore_mem>>
      %dma_start3A_83 = arith.constant 0 : i32
      %dma_start3A_84 = tpu.memref_slice %arg5[%arg0, %add3A_80, %dma_start3A_83] : memref<2x10240x64xf32, #tpu.memory_space<hbm>> -> memref<1x128x64xf32, #tpu.memory_space<hbm>>
      %dma_start3A_85 = tpu.memref_squeeze %dma_start3A_84 : memref<1x128x64xf32, #tpu.memory_space<hbm>> -> memref<128x64xf32, #tpu.memory_space<hbm>>
      %dma_start3A_86 = arith.constant 0 : i32
      %dma_start3A_87 = tpu.memref_slice %arg12[%add3A_80, %dma_start3A_86] : memref<10240x64xf32, #tpu.memory_space<vmem_shared>> -> memref<128x64xf32, #tpu.memory_space<vmem_shared>>
      tpu.enqueue_dma source(%dma_start3A_87 : memref<128x64xf32, #tpu.memory_space<vmem_shared>>) target(%dma_start3A_85 : memref<128x64xf32, #tpu.memory_space<hbm>>) target_semaphore(%run_scoped3A : memref<!tpu.dma_semaphore, #tpu.memory_space<semaphore_mem>>)
      %dma_wait3A_88 = arith.constant 0 : i32
      %dma_wait3A_89 = tpu.memref_slice %arg5[%arg0, %add3A_80, %dma_wait3A_88] : memref<2x10240x64xf32, #tpu.memory_space<hbm>> -> memref<1x128x64xf32, #tpu.memory_space<hbm>>
      %dma_wait3A_90 = tpu.memref_squeeze %dma_wait3A_89 : memref<1x128x64xf32, #tpu.memory_space<hbm>> -> memref<128x64xf32, #tpu.memory_space<hbm>>
      %dma_wait3A_91 = arith.constant 0 : i32
      %dma_wait3A_92 = tpu.memref_slice %arg12[%add3A_80, %dma_wait3A_91] : memref<10240x64xf32, #tpu.memory_space<vmem_shared>> -> memref<128x64xf32, #tpu.memory_space<vmem_shared>>
      tpu.wait_dma2 semaphore(%run_scoped3A : memref<!tpu.dma_semaphore, #tpu.memory_space<semaphore_mem>>) src(%dma_wait3A_92 : memref<128x64xf32, #tpu.memory_space<vmem_shared>>) dst(%dma_wait3A_90 : memref<128x64xf32, #tpu.memory_space<hbm>>)
      tpu.yield
    }) : () -> ()
    %add3A_81 = arith.constant 512 : i32
    %add3A_82 = arith.addi %mul3A_20, %add3A_81 : i32
    "tpu.region"() ({
      %run_scoped3A = tpu.sem_alloc : memref<!tpu.dma_semaphore, #tpu.memory_space<semaphore_mem>>
      %dma_start3A_83 = arith.constant 0 : i32
      %dma_start3A_84 = tpu.memref_slice %arg5[%arg0, %add3A_82, %dma_start3A_83] : memref<2x10240x64xf32, #tpu.memory_space<hbm>> -> memref<1x128x64xf32, #tpu.memory_space<hbm>>
      %dma_start3A_85 = tpu.memref_squeeze %dma_start3A_84 : memref<1x128x64xf32, #tpu.memory_space<hbm>> -> memref<128x64xf32, #tpu.memory_space<hbm>>
      %dma_start3A_86 = arith.constant 0 : i32
      %dma_start3A_87 = tpu.memref_slice %arg12[%add3A_82, %dma_start3A_86] : memref<10240x64xf32, #tpu.memory_space<vmem_shared>> -> memref<128x64xf32, #tpu.memory_space<vmem_shared>>
      tpu.enqueue_dma source(%dma_start3A_87 : memref<128x64xf32, #tpu.memory_space<vmem_shared>>) target(%dma_start3A_85 : memref<128x64xf32, #tpu.memory_space<hbm>>) target_semaphore(%run_scoped3A : memref<!tpu.dma_semaphore, #tpu.memory_space<semaphore_mem>>)
      %dma_wait3A_88 = arith.constant 0 : i32
      %dma_wait3A_89 = tpu.memref_slice %arg5[%arg0, %add3A_82, %dma_wait3A_88] : memref<2x10240x64xf32, #tpu.memory_space<hbm>> -> memref<1x128x64xf32, #tpu.memory_space<hbm>>
      %dma_wait3A_90 = tpu.memref_squeeze %dma_wait3A_89 : memref<1x128x64xf32, #tpu.memory_space<hbm>> -> memref<128x64xf32, #tpu.memory_space<hbm>>
      %dma_wait3A_91 = arith.constant 0 : i32
      %dma_wait3A_92 = tpu.memref_slice %arg12[%add3A_82, %dma_wait3A_91] : memref<10240x64xf32, #tpu.memory_space<vmem_shared>> -> memref<128x64xf32, #tpu.memory_space<vmem_shared>>
      tpu.wait_dma2 semaphore(%run_scoped3A : memref<!tpu.dma_semaphore, #tpu.memory_space<semaphore_mem>>) src(%dma_wait3A_92 : memref<128x64xf32, #tpu.memory_space<vmem_shared>>) dst(%dma_wait3A_90 : memref<128x64xf32, #tpu.memory_space<hbm>>)
      tpu.yield
    }) : () -> ()
    return
  }
}

#map = affine_map<(d0, d1) -> (0, 0, 0)>
module attributes {stable_mosaic.version = 14 : i64} {
  func.func @_sc_msg_body(%arg0: i32, %arg1: i32, %arg2: memref<2x10240x64xf32, #tpu.memory_space<hbm>>, %arg3: memref<16x162x128xi32, #tpu.memory_space<hbm>>, %arg4: memref<16x162x128xi32, #tpu.memory_space<hbm>>, %arg5: memref<2x10240x64xf32, #tpu.memory_space<hbm>>, %arg6: memref<162x128xi32, #tpu.memory_space<vmem>>, %arg7: memref<162x128xi32, #tpu.memory_space<vmem>>, %arg8: memref<128x64xf32, #tpu.memory_space<vmem>>, %arg9: memref<128x64xf32, #tpu.memory_space<vmem>>, %arg10: memref<!tpu.dma_semaphore, #tpu.memory_space<semaphore_mem>>, %arg11: memref<!tpu.dma_semaphore, #tpu.memory_space<semaphore_mem>>, %arg12: memref<10240x64xf32, #tpu.memory_space<vmem_shared>>) attributes {dimension_semantics = [#tpu.dimension_semantics<core_parallel>, #tpu.dimension_semantics<subcore_parallel>], iteration_bounds = array<i64: 2, 16>, scalar_prefetch = 0 : i64, scratch_operands = 7 : i64, tpu.core_type = #tpu.core_type<sc_vector_subcore>, window_params = [{transform_indices = #map}, {transform_indices = #map}, {transform_indices = #map}, {transform_indices = #map}]} {
    %dma_start3A = arith.constant 0 : i32
    %dma_start3A_0 = arith.constant 0 : i32
    %dma_start3A_1 = tpu.memref_slice %arg3[%arg1, %dma_start3A, %dma_start3A_0] : memref<16x162x128xi32, #tpu.memory_space<hbm>> -> memref<1x162x128xi32, #tpu.memory_space<hbm>>
    %dma_start3A_2 = tpu.memref_squeeze %dma_start3A_1 : memref<1x162x128xi32, #tpu.memory_space<hbm>> -> memref<162x128xi32, #tpu.memory_space<hbm>>
    %dma_start3A_3 = arith.constant 0 : i32
    %dma_start3A_4 = arith.constant 0 : i32
    %dma_start3A_5 = tpu.memref_slice %arg3[%arg1, %dma_start3A_3, %dma_start3A_4] : memref<16x162x128xi32, #tpu.memory_space<hbm>> -> memref<1x162x128xi32, #tpu.memory_space<hbm>>
    %dma_start3A_6 = tpu.memref_squeeze %dma_start3A_5 : memref<1x162x128xi32, #tpu.memory_space<hbm>> -> memref<162x128xi32, #tpu.memory_space<hbm>>
    tpu.enqueue_dma source(%dma_start3A_6 : memref<162x128xi32, #tpu.memory_space<hbm>>) target(%arg6 : memref<162x128xi32, #tpu.memory_space<vmem>>) target_semaphore(%arg10 : memref<!tpu.dma_semaphore, #tpu.memory_space<semaphore_mem>>)
    %dma_start3A_7 = arith.constant 0 : i32
    %dma_start3A_8 = arith.constant 0 : i32
    %dma_start3A_9 = tpu.memref_slice %arg4[%arg1, %dma_start3A_7, %dma_start3A_8] : memref<16x162x128xi32, #tpu.memory_space<hbm>> -> memref<1x162x128xi32, #tpu.memory_space<hbm>>
    %dma_start3A_10 = tpu.memref_squeeze %dma_start3A_9 : memref<1x162x128xi32, #tpu.memory_space<hbm>> -> memref<162x128xi32, #tpu.memory_space<hbm>>
    %dma_start3A_11 = arith.constant 0 : i32
    %dma_start3A_12 = arith.constant 0 : i32
    %dma_start3A_13 = tpu.memref_slice %arg4[%arg1, %dma_start3A_11, %dma_start3A_12] : memref<16x162x128xi32, #tpu.memory_space<hbm>> -> memref<1x162x128xi32, #tpu.memory_space<hbm>>
    %dma_start3A_14 = tpu.memref_squeeze %dma_start3A_13 : memref<1x162x128xi32, #tpu.memory_space<hbm>> -> memref<162x128xi32, #tpu.memory_space<hbm>>
    tpu.enqueue_dma source(%dma_start3A_14 : memref<162x128xi32, #tpu.memory_space<hbm>>) target(%arg7 : memref<162x128xi32, #tpu.memory_space<vmem>>) target_semaphore(%arg11 : memref<!tpu.dma_semaphore, #tpu.memory_space<semaphore_mem>>)
    %broadcast_in_dim3A = arith.constant 0.000000e+00 : f32
    %broadcast_in_dim3A_15 = vector.broadcast %broadcast_in_dim3A : f32 to vector<16xf32>
    %scan3A = arith.constant 0 : i32
    %scan3A_16 = arith.constant 128 : i32
    %scan3A_17 = arith.addi %scan3A, %scan3A_16 : i32
    %scan3A_18 = arith.constant 1 : i32
    scf.for %scan3A_83 = %scan3A to %scan3A_17 step %scan3A_18  : i32 {
      %swap3A = arith.index_cast %scan3A_83 : i32 to index
      %swap3A_84 = arith.constant 0 : index
      %swap3A_85 = tpu.vector_load %arg8[%swap3A, %swap3A_84] {strides = array<i32>} : memref<128x64xf32, #tpu.memory_space<vmem>>, vector<1x16xf32>,
      %swap3A_86 = vector.shape_cast %swap3A_85 : vector<1x16xf32> to vector<16xf32>
      %swap3A_87 = vector.shape_cast %broadcast_in_dim3A_15 : vector<16xf32> to vector<1x16xf32>
      tpu.vector_store %arg8[%swap3A, %swap3A_84], %swap3A_87 {strides = array<i32>} : memref<128x64xf32, #tpu.memory_space<vmem>>, vector<1x16xf32>,
      %swap3A_88 = arith.index_cast %scan3A_83 : i32 to index
      %swap3A_89 = arith.constant 16 : index
      %swap3A_90 = tpu.vector_load %arg8[%swap3A_88, %swap3A_89] {strides = array<i32>} : memref<128x64xf32, #tpu.memory_space<vmem>>, vector<1x16xf32>,
      %swap3A_91 = vector.shape_cast %swap3A_90 : vector<1x16xf32> to vector<16xf32>
      %swap3A_92 = vector.shape_cast %broadcast_in_dim3A_15 : vector<16xf32> to vector<1x16xf32>
      tpu.vector_store %arg8[%swap3A_88, %swap3A_89], %swap3A_92 {strides = array<i32>} : memref<128x64xf32, #tpu.memory_space<vmem>>, vector<1x16xf32>,
      %swap3A_93 = arith.index_cast %scan3A_83 : i32 to index
      %swap3A_94 = arith.constant 32 : index
      %swap3A_95 = tpu.vector_load %arg8[%swap3A_93, %swap3A_94] {strides = array<i32>} : memref<128x64xf32, #tpu.memory_space<vmem>>, vector<1x16xf32>,
      %swap3A_96 = vector.shape_cast %swap3A_95 : vector<1x16xf32> to vector<16xf32>
      %swap3A_97 = vector.shape_cast %broadcast_in_dim3A_15 : vector<16xf32> to vector<1x16xf32>
      tpu.vector_store %arg8[%swap3A_93, %swap3A_94], %swap3A_97 {strides = array<i32>} : memref<128x64xf32, #tpu.memory_space<vmem>>, vector<1x16xf32>,
      %swap3A_98 = arith.index_cast %scan3A_83 : i32 to index
      %swap3A_99 = arith.constant 48 : index
      %swap3A_100 = tpu.vector_load %arg8[%swap3A_98, %swap3A_99] {strides = array<i32>} : memref<128x64xf32, #tpu.memory_space<vmem>>, vector<1x16xf32>,
      %swap3A_101 = vector.shape_cast %swap3A_100 : vector<1x16xf32> to vector<16xf32>
      %swap3A_102 = vector.shape_cast %broadcast_in_dim3A_15 : vector<16xf32> to vector<1x16xf32>
      tpu.vector_store %arg8[%swap3A_98, %swap3A_99], %swap3A_102 {strides = array<i32>} : memref<128x64xf32, #tpu.memory_space<vmem>>, vector<1x16xf32>,
    }
    %scan3A_19 = arith.constant 128 : i32
    %mul3A = arith.constant 640 : i32
    %mul3A_20 = arith.muli %arg1, %mul3A : i32
    %add3A = arith.constant 0 : i32
    %add3A_21 = arith.addi %mul3A_20, %add3A : i32
    "tpu.region"() ({
      %run_scoped3A = tpu.sem_alloc : memref<!tpu.dma_semaphore, #tpu.memory_space<semaphore_mem>>
      %dma_start3A_83 = arith.constant 0 : i32
      %dma_start3A_84 = tpu.memref_slice %arg12[%add3A_21, %dma_start3A_83] : memref<10240x64xf32, #tpu.memory_space<vmem_shared>> -> memref<128x64xf32, #tpu.memory_space<vmem_shared>>
      %dma_start3A_85 = arith.constant 0 : i32
      %dma_start3A_86 = tpu.memref_slice %arg12[%add3A_21, %dma_start3A_85] : memref<10240x64xf32, #tpu.memory_space<vmem_shared>> -> memref<128x64xf32, #tpu.memory_space<vmem_shared>>
      tpu.enqueue_dma source(%arg8 : memref<128x64xf32, #tpu.memory_space<vmem>>) target(%dma_start3A_86 : memref<128x64xf32, #tpu.memory_space<vmem_shared>>) target_semaphore(%run_scoped3A : memref<!tpu.dma_semaphore, #tpu.memory_space<semaphore_mem>>)
      %dma_wait3A_87 = arith.constant 0 : i32
      %dma_wait3A_88 = tpu.memref_slice %arg12[%add3A_21, %dma_wait3A_87] : memref<10240x64xf32, #tpu.memory_space<vmem_shared>> -> memref<128x64xf32, #tpu.memory_space<vmem_shared>>
      %dma_wait3A_89 = arith.constant 0 : i32
      %dma_wait3A_90 = tpu.memref_slice %arg12[%add3A_21, %dma_wait3A_89] : memref<10240x64xf32, #tpu.memory_space<vmem_shared>> -> memref<128x64xf32, #tpu.memory_space<vmem_shared>>
      tpu.wait_dma2 semaphore(%run_scoped3A : memref<!tpu.dma_semaphore, #tpu.memory_space<semaphore_mem>>) src(%arg8 : memref<128x64xf32, #tpu.memory_space<vmem>>) dst(%dma_wait3A_90 : memref<128x64xf32, #tpu.memory_space<vmem_shared>>)
      tpu.yield
    }) : () -> ()
    %add3A_22 = arith.constant 128 : i32
    %add3A_23 = arith.addi %mul3A_20, %add3A_22 : i32
    "tpu.region"() ({
      %run_scoped3A = tpu.sem_alloc : memref<!tpu.dma_semaphore, #tpu.memory_space<semaphore_mem>>
      %dma_start3A_83 = arith.constant 0 : i32
      %dma_start3A_84 = tpu.memref_slice %arg12[%add3A_23, %dma_start3A_83] : memref<10240x64xf32, #tpu.memory_space<vmem_shared>> -> memref<128x64xf32, #tpu.memory_space<vmem_shared>>
      %dma_start3A_85 = arith.constant 0 : i32
      %dma_start3A_86 = tpu.memref_slice %arg12[%add3A_23, %dma_start3A_85] : memref<10240x64xf32, #tpu.memory_space<vmem_shared>> -> memref<128x64xf32, #tpu.memory_space<vmem_shared>>
      tpu.enqueue_dma source(%arg8 : memref<128x64xf32, #tpu.memory_space<vmem>>) target(%dma_start3A_86 : memref<128x64xf32, #tpu.memory_space<vmem_shared>>) target_semaphore(%run_scoped3A : memref<!tpu.dma_semaphore, #tpu.memory_space<semaphore_mem>>)
      %dma_wait3A_87 = arith.constant 0 : i32
      %dma_wait3A_88 = tpu.memref_slice %arg12[%add3A_23, %dma_wait3A_87] : memref<10240x64xf32, #tpu.memory_space<vmem_shared>> -> memref<128x64xf32, #tpu.memory_space<vmem_shared>>
      %dma_wait3A_89 = arith.constant 0 : i32
      %dma_wait3A_90 = tpu.memref_slice %arg12[%add3A_23, %dma_wait3A_89] : memref<10240x64xf32, #tpu.memory_space<vmem_shared>> -> memref<128x64xf32, #tpu.memory_space<vmem_shared>>
      tpu.wait_dma2 semaphore(%run_scoped3A : memref<!tpu.dma_semaphore, #tpu.memory_space<semaphore_mem>>) src(%arg8 : memref<128x64xf32, #tpu.memory_space<vmem>>) dst(%dma_wait3A_90 : memref<128x64xf32, #tpu.memory_space<vmem_shared>>)
      tpu.yield
    }) : () -> ()
    %add3A_24 = arith.constant 256 : i32
    %add3A_25 = arith.addi %mul3A_20, %add3A_24 : i32
    "tpu.region"() ({
      %run_scoped3A = tpu.sem_alloc : memref<!tpu.dma_semaphore, #tpu.memory_space<semaphore_mem>>
      %dma_start3A_83 = arith.constant 0 : i32
      %dma_start3A_84 = tpu.memref_slice %arg12[%add3A_25, %dma_start3A_83] : memref<10240x64xf32, #tpu.memory_space<vmem_shared>> -> memref<128x64xf32, #tpu.memory_space<vmem_shared>>
      %dma_start3A_85 = arith.constant 0 : i32
      %dma_start3A_86 = tpu.memref_slice %arg12[%add3A_25, %dma_start3A_85] : memref<10240x64xf32, #tpu.memory_space<vmem_shared>> -> memref<128x64xf32, #tpu.memory_space<vmem_shared>>
      tpu.enqueue_dma source(%arg8 : memref<128x64xf32, #tpu.memory_space<vmem>>) target(%dma_start3A_86 : memref<128x64xf32, #tpu.memory_space<vmem_shared>>) target_semaphore(%run_scoped3A : memref<!tpu.dma_semaphore, #tpu.memory_space<semaphore_mem>>)
      %dma_wait3A_87 = arith.constant 0 : i32
      %dma_wait3A_88 = tpu.memref_slice %arg12[%add3A_25, %dma_wait3A_87] : memref<10240x64xf32, #tpu.memory_space<vmem_shared>> -> memref<128x64xf32, #tpu.memory_space<vmem_shared>>
      %dma_wait3A_89 = arith.constant 0 : i32
      %dma_wait3A_90 = tpu.memref_slice %arg12[%add3A_25, %dma_wait3A_89] : memref<10240x64xf32, #tpu.memory_space<vmem_shared>> -> memref<128x64xf32, #tpu.memory_space<vmem_shared>>
      tpu.wait_dma2 semaphore(%run_scoped3A : memref<!tpu.dma_semaphore, #tpu.memory_space<semaphore_mem>>) src(%arg8 : memref<128x64xf32, #tpu.memory_space<vmem>>) dst(%dma_wait3A_90 : memref<128x64xf32, #tpu.memory_space<vmem_shared>>)
      tpu.yield
    }) : () -> ()
    %add3A_26 = arith.constant 384 : i32
    %add3A_27 = arith.addi %mul3A_20, %add3A_26 : i32
    "tpu.region"() ({
      %run_scoped3A = tpu.sem_alloc : memref<!tpu.dma_semaphore, #tpu.memory_space<semaphore_mem>>
      %dma_start3A_83 = arith.constant 0 : i32
      %dma_start3A_84 = tpu.memref_slice %arg12[%add3A_27, %dma_start3A_83] : memref<10240x64xf32, #tpu.memory_space<vmem_shared>> -> memref<128x64xf32, #tpu.memory_space<vmem_shared>>
      %dma_start3A_85 = arith.constant 0 : i32
      %dma_start3A_86 = tpu.memref_slice %arg12[%add3A_27, %dma_start3A_85] : memref<10240x64xf32, #tpu.memory_space<vmem_shared>> -> memref<128x64xf32, #tpu.memory_space<vmem_shared>>
      tpu.enqueue_dma source(%arg8 : memref<128x64xf32, #tpu.memory_space<vmem>>) target(%dma_start3A_86 : memref<128x64xf32, #tpu.memory_space<vmem_shared>>) target_semaphore(%run_scoped3A : memref<!tpu.dma_semaphore, #tpu.memory_space<semaphore_mem>>)
      %dma_wait3A_87 = arith.constant 0 : i32
      %dma_wait3A_88 = tpu.memref_slice %arg12[%add3A_27, %dma_wait3A_87] : memref<10240x64xf32, #tpu.memory_space<vmem_shared>> -> memref<128x64xf32, #tpu.memory_space<vmem_shared>>
      %dma_wait3A_89 = arith.constant 0 : i32
      %dma_wait3A_90 = tpu.memref_slice %arg12[%add3A_27, %dma_wait3A_89] : memref<10240x64xf32, #tpu.memory_space<vmem_shared>> -> memref<128x64xf32, #tpu.memory_space<vmem_shared>>
      tpu.wait_dma2 semaphore(%run_scoped3A : memref<!tpu.dma_semaphore, #tpu.memory_space<semaphore_mem>>) src(%arg8 : memref<128x64xf32, #tpu.memory_space<vmem>>) dst(%dma_wait3A_90 : memref<128x64xf32, #tpu.memory_space<vmem_shared>>)
      tpu.yield
    }) : () -> ()
    %add3A_28 = arith.constant 512 : i32
    %add3A_29 = arith.addi %mul3A_20, %add3A_28 : i32
    "tpu.region"() ({
      %run_scoped3A = tpu.sem_alloc : memref<!tpu.dma_semaphore, #tpu.memory_space<semaphore_mem>>
      %dma_start3A_83 = arith.constant 0 : i32
      %dma_start3A_84 = tpu.memref_slice %arg12[%add3A_29, %dma_start3A_83] : memref<10240x64xf32, #tpu.memory_space<vmem_shared>> -> memref<128x64xf32, #tpu.memory_space<vmem_shared>>
      %dma_start3A_85 = arith.constant 0 : i32
      %dma_start3A_86 = tpu.memref_slice %arg12[%add3A_29, %dma_start3A_85] : memref<10240x64xf32, #tpu.memory_space<vmem_shared>> -> memref<128x64xf32, #tpu.memory_space<vmem_shared>>
      tpu.enqueue_dma source(%arg8 : memref<128x64xf32, #tpu.memory_space<vmem>>) target(%dma_start3A_86 : memref<128x64xf32, #tpu.memory_space<vmem_shared>>) target_semaphore(%run_scoped3A : memref<!tpu.dma_semaphore, #tpu.memory_space<semaphore_mem>>)
      %dma_wait3A_87 = arith.constant 0 : i32
      %dma_wait3A_88 = tpu.memref_slice %arg12[%add3A_29, %dma_wait3A_87] : memref<10240x64xf32, #tpu.memory_space<vmem_shared>> -> memref<128x64xf32, #tpu.memory_space<vmem_shared>>
      %dma_wait3A_89 = arith.constant 0 : i32
      %dma_wait3A_90 = tpu.memref_slice %arg12[%add3A_29, %dma_wait3A_89] : memref<10240x64xf32, #tpu.memory_space<vmem_shared>> -> memref<128x64xf32, #tpu.memory_space<vmem_shared>>
      tpu.wait_dma2 semaphore(%run_scoped3A : memref<!tpu.dma_semaphore, #tpu.memory_space<semaphore_mem>>) src(%arg8 : memref<128x64xf32, #tpu.memory_space<vmem>>) dst(%dma_wait3A_90 : memref<128x64xf32, #tpu.memory_space<vmem_shared>>)
      tpu.yield
    }) : () -> ()
    %dma_wait3A = arith.constant 0 : i32
    %dma_wait3A_30 = arith.constant 0 : i32
    %dma_wait3A_31 = tpu.memref_slice %arg3[%arg1, %dma_wait3A, %dma_wait3A_30] : memref<16x162x128xi32, #tpu.memory_space<hbm>> -> memref<1x162x128xi32, #tpu.memory_space<hbm>>
    %dma_wait3A_32 = tpu.memref_squeeze %dma_wait3A_31 : memref<1x162x128xi32, #tpu.memory_space<hbm>> -> memref<162x128xi32, #tpu.memory_space<hbm>>
    %dma_wait3A_33 = arith.constant 0 : i32
    %dma_wait3A_34 = arith.constant 0 : i32
    %dma_wait3A_35 = tpu.memref_slice %arg3[%arg1, %dma_wait3A_33, %dma_wait3A_34] : memref<16x162x128xi32, #tpu.memory_space<hbm>> -> memref<1x162x128xi32, #tpu.memory_space<hbm>>
    %dma_wait3A_36 = tpu.memref_squeeze %dma_wait3A_35 : memref<1x162x128xi32, #tpu.memory_space<hbm>> -> memref<162x128xi32, #tpu.memory_space<hbm>>
    tpu.wait_dma2 semaphore(%arg10 : memref<!tpu.dma_semaphore, #tpu.memory_space<semaphore_mem>>) src(%dma_wait3A_36 : memref<162x128xi32, #tpu.memory_space<hbm>>) dst(%arg6 : memref<162x128xi32, #tpu.memory_space<vmem>>)
    %dma_wait3A_37 = arith.constant 0 : i32
    %dma_wait3A_38 = arith.constant 0 : i32
    %dma_wait3A_39 = tpu.memref_slice %arg4[%arg1, %dma_wait3A_37, %dma_wait3A_38] : memref<16x162x128xi32, #tpu.memory_space<hbm>> -> memref<1x162x128xi32, #tpu.memory_space<hbm>>
    %dma_wait3A_40 = tpu.memref_squeeze %dma_wait3A_39 : memref<1x162x128xi32, #tpu.memory_space<hbm>> -> memref<162x128xi32, #tpu.memory_space<hbm>>
    %dma_wait3A_41 = arith.constant 0 : i32
    %dma_wait3A_42 = arith.constant 0 : i32
    %dma_wait3A_43 = tpu.memref_slice %arg4[%arg1, %dma_wait3A_41, %dma_wait3A_42] : memref<16x162x128xi32, #tpu.memory_space<hbm>> -> memref<1x162x128xi32, #tpu.memory_space<hbm>>
    %dma_wait3A_44 = tpu.memref_squeeze %dma_wait3A_43 : memref<1x162x128xi32, #tpu.memory_space<hbm>> -> memref<162x128xi32, #tpu.memory_space<hbm>>
    tpu.wait_dma2 semaphore(%arg11 : memref<!tpu.dma_semaphore, #tpu.memory_space<semaphore_mem>>) src(%dma_wait3A_44 : memref<162x128xi32, #tpu.memory_space<hbm>>) dst(%arg7 : memref<162x128xi32, #tpu.memory_space<vmem>>)
    %barrier3A = arith.constant 0 : index
    tpu.barrier barrier_id(%barrier3A)
    %dma_start3A_45 = arith.constant 0 : i32
    %dma_start3A_46 = arith.constant 0 : i32
    %dma_start3A_47 = tpu.memref_slice %arg6[%dma_start3A_45, %dma_start3A_46] : memref<162x128xi32, #tpu.memory_space<vmem>> -> memref<1x128xi32, #tpu.memory_space<vmem>>
    %dma_start3A_48 = tpu.memref_squeeze %dma_start3A_47 : memref<1x128xi32, #tpu.memory_space<vmem>> -> memref<128xi32, #tpu.memory_space<vmem>>
    %dma_start3A_49 = arith.constant 0 : i32
    %dma_start3A_50 = arith.constant 0 : i32
    %dma_start3A_51 = tpu.memref_slice %arg2[%arg0, %dma_start3A_49, %dma_start3A_50] : memref<2x10240x64xf32, #tpu.memory_space<hbm>> -> memref<1x10240x64xf32, #tpu.memory_space<hbm>>
    %dma_start3A_52 = tpu.memref_squeeze %dma_start3A_51 : memref<1x10240x64xf32, #tpu.memory_space<hbm>> -> memref<10240x64xf32, #tpu.memory_space<hbm>>
    %dma_start3A_53 = arith.constant 0 : i32
    %dma_start3A_54 = arith.constant 0 : i32
    %dma_start3A_55 = tpu.memref_slice %dma_start3A_52[%dma_start3A_53, %dma_start3A_54] : memref<10240x64xf32, #tpu.memory_space<hbm>> -> memref<10240x64xf32, #tpu.memory_space<hbm>>
    tpu.enqueue_indirect_dma source(%dma_start3A_55 : memref<10240x64xf32, #tpu.memory_space<hbm>>) target(%arg8 : memref<128x64xf32, #tpu.memory_space<vmem>>) offsets(%dma_start3A_48 : memref<128xi32, #tpu.memory_space<vmem>>) semaphore(%arg10 : memref<!tpu.dma_semaphore, #tpu.memory_space<semaphore_mem>>)
    %dma_start3A_56 = arith.constant 1 : i32
    %dma_start3A_57 = arith.constant 0 : i32
    %dma_start3A_58 = tpu.memref_slice %arg6[%dma_start3A_56, %dma_start3A_57] : memref<162x128xi32, #tpu.memory_space<vmem>> -> memref<1x128xi32, #tpu.memory_space<vmem>>
    %dma_start3A_59 = tpu.memref_squeeze %dma_start3A_58 : memref<1x128xi32, #tpu.memory_space<vmem>> -> memref<128xi32, #tpu.memory_space<vmem>>
    %dma_start3A_60 = arith.constant 0 : i32
    %dma_start3A_61 = arith.constant 0 : i32
    %dma_start3A_62 = tpu.memref_slice %arg2[%arg0, %dma_start3A_60, %dma_start3A_61] : memref<2x10240x64xf32, #tpu.memory_space<hbm>> -> memref<1x10240x64xf32, #tpu.memory_space<hbm>>
    %dma_start3A_63 = tpu.memref_squeeze %dma_start3A_62 : memref<1x10240x64xf32, #tpu.memory_space<hbm>> -> memref<10240x64xf32, #tpu.memory_space<hbm>>
    %dma_start3A_64 = arith.constant 0 : i32
    %dma_start3A_65 = arith.constant 0 : i32
    %dma_start3A_66 = tpu.memref_slice %dma_start3A_63[%dma_start3A_64, %dma_start3A_65] : memref<10240x64xf32, #tpu.memory_space<hbm>> -> memref<10240x64xf32, #tpu.memory_space<hbm>>
    tpu.enqueue_indirect_dma source(%dma_start3A_66 : memref<10240x64xf32, #tpu.memory_space<hbm>>) target(%arg9 : memref<128x64xf32, #tpu.memory_space<vmem>>) offsets(%dma_start3A_59 : memref<128xi32, #tpu.memory_space<vmem>>) semaphore(%arg11 : memref<!tpu.dma_semaphore, #tpu.memory_space<semaphore_mem>>)
    %scan3A_67 = arith.constant 0 : i32
    %scan3A_68 = arith.constant 81 : i32
    %scan3A_69 = arith.addi %scan3A_67, %scan3A_68 : i32
    %scan3A_70 = arith.constant 1 : i32
    scf.for %scan3A_83 = %scan3A_67 to %scan3A_69 step %scan3A_70  : i32 {
      %mul3A_84 = arith.constant 2 : i32
      %mul3A_85 = arith.muli %scan3A_83, %mul3A_84 : i32
      %add3A_86 = arith.constant 0 : i32
      %add3A_87 = arith.addi %mul3A_85, %add3A_86 : i32
      %dma_wait3A_88 = arith.constant 0 : i32
      %dma_wait3A_89 = tpu.memref_slice %arg6[%add3A_87, %dma_wait3A_88] : memref<162x128xi32, #tpu.memory_space<vmem>> -> memref<1x128xi32, #tpu.memory_space<vmem>>
      %dma_wait3A_90 = tpu.memref_squeeze %dma_wait3A_89 : memref<1x128xi32, #tpu.memory_space<vmem>> -> memref<128xi32, #tpu.memory_space<vmem>>
      %dma_wait3A_91 = arith.constant 0 : i32
      %dma_wait3A_92 = arith.constant 0 : i32
      %dma_wait3A_93 = tpu.memref_slice %arg2[%arg0, %dma_wait3A_91, %dma_wait3A_92] : memref<2x10240x64xf32, #tpu.memory_space<hbm>> -> memref<1x10240x64xf32, #tpu.memory_space<hbm>>
      %dma_wait3A_94 = tpu.memref_squeeze %dma_wait3A_93 : memref<1x10240x64xf32, #tpu.memory_space<hbm>> -> memref<10240x64xf32, #tpu.memory_space<hbm>>
      %dma_wait3A_95 = arith.constant 0 : i32
      %dma_wait3A_96 = arith.constant 0 : i32
      %dma_wait3A_97 = tpu.memref_slice %dma_wait3A_94[%dma_wait3A_95, %dma_wait3A_96] : memref<10240x64xf32, #tpu.memory_space<hbm>> -> memref<10240x64xf32, #tpu.memory_space<hbm>>
      tpu.wait_indirect_dma semaphore(%arg10 : memref<!tpu.dma_semaphore, #tpu.memory_space<semaphore_mem>>) src(%dma_wait3A_97 : memref<10240x64xf32, #tpu.memory_space<hbm>>) dst(%arg8 : memref<128x64xf32, #tpu.memory_space<vmem>>)
      "tpu.region"() ({
        %run_scoped3A = tpu.sem_alloc : memref<!tpu.dma_semaphore, #tpu.memory_space<semaphore_mem>>
        %dma_start3A_119 = arith.constant 0 : i32
        %dma_start3A_120 = tpu.memref_slice %arg7[%add3A_87, %dma_start3A_119] : memref<162x128xi32, #tpu.memory_space<vmem>> -> memref<1x128xi32, #tpu.memory_space<vmem>>
        %dma_start3A_121 = tpu.memref_squeeze %dma_start3A_120 : memref<1x128xi32, #tpu.memory_space<vmem>> -> memref<128xi32, #tpu.memory_space<vmem>>
        %dma_start3A_122 = arith.constant 0 : i32
        %dma_start3A_123 = arith.constant 0 : i32
        %dma_start3A_124 = tpu.memref_slice %arg12[%dma_start3A_122, %dma_start3A_123] : memref<10240x64xf32, #tpu.memory_space<vmem_shared>> -> memref<10240x64xf32, #tpu.memory_space<vmem_shared>>
        tpu.enqueue_indirect_dma source(%arg8 : memref<128x64xf32, #tpu.memory_space<vmem>>) target(%dma_start3A_124 : memref<10240x64xf32, #tpu.memory_space<vmem_shared>>) offsets(%dma_start3A_121 : memref<128xi32, #tpu.memory_space<vmem>>) semaphore(%run_scoped3A : memref<!tpu.dma_semaphore, #tpu.memory_space<semaphore_mem>>) {add = true}
        %dma_wait3A_125 = arith.constant 0 : i32
        %dma_wait3A_126 = tpu.memref_slice %arg7[%add3A_87, %dma_wait3A_125] : memref<162x128xi32, #tpu.memory_space<vmem>> -> memref<1x128xi32, #tpu.memory_space<vmem>>
        %dma_wait3A_127 = tpu.memref_squeeze %dma_wait3A_126 : memref<1x128xi32, #tpu.memory_space<vmem>> -> memref<128xi32, #tpu.memory_space<vmem>>
        %dma_wait3A_128 = arith.constant 0 : i32
        %dma_wait3A_129 = arith.constant 0 : i32
        %dma_wait3A_130 = tpu.memref_slice %arg12[%dma_wait3A_128, %dma_wait3A_129] : memref<10240x64xf32, #tpu.memory_space<vmem_shared>> -> memref<10240x64xf32, #tpu.memory_space<vmem_shared>>
        tpu.wait_indirect_dma semaphore(%run_scoped3A : memref<!tpu.dma_semaphore, #tpu.memory_space<semaphore_mem>>) src(%arg8 : memref<128x64xf32, #tpu.memory_space<vmem>>) dst(%dma_wait3A_130 : memref<10240x64xf32, #tpu.memory_space<vmem_shared>>)
        tpu.yield
      }) : () -> ()
      %lt3A = arith.constant 80 : i32
      %lt3A_98 = arith.cmpi slt, %scan3A_83, %lt3A : i32
      %convert_element_type3A = arith.extui %lt3A_98 : i1 to i32
      %cond3A = arith.constant 0 : i32
      %cond3A_99 = arith.cmpi ne, %convert_element_type3A, %cond3A : i32
      scf.if %cond3A_99 {
        %add3A_119 = arith.constant 2 : i32
        %add3A_120 = arith.addi %add3A_87, %add3A_119 : i32
        %dma_start3A_121 = arith.constant 0 : i32
        %dma_start3A_122 = tpu.memref_slice %arg6[%add3A_120, %dma_start3A_121] : memref<162x128xi32, #tpu.memory_space<vmem>> -> memref<1x128xi32, #tpu.memory_space<vmem>>
        %dma_start3A_123 = tpu.memref_squeeze %dma_start3A_122 : memref<1x128xi32, #tpu.memory_space<vmem>> -> memref<128xi32, #tpu.memory_space<vmem>>
        %dma_start3A_124 = arith.constant 0 : i32
        %dma_start3A_125 = arith.constant 0 : i32
        %dma_start3A_126 = tpu.memref_slice %arg2[%arg0, %dma_start3A_124, %dma_start3A_125] : memref<2x10240x64xf32, #tpu.memory_space<hbm>> -> memref<1x10240x64xf32, #tpu.memory_space<hbm>>
        %dma_start3A_127 = tpu.memref_squeeze %dma_start3A_126 : memref<1x10240x64xf32, #tpu.memory_space<hbm>> -> memref<10240x64xf32, #tpu.memory_space<hbm>>
        %dma_start3A_128 = arith.constant 0 : i32
        %dma_start3A_129 = arith.constant 0 : i32
        %dma_start3A_130 = tpu.memref_slice %dma_start3A_127[%dma_start3A_128, %dma_start3A_129] : memref<10240x64xf32, #tpu.memory_space<hbm>> -> memref<10240x64xf32, #tpu.memory_space<hbm>>
        tpu.enqueue_indirect_dma source(%dma_start3A_130 : memref<10240x64xf32, #tpu.memory_space<hbm>>) target(%arg8 : memref<128x64xf32, #tpu.memory_space<vmem>>) offsets(%dma_start3A_123 : memref<128xi32, #tpu.memory_space<vmem>>) semaphore(%arg10 : memref<!tpu.dma_semaphore, #tpu.memory_space<semaphore_mem>>)
      } else {
      }
      %mul3A_100 = arith.constant 2 : i32
      %mul3A_101 = arith.muli %scan3A_83, %mul3A_100 : i32
      %add3A_102 = arith.constant 1 : i32
      %add3A_103 = arith.addi %mul3A_101, %add3A_102 : i32
      %dma_wait3A_104 = arith.constant 0 : i32
      %dma_wait3A_105 = tpu.memref_slice %arg6[%add3A_103, %dma_wait3A_104] : memref<162x128xi32, #tpu.memory_space<vmem>> -> memref<1x128xi32, #tpu.memory_space<vmem>>
      %dma_wait3A_106 = tpu.memref_squeeze %dma_wait3A_105 : memref<1x128xi32, #tpu.memory_space<vmem>> -> memref<128xi32, #tpu.memory_space<vmem>>
      %dma_wait3A_107 = arith.constant 0 : i32
      %dma_wait3A_108 = arith.constant 0 : i32
      %dma_wait3A_109 = tpu.memref_slice %arg2[%arg0, %dma_wait3A_107, %dma_wait3A_108] : memref<2x10240x64xf32, #tpu.memory_space<hbm>> -> memref<1x10240x64xf32, #tpu.memory_space<hbm>>
      %dma_wait3A_110 = tpu.memref_squeeze %dma_wait3A_109 : memref<1x10240x64xf32, #tpu.memory_space<hbm>> -> memref<10240x64xf32, #tpu.memory_space<hbm>>
      %dma_wait3A_111 = arith.constant 0 : i32
      %dma_wait3A_112 = arith.constant 0 : i32
      %dma_wait3A_113 = tpu.memref_slice %dma_wait3A_110[%dma_wait3A_111, %dma_wait3A_112] : memref<10240x64xf32, #tpu.memory_space<hbm>> -> memref<10240x64xf32, #tpu.memory_space<hbm>>
      tpu.wait_indirect_dma semaphore(%arg11 : memref<!tpu.dma_semaphore, #tpu.memory_space<semaphore_mem>>) src(%dma_wait3A_113 : memref<10240x64xf32, #tpu.memory_space<hbm>>) dst(%arg9 : memref<128x64xf32, #tpu.memory_space<vmem>>)
      "tpu.region"() ({
        %run_scoped3A = tpu.sem_alloc : memref<!tpu.dma_semaphore, #tpu.memory_space<semaphore_mem>>
        %dma_start3A_119 = arith.constant 0 : i32
        %dma_start3A_120 = tpu.memref_slice %arg7[%add3A_103, %dma_start3A_119] : memref<162x128xi32, #tpu.memory_space<vmem>> -> memref<1x128xi32, #tpu.memory_space<vmem>>
        %dma_start3A_121 = tpu.memref_squeeze %dma_start3A_120 : memref<1x128xi32, #tpu.memory_space<vmem>> -> memref<128xi32, #tpu.memory_space<vmem>>
        %dma_start3A_122 = arith.constant 0 : i32
        %dma_start3A_123 = arith.constant 0 : i32
        %dma_start3A_124 = tpu.memref_slice %arg12[%dma_start3A_122, %dma_start3A_123] : memref<10240x64xf32, #tpu.memory_space<vmem_shared>> -> memref<10240x64xf32, #tpu.memory_space<vmem_shared>>
        tpu.enqueue_indirect_dma source(%arg9 : memref<128x64xf32, #tpu.memory_space<vmem>>) target(%dma_start3A_124 : memref<10240x64xf32, #tpu.memory_space<vmem_shared>>) offsets(%dma_start3A_121 : memref<128xi32, #tpu.memory_space<vmem>>) semaphore(%run_scoped3A : memref<!tpu.dma_semaphore, #tpu.memory_space<semaphore_mem>>) {add = true}
        %dma_wait3A_125 = arith.constant 0 : i32
        %dma_wait3A_126 = tpu.memref_slice %arg7[%add3A_103, %dma_wait3A_125] : memref<162x128xi32, #tpu.memory_space<vmem>> -> memref<1x128xi32, #tpu.memory_space<vmem>>
        %dma_wait3A_127 = tpu.memref_squeeze %dma_wait3A_126 : memref<1x128xi32, #tpu.memory_space<vmem>> -> memref<128xi32, #tpu.memory_space<vmem>>
        %dma_wait3A_128 = arith.constant 0 : i32
        %dma_wait3A_129 = arith.constant 0 : i32
        %dma_wait3A_130 = tpu.memref_slice %arg12[%dma_wait3A_128, %dma_wait3A_129] : memref<10240x64xf32, #tpu.memory_space<vmem_shared>> -> memref<10240x64xf32, #tpu.memory_space<vmem_shared>>
        tpu.wait_indirect_dma semaphore(%run_scoped3A : memref<!tpu.dma_semaphore, #tpu.memory_space<semaphore_mem>>) src(%arg9 : memref<128x64xf32, #tpu.memory_space<vmem>>) dst(%dma_wait3A_130 : memref<10240x64xf32, #tpu.memory_space<vmem_shared>>)
        tpu.yield
      }) : () -> ()
      %lt3A_114 = arith.constant 80 : i32
      %lt3A_115 = arith.cmpi slt, %scan3A_83, %lt3A_114 : i32
      %convert_element_type3A_116 = arith.extui %lt3A_115 : i1 to i32
      %cond3A_117 = arith.constant 0 : i32
      %cond3A_118 = arith.cmpi ne, %convert_element_type3A_116, %cond3A_117 : i32
      scf.if %cond3A_118 {
        %add3A_119 = arith.constant 2 : i32
        %add3A_120 = arith.addi %add3A_103, %add3A_119 : i32
        %dma_start3A_121 = arith.constant 0 : i32
        %dma_start3A_122 = tpu.memref_slice %arg6[%add3A_120, %dma_start3A_121] : memref<162x128xi32, #tpu.memory_space<vmem>> -> memref<1x128xi32, #tpu.memory_space<vmem>>
        %dma_start3A_123 = tpu.memref_squeeze %dma_start3A_122 : memref<1x128xi32, #tpu.memory_space<vmem>> -> memref<128xi32, #tpu.memory_space<vmem>>
        %dma_start3A_124 = arith.constant 0 : i32
        %dma_start3A_125 = arith.constant 0 : i32
        %dma_start3A_126 = tpu.memref_slice %arg2[%arg0, %dma_start3A_124, %dma_start3A_125] : memref<2x10240x64xf32, #tpu.memory_space<hbm>> -> memref<1x10240x64xf32, #tpu.memory_space<hbm>>
        %dma_start3A_127 = tpu.memref_squeeze %dma_start3A_126 : memref<1x10240x64xf32, #tpu.memory_space<hbm>> -> memref<10240x64xf32, #tpu.memory_space<hbm>>
        %dma_start3A_128 = arith.constant 0 : i32
        %dma_start3A_129 = arith.constant 0 : i32
        %dma_start3A_130 = tpu.memref_slice %dma_start3A_127[%dma_start3A_128, %dma_start3A_129] : memref<10240x64xf32, #tpu.memory_space<hbm>> -> memref<10240x64xf32, #tpu.memory_space<hbm>>
        tpu.enqueue_indirect_dma source(%dma_start3A_130 : memref<10240x64xf32, #tpu.memory_space<hbm>>) target(%arg9 : memref<128x64xf32, #tpu.memory_space<vmem>>) offsets(%dma_start3A_123 : memref<128xi32, #tpu.memory_space<vmem>>) semaphore(%arg11 : memref<!tpu.dma_semaphore, #tpu.memory_space<semaphore_mem>>)
      } else {
      }
    }
    %scan3A_71 = arith.constant 81 : i32
    %barrier3A_72 = arith.constant 0 : index
    tpu.barrier barrier_id(%barrier3A_72)
    %add3A_73 = arith.constant 0 : i32
    %add3A_74 = arith.addi %mul3A_20, %add3A_73 : i32
    "tpu.region"() ({
      %run_scoped3A = tpu.sem_alloc : memref<!tpu.dma_semaphore, #tpu.memory_space<semaphore_mem>>
      %dma_start3A_83 = arith.constant 0 : i32
      %dma_start3A_84 = tpu.memref_slice %arg5[%arg0, %add3A_74, %dma_start3A_83] : memref<2x10240x64xf32, #tpu.memory_space<hbm>> -> memref<1x128x64xf32, #tpu.memory_space<hbm>>
      %dma_start3A_85 = tpu.memref_squeeze %dma_start3A_84 : memref<1x128x64xf32, #tpu.memory_space<hbm>> -> memref<128x64xf32, #tpu.memory_space<hbm>>
      %dma_start3A_86 = arith.constant 0 : i32
      %dma_start3A_87 = tpu.memref_slice %arg12[%add3A_74, %dma_start3A_86] : memref<10240x64xf32, #tpu.memory_space<vmem_shared>> -> memref<128x64xf32, #tpu.memory_space<vmem_shared>>
      tpu.enqueue_dma source(%dma_start3A_87 : memref<128x64xf32, #tpu.memory_space<vmem_shared>>) target(%dma_start3A_85 : memref<128x64xf32, #tpu.memory_space<hbm>>) target_semaphore(%run_scoped3A : memref<!tpu.dma_semaphore, #tpu.memory_space<semaphore_mem>>)
      %dma_wait3A_88 = arith.constant 0 : i32
      %dma_wait3A_89 = tpu.memref_slice %arg5[%arg0, %add3A_74, %dma_wait3A_88] : memref<2x10240x64xf32, #tpu.memory_space<hbm>> -> memref<1x128x64xf32, #tpu.memory_space<hbm>>
      %dma_wait3A_90 = tpu.memref_squeeze %dma_wait3A_89 : memref<1x128x64xf32, #tpu.memory_space<hbm>> -> memref<128x64xf32, #tpu.memory_space<hbm>>
      %dma_wait3A_91 = arith.constant 0 : i32
      %dma_wait3A_92 = tpu.memref_slice %arg12[%add3A_74, %dma_wait3A_91] : memref<10240x64xf32, #tpu.memory_space<vmem_shared>> -> memref<128x64xf32, #tpu.memory_space<vmem_shared>>
      tpu.wait_dma2 semaphore(%run_scoped3A : memref<!tpu.dma_semaphore, #tpu.memory_space<semaphore_mem>>) src(%dma_wait3A_92 : memref<128x64xf32, #tpu.memory_space<vmem_shared>>) dst(%dma_wait3A_90 : memref<128x64xf32, #tpu.memory_space<hbm>>)
      tpu.yield
    }) : () -> ()
    %add3A_75 = arith.constant 128 : i32
    %add3A_76 = arith.addi %mul3A_20, %add3A_75 : i32
    "tpu.region"() ({
      %run_scoped3A = tpu.sem_alloc : memref<!tpu.dma_semaphore, #tpu.memory_space<semaphore_mem>>
      %dma_start3A_83 = arith.constant 0 : i32
      %dma_start3A_84 = tpu.memref_slice %arg5[%arg0, %add3A_76, %dma_start3A_83] : memref<2x10240x64xf32, #tpu.memory_space<hbm>> -> memref<1x128x64xf32, #tpu.memory_space<hbm>>
      %dma_start3A_85 = tpu.memref_squeeze %dma_start3A_84 : memref<1x128x64xf32, #tpu.memory_space<hbm>> -> memref<128x64xf32, #tpu.memory_space<hbm>>
      %dma_start3A_86 = arith.constant 0 : i32
      %dma_start3A_87 = tpu.memref_slice %arg12[%add3A_76, %dma_start3A_86] : memref<10240x64xf32, #tpu.memory_space<vmem_shared>> -> memref<128x64xf32, #tpu.memory_space<vmem_shared>>
      tpu.enqueue_dma source(%dma_start3A_87 : memref<128x64xf32, #tpu.memory_space<vmem_shared>>) target(%dma_start3A_85 : memref<128x64xf32, #tpu.memory_space<hbm>>) target_semaphore(%run_scoped3A : memref<!tpu.dma_semaphore, #tpu.memory_space<semaphore_mem>>)
      %dma_wait3A_88 = arith.constant 0 : i32
      %dma_wait3A_89 = tpu.memref_slice %arg5[%arg0, %add3A_76, %dma_wait3A_88] : memref<2x10240x64xf32, #tpu.memory_space<hbm>> -> memref<1x128x64xf32, #tpu.memory_space<hbm>>
      %dma_wait3A_90 = tpu.memref_squeeze %dma_wait3A_89 : memref<1x128x64xf32, #tpu.memory_space<hbm>> -> memref<128x64xf32, #tpu.memory_space<hbm>>
      %dma_wait3A_91 = arith.constant 0 : i32
      %dma_wait3A_92 = tpu.memref_slice %arg12[%add3A_76, %dma_wait3A_91] : memref<10240x64xf32, #tpu.memory_space<vmem_shared>> -> memref<128x64xf32, #tpu.memory_space<vmem_shared>>
      tpu.wait_dma2 semaphore(%run_scoped3A : memref<!tpu.dma_semaphore, #tpu.memory_space<semaphore_mem>>) src(%dma_wait3A_92 : memref<128x64xf32, #tpu.memory_space<vmem_shared>>) dst(%dma_wait3A_90 : memref<128x64xf32, #tpu.memory_space<hbm>>)
      tpu.yield
    }) : () -> ()
    %add3A_77 = arith.constant 256 : i32
    %add3A_78 = arith.addi %mul3A_20, %add3A_77 : i32
    "tpu.region"() ({
      %run_scoped3A = tpu.sem_alloc : memref<!tpu.dma_semaphore, #tpu.memory_space<semaphore_mem>>
      %dma_start3A_83 = arith.constant 0 : i32
      %dma_start3A_84 = tpu.memref_slice %arg5[%arg0, %add3A_78, %dma_start3A_83] : memref<2x10240x64xf32, #tpu.memory_space<hbm>> -> memref<1x128x64xf32, #tpu.memory_space<hbm>>
      %dma_start3A_85 = tpu.memref_squeeze %dma_start3A_84 : memref<1x128x64xf32, #tpu.memory_space<hbm>> -> memref<128x64xf32, #tpu.memory_space<hbm>>
      %dma_start3A_86 = arith.constant 0 : i32
      %dma_start3A_87 = tpu.memref_slice %arg12[%add3A_78, %dma_start3A_86] : memref<10240x64xf32, #tpu.memory_space<vmem_shared>> -> memref<128x64xf32, #tpu.memory_space<vmem_shared>>
      tpu.enqueue_dma source(%dma_start3A_87 : memref<128x64xf32, #tpu.memory_space<vmem_shared>>) target(%dma_start3A_85 : memref<128x64xf32, #tpu.memory_space<hbm>>) target_semaphore(%run_scoped3A : memref<!tpu.dma_semaphore, #tpu.memory_space<semaphore_mem>>)
      %dma_wait3A_88 = arith.constant 0 : i32
      %dma_wait3A_89 = tpu.memref_slice %arg5[%arg0, %add3A_78, %dma_wait3A_88] : memref<2x10240x64xf32, #tpu.memory_space<hbm>> -> memref<1x128x64xf32, #tpu.memory_space<hbm>>
      %dma_wait3A_90 = tpu.memref_squeeze %dma_wait3A_89 : memref<1x128x64xf32, #tpu.memory_space<hbm>> -> memref<128x64xf32, #tpu.memory_space<hbm>>
      %dma_wait3A_91 = arith.constant 0 : i32
      %dma_wait3A_92 = tpu.memref_slice %arg12[%add3A_78, %dma_wait3A_91] : memref<10240x64xf32, #tpu.memory_space<vmem_shared>> -> memref<128x64xf32, #tpu.memory_space<vmem_shared>>
      tpu.wait_dma2 semaphore(%run_scoped3A : memref<!tpu.dma_semaphore, #tpu.memory_space<semaphore_mem>>) src(%dma_wait3A_92 : memref<128x64xf32, #tpu.memory_space<vmem_shared>>) dst(%dma_wait3A_90 : memref<128x64xf32, #tpu.memory_space<hbm>>)
      tpu.yield
    }) : () -> ()
    %add3A_79 = arith.constant 384 : i32
    %add3A_80 = arith.addi %mul3A_20, %add3A_79 : i32
    "tpu.region"() ({
      %run_scoped3A = tpu.sem_alloc : memref<!tpu.dma_semaphore, #tpu.memory_space<semaphore_mem>>
      %dma_start3A_83 = arith.constant 0 : i32
      %dma_start3A_84 = tpu.memref_slice %arg5[%arg0, %add3A_80, %dma_start3A_83] : memref<2x10240x64xf32, #tpu.memory_space<hbm>> -> memref<1x128x64xf32, #tpu.memory_space<hbm>>
      %dma_start3A_85 = tpu.memref_squeeze %dma_start3A_84 : memref<1x128x64xf32, #tpu.memory_space<hbm>> -> memref<128x64xf32, #tpu.memory_space<hbm>>
      %dma_start3A_86 = arith.constant 0 : i32
      %dma_start3A_87 = tpu.memref_slice %arg12[%add3A_80, %dma_start3A_86] : memref<10240x64xf32, #tpu.memory_space<vmem_shared>> -> memref<128x64xf32, #tpu.memory_space<vmem_shared>>
      tpu.enqueue_dma source(%dma_start3A_87 : memref<128x64xf32, #tpu.memory_space<vmem_shared>>) target(%dma_start3A_85 : memref<128x64xf32, #tpu.memory_space<hbm>>) target_semaphore(%run_scoped3A : memref<!tpu.dma_semaphore, #tpu.memory_space<semaphore_mem>>)
      %dma_wait3A_88 = arith.constant 0 : i32
      %dma_wait3A_89 = tpu.memref_slice %arg5[%arg0, %add3A_80, %dma_wait3A_88] : memref<2x10240x64xf32, #tpu.memory_space<hbm>> -> memref<1x128x64xf32, #tpu.memory_space<hbm>>
      %dma_wait3A_90 = tpu.memref_squeeze %dma_wait3A_89 : memref<1x128x64xf32, #tpu.memory_space<hbm>> -> memref<128x64xf32, #tpu.memory_space<hbm>>
      %dma_wait3A_91 = arith.constant 0 : i32
      %dma_wait3A_92 = tpu.memref_slice %arg12[%add3A_80, %dma_wait3A_91] : memref<10240x64xf32, #tpu.memory_space<vmem_shared>> -> memref<128x64xf32, #tpu.memory_space<vmem_shared>>
      tpu.wait_dma2 semaphore(%run_scoped3A : memref<!tpu.dma_semaphore, #tpu.memory_space<semaphore_mem>>) src(%dma_wait3A_92 : memref<128x64xf32, #tpu.memory_space<vmem_shared>>) dst(%dma_wait3A_90 : memref<128x64xf32, #tpu.memory_space<hbm>>)
      tpu.yield
    }) : () -> ()
    %add3A_81 = arith.constant 512 : i32
    %add3A_82 = arith.addi %mul3A_20, %add3A_81 : i32
    "tpu.region"() ({
      %run_scoped3A = tpu.sem_alloc : memref<!tpu.dma_semaphore, #tpu.memory_space<semaphore_mem>>
      %dma_start3A_83 = arith.constant 0 : i32
      %dma_start3A_84 = tpu.memref_slice %arg5[%arg0, %add3A_82, %dma_start3A_83] : memref<2x10240x64xf32, #tpu.memory_space<hbm>> -> memref<1x128x64xf32, #tpu.memory_space<hbm>>
      %dma_start3A_85 = tpu.memref_squeeze %dma_start3A_84 : memref<1x128x64xf32, #tpu.memory_space<hbm>> -> memref<128x64xf32, #tpu.memory_space<hbm>>
      %dma_start3A_86 = arith.constant 0 : i32
      %dma_start3A_87 = tpu.memref_slice %arg12[%add3A_82, %dma_start3A_86] : memref<10240x64xf32, #tpu.memory_space<vmem_shared>> -> memref<128x64xf32, #tpu.memory_space<vmem_shared>>
      tpu.enqueue_dma source(%dma_start3A_87 : memref<128x64xf32, #tpu.memory_space<vmem_shared>>) target(%dma_start3A_85 : memref<128x64xf32, #tpu.memory_space<hbm>>) target_semaphore(%run_scoped3A : memref<!tpu.dma_semaphore, #tpu.memory_space<semaphore_mem>>)
      %dma_wait3A_88 = arith.constant 0 : i32
      %dma_wait3A_89 = tpu.memref_slice %arg5[%arg0, %add3A_82, %dma_wait3A_88] : memref<2x10240x64xf32, #tpu.memory_space<hbm>> -> memref<1x128x64xf32, #tpu.memory_space<hbm>>
      %dma_wait3A_90 = tpu.memref_squeeze %dma_wait3A_89 : memref<1x128x64xf32, #tpu.memory_space<hbm>> -> memref<128x64xf32, #tpu.memory_space<hbm>>
      %dma_wait3A_91 = arith.constant 0 : i32
      %dma_wait3A_92 = tpu.memref_slice %arg12[%add3A_82, %dma_wait3A_91] : memref<10240x64xf32, #tpu.memory_space<vmem_shared>> -> memref<128x64xf32, #tpu.memory_space<vmem_shared>>
      tpu.wait_dma2 semaphore(%run_scoped3A : memref<!tpu.dma_semaphore, #tpu.memory_space<semaphore_mem>>) src(%dma_wait3A_92 : memref<128x64xf32, #tpu.memory_space<vmem_shared>>) dst(%dma_wait3A_90 : memref<128x64xf32, #tpu.memory_space<hbm>>)
      tpu.yield
    }) : () -> ()
    return
  }
}

#map = affine_map<(d0, d1) -> (0, 0, 0)>
module attributes {stable_mosaic.version = 14 : i64} {
  func.func @_sc_deg_body(%arg0: i32, %arg1: i32, %arg2: memref<16x162x128xi32, #tpu.memory_space<hbm>>, %arg3: memref<2x10240x16xf32, #tpu.memory_space<hbm>>, %arg4: memref<162x128xi32, #tpu.memory_space<vmem>>, %arg5: memref<128x16xf32, #tpu.memory_space<vmem>>, %arg6: memref<10240x16xf32, #tpu.memory_space<vmem_shared>>, %arg7: memref<!tpu.dma_semaphore, #tpu.memory_space<semaphore_mem>>) attributes {dimension_semantics = [#tpu.dimension_semantics<core_parallel>, #tpu.dimension_semantics<subcore_parallel>], iteration_bounds = array<i64: 2, 16>, scalar_prefetch = 0 : i64, scratch_operands = 4 : i64, tpu.core_type = #tpu.core_type<sc_vector_subcore>, window_params = [{transform_indices = #map}, {transform_indices = #map}]} {
    %dma_start3A = arith.constant 0 : i32
    %dma_start3A_0 = arith.constant 0 : i32
    %dma_start3A_1 = tpu.memref_slice %arg2[%arg1, %dma_start3A, %dma_start3A_0] : memref<16x162x128xi32, #tpu.memory_space<hbm>> -> memref<1x162x128xi32, #tpu.memory_space<hbm>>
    %dma_start3A_2 = tpu.memref_squeeze %dma_start3A_1 : memref<1x162x128xi32, #tpu.memory_space<hbm>> -> memref<162x128xi32, #tpu.memory_space<hbm>>
    %dma_start3A_3 = arith.constant 0 : i32
    %dma_start3A_4 = arith.constant 0 : i32
    %dma_start3A_5 = tpu.memref_slice %arg2[%arg1, %dma_start3A_3, %dma_start3A_4] : memref<16x162x128xi32, #tpu.memory_space<hbm>> -> memref<1x162x128xi32, #tpu.memory_space<hbm>>
    %dma_start3A_6 = tpu.memref_squeeze %dma_start3A_5 : memref<1x162x128xi32, #tpu.memory_space<hbm>> -> memref<162x128xi32, #tpu.memory_space<hbm>>
    tpu.enqueue_dma source(%dma_start3A_6 : memref<162x128xi32, #tpu.memory_space<hbm>>) target(%arg4 : memref<162x128xi32, #tpu.memory_space<vmem>>) target_semaphore(%arg7 : memref<!tpu.dma_semaphore, #tpu.memory_space<semaphore_mem>>)
    %broadcast_in_dim3A = arith.constant 0.000000e+00 : f32
    %broadcast_in_dim3A_7 = vector.broadcast %broadcast_in_dim3A : f32 to vector<16xf32>
    %scan3A = arith.constant 0 : i32
    %scan3A_8 = arith.constant 128 : i32
    %scan3A_9 = arith.addi %scan3A, %scan3A_8 : i32
    %scan3A_10 = arith.constant 1 : i32
    scf.for %scan3A_44 = %scan3A to %scan3A_9 step %scan3A_10  : i32 {
      %swap3A = arith.index_cast %scan3A_44 : i32 to index
      %swap3A_45 = arith.constant 0 : index
      %swap3A_46 = tpu.vector_load %arg5[%swap3A, %swap3A_45] {strides = array<i32>} : memref<128x16xf32, #tpu.memory_space<vmem>>, vector<1x16xf32>,
      %swap3A_47 = vector.shape_cast %swap3A_46 : vector<1x16xf32> to vector<16xf32>
      %swap3A_48 = vector.shape_cast %broadcast_in_dim3A_7 : vector<16xf32> to vector<1x16xf32>
      tpu.vector_store %arg5[%swap3A, %swap3A_45], %swap3A_48 {strides = array<i32>} : memref<128x16xf32, #tpu.memory_space<vmem>>, vector<1x16xf32>,
    }
    %scan3A_11 = arith.constant 128 : i32
    %mul3A = arith.constant 640 : i32
    %mul3A_12 = arith.muli %arg1, %mul3A : i32
    %add3A = arith.constant 0 : i32
    %add3A_13 = arith.addi %mul3A_12, %add3A : i32
    "tpu.region"() ({
      %run_scoped3A = tpu.sem_alloc : memref<!tpu.dma_semaphore, #tpu.memory_space<semaphore_mem>>
      %dma_start3A_44 = arith.constant 0 : i32
      %dma_start3A_45 = tpu.memref_slice %arg6[%add3A_13, %dma_start3A_44] : memref<10240x16xf32, #tpu.memory_space<vmem_shared>> -> memref<128x16xf32, #tpu.memory_space<vmem_shared>>
      %dma_start3A_46 = arith.constant 0 : i32
      %dma_start3A_47 = tpu.memref_slice %arg6[%add3A_13, %dma_start3A_46] : memref<10240x16xf32, #tpu.memory_space<vmem_shared>> -> memref<128x16xf32, #tpu.memory_space<vmem_shared>>
      tpu.enqueue_dma source(%arg5 : memref<128x16xf32, #tpu.memory_space<vmem>>) target(%dma_start3A_47 : memref<128x16xf32, #tpu.memory_space<vmem_shared>>) target_semaphore(%run_scoped3A : memref<!tpu.dma_semaphore, #tpu.memory_space<semaphore_mem>>)
      %dma_wait3A_48 = arith.constant 0 : i32
      %dma_wait3A_49 = tpu.memref_slice %arg6[%add3A_13, %dma_wait3A_48] : memref<10240x16xf32, #tpu.memory_space<vmem_shared>> -> memref<128x16xf32, #tpu.memory_space<vmem_shared>>
      %dma_wait3A_50 = arith.constant 0 : i32
      %dma_wait3A_51 = tpu.memref_slice %arg6[%add3A_13, %dma_wait3A_50] : memref<10240x16xf32, #tpu.memory_space<vmem_shared>> -> memref<128x16xf32, #tpu.memory_space<vmem_shared>>
      tpu.wait_dma2 semaphore(%run_scoped3A : memref<!tpu.dma_semaphore, #tpu.memory_space<semaphore_mem>>) src(%arg5 : memref<128x16xf32, #tpu.memory_space<vmem>>) dst(%dma_wait3A_51 : memref<128x16xf32, #tpu.memory_space<vmem_shared>>)
      tpu.yield
    }) : () -> ()
    %add3A_14 = arith.constant 128 : i32
    %add3A_15 = arith.addi %mul3A_12, %add3A_14 : i32
    "tpu.region"() ({
      %run_scoped3A = tpu.sem_alloc : memref<!tpu.dma_semaphore, #tpu.memory_space<semaphore_mem>>
      %dma_start3A_44 = arith.constant 0 : i32
      %dma_start3A_45 = tpu.memref_slice %arg6[%add3A_15, %dma_start3A_44] : memref<10240x16xf32, #tpu.memory_space<vmem_shared>> -> memref<128x16xf32, #tpu.memory_space<vmem_shared>>
      %dma_start3A_46 = arith.constant 0 : i32
      %dma_start3A_47 = tpu.memref_slice %arg6[%add3A_15, %dma_start3A_46] : memref<10240x16xf32, #tpu.memory_space<vmem_shared>> -> memref<128x16xf32, #tpu.memory_space<vmem_shared>>
      tpu.enqueue_dma source(%arg5 : memref<128x16xf32, #tpu.memory_space<vmem>>) target(%dma_start3A_47 : memref<128x16xf32, #tpu.memory_space<vmem_shared>>) target_semaphore(%run_scoped3A : memref<!tpu.dma_semaphore, #tpu.memory_space<semaphore_mem>>)
      %dma_wait3A_48 = arith.constant 0 : i32
      %dma_wait3A_49 = tpu.memref_slice %arg6[%add3A_15, %dma_wait3A_48] : memref<10240x16xf32, #tpu.memory_space<vmem_shared>> -> memref<128x16xf32, #tpu.memory_space<vmem_shared>>
      %dma_wait3A_50 = arith.constant 0 : i32
      %dma_wait3A_51 = tpu.memref_slice %arg6[%add3A_15, %dma_wait3A_50] : memref<10240x16xf32, #tpu.memory_space<vmem_shared>> -> memref<128x16xf32, #tpu.memory_space<vmem_shared>>
      tpu.wait_dma2 semaphore(%run_scoped3A : memref<!tpu.dma_semaphore, #tpu.memory_space<semaphore_mem>>) src(%arg5 : memref<128x16xf32, #tpu.memory_space<vmem>>) dst(%dma_wait3A_51 : memref<128x16xf32, #tpu.memory_space<vmem_shared>>)
      tpu.yield
    }) : () -> ()
    %add3A_16 = arith.constant 256 : i32
    %add3A_17 = arith.addi %mul3A_12, %add3A_16 : i32
    "tpu.region"() ({
      %run_scoped3A = tpu.sem_alloc : memref<!tpu.dma_semaphore, #tpu.memory_space<semaphore_mem>>
      %dma_start3A_44 = arith.constant 0 : i32
      %dma_start3A_45 = tpu.memref_slice %arg6[%add3A_17, %dma_start3A_44] : memref<10240x16xf32, #tpu.memory_space<vmem_shared>> -> memref<128x16xf32, #tpu.memory_space<vmem_shared>>
      %dma_start3A_46 = arith.constant 0 : i32
      %dma_start3A_47 = tpu.memref_slice %arg6[%add3A_17, %dma_start3A_46] : memref<10240x16xf32, #tpu.memory_space<vmem_shared>> -> memref<128x16xf32, #tpu.memory_space<vmem_shared>>
      tpu.enqueue_dma source(%arg5 : memref<128x16xf32, #tpu.memory_space<vmem>>) target(%dma_start3A_47 : memref<128x16xf32, #tpu.memory_space<vmem_shared>>) target_semaphore(%run_scoped3A : memref<!tpu.dma_semaphore, #tpu.memory_space<semaphore_mem>>)
      %dma_wait3A_48 = arith.constant 0 : i32
      %dma_wait3A_49 = tpu.memref_slice %arg6[%add3A_17, %dma_wait3A_48] : memref<10240x16xf32, #tpu.memory_space<vmem_shared>> -> memref<128x16xf32, #tpu.memory_space<vmem_shared>>
      %dma_wait3A_50 = arith.constant 0 : i32
      %dma_wait3A_51 = tpu.memref_slice %arg6[%add3A_17, %dma_wait3A_50] : memref<10240x16xf32, #tpu.memory_space<vmem_shared>> -> memref<128x16xf32, #tpu.memory_space<vmem_shared>>
      tpu.wait_dma2 semaphore(%run_scoped3A : memref<!tpu.dma_semaphore, #tpu.memory_space<semaphore_mem>>) src(%arg5 : memref<128x16xf32, #tpu.memory_space<vmem>>) dst(%dma_wait3A_51 : memref<128x16xf32, #tpu.memory_space<vmem_shared>>)
      tpu.yield
    }) : () -> ()
    %add3A_18 = arith.constant 384 : i32
    %add3A_19 = arith.addi %mul3A_12, %add3A_18 : i32
    "tpu.region"() ({
      %run_scoped3A = tpu.sem_alloc : memref<!tpu.dma_semaphore, #tpu.memory_space<semaphore_mem>>
      %dma_start3A_44 = arith.constant 0 : i32
      %dma_start3A_45 = tpu.memref_slice %arg6[%add3A_19, %dma_start3A_44] : memref<10240x16xf32, #tpu.memory_space<vmem_shared>> -> memref<128x16xf32, #tpu.memory_space<vmem_shared>>
      %dma_start3A_46 = arith.constant 0 : i32
      %dma_start3A_47 = tpu.memref_slice %arg6[%add3A_19, %dma_start3A_46] : memref<10240x16xf32, #tpu.memory_space<vmem_shared>> -> memref<128x16xf32, #tpu.memory_space<vmem_shared>>
      tpu.enqueue_dma source(%arg5 : memref<128x16xf32, #tpu.memory_space<vmem>>) target(%dma_start3A_47 : memref<128x16xf32, #tpu.memory_space<vmem_shared>>) target_semaphore(%run_scoped3A : memref<!tpu.dma_semaphore, #tpu.memory_space<semaphore_mem>>)
      %dma_wait3A_48 = arith.constant 0 : i32
      %dma_wait3A_49 = tpu.memref_slice %arg6[%add3A_19, %dma_wait3A_48] : memref<10240x16xf32, #tpu.memory_space<vmem_shared>> -> memref<128x16xf32, #tpu.memory_space<vmem_shared>>
      %dma_wait3A_50 = arith.constant 0 : i32
      %dma_wait3A_51 = tpu.memref_slice %arg6[%add3A_19, %dma_wait3A_50] : memref<10240x16xf32, #tpu.memory_space<vmem_shared>> -> memref<128x16xf32, #tpu.memory_space<vmem_shared>>
      tpu.wait_dma2 semaphore(%run_scoped3A : memref<!tpu.dma_semaphore, #tpu.memory_space<semaphore_mem>>) src(%arg5 : memref<128x16xf32, #tpu.memory_space<vmem>>) dst(%dma_wait3A_51 : memref<128x16xf32, #tpu.memory_space<vmem_shared>>)
      tpu.yield
    }) : () -> ()
    %add3A_20 = arith.constant 512 : i32
    %add3A_21 = arith.addi %mul3A_12, %add3A_20 : i32
    "tpu.region"() ({
      %run_scoped3A = tpu.sem_alloc : memref<!tpu.dma_semaphore, #tpu.memory_space<semaphore_mem>>
      %dma_start3A_44 = arith.constant 0 : i32
      %dma_start3A_45 = tpu.memref_slice %arg6[%add3A_21, %dma_start3A_44] : memref<10240x16xf32, #tpu.memory_space<vmem_shared>> -> memref<128x16xf32, #tpu.memory_space<vmem_shared>>
      %dma_start3A_46 = arith.constant 0 : i32
      %dma_start3A_47 = tpu.memref_slice %arg6[%add3A_21, %dma_start3A_46] : memref<10240x16xf32, #tpu.memory_space<vmem_shared>> -> memref<128x16xf32, #tpu.memory_space<vmem_shared>>
      tpu.enqueue_dma source(%arg5 : memref<128x16xf32, #tpu.memory_space<vmem>>) target(%dma_start3A_47 : memref<128x16xf32, #tpu.memory_space<vmem_shared>>) target_semaphore(%run_scoped3A : memref<!tpu.dma_semaphore, #tpu.memory_space<semaphore_mem>>)
      %dma_wait3A_48 = arith.constant 0 : i32
      %dma_wait3A_49 = tpu.memref_slice %arg6[%add3A_21, %dma_wait3A_48] : memref<10240x16xf32, #tpu.memory_space<vmem_shared>> -> memref<128x16xf32, #tpu.memory_space<vmem_shared>>
      %dma_wait3A_50 = arith.constant 0 : i32
      %dma_wait3A_51 = tpu.memref_slice %arg6[%add3A_21, %dma_wait3A_50] : memref<10240x16xf32, #tpu.memory_space<vmem_shared>> -> memref<128x16xf32, #tpu.memory_space<vmem_shared>>
      tpu.wait_dma2 semaphore(%run_scoped3A : memref<!tpu.dma_semaphore, #tpu.memory_space<semaphore_mem>>) src(%arg5 : memref<128x16xf32, #tpu.memory_space<vmem>>) dst(%dma_wait3A_51 : memref<128x16xf32, #tpu.memory_space<vmem_shared>>)
      tpu.yield
    }) : () -> ()
    %broadcast_in_dim3A_22 = arith.constant 1.000000e+00 : f32
    %broadcast_in_dim3A_23 = vector.broadcast %broadcast_in_dim3A_22 : f32 to vector<16xf32>
    %scan3A_24 = arith.constant 0 : i32
    %scan3A_25 = arith.constant 128 : i32
    %scan3A_26 = arith.addi %scan3A_24, %scan3A_25 : i32
    %scan3A_27 = arith.constant 1 : i32
    scf.for %scan3A_44 = %scan3A_24 to %scan3A_26 step %scan3A_27  : i32 {
      %swap3A = arith.index_cast %scan3A_44 : i32 to index
      %swap3A_45 = arith.constant 0 : index
      %swap3A_46 = tpu.vector_load %arg5[%swap3A, %swap3A_45] {strides = array<i32>} : memref<128x16xf32, #tpu.memory_space<vmem>>, vector<1x16xf32>,
      %swap3A_47 = vector.shape_cast %swap3A_46 : vector<1x16xf32> to vector<16xf32>
      %swap3A_48 = vector.shape_cast %broadcast_in_dim3A_23 : vector<16xf32> to vector<1x16xf32>
      tpu.vector_store %arg5[%swap3A, %swap3A_45], %swap3A_48 {strides = array<i32>} : memref<128x16xf32, #tpu.memory_space<vmem>>, vector<1x16xf32>,
    }
    %scan3A_28 = arith.constant 128 : i32
    %dma_wait3A = arith.constant 0 : i32
    %dma_wait3A_29 = arith.constant 0 : i32
    %dma_wait3A_30 = tpu.memref_slice %arg2[%arg1, %dma_wait3A, %dma_wait3A_29] : memref<16x162x128xi32, #tpu.memory_space<hbm>> -> memref<1x162x128xi32, #tpu.memory_space<hbm>>
    %dma_wait3A_31 = tpu.memref_squeeze %dma_wait3A_30 : memref<1x162x128xi32, #tpu.memory_space<hbm>> -> memref<162x128xi32, #tpu.memory_space<hbm>>
    %dma_wait3A_32 = arith.constant 0 : i32
    %dma_wait3A_33 = arith.constant 0 : i32
    %dma_wait3A_34 = tpu.memref_slice %arg2[%arg1, %dma_wait3A_32, %dma_wait3A_33] : memref<16x162x128xi32, #tpu.memory_space<hbm>> -> memref<1x162x128xi32, #tpu.memory_space<hbm>>
    %dma_wait3A_35 = tpu.memref_squeeze %dma_wait3A_34 : memref<1x162x128xi32, #tpu.memory_space<hbm>> -> memref<162x128xi32, #tpu.memory_space<hbm>>
    tpu.wait_dma2 semaphore(%arg7 : memref<!tpu.dma_semaphore, #tpu.memory_space<semaphore_mem>>) src(%dma_wait3A_35 : memref<162x128xi32, #tpu.memory_space<hbm>>) dst(%arg4 : memref<162x128xi32, #tpu.memory_space<vmem>>)
    %barrier3A = arith.constant 0 : index
    tpu.barrier barrier_id(%barrier3A)
    %mul3A_36 = arith.constant 81 : i32
    %mul3A_37 = arith.muli %arg0, %mul3A_36 : i32
    %scan3A_38 = arith.constant 0 : i32
    %scan3A_39 = arith.constant 81 : i32
    %scan3A_40 = arith.addi %scan3A_38, %scan3A_39 : i32
    %scan3A_41 = arith.constant 1 : i32
    scf.for %scan3A_44 = %scan3A_38 to %scan3A_40 step %scan3A_41  : i32 {
      %add3A_45 = arith.addi %mul3A_37, %scan3A_44 : i32
      "tpu.region"() ({
        %run_scoped3A = tpu.sem_alloc : memref<!tpu.dma_semaphore, #tpu.memory_space<semaphore_mem>>
        %dma_start3A_46 = arith.constant 0 : i32
        %dma_start3A_47 = tpu.memref_slice %arg4[%add3A_45, %dma_start3A_46] : memref<162x128xi32, #tpu.memory_space<vmem>> -> memref<1x128xi32, #tpu.memory_space<vmem>>
        %dma_start3A_48 = tpu.memref_squeeze %dma_start3A_47 : memref<1x128xi32, #tpu.memory_space<vmem>> -> memref<128xi32, #tpu.memory_space<vmem>>
        %dma_start3A_49 = arith.constant 0 : i32
        %dma_start3A_50 = arith.constant 0 : i32
        %dma_start3A_51 = tpu.memref_slice %arg6[%dma_start3A_49, %dma_start3A_50] : memref<10240x16xf32, #tpu.memory_space<vmem_shared>> -> memref<10240x16xf32, #tpu.memory_space<vmem_shared>>
        tpu.enqueue_indirect_dma source(%arg5 : memref<128x16xf32, #tpu.memory_space<vmem>>) target(%dma_start3A_51 : memref<10240x16xf32, #tpu.memory_space<vmem_shared>>) offsets(%dma_start3A_48 : memref<128xi32, #tpu.memory_space<vmem>>) semaphore(%run_scoped3A : memref<!tpu.dma_semaphore, #tpu.memory_space<semaphore_mem>>) {add = true}
        %dma_wait3A_52 = arith.constant 0 : i32
        %dma_wait3A_53 = tpu.memref_slice %arg4[%add3A_45, %dma_wait3A_52] : memref<162x128xi32, #tpu.memory_space<vmem>> -> memref<1x128xi32, #tpu.memory_space<vmem>>
        %dma_wait3A_54 = tpu.memref_squeeze %dma_wait3A_53 : memref<1x128xi32, #tpu.memory_space<vmem>> -> memref<128xi32, #tpu.memory_space<vmem>>
        %dma_wait3A_55 = arith.constant 0 : i32
        %dma_wait3A_56 = arith.constant 0 : i32
        %dma_wait3A_57 = tpu.memref_slice %arg6[%dma_wait3A_55, %dma_wait3A_56] : memref<10240x16xf32, #tpu.memory_space<vmem_shared>> -> memref<10240x16xf32, #tpu.memory_space<vmem_shared>>
        tpu.wait_indirect_dma semaphore(%run_scoped3A : memref<!tpu.dma_semaphore, #tpu.memory_space<semaphore_mem>>) src(%arg5 : memref<128x16xf32, #tpu.memory_space<vmem>>) dst(%dma_wait3A_57 : memref<10240x16xf32, #tpu.memory_space<vmem_shared>>)
        tpu.yield
      }) : () -> ()
    }
    %scan3A_42 = arith.constant 81 : i32
    %barrier3A_43 = arith.constant 0 : index
    tpu.barrier barrier_id(%barrier3A_43)
    "tpu.region"() ({
      %run_scoped3A = tpu.sem_alloc : memref<!tpu.dma_semaphore, #tpu.memory_space<semaphore_mem>>
      %dma_start3A_44 = arith.constant 0 : i32
      %dma_start3A_45 = tpu.memref_slice %arg3[%arg0, %mul3A_12, %dma_start3A_44] : memref<2x10240x16xf32, #tpu.memory_space<hbm>> -> memref<1x640x16xf32, #tpu.memory_space<hbm>>
      %dma_start3A_46 = tpu.memref_squeeze %dma_start3A_45 : memref<1x640x16xf32, #tpu.memory_space<hbm>> -> memref<640x16xf32, #tpu.memory_space<hbm>>
      %dma_start3A_47 = arith.constant 0 : i32
      %dma_start3A_48 = tpu.memref_slice %arg6[%mul3A_12, %dma_start3A_47] : memref<10240x16xf32, #tpu.memory_space<vmem_shared>> -> memref<640x16xf32, #tpu.memory_space<vmem_shared>>
      tpu.enqueue_dma source(%dma_start3A_48 : memref<640x16xf32, #tpu.memory_space<vmem_shared>>) target(%dma_start3A_46 : memref<640x16xf32, #tpu.memory_space<hbm>>) target_semaphore(%run_scoped3A : memref<!tpu.dma_semaphore, #tpu.memory_space<semaphore_mem>>)
      %dma_wait3A_49 = arith.constant 0 : i32
      %dma_wait3A_50 = tpu.memref_slice %arg3[%arg0, %mul3A_12, %dma_wait3A_49] : memref<2x10240x16xf32, #tpu.memory_space<hbm>> -> memref<1x640x16xf32, #tpu.memory_space<hbm>>
      %dma_wait3A_51 = tpu.memref_squeeze %dma_wait3A_50 : memref<1x640x16xf32, #tpu.memory_space<hbm>> -> memref<640x16xf32, #tpu.memory_space<hbm>>
      %dma_wait3A_52 = arith.constant 0 : i32
      %dma_wait3A_53 = tpu.memref_slice %arg6[%mul3A_12, %dma_wait3A_52] : memref<10240x16xf32, #tpu.memory_space<vmem_shared>> -> memref<640x16xf32, #tpu.memory_space<vmem_shared>>
      tpu.wait_dma2 semaphore(%run_scoped3A : memref<!tpu.dma_semaphore, #tpu.memory_space<semaphore_mem>>) src(%dma_wait3A_53 : memref<640x16xf32, #tpu.memory_space<vmem_shared>>) dst(%dma_wait3A_51 : memref<640x16xf32, #tpu.memory_space<hbm>>)
      tpu.yield
    }) : () -> ()
    return
  }
}

#map = affine_map<(d0, d1) -> (0, 0, 0)>
module attributes {stable_mosaic.version = 14 : i64} {
  func.func @_sc_msg_body(%arg0: i32, %arg1: i32, %arg2: memref<2x10240x64xf32, #tpu.memory_space<hbm>>, %arg3: memref<16x162x128xi32, #tpu.memory_space<hbm>>, %arg4: memref<16x162x128xi32, #tpu.memory_space<hbm>>, %arg5: memref<2x10240x64xf32, #tpu.memory_space<hbm>>, %arg6: memref<162x128xi32, #tpu.memory_space<vmem>>, %arg7: memref<162x128xi32, #tpu.memory_space<vmem>>, %arg8: memref<128x64xf32, #tpu.memory_space<vmem>>, %arg9: memref<128x64xf32, #tpu.memory_space<vmem>>, %arg10: memref<!tpu.dma_semaphore, #tpu.memory_space<semaphore_mem>>, %arg11: memref<!tpu.dma_semaphore, #tpu.memory_space<semaphore_mem>>, %arg12: memref<10240x64xf32, #tpu.memory_space<vmem_shared>>) attributes {dimension_semantics = [#tpu.dimension_semantics<core_parallel>, #tpu.dimension_semantics<subcore_parallel>], iteration_bounds = array<i64: 2, 16>, scalar_prefetch = 0 : i64, scratch_operands = 7 : i64, tpu.core_type = #tpu.core_type<sc_vector_subcore>, window_params = [{transform_indices = #map}, {transform_indices = #map}, {transform_indices = #map}, {transform_indices = #map}]} {
    %dma_start3A = arith.constant 0 : i32
    %dma_start3A_0 = arith.constant 0 : i32
    %dma_start3A_1 = tpu.memref_slice %arg3[%arg1, %dma_start3A, %dma_start3A_0] : memref<16x162x128xi32, #tpu.memory_space<hbm>> -> memref<1x162x128xi32, #tpu.memory_space<hbm>>
    %dma_start3A_2 = tpu.memref_squeeze %dma_start3A_1 : memref<1x162x128xi32, #tpu.memory_space<hbm>> -> memref<162x128xi32, #tpu.memory_space<hbm>>
    %dma_start3A_3 = arith.constant 0 : i32
    %dma_start3A_4 = arith.constant 0 : i32
    %dma_start3A_5 = tpu.memref_slice %arg3[%arg1, %dma_start3A_3, %dma_start3A_4] : memref<16x162x128xi32, #tpu.memory_space<hbm>> -> memref<1x162x128xi32, #tpu.memory_space<hbm>>
    %dma_start3A_6 = tpu.memref_squeeze %dma_start3A_5 : memref<1x162x128xi32, #tpu.memory_space<hbm>> -> memref<162x128xi32, #tpu.memory_space<hbm>>
    tpu.enqueue_dma source(%dma_start3A_6 : memref<162x128xi32, #tpu.memory_space<hbm>>) target(%arg6 : memref<162x128xi32, #tpu.memory_space<vmem>>) target_semaphore(%arg10 : memref<!tpu.dma_semaphore, #tpu.memory_space<semaphore_mem>>)
    %dma_start3A_7 = arith.constant 0 : i32
    %dma_start3A_8 = arith.constant 0 : i32
    %dma_start3A_9 = tpu.memref_slice %arg4[%arg1, %dma_start3A_7, %dma_start3A_8] : memref<16x162x128xi32, #tpu.memory_space<hbm>> -> memref<1x162x128xi32, #tpu.memory_space<hbm>>
    %dma_start3A_10 = tpu.memref_squeeze %dma_start3A_9 : memref<1x162x128xi32, #tpu.memory_space<hbm>> -> memref<162x128xi32, #tpu.memory_space<hbm>>
    %dma_start3A_11 = arith.constant 0 : i32
    %dma_start3A_12 = arith.constant 0 : i32
    %dma_start3A_13 = tpu.memref_slice %arg4[%arg1, %dma_start3A_11, %dma_start3A_12] : memref<16x162x128xi32, #tpu.memory_space<hbm>> -> memref<1x162x128xi32, #tpu.memory_space<hbm>>
    %dma_start3A_14 = tpu.memref_squeeze %dma_start3A_13 : memref<1x162x128xi32, #tpu.memory_space<hbm>> -> memref<162x128xi32, #tpu.memory_space<hbm>>
    tpu.enqueue_dma source(%dma_start3A_14 : memref<162x128xi32, #tpu.memory_space<hbm>>) target(%arg7 : memref<162x128xi32, #tpu.memory_space<vmem>>) target_semaphore(%arg11 : memref<!tpu.dma_semaphore, #tpu.memory_space<semaphore_mem>>)
    %broadcast_in_dim3A = arith.constant 0.000000e+00 : f32
    %broadcast_in_dim3A_15 = vector.broadcast %broadcast_in_dim3A : f32 to vector<16xf32>
    %scan3A = arith.constant 0 : i32
    %scan3A_16 = arith.constant 128 : i32
    %scan3A_17 = arith.addi %scan3A, %scan3A_16 : i32
    %scan3A_18 = arith.constant 1 : i32
    scf.for %scan3A_83 = %scan3A to %scan3A_17 step %scan3A_18  : i32 {
      %swap3A = arith.index_cast %scan3A_83 : i32 to index
      %swap3A_84 = arith.constant 0 : index
      %swap3A_85 = tpu.vector_load %arg8[%swap3A, %swap3A_84] {strides = array<i32>} : memref<128x64xf32, #tpu.memory_space<vmem>>, vector<1x16xf32>,
      %swap3A_86 = vector.shape_cast %swap3A_85 : vector<1x16xf32> to vector<16xf32>
      %swap3A_87 = vector.shape_cast %broadcast_in_dim3A_15 : vector<16xf32> to vector<1x16xf32>
      tpu.vector_store %arg8[%swap3A, %swap3A_84], %swap3A_87 {strides = array<i32>} : memref<128x64xf32, #tpu.memory_space<vmem>>, vector<1x16xf32>,
      %swap3A_88 = arith.index_cast %scan3A_83 : i32 to index
      %swap3A_89 = arith.constant 16 : index
      %swap3A_90 = tpu.vector_load %arg8[%swap3A_88, %swap3A_89] {strides = array<i32>} : memref<128x64xf32, #tpu.memory_space<vmem>>, vector<1x16xf32>,
      %swap3A_91 = vector.shape_cast %swap3A_90 : vector<1x16xf32> to vector<16xf32>
      %swap3A_92 = vector.shape_cast %broadcast_in_dim3A_15 : vector<16xf32> to vector<1x16xf32>
      tpu.vector_store %arg8[%swap3A_88, %swap3A_89], %swap3A_92 {strides = array<i32>} : memref<128x64xf32, #tpu.memory_space<vmem>>, vector<1x16xf32>,
      %swap3A_93 = arith.index_cast %scan3A_83 : i32 to index
      %swap3A_94 = arith.constant 32 : index
      %swap3A_95 = tpu.vector_load %arg8[%swap3A_93, %swap3A_94] {strides = array<i32>} : memref<128x64xf32, #tpu.memory_space<vmem>>, vector<1x16xf32>,
      %swap3A_96 = vector.shape_cast %swap3A_95 : vector<1x16xf32> to vector<16xf32>
      %swap3A_97 = vector.shape_cast %broadcast_in_dim3A_15 : vector<16xf32> to vector<1x16xf32>
      tpu.vector_store %arg8[%swap3A_93, %swap3A_94], %swap3A_97 {strides = array<i32>} : memref<128x64xf32, #tpu.memory_space<vmem>>, vector<1x16xf32>,
      %swap3A_98 = arith.index_cast %scan3A_83 : i32 to index
      %swap3A_99 = arith.constant 48 : index
      %swap3A_100 = tpu.vector_load %arg8[%swap3A_98, %swap3A_99] {strides = array<i32>} : memref<128x64xf32, #tpu.memory_space<vmem>>, vector<1x16xf32>,
      %swap3A_101 = vector.shape_cast %swap3A_100 : vector<1x16xf32> to vector<16xf32>
      %swap3A_102 = vector.shape_cast %broadcast_in_dim3A_15 : vector<16xf32> to vector<1x16xf32>
      tpu.vector_store %arg8[%swap3A_98, %swap3A_99], %swap3A_102 {strides = array<i32>} : memref<128x64xf32, #tpu.memory_space<vmem>>, vector<1x16xf32>,
    }
    %scan3A_19 = arith.constant 128 : i32
    %mul3A = arith.constant 640 : i32
    %mul3A_20 = arith.muli %arg1, %mul3A : i32
    %add3A = arith.constant 0 : i32
    %add3A_21 = arith.addi %mul3A_20, %add3A : i32
    "tpu.region"() ({
      %run_scoped3A = tpu.sem_alloc : memref<!tpu.dma_semaphore, #tpu.memory_space<semaphore_mem>>
      %dma_start3A_83 = arith.constant 0 : i32
      %dma_start3A_84 = tpu.memref_slice %arg12[%add3A_21, %dma_start3A_83] : memref<10240x64xf32, #tpu.memory_space<vmem_shared>> -> memref<128x64xf32, #tpu.memory_space<vmem_shared>>
      %dma_start3A_85 = arith.constant 0 : i32
      %dma_start3A_86 = tpu.memref_slice %arg12[%add3A_21, %dma_start3A_85] : memref<10240x64xf32, #tpu.memory_space<vmem_shared>> -> memref<128x64xf32, #tpu.memory_space<vmem_shared>>
      tpu.enqueue_dma source(%arg8 : memref<128x64xf32, #tpu.memory_space<vmem>>) target(%dma_start3A_86 : memref<128x64xf32, #tpu.memory_space<vmem_shared>>) target_semaphore(%run_scoped3A : memref<!tpu.dma_semaphore, #tpu.memory_space<semaphore_mem>>)
      %dma_wait3A_87 = arith.constant 0 : i32
      %dma_wait3A_88 = tpu.memref_slice %arg12[%add3A_21, %dma_wait3A_87] : memref<10240x64xf32, #tpu.memory_space<vmem_shared>> -> memref<128x64xf32, #tpu.memory_space<vmem_shared>>
      %dma_wait3A_89 = arith.constant 0 : i32
      %dma_wait3A_90 = tpu.memref_slice %arg12[%add3A_21, %dma_wait3A_89] : memref<10240x64xf32, #tpu.memory_space<vmem_shared>> -> memref<128x64xf32, #tpu.memory_space<vmem_shared>>
      tpu.wait_dma2 semaphore(%run_scoped3A : memref<!tpu.dma_semaphore, #tpu.memory_space<semaphore_mem>>) src(%arg8 : memref<128x64xf32, #tpu.memory_space<vmem>>) dst(%dma_wait3A_90 : memref<128x64xf32, #tpu.memory_space<vmem_shared>>)
      tpu.yield
    }) : () -> ()
    %add3A_22 = arith.constant 128 : i32
    %add3A_23 = arith.addi %mul3A_20, %add3A_22 : i32
    "tpu.region"() ({
      %run_scoped3A = tpu.sem_alloc : memref<!tpu.dma_semaphore, #tpu.memory_space<semaphore_mem>>
      %dma_start3A_83 = arith.constant 0 : i32
      %dma_start3A_84 = tpu.memref_slice %arg12[%add3A_23, %dma_start3A_83] : memref<10240x64xf32, #tpu.memory_space<vmem_shared>> -> memref<128x64xf32, #tpu.memory_space<vmem_shared>>
      %dma_start3A_85 = arith.constant 0 : i32
      %dma_start3A_86 = tpu.memref_slice %arg12[%add3A_23, %dma_start3A_85] : memref<10240x64xf32, #tpu.memory_space<vmem_shared>> -> memref<128x64xf32, #tpu.memory_space<vmem_shared>>
      tpu.enqueue_dma source(%arg8 : memref<128x64xf32, #tpu.memory_space<vmem>>) target(%dma_start3A_86 : memref<128x64xf32, #tpu.memory_space<vmem_shared>>) target_semaphore(%run_scoped3A : memref<!tpu.dma_semaphore, #tpu.memory_space<semaphore_mem>>)
      %dma_wait3A_87 = arith.constant 0 : i32
      %dma_wait3A_88 = tpu.memref_slice %arg12[%add3A_23, %dma_wait3A_87] : memref<10240x64xf32, #tpu.memory_space<vmem_shared>> -> memref<128x64xf32, #tpu.memory_space<vmem_shared>>
      %dma_wait3A_89 = arith.constant 0 : i32
      %dma_wait3A_90 = tpu.memref_slice %arg12[%add3A_23, %dma_wait3A_89] : memref<10240x64xf32, #tpu.memory_space<vmem_shared>> -> memref<128x64xf32, #tpu.memory_space<vmem_shared>>
      tpu.wait_dma2 semaphore(%run_scoped3A : memref<!tpu.dma_semaphore, #tpu.memory_space<semaphore_mem>>) src(%arg8 : memref<128x64xf32, #tpu.memory_space<vmem>>) dst(%dma_wait3A_90 : memref<128x64xf32, #tpu.memory_space<vmem_shared>>)
      tpu.yield
    }) : () -> ()
    %add3A_24 = arith.constant 256 : i32
    %add3A_25 = arith.addi %mul3A_20, %add3A_24 : i32
    "tpu.region"() ({
      %run_scoped3A = tpu.sem_alloc : memref<!tpu.dma_semaphore, #tpu.memory_space<semaphore_mem>>
      %dma_start3A_83 = arith.constant 0 : i32
      %dma_start3A_84 = tpu.memref_slice %arg12[%add3A_25, %dma_start3A_83] : memref<10240x64xf32, #tpu.memory_space<vmem_shared>> -> memref<128x64xf32, #tpu.memory_space<vmem_shared>>
      %dma_start3A_85 = arith.constant 0 : i32
      %dma_start3A_86 = tpu.memref_slice %arg12[%add3A_25, %dma_start3A_85] : memref<10240x64xf32, #tpu.memory_space<vmem_shared>> -> memref<128x64xf32, #tpu.memory_space<vmem_shared>>
      tpu.enqueue_dma source(%arg8 : memref<128x64xf32, #tpu.memory_space<vmem>>) target(%dma_start3A_86 : memref<128x64xf32, #tpu.memory_space<vmem_shared>>) target_semaphore(%run_scoped3A : memref<!tpu.dma_semaphore, #tpu.memory_space<semaphore_mem>>)
      %dma_wait3A_87 = arith.constant 0 : i32
      %dma_wait3A_88 = tpu.memref_slice %arg12[%add3A_25, %dma_wait3A_87] : memref<10240x64xf32, #tpu.memory_space<vmem_shared>> -> memref<128x64xf32, #tpu.memory_space<vmem_shared>>
      %dma_wait3A_89 = arith.constant 0 : i32
      %dma_wait3A_90 = tpu.memref_slice %arg12[%add3A_25, %dma_wait3A_89] : memref<10240x64xf32, #tpu.memory_space<vmem_shared>> -> memref<128x64xf32, #tpu.memory_space<vmem_shared>>
      tpu.wait_dma2 semaphore(%run_scoped3A : memref<!tpu.dma_semaphore, #tpu.memory_space<semaphore_mem>>) src(%arg8 : memref<128x64xf32, #tpu.memory_space<vmem>>) dst(%dma_wait3A_90 : memref<128x64xf32, #tpu.memory_space<vmem_shared>>)
      tpu.yield
    }) : () -> ()
    %add3A_26 = arith.constant 384 : i32
    %add3A_27 = arith.addi %mul3A_20, %add3A_26 : i32
    "tpu.region"() ({
      %run_scoped3A = tpu.sem_alloc : memref<!tpu.dma_semaphore, #tpu.memory_space<semaphore_mem>>
      %dma_start3A_83 = arith.constant 0 : i32
      %dma_start3A_84 = tpu.memref_slice %arg12[%add3A_27, %dma_start3A_83] : memref<10240x64xf32, #tpu.memory_space<vmem_shared>> -> memref<128x64xf32, #tpu.memory_space<vmem_shared>>
      %dma_start3A_85 = arith.constant 0 : i32
      %dma_start3A_86 = tpu.memref_slice %arg12[%add3A_27, %dma_start3A_85] : memref<10240x64xf32, #tpu.memory_space<vmem_shared>> -> memref<128x64xf32, #tpu.memory_space<vmem_shared>>
      tpu.enqueue_dma source(%arg8 : memref<128x64xf32, #tpu.memory_space<vmem>>) target(%dma_start3A_86 : memref<128x64xf32, #tpu.memory_space<vmem_shared>>) target_semaphore(%run_scoped3A : memref<!tpu.dma_semaphore, #tpu.memory_space<semaphore_mem>>)
      %dma_wait3A_87 = arith.constant 0 : i32
      %dma_wait3A_88 = tpu.memref_slice %arg12[%add3A_27, %dma_wait3A_87] : memref<10240x64xf32, #tpu.memory_space<vmem_shared>> -> memref<128x64xf32, #tpu.memory_space<vmem_shared>>
      %dma_wait3A_89 = arith.constant 0 : i32
      %dma_wait3A_90 = tpu.memref_slice %arg12[%add3A_27, %dma_wait3A_89] : memref<10240x64xf32, #tpu.memory_space<vmem_shared>> -> memref<128x64xf32, #tpu.memory_space<vmem_shared>>
      tpu.wait_dma2 semaphore(%run_scoped3A : memref<!tpu.dma_semaphore, #tpu.memory_space<semaphore_mem>>) src(%arg8 : memref<128x64xf32, #tpu.memory_space<vmem>>) dst(%dma_wait3A_90 : memref<128x64xf32, #tpu.memory_space<vmem_shared>>)
      tpu.yield
    }) : () -> ()
    %add3A_28 = arith.constant 512 : i32
    %add3A_29 = arith.addi %mul3A_20, %add3A_28 : i32
    "tpu.region"() ({
      %run_scoped3A = tpu.sem_alloc : memref<!tpu.dma_semaphore, #tpu.memory_space<semaphore_mem>>
      %dma_start3A_83 = arith.constant 0 : i32
      %dma_start3A_84 = tpu.memref_slice %arg12[%add3A_29, %dma_start3A_83] : memref<10240x64xf32, #tpu.memory_space<vmem_shared>> -> memref<128x64xf32, #tpu.memory_space<vmem_shared>>
      %dma_start3A_85 = arith.constant 0 : i32
      %dma_start3A_86 = tpu.memref_slice %arg12[%add3A_29, %dma_start3A_85] : memref<10240x64xf32, #tpu.memory_space<vmem_shared>> -> memref<128x64xf32, #tpu.memory_space<vmem_shared>>
      tpu.enqueue_dma source(%arg8 : memref<128x64xf32, #tpu.memory_space<vmem>>) target(%dma_start3A_86 : memref<128x64xf32, #tpu.memory_space<vmem_shared>>) target_semaphore(%run_scoped3A : memref<!tpu.dma_semaphore, #tpu.memory_space<semaphore_mem>>)
      %dma_wait3A_87 = arith.constant 0 : i32
      %dma_wait3A_88 = tpu.memref_slice %arg12[%add3A_29, %dma_wait3A_87] : memref<10240x64xf32, #tpu.memory_space<vmem_shared>> -> memref<128x64xf32, #tpu.memory_space<vmem_shared>>
      %dma_wait3A_89 = arith.constant 0 : i32
      %dma_wait3A_90 = tpu.memref_slice %arg12[%add3A_29, %dma_wait3A_89] : memref<10240x64xf32, #tpu.memory_space<vmem_shared>> -> memref<128x64xf32, #tpu.memory_space<vmem_shared>>
      tpu.wait_dma2 semaphore(%run_scoped3A : memref<!tpu.dma_semaphore, #tpu.memory_space<semaphore_mem>>) src(%arg8 : memref<128x64xf32, #tpu.memory_space<vmem>>) dst(%dma_wait3A_90 : memref<128x64xf32, #tpu.memory_space<vmem_shared>>)
      tpu.yield
    }) : () -> ()
    %dma_wait3A = arith.constant 0 : i32
    %dma_wait3A_30 = arith.constant 0 : i32
    %dma_wait3A_31 = tpu.memref_slice %arg3[%arg1, %dma_wait3A, %dma_wait3A_30] : memref<16x162x128xi32, #tpu.memory_space<hbm>> -> memref<1x162x128xi32, #tpu.memory_space<hbm>>
    %dma_wait3A_32 = tpu.memref_squeeze %dma_wait3A_31 : memref<1x162x128xi32, #tpu.memory_space<hbm>> -> memref<162x128xi32, #tpu.memory_space<hbm>>
    %dma_wait3A_33 = arith.constant 0 : i32
    %dma_wait3A_34 = arith.constant 0 : i32
    %dma_wait3A_35 = tpu.memref_slice %arg3[%arg1, %dma_wait3A_33, %dma_wait3A_34] : memref<16x162x128xi32, #tpu.memory_space<hbm>> -> memref<1x162x128xi32, #tpu.memory_space<hbm>>
    %dma_wait3A_36 = tpu.memref_squeeze %dma_wait3A_35 : memref<1x162x128xi32, #tpu.memory_space<hbm>> -> memref<162x128xi32, #tpu.memory_space<hbm>>
    tpu.wait_dma2 semaphore(%arg10 : memref<!tpu.dma_semaphore, #tpu.memory_space<semaphore_mem>>) src(%dma_wait3A_36 : memref<162x128xi32, #tpu.memory_space<hbm>>) dst(%arg6 : memref<162x128xi32, #tpu.memory_space<vmem>>)
    %dma_wait3A_37 = arith.constant 0 : i32
    %dma_wait3A_38 = arith.constant 0 : i32
    %dma_wait3A_39 = tpu.memref_slice %arg4[%arg1, %dma_wait3A_37, %dma_wait3A_38] : memref<16x162x128xi32, #tpu.memory_space<hbm>> -> memref<1x162x128xi32, #tpu.memory_space<hbm>>
    %dma_wait3A_40 = tpu.memref_squeeze %dma_wait3A_39 : memref<1x162x128xi32, #tpu.memory_space<hbm>> -> memref<162x128xi32, #tpu.memory_space<hbm>>
    %dma_wait3A_41 = arith.constant 0 : i32
    %dma_wait3A_42 = arith.constant 0 : i32
    %dma_wait3A_43 = tpu.memref_slice %arg4[%arg1, %dma_wait3A_41, %dma_wait3A_42] : memref<16x162x128xi32, #tpu.memory_space<hbm>> -> memref<1x162x128xi32, #tpu.memory_space<hbm>>
    %dma_wait3A_44 = tpu.memref_squeeze %dma_wait3A_43 : memref<1x162x128xi32, #tpu.memory_space<hbm>> -> memref<162x128xi32, #tpu.memory_space<hbm>>
    tpu.wait_dma2 semaphore(%arg11 : memref<!tpu.dma_semaphore, #tpu.memory_space<semaphore_mem>>) src(%dma_wait3A_44 : memref<162x128xi32, #tpu.memory_space<hbm>>) dst(%arg7 : memref<162x128xi32, #tpu.memory_space<vmem>>)
    %barrier3A = arith.constant 0 : index
    tpu.barrier barrier_id(%barrier3A)
    %dma_start3A_45 = arith.constant 0 : i32
    %dma_start3A_46 = arith.constant 0 : i32
    %dma_start3A_47 = tpu.memref_slice %arg6[%dma_start3A_45, %dma_start3A_46] : memref<162x128xi32, #tpu.memory_space<vmem>> -> memref<1x128xi32, #tpu.memory_space<vmem>>
    %dma_start3A_48 = tpu.memref_squeeze %dma_start3A_47 : memref<1x128xi32, #tpu.memory_space<vmem>> -> memref<128xi32, #tpu.memory_space<vmem>>
    %dma_start3A_49 = arith.constant 0 : i32
    %dma_start3A_50 = arith.constant 0 : i32
    %dma_start3A_51 = tpu.memref_slice %arg2[%arg0, %dma_start3A_49, %dma_start3A_50] : memref<2x10240x64xf32, #tpu.memory_space<hbm>> -> memref<1x10240x64xf32, #tpu.memory_space<hbm>>
    %dma_start3A_52 = tpu.memref_squeeze %dma_start3A_51 : memref<1x10240x64xf32, #tpu.memory_space<hbm>> -> memref<10240x64xf32, #tpu.memory_space<hbm>>
    %dma_start3A_53 = arith.constant 0 : i32
    %dma_start3A_54 = arith.constant 0 : i32
    %dma_start3A_55 = tpu.memref_slice %dma_start3A_52[%dma_start3A_53, %dma_start3A_54] : memref<10240x64xf32, #tpu.memory_space<hbm>> -> memref<10240x64xf32, #tpu.memory_space<hbm>>
    tpu.enqueue_indirect_dma source(%dma_start3A_55 : memref<10240x64xf32, #tpu.memory_space<hbm>>) target(%arg8 : memref<128x64xf32, #tpu.memory_space<vmem>>) offsets(%dma_start3A_48 : memref<128xi32, #tpu.memory_space<vmem>>) semaphore(%arg10 : memref<!tpu.dma_semaphore, #tpu.memory_space<semaphore_mem>>)
    %dma_start3A_56 = arith.constant 1 : i32
    %dma_start3A_57 = arith.constant 0 : i32
    %dma_start3A_58 = tpu.memref_slice %arg6[%dma_start3A_56, %dma_start3A_57] : memref<162x128xi32, #tpu.memory_space<vmem>> -> memref<1x128xi32, #tpu.memory_space<vmem>>
    %dma_start3A_59 = tpu.memref_squeeze %dma_start3A_58 : memref<1x128xi32, #tpu.memory_space<vmem>> -> memref<128xi32, #tpu.memory_space<vmem>>
    %dma_start3A_60 = arith.constant 0 : i32
    %dma_start3A_61 = arith.constant 0 : i32
    %dma_start3A_62 = tpu.memref_slice %arg2[%arg0, %dma_start3A_60, %dma_start3A_61] : memref<2x10240x64xf32, #tpu.memory_space<hbm>> -> memref<1x10240x64xf32, #tpu.memory_space<hbm>>
    %dma_start3A_63 = tpu.memref_squeeze %dma_start3A_62 : memref<1x10240x64xf32, #tpu.memory_space<hbm>> -> memref<10240x64xf32, #tpu.memory_space<hbm>>
    %dma_start3A_64 = arith.constant 0 : i32
    %dma_start3A_65 = arith.constant 0 : i32
    %dma_start3A_66 = tpu.memref_slice %dma_start3A_63[%dma_start3A_64, %dma_start3A_65] : memref<10240x64xf32, #tpu.memory_space<hbm>> -> memref<10240x64xf32, #tpu.memory_space<hbm>>
    tpu.enqueue_indirect_dma source(%dma_start3A_66 : memref<10240x64xf32, #tpu.memory_space<hbm>>) target(%arg9 : memref<128x64xf32, #tpu.memory_space<vmem>>) offsets(%dma_start3A_59 : memref<128xi32, #tpu.memory_space<vmem>>) semaphore(%arg11 : memref<!tpu.dma_semaphore, #tpu.memory_space<semaphore_mem>>)
    %scan3A_67 = arith.constant 0 : i32
    %scan3A_68 = arith.constant 81 : i32
    %scan3A_69 = arith.addi %scan3A_67, %scan3A_68 : i32
    %scan3A_70 = arith.constant 1 : i32
    scf.for %scan3A_83 = %scan3A_67 to %scan3A_69 step %scan3A_70  : i32 {
      %mul3A_84 = arith.constant 2 : i32
      %mul3A_85 = arith.muli %scan3A_83, %mul3A_84 : i32
      %add3A_86 = arith.constant 0 : i32
      %add3A_87 = arith.addi %mul3A_85, %add3A_86 : i32
      %dma_wait3A_88 = arith.constant 0 : i32
      %dma_wait3A_89 = tpu.memref_slice %arg6[%add3A_87, %dma_wait3A_88] : memref<162x128xi32, #tpu.memory_space<vmem>> -> memref<1x128xi32, #tpu.memory_space<vmem>>
      %dma_wait3A_90 = tpu.memref_squeeze %dma_wait3A_89 : memref<1x128xi32, #tpu.memory_space<vmem>> -> memref<128xi32, #tpu.memory_space<vmem>>
      %dma_wait3A_91 = arith.constant 0 : i32
      %dma_wait3A_92 = arith.constant 0 : i32
      %dma_wait3A_93 = tpu.memref_slice %arg2[%arg0, %dma_wait3A_91, %dma_wait3A_92] : memref<2x10240x64xf32, #tpu.memory_space<hbm>> -> memref<1x10240x64xf32, #tpu.memory_space<hbm>>
      %dma_wait3A_94 = tpu.memref_squeeze %dma_wait3A_93 : memref<1x10240x64xf32, #tpu.memory_space<hbm>> -> memref<10240x64xf32, #tpu.memory_space<hbm>>
      %dma_wait3A_95 = arith.constant 0 : i32
      %dma_wait3A_96 = arith.constant 0 : i32
      %dma_wait3A_97 = tpu.memref_slice %dma_wait3A_94[%dma_wait3A_95, %dma_wait3A_96] : memref<10240x64xf32, #tpu.memory_space<hbm>> -> memref<10240x64xf32, #tpu.memory_space<hbm>>
      tpu.wait_indirect_dma semaphore(%arg10 : memref<!tpu.dma_semaphore, #tpu.memory_space<semaphore_mem>>) src(%dma_wait3A_97 : memref<10240x64xf32, #tpu.memory_space<hbm>>) dst(%arg8 : memref<128x64xf32, #tpu.memory_space<vmem>>)
      "tpu.region"() ({
        %run_scoped3A = tpu.sem_alloc : memref<!tpu.dma_semaphore, #tpu.memory_space<semaphore_mem>>
        %dma_start3A_119 = arith.constant 0 : i32
        %dma_start3A_120 = tpu.memref_slice %arg7[%add3A_87, %dma_start3A_119] : memref<162x128xi32, #tpu.memory_space<vmem>> -> memref<1x128xi32, #tpu.memory_space<vmem>>
        %dma_start3A_121 = tpu.memref_squeeze %dma_start3A_120 : memref<1x128xi32, #tpu.memory_space<vmem>> -> memref<128xi32, #tpu.memory_space<vmem>>
        %dma_start3A_122 = arith.constant 0 : i32
        %dma_start3A_123 = arith.constant 0 : i32
        %dma_start3A_124 = tpu.memref_slice %arg12[%dma_start3A_122, %dma_start3A_123] : memref<10240x64xf32, #tpu.memory_space<vmem_shared>> -> memref<10240x64xf32, #tpu.memory_space<vmem_shared>>
        tpu.enqueue_indirect_dma source(%arg8 : memref<128x64xf32, #tpu.memory_space<vmem>>) target(%dma_start3A_124 : memref<10240x64xf32, #tpu.memory_space<vmem_shared>>) offsets(%dma_start3A_121 : memref<128xi32, #tpu.memory_space<vmem>>) semaphore(%run_scoped3A : memref<!tpu.dma_semaphore, #tpu.memory_space<semaphore_mem>>) {add = true}
        %dma_wait3A_125 = arith.constant 0 : i32
        %dma_wait3A_126 = tpu.memref_slice %arg7[%add3A_87, %dma_wait3A_125] : memref<162x128xi32, #tpu.memory_space<vmem>> -> memref<1x128xi32, #tpu.memory_space<vmem>>
        %dma_wait3A_127 = tpu.memref_squeeze %dma_wait3A_126 : memref<1x128xi32, #tpu.memory_space<vmem>> -> memref<128xi32, #tpu.memory_space<vmem>>
        %dma_wait3A_128 = arith.constant 0 : i32
        %dma_wait3A_129 = arith.constant 0 : i32
        %dma_wait3A_130 = tpu.memref_slice %arg12[%dma_wait3A_128, %dma_wait3A_129] : memref<10240x64xf32, #tpu.memory_space<vmem_shared>> -> memref<10240x64xf32, #tpu.memory_space<vmem_shared>>
        tpu.wait_indirect_dma semaphore(%run_scoped3A : memref<!tpu.dma_semaphore, #tpu.memory_space<semaphore_mem>>) src(%arg8 : memref<128x64xf32, #tpu.memory_space<vmem>>) dst(%dma_wait3A_130 : memref<10240x64xf32, #tpu.memory_space<vmem_shared>>)
        tpu.yield
      }) : () -> ()
      %lt3A = arith.constant 80 : i32
      %lt3A_98 = arith.cmpi slt, %scan3A_83, %lt3A : i32
      %convert_element_type3A = arith.extui %lt3A_98 : i1 to i32
      %cond3A = arith.constant 0 : i32
      %cond3A_99 = arith.cmpi ne, %convert_element_type3A, %cond3A : i32
      scf.if %cond3A_99 {
        %add3A_119 = arith.constant 2 : i32
        %add3A_120 = arith.addi %add3A_87, %add3A_119 : i32
        %dma_start3A_121 = arith.constant 0 : i32
        %dma_start3A_122 = tpu.memref_slice %arg6[%add3A_120, %dma_start3A_121] : memref<162x128xi32, #tpu.memory_space<vmem>> -> memref<1x128xi32, #tpu.memory_space<vmem>>
        %dma_start3A_123 = tpu.memref_squeeze %dma_start3A_122 : memref<1x128xi32, #tpu.memory_space<vmem>> -> memref<128xi32, #tpu.memory_space<vmem>>
        %dma_start3A_124 = arith.constant 0 : i32
        %dma_start3A_125 = arith.constant 0 : i32
        %dma_start3A_126 = tpu.memref_slice %arg2[%arg0, %dma_start3A_124, %dma_start3A_125] : memref<2x10240x64xf32, #tpu.memory_space<hbm>> -> memref<1x10240x64xf32, #tpu.memory_space<hbm>>
        %dma_start3A_127 = tpu.memref_squeeze %dma_start3A_126 : memref<1x10240x64xf32, #tpu.memory_space<hbm>> -> memref<10240x64xf32, #tpu.memory_space<hbm>>
        %dma_start3A_128 = arith.constant 0 : i32
        %dma_start3A_129 = arith.constant 0 : i32
        %dma_start3A_130 = tpu.memref_slice %dma_start3A_127[%dma_start3A_128, %dma_start3A_129] : memref<10240x64xf32, #tpu.memory_space<hbm>> -> memref<10240x64xf32, #tpu.memory_space<hbm>>
        tpu.enqueue_indirect_dma source(%dma_start3A_130 : memref<10240x64xf32, #tpu.memory_space<hbm>>) target(%arg8 : memref<128x64xf32, #tpu.memory_space<vmem>>) offsets(%dma_start3A_123 : memref<128xi32, #tpu.memory_space<vmem>>) semaphore(%arg10 : memref<!tpu.dma_semaphore, #tpu.memory_space<semaphore_mem>>)
      } else {
      }
      %mul3A_100 = arith.constant 2 : i32
      %mul3A_101 = arith.muli %scan3A_83, %mul3A_100 : i32
      %add3A_102 = arith.constant 1 : i32
      %add3A_103 = arith.addi %mul3A_101, %add3A_102 : i32
      %dma_wait3A_104 = arith.constant 0 : i32
      %dma_wait3A_105 = tpu.memref_slice %arg6[%add3A_103, %dma_wait3A_104] : memref<162x128xi32, #tpu.memory_space<vmem>> -> memref<1x128xi32, #tpu.memory_space<vmem>>
      %dma_wait3A_106 = tpu.memref_squeeze %dma_wait3A_105 : memref<1x128xi32, #tpu.memory_space<vmem>> -> memref<128xi32, #tpu.memory_space<vmem>>
      %dma_wait3A_107 = arith.constant 0 : i32
      %dma_wait3A_108 = arith.constant 0 : i32
      %dma_wait3A_109 = tpu.memref_slice %arg2[%arg0, %dma_wait3A_107, %dma_wait3A_108] : memref<2x10240x64xf32, #tpu.memory_space<hbm>> -> memref<1x10240x64xf32, #tpu.memory_space<hbm>>
      %dma_wait3A_110 = tpu.memref_squeeze %dma_wait3A_109 : memref<1x10240x64xf32, #tpu.memory_space<hbm>> -> memref<10240x64xf32, #tpu.memory_space<hbm>>
      %dma_wait3A_111 = arith.constant 0 : i32
      %dma_wait3A_112 = arith.constant 0 : i32
      %dma_wait3A_113 = tpu.memref_slice %dma_wait3A_110[%dma_wait3A_111, %dma_wait3A_112] : memref<10240x64xf32, #tpu.memory_space<hbm>> -> memref<10240x64xf32, #tpu.memory_space<hbm>>
      tpu.wait_indirect_dma semaphore(%arg11 : memref<!tpu.dma_semaphore, #tpu.memory_space<semaphore_mem>>) src(%dma_wait3A_113 : memref<10240x64xf32, #tpu.memory_space<hbm>>) dst(%arg9 : memref<128x64xf32, #tpu.memory_space<vmem>>)
      "tpu.region"() ({
        %run_scoped3A = tpu.sem_alloc : memref<!tpu.dma_semaphore, #tpu.memory_space<semaphore_mem>>
        %dma_start3A_119 = arith.constant 0 : i32
        %dma_start3A_120 = tpu.memref_slice %arg7[%add3A_103, %dma_start3A_119] : memref<162x128xi32, #tpu.memory_space<vmem>> -> memref<1x128xi32, #tpu.memory_space<vmem>>
        %dma_start3A_121 = tpu.memref_squeeze %dma_start3A_120 : memref<1x128xi32, #tpu.memory_space<vmem>> -> memref<128xi32, #tpu.memory_space<vmem>>
        %dma_start3A_122 = arith.constant 0 : i32
        %dma_start3A_123 = arith.constant 0 : i32
        %dma_start3A_124 = tpu.memref_slice %arg12[%dma_start3A_122, %dma_start3A_123] : memref<10240x64xf32, #tpu.memory_space<vmem_shared>> -> memref<10240x64xf32, #tpu.memory_space<vmem_shared>>
        tpu.enqueue_indirect_dma source(%arg9 : memref<128x64xf32, #tpu.memory_space<vmem>>) target(%dma_start3A_124 : memref<10240x64xf32, #tpu.memory_space<vmem_shared>>) offsets(%dma_start3A_121 : memref<128xi32, #tpu.memory_space<vmem>>) semaphore(%run_scoped3A : memref<!tpu.dma_semaphore, #tpu.memory_space<semaphore_mem>>) {add = true}
        %dma_wait3A_125 = arith.constant 0 : i32
        %dma_wait3A_126 = tpu.memref_slice %arg7[%add3A_103, %dma_wait3A_125] : memref<162x128xi32, #tpu.memory_space<vmem>> -> memref<1x128xi32, #tpu.memory_space<vmem>>
        %dma_wait3A_127 = tpu.memref_squeeze %dma_wait3A_126 : memref<1x128xi32, #tpu.memory_space<vmem>> -> memref<128xi32, #tpu.memory_space<vmem>>
        %dma_wait3A_128 = arith.constant 0 : i32
        %dma_wait3A_129 = arith.constant 0 : i32
        %dma_wait3A_130 = tpu.memref_slice %arg12[%dma_wait3A_128, %dma_wait3A_129] : memref<10240x64xf32, #tpu.memory_space<vmem_shared>> -> memref<10240x64xf32, #tpu.memory_space<vmem_shared>>
        tpu.wait_indirect_dma semaphore(%run_scoped3A : memref<!tpu.dma_semaphore, #tpu.memory_space<semaphore_mem>>) src(%arg9 : memref<128x64xf32, #tpu.memory_space<vmem>>) dst(%dma_wait3A_130 : memref<10240x64xf32, #tpu.memory_space<vmem_shared>>)
        tpu.yield
      }) : () -> ()
      %lt3A_114 = arith.constant 80 : i32
      %lt3A_115 = arith.cmpi slt, %scan3A_83, %lt3A_114 : i32
      %convert_element_type3A_116 = arith.extui %lt3A_115 : i1 to i32
      %cond3A_117 = arith.constant 0 : i32
      %cond3A_118 = arith.cmpi ne, %convert_element_type3A_116, %cond3A_117 : i32
      scf.if %cond3A_118 {
        %add3A_119 = arith.constant 2 : i32
        %add3A_120 = arith.addi %add3A_103, %add3A_119 : i32
        %dma_start3A_121 = arith.constant 0 : i32
        %dma_start3A_122 = tpu.memref_slice %arg6[%add3A_120, %dma_start3A_121] : memref<162x128xi32, #tpu.memory_space<vmem>> -> memref<1x128xi32, #tpu.memory_space<vmem>>
        %dma_start3A_123 = tpu.memref_squeeze %dma_start3A_122 : memref<1x128xi32, #tpu.memory_space<vmem>> -> memref<128xi32, #tpu.memory_space<vmem>>
        %dma_start3A_124 = arith.constant 0 : i32
        %dma_start3A_125 = arith.constant 0 : i32
        %dma_start3A_126 = tpu.memref_slice %arg2[%arg0, %dma_start3A_124, %dma_start3A_125] : memref<2x10240x64xf32, #tpu.memory_space<hbm>> -> memref<1x10240x64xf32, #tpu.memory_space<hbm>>
        %dma_start3A_127 = tpu.memref_squeeze %dma_start3A_126 : memref<1x10240x64xf32, #tpu.memory_space<hbm>> -> memref<10240x64xf32, #tpu.memory_space<hbm>>
        %dma_start3A_128 = arith.constant 0 : i32
        %dma_start3A_129 = arith.constant 0 : i32
        %dma_start3A_130 = tpu.memref_slice %dma_start3A_127[%dma_start3A_128, %dma_start3A_129] : memref<10240x64xf32, #tpu.memory_space<hbm>> -> memref<10240x64xf32, #tpu.memory_space<hbm>>
        tpu.enqueue_indirect_dma source(%dma_start3A_130 : memref<10240x64xf32, #tpu.memory_space<hbm>>) target(%arg9 : memref<128x64xf32, #tpu.memory_space<vmem>>) offsets(%dma_start3A_123 : memref<128xi32, #tpu.memory_space<vmem>>) semaphore(%arg11 : memref<!tpu.dma_semaphore, #tpu.memory_space<semaphore_mem>>)
      } else {
      }
    }
    %scan3A_71 = arith.constant 81 : i32
    %barrier3A_72 = arith.constant 0 : index
    tpu.barrier barrier_id(%barrier3A_72)
    %add3A_73 = arith.constant 0 : i32
    %add3A_74 = arith.addi %mul3A_20, %add3A_73 : i32
    "tpu.region"() ({
      %run_scoped3A = tpu.sem_alloc : memref<!tpu.dma_semaphore, #tpu.memory_space<semaphore_mem>>
      %dma_start3A_83 = arith.constant 0 : i32
      %dma_start3A_84 = tpu.memref_slice %arg5[%arg0, %add3A_74, %dma_start3A_83] : memref<2x10240x64xf32, #tpu.memory_space<hbm>> -> memref<1x128x64xf32, #tpu.memory_space<hbm>>
      %dma_start3A_85 = tpu.memref_squeeze %dma_start3A_84 : memref<1x128x64xf32, #tpu.memory_space<hbm>> -> memref<128x64xf32, #tpu.memory_space<hbm>>
      %dma_start3A_86 = arith.constant 0 : i32
      %dma_start3A_87 = tpu.memref_slice %arg12[%add3A_74, %dma_start3A_86] : memref<10240x64xf32, #tpu.memory_space<vmem_shared>> -> memref<128x64xf32, #tpu.memory_space<vmem_shared>>
      tpu.enqueue_dma source(%dma_start3A_87 : memref<128x64xf32, #tpu.memory_space<vmem_shared>>) target(%dma_start3A_85 : memref<128x64xf32, #tpu.memory_space<hbm>>) target_semaphore(%run_scoped3A : memref<!tpu.dma_semaphore, #tpu.memory_space<semaphore_mem>>)
      %dma_wait3A_88 = arith.constant 0 : i32
      %dma_wait3A_89 = tpu.memref_slice %arg5[%arg0, %add3A_74, %dma_wait3A_88] : memref<2x10240x64xf32, #tpu.memory_space<hbm>> -> memref<1x128x64xf32, #tpu.memory_space<hbm>>
      %dma_wait3A_90 = tpu.memref_squeeze %dma_wait3A_89 : memref<1x128x64xf32, #tpu.memory_space<hbm>> -> memref<128x64xf32, #tpu.memory_space<hbm>>
      %dma_wait3A_91 = arith.constant 0 : i32
      %dma_wait3A_92 = tpu.memref_slice %arg12[%add3A_74, %dma_wait3A_91] : memref<10240x64xf32, #tpu.memory_space<vmem_shared>> -> memref<128x64xf32, #tpu.memory_space<vmem_shared>>
      tpu.wait_dma2 semaphore(%run_scoped3A : memref<!tpu.dma_semaphore, #tpu.memory_space<semaphore_mem>>) src(%dma_wait3A_92 : memref<128x64xf32, #tpu.memory_space<vmem_shared>>) dst(%dma_wait3A_90 : memref<128x64xf32, #tpu.memory_space<hbm>>)
      tpu.yield
    }) : () -> ()
    %add3A_75 = arith.constant 128 : i32
    %add3A_76 = arith.addi %mul3A_20, %add3A_75 : i32
    "tpu.region"() ({
      %run_scoped3A = tpu.sem_alloc : memref<!tpu.dma_semaphore, #tpu.memory_space<semaphore_mem>>
      %dma_start3A_83 = arith.constant 0 : i32
      %dma_start3A_84 = tpu.memref_slice %arg5[%arg0, %add3A_76, %dma_start3A_83] : memref<2x10240x64xf32, #tpu.memory_space<hbm>> -> memref<1x128x64xf32, #tpu.memory_space<hbm>>
      %dma_start3A_85 = tpu.memref_squeeze %dma_start3A_84 : memref<1x128x64xf32, #tpu.memory_space<hbm>> -> memref<128x64xf32, #tpu.memory_space<hbm>>
      %dma_start3A_86 = arith.constant 0 : i32
      %dma_start3A_87 = tpu.memref_slice %arg12[%add3A_76, %dma_start3A_86] : memref<10240x64xf32, #tpu.memory_space<vmem_shared>> -> memref<128x64xf32, #tpu.memory_space<vmem_shared>>
      tpu.enqueue_dma source(%dma_start3A_87 : memref<128x64xf32, #tpu.memory_space<vmem_shared>>) target(%dma_start3A_85 : memref<128x64xf32, #tpu.memory_space<hbm>>) target_semaphore(%run_scoped3A : memref<!tpu.dma_semaphore, #tpu.memory_space<semaphore_mem>>)
      %dma_wait3A_88 = arith.constant 0 : i32
      %dma_wait3A_89 = tpu.memref_slice %arg5[%arg0, %add3A_76, %dma_wait3A_88] : memref<2x10240x64xf32, #tpu.memory_space<hbm>> -> memref<1x128x64xf32, #tpu.memory_space<hbm>>
      %dma_wait3A_90 = tpu.memref_squeeze %dma_wait3A_89 : memref<1x128x64xf32, #tpu.memory_space<hbm>> -> memref<128x64xf32, #tpu.memory_space<hbm>>
      %dma_wait3A_91 = arith.constant 0 : i32
      %dma_wait3A_92 = tpu.memref_slice %arg12[%add3A_76, %dma_wait3A_91] : memref<10240x64xf32, #tpu.memory_space<vmem_shared>> -> memref<128x64xf32, #tpu.memory_space<vmem_shared>>
      tpu.wait_dma2 semaphore(%run_scoped3A : memref<!tpu.dma_semaphore, #tpu.memory_space<semaphore_mem>>) src(%dma_wait3A_92 : memref<128x64xf32, #tpu.memory_space<vmem_shared>>) dst(%dma_wait3A_90 : memref<128x64xf32, #tpu.memory_space<hbm>>)
      tpu.yield
    }) : () -> ()
    %add3A_77 = arith.constant 256 : i32
    %add3A_78 = arith.addi %mul3A_20, %add3A_77 : i32
    "tpu.region"() ({
      %run_scoped3A = tpu.sem_alloc : memref<!tpu.dma_semaphore, #tpu.memory_space<semaphore_mem>>
      %dma_start3A_83 = arith.constant 0 : i32
      %dma_start3A_84 = tpu.memref_slice %arg5[%arg0, %add3A_78, %dma_start3A_83] : memref<2x10240x64xf32, #tpu.memory_space<hbm>> -> memref<1x128x64xf32, #tpu.memory_space<hbm>>
      %dma_start3A_85 = tpu.memref_squeeze %dma_start3A_84 : memref<1x128x64xf32, #tpu.memory_space<hbm>> -> memref<128x64xf32, #tpu.memory_space<hbm>>
      %dma_start3A_86 = arith.constant 0 : i32
      %dma_start3A_87 = tpu.memref_slice %arg12[%add3A_78, %dma_start3A_86] : memref<10240x64xf32, #tpu.memory_space<vmem_shared>> -> memref<128x64xf32, #tpu.memory_space<vmem_shared>>
      tpu.enqueue_dma source(%dma_start3A_87 : memref<128x64xf32, #tpu.memory_space<vmem_shared>>) target(%dma_start3A_85 : memref<128x64xf32, #tpu.memory_space<hbm>>) target_semaphore(%run_scoped3A : memref<!tpu.dma_semaphore, #tpu.memory_space<semaphore_mem>>)
      %dma_wait3A_88 = arith.constant 0 : i32
      %dma_wait3A_89 = tpu.memref_slice %arg5[%arg0, %add3A_78, %dma_wait3A_88] : memref<2x10240x64xf32, #tpu.memory_space<hbm>> -> memref<1x128x64xf32, #tpu.memory_space<hbm>>
      %dma_wait3A_90 = tpu.memref_squeeze %dma_wait3A_89 : memref<1x128x64xf32, #tpu.memory_space<hbm>> -> memref<128x64xf32, #tpu.memory_space<hbm>>
      %dma_wait3A_91 = arith.constant 0 : i32
      %dma_wait3A_92 = tpu.memref_slice %arg12[%add3A_78, %dma_wait3A_91] : memref<10240x64xf32, #tpu.memory_space<vmem_shared>> -> memref<128x64xf32, #tpu.memory_space<vmem_shared>>
      tpu.wait_dma2 semaphore(%run_scoped3A : memref<!tpu.dma_semaphore, #tpu.memory_space<semaphore_mem>>) src(%dma_wait3A_92 : memref<128x64xf32, #tpu.memory_space<vmem_shared>>) dst(%dma_wait3A_90 : memref<128x64xf32, #tpu.memory_space<hbm>>)
      tpu.yield
    }) : () -> ()
    %add3A_79 = arith.constant 384 : i32
    %add3A_80 = arith.addi %mul3A_20, %add3A_79 : i32
    "tpu.region"() ({
      %run_scoped3A = tpu.sem_alloc : memref<!tpu.dma_semaphore, #tpu.memory_space<semaphore_mem>>
      %dma_start3A_83 = arith.constant 0 : i32
      %dma_start3A_84 = tpu.memref_slice %arg5[%arg0, %add3A_80, %dma_start3A_83] : memref<2x10240x64xf32, #tpu.memory_space<hbm>> -> memref<1x128x64xf32, #tpu.memory_space<hbm>>
      %dma_start3A_85 = tpu.memref_squeeze %dma_start3A_84 : memref<1x128x64xf32, #tpu.memory_space<hbm>> -> memref<128x64xf32, #tpu.memory_space<hbm>>
      %dma_start3A_86 = arith.constant 0 : i32
      %dma_start3A_87 = tpu.memref_slice %arg12[%add3A_80, %dma_start3A_86] : memref<10240x64xf32, #tpu.memory_space<vmem_shared>> -> memref<128x64xf32, #tpu.memory_space<vmem_shared>>
      tpu.enqueue_dma source(%dma_start3A_87 : memref<128x64xf32, #tpu.memory_space<vmem_shared>>) target(%dma_start3A_85 : memref<128x64xf32, #tpu.memory_space<hbm>>) target_semaphore(%run_scoped3A : memref<!tpu.dma_semaphore, #tpu.memory_space<semaphore_mem>>)
      %dma_wait3A_88 = arith.constant 0 : i32
      %dma_wait3A_89 = tpu.memref_slice %arg5[%arg0, %add3A_80, %dma_wait3A_88] : memref<2x10240x64xf32, #tpu.memory_space<hbm>> -> memref<1x128x64xf32, #tpu.memory_space<hbm>>
      %dma_wait3A_90 = tpu.memref_squeeze %dma_wait3A_89 : memref<1x128x64xf32, #tpu.memory_space<hbm>> -> memref<128x64xf32, #tpu.memory_space<hbm>>
      %dma_wait3A_91 = arith.constant 0 : i32
      %dma_wait3A_92 = tpu.memref_slice %arg12[%add3A_80, %dma_wait3A_91] : memref<10240x64xf32, #tpu.memory_space<vmem_shared>> -> memref<128x64xf32, #tpu.memory_space<vmem_shared>>
      tpu.wait_dma2 semaphore(%run_scoped3A : memref<!tpu.dma_semaphore, #tpu.memory_space<semaphore_mem>>) src(%dma_wait3A_92 : memref<128x64xf32, #tpu.memory_space<vmem_shared>>) dst(%dma_wait3A_90 : memref<128x64xf32, #tpu.memory_space<hbm>>)
      tpu.yield
    }) : () -> ()
    %add3A_81 = arith.constant 512 : i32
    %add3A_82 = arith.addi %mul3A_20, %add3A_81 : i32
    "tpu.region"() ({
      %run_scoped3A = tpu.sem_alloc : memref<!tpu.dma_semaphore, #tpu.memory_space<semaphore_mem>>
      %dma_start3A_83 = arith.constant 0 : i32
      %dma_start3A_84 = tpu.memref_slice %arg5[%arg0, %add3A_82, %dma_start3A_83] : memref<2x10240x64xf32, #tpu.memory_space<hbm>> -> memref<1x128x64xf32, #tpu.memory_space<hbm>>
      %dma_start3A_85 = tpu.memref_squeeze %dma_start3A_84 : memref<1x128x64xf32, #tpu.memory_space<hbm>> -> memref<128x64xf32, #tpu.memory_space<hbm>>
      %dma_start3A_86 = arith.constant 0 : i32
      %dma_start3A_87 = tpu.memref_slice %arg12[%add3A_82, %dma_start3A_86] : memref<10240x64xf32, #tpu.memory_space<vmem_shared>> -> memref<128x64xf32, #tpu.memory_space<vmem_shared>>
      tpu.enqueue_dma source(%dma_start3A_87 : memref<128x64xf32, #tpu.memory_space<vmem_shared>>) target(%dma_start3A_85 : memref<128x64xf32, #tpu.memory_space<hbm>>) target_semaphore(%run_scoped3A : memref<!tpu.dma_semaphore, #tpu.memory_space<semaphore_mem>>)
      %dma_wait3A_88 = arith.constant 0 : i32
      %dma_wait3A_89 = tpu.memref_slice %arg5[%arg0, %add3A_82, %dma_wait3A_88] : memref<2x10240x64xf32, #tpu.memory_space<hbm>> -> memref<1x128x64xf32, #tpu.memory_space<hbm>>
      %dma_wait3A_90 = tpu.memref_squeeze %dma_wait3A_89 : memref<1x128x64xf32, #tpu.memory_space<hbm>> -> memref<128x64xf32, #tpu.memory_space<hbm>>
      %dma_wait3A_91 = arith.constant 0 : i32
      %dma_wait3A_92 = tpu.memref_slice %arg12[%add3A_82, %dma_wait3A_91] : memref<10240x64xf32, #tpu.memory_space<vmem_shared>> -> memref<128x64xf32, #tpu.memory_space<vmem_shared>>
      tpu.wait_dma2 semaphore(%run_scoped3A : memref<!tpu.dma_semaphore, #tpu.memory_space<semaphore_mem>>) src(%dma_wait3A_92 : memref<128x64xf32, #tpu.memory_space<vmem_shared>>) dst(%dma_wait3A_90 : memref<128x64xf32, #tpu.memory_space<hbm>>)
      tpu.yield
    }) : () -> ()
    return
  }
}

#map = affine_map<(d0, d1) -> (0, 0, 0)>
module attributes {stable_mosaic.version = 14 : i64} {
  func.func @_sc_msg_body(%arg0: i32, %arg1: i32, %arg2: memref<2x10240x64xf32, #tpu.memory_space<hbm>>, %arg3: memref<16x162x128xi32, #tpu.memory_space<hbm>>, %arg4: memref<16x162x128xi32, #tpu.memory_space<hbm>>, %arg5: memref<2x10240x64xf32, #tpu.memory_space<hbm>>, %arg6: memref<162x128xi32, #tpu.memory_space<vmem>>, %arg7: memref<162x128xi32, #tpu.memory_space<vmem>>, %arg8: memref<128x64xf32, #tpu.memory_space<vmem>>, %arg9: memref<128x64xf32, #tpu.memory_space<vmem>>, %arg10: memref<!tpu.dma_semaphore, #tpu.memory_space<semaphore_mem>>, %arg11: memref<!tpu.dma_semaphore, #tpu.memory_space<semaphore_mem>>, %arg12: memref<10240x64xf32, #tpu.memory_space<vmem_shared>>) attributes {dimension_semantics = [#tpu.dimension_semantics<core_parallel>, #tpu.dimension_semantics<subcore_parallel>], iteration_bounds = array<i64: 2, 16>, scalar_prefetch = 0 : i64, scratch_operands = 7 : i64, tpu.core_type = #tpu.core_type<sc_vector_subcore>, window_params = [{transform_indices = #map}, {transform_indices = #map}, {transform_indices = #map}, {transform_indices = #map}]} {
    %dma_start3A = arith.constant 0 : i32
    %dma_start3A_0 = arith.constant 0 : i32
    %dma_start3A_1 = tpu.memref_slice %arg3[%arg1, %dma_start3A, %dma_start3A_0] : memref<16x162x128xi32, #tpu.memory_space<hbm>> -> memref<1x162x128xi32, #tpu.memory_space<hbm>>
    %dma_start3A_2 = tpu.memref_squeeze %dma_start3A_1 : memref<1x162x128xi32, #tpu.memory_space<hbm>> -> memref<162x128xi32, #tpu.memory_space<hbm>>
    %dma_start3A_3 = arith.constant 0 : i32
    %dma_start3A_4 = arith.constant 0 : i32
    %dma_start3A_5 = tpu.memref_slice %arg3[%arg1, %dma_start3A_3, %dma_start3A_4] : memref<16x162x128xi32, #tpu.memory_space<hbm>> -> memref<1x162x128xi32, #tpu.memory_space<hbm>>
    %dma_start3A_6 = tpu.memref_squeeze %dma_start3A_5 : memref<1x162x128xi32, #tpu.memory_space<hbm>> -> memref<162x128xi32, #tpu.memory_space<hbm>>
    tpu.enqueue_dma source(%dma_start3A_6 : memref<162x128xi32, #tpu.memory_space<hbm>>) target(%arg6 : memref<162x128xi32, #tpu.memory_space<vmem>>) target_semaphore(%arg10 : memref<!tpu.dma_semaphore, #tpu.memory_space<semaphore_mem>>)
    %dma_start3A_7 = arith.constant 0 : i32
    %dma_start3A_8 = arith.constant 0 : i32
    %dma_start3A_9 = tpu.memref_slice %arg4[%arg1, %dma_start3A_7, %dma_start3A_8] : memref<16x162x128xi32, #tpu.memory_space<hbm>> -> memref<1x162x128xi32, #tpu.memory_space<hbm>>
    %dma_start3A_10 = tpu.memref_squeeze %dma_start3A_9 : memref<1x162x128xi32, #tpu.memory_space<hbm>> -> memref<162x128xi32, #tpu.memory_space<hbm>>
    %dma_start3A_11 = arith.constant 0 : i32
    %dma_start3A_12 = arith.constant 0 : i32
    %dma_start3A_13 = tpu.memref_slice %arg4[%arg1, %dma_start3A_11, %dma_start3A_12] : memref<16x162x128xi32, #tpu.memory_space<hbm>> -> memref<1x162x128xi32, #tpu.memory_space<hbm>>
    %dma_start3A_14 = tpu.memref_squeeze %dma_start3A_13 : memref<1x162x128xi32, #tpu.memory_space<hbm>> -> memref<162x128xi32, #tpu.memory_space<hbm>>
    tpu.enqueue_dma source(%dma_start3A_14 : memref<162x128xi32, #tpu.memory_space<hbm>>) target(%arg7 : memref<162x128xi32, #tpu.memory_space<vmem>>) target_semaphore(%arg11 : memref<!tpu.dma_semaphore, #tpu.memory_space<semaphore_mem>>)
    %broadcast_in_dim3A = arith.constant 0.000000e+00 : f32
    %broadcast_in_dim3A_15 = vector.broadcast %broadcast_in_dim3A : f32 to vector<16xf32>
    %scan3A = arith.constant 0 : i32
    %scan3A_16 = arith.constant 128 : i32
    %scan3A_17 = arith.addi %scan3A, %scan3A_16 : i32
    %scan3A_18 = arith.constant 1 : i32
    scf.for %scan3A_83 = %scan3A to %scan3A_17 step %scan3A_18  : i32 {
      %swap3A = arith.index_cast %scan3A_83 : i32 to index
      %swap3A_84 = arith.constant 0 : index
      %swap3A_85 = tpu.vector_load %arg8[%swap3A, %swap3A_84] {strides = array<i32>} : memref<128x64xf32, #tpu.memory_space<vmem>>, vector<1x16xf32>,
      %swap3A_86 = vector.shape_cast %swap3A_85 : vector<1x16xf32> to vector<16xf32>
      %swap3A_87 = vector.shape_cast %broadcast_in_dim3A_15 : vector<16xf32> to vector<1x16xf32>
      tpu.vector_store %arg8[%swap3A, %swap3A_84], %swap3A_87 {strides = array<i32>} : memref<128x64xf32, #tpu.memory_space<vmem>>, vector<1x16xf32>,
      %swap3A_88 = arith.index_cast %scan3A_83 : i32 to index
      %swap3A_89 = arith.constant 16 : index
      %swap3A_90 = tpu.vector_load %arg8[%swap3A_88, %swap3A_89] {strides = array<i32>} : memref<128x64xf32, #tpu.memory_space<vmem>>, vector<1x16xf32>,
      %swap3A_91 = vector.shape_cast %swap3A_90 : vector<1x16xf32> to vector<16xf32>
      %swap3A_92 = vector.shape_cast %broadcast_in_dim3A_15 : vector<16xf32> to vector<1x16xf32>
      tpu.vector_store %arg8[%swap3A_88, %swap3A_89], %swap3A_92 {strides = array<i32>} : memref<128x64xf32, #tpu.memory_space<vmem>>, vector<1x16xf32>,
      %swap3A_93 = arith.index_cast %scan3A_83 : i32 to index
      %swap3A_94 = arith.constant 32 : index
      %swap3A_95 = tpu.vector_load %arg8[%swap3A_93, %swap3A_94] {strides = array<i32>} : memref<128x64xf32, #tpu.memory_space<vmem>>, vector<1x16xf32>,
      %swap3A_96 = vector.shape_cast %swap3A_95 : vector<1x16xf32> to vector<16xf32>
      %swap3A_97 = vector.shape_cast %broadcast_in_dim3A_15 : vector<16xf32> to vector<1x16xf32>
      tpu.vector_store %arg8[%swap3A_93, %swap3A_94], %swap3A_97 {strides = array<i32>} : memref<128x64xf32, #tpu.memory_space<vmem>>, vector<1x16xf32>,
      %swap3A_98 = arith.index_cast %scan3A_83 : i32 to index
      %swap3A_99 = arith.constant 48 : index
      %swap3A_100 = tpu.vector_load %arg8[%swap3A_98, %swap3A_99] {strides = array<i32>} : memref<128x64xf32, #tpu.memory_space<vmem>>, vector<1x16xf32>,
      %swap3A_101 = vector.shape_cast %swap3A_100 : vector<1x16xf32> to vector<16xf32>
      %swap3A_102 = vector.shape_cast %broadcast_in_dim3A_15 : vector<16xf32> to vector<1x16xf32>
      tpu.vector_store %arg8[%swap3A_98, %swap3A_99], %swap3A_102 {strides = array<i32>} : memref<128x64xf32, #tpu.memory_space<vmem>>, vector<1x16xf32>,
    }
    %scan3A_19 = arith.constant 128 : i32
    %mul3A = arith.constant 640 : i32
    %mul3A_20 = arith.muli %arg1, %mul3A : i32
    %add3A = arith.constant 0 : i32
    %add3A_21 = arith.addi %mul3A_20, %add3A : i32
    "tpu.region"() ({
      %run_scoped3A = tpu.sem_alloc : memref<!tpu.dma_semaphore, #tpu.memory_space<semaphore_mem>>
      %dma_start3A_83 = arith.constant 0 : i32
      %dma_start3A_84 = tpu.memref_slice %arg12[%add3A_21, %dma_start3A_83] : memref<10240x64xf32, #tpu.memory_space<vmem_shared>> -> memref<128x64xf32, #tpu.memory_space<vmem_shared>>
      %dma_start3A_85 = arith.constant 0 : i32
      %dma_start3A_86 = tpu.memref_slice %arg12[%add3A_21, %dma_start3A_85] : memref<10240x64xf32, #tpu.memory_space<vmem_shared>> -> memref<128x64xf32, #tpu.memory_space<vmem_shared>>
      tpu.enqueue_dma source(%arg8 : memref<128x64xf32, #tpu.memory_space<vmem>>) target(%dma_start3A_86 : memref<128x64xf32, #tpu.memory_space<vmem_shared>>) target_semaphore(%run_scoped3A : memref<!tpu.dma_semaphore, #tpu.memory_space<semaphore_mem>>)
      %dma_wait3A_87 = arith.constant 0 : i32
      %dma_wait3A_88 = tpu.memref_slice %arg12[%add3A_21, %dma_wait3A_87] : memref<10240x64xf32, #tpu.memory_space<vmem_shared>> -> memref<128x64xf32, #tpu.memory_space<vmem_shared>>
      %dma_wait3A_89 = arith.constant 0 : i32
      %dma_wait3A_90 = tpu.memref_slice %arg12[%add3A_21, %dma_wait3A_89] : memref<10240x64xf32, #tpu.memory_space<vmem_shared>> -> memref<128x64xf32, #tpu.memory_space<vmem_shared>>
      tpu.wait_dma2 semaphore(%run_scoped3A : memref<!tpu.dma_semaphore, #tpu.memory_space<semaphore_mem>>) src(%arg8 : memref<128x64xf32, #tpu.memory_space<vmem>>) dst(%dma_wait3A_90 : memref<128x64xf32, #tpu.memory_space<vmem_shared>>)
      tpu.yield
    }) : () -> ()
    %add3A_22 = arith.constant 128 : i32
    %add3A_23 = arith.addi %mul3A_20, %add3A_22 : i32
    "tpu.region"() ({
      %run_scoped3A = tpu.sem_alloc : memref<!tpu.dma_semaphore, #tpu.memory_space<semaphore_mem>>
      %dma_start3A_83 = arith.constant 0 : i32
      %dma_start3A_84 = tpu.memref_slice %arg12[%add3A_23, %dma_start3A_83] : memref<10240x64xf32, #tpu.memory_space<vmem_shared>> -> memref<128x64xf32, #tpu.memory_space<vmem_shared>>
      %dma_start3A_85 = arith.constant 0 : i32
      %dma_start3A_86 = tpu.memref_slice %arg12[%add3A_23, %dma_start3A_85] : memref<10240x64xf32, #tpu.memory_space<vmem_shared>> -> memref<128x64xf32, #tpu.memory_space<vmem_shared>>
      tpu.enqueue_dma source(%arg8 : memref<128x64xf32, #tpu.memory_space<vmem>>) target(%dma_start3A_86 : memref<128x64xf32, #tpu.memory_space<vmem_shared>>) target_semaphore(%run_scoped3A : memref<!tpu.dma_semaphore, #tpu.memory_space<semaphore_mem>>)
      %dma_wait3A_87 = arith.constant 0 : i32
      %dma_wait3A_88 = tpu.memref_slice %arg12[%add3A_23, %dma_wait3A_87] : memref<10240x64xf32, #tpu.memory_space<vmem_shared>> -> memref<128x64xf32, #tpu.memory_space<vmem_shared>>
      %dma_wait3A_89 = arith.constant 0 : i32
      %dma_wait3A_90 = tpu.memref_slice %arg12[%add3A_23, %dma_wait3A_89] : memref<10240x64xf32, #tpu.memory_space<vmem_shared>> -> memref<128x64xf32, #tpu.memory_space<vmem_shared>>
      tpu.wait_dma2 semaphore(%run_scoped3A : memref<!tpu.dma_semaphore, #tpu.memory_space<semaphore_mem>>) src(%arg8 : memref<128x64xf32, #tpu.memory_space<vmem>>) dst(%dma_wait3A_90 : memref<128x64xf32, #tpu.memory_space<vmem_shared>>)
      tpu.yield
    }) : () -> ()
    %add3A_24 = arith.constant 256 : i32
    %add3A_25 = arith.addi %mul3A_20, %add3A_24 : i32
    "tpu.region"() ({
      %run_scoped3A = tpu.sem_alloc : memref<!tpu.dma_semaphore, #tpu.memory_space<semaphore_mem>>
      %dma_start3A_83 = arith.constant 0 : i32
      %dma_start3A_84 = tpu.memref_slice %arg12[%add3A_25, %dma_start3A_83] : memref<10240x64xf32, #tpu.memory_space<vmem_shared>> -> memref<128x64xf32, #tpu.memory_space<vmem_shared>>
      %dma_start3A_85 = arith.constant 0 : i32
      %dma_start3A_86 = tpu.memref_slice %arg12[%add3A_25, %dma_start3A_85] : memref<10240x64xf32, #tpu.memory_space<vmem_shared>> -> memref<128x64xf32, #tpu.memory_space<vmem_shared>>
      tpu.enqueue_dma source(%arg8 : memref<128x64xf32, #tpu.memory_space<vmem>>) target(%dma_start3A_86 : memref<128x64xf32, #tpu.memory_space<vmem_shared>>) target_semaphore(%run_scoped3A : memref<!tpu.dma_semaphore, #tpu.memory_space<semaphore_mem>>)
      %dma_wait3A_87 = arith.constant 0 : i32
      %dma_wait3A_88 = tpu.memref_slice %arg12[%add3A_25, %dma_wait3A_87] : memref<10240x64xf32, #tpu.memory_space<vmem_shared>> -> memref<128x64xf32, #tpu.memory_space<vmem_shared>>
      %dma_wait3A_89 = arith.constant 0 : i32
      %dma_wait3A_90 = tpu.memref_slice %arg12[%add3A_25, %dma_wait3A_89] : memref<10240x64xf32, #tpu.memory_space<vmem_shared>> -> memref<128x64xf32, #tpu.memory_space<vmem_shared>>
      tpu.wait_dma2 semaphore(%run_scoped3A : memref<!tpu.dma_semaphore, #tpu.memory_space<semaphore_mem>>) src(%arg8 : memref<128x64xf32, #tpu.memory_space<vmem>>) dst(%dma_wait3A_90 : memref<128x64xf32, #tpu.memory_space<vmem_shared>>)
      tpu.yield
    }) : () -> ()
    %add3A_26 = arith.constant 384 : i32
    %add3A_27 = arith.addi %mul3A_20, %add3A_26 : i32
    "tpu.region"() ({
      %run_scoped3A = tpu.sem_alloc : memref<!tpu.dma_semaphore, #tpu.memory_space<semaphore_mem>>
      %dma_start3A_83 = arith.constant 0 : i32
      %dma_start3A_84 = tpu.memref_slice %arg12[%add3A_27, %dma_start3A_83] : memref<10240x64xf32, #tpu.memory_space<vmem_shared>> -> memref<128x64xf32, #tpu.memory_space<vmem_shared>>
      %dma_start3A_85 = arith.constant 0 : i32
      %dma_start3A_86 = tpu.memref_slice %arg12[%add3A_27, %dma_start3A_85] : memref<10240x64xf32, #tpu.memory_space<vmem_shared>> -> memref<128x64xf32, #tpu.memory_space<vmem_shared>>
      tpu.enqueue_dma source(%arg8 : memref<128x64xf32, #tpu.memory_space<vmem>>) target(%dma_start3A_86 : memref<128x64xf32, #tpu.memory_space<vmem_shared>>) target_semaphore(%run_scoped3A : memref<!tpu.dma_semaphore, #tpu.memory_space<semaphore_mem>>)
      %dma_wait3A_87 = arith.constant 0 : i32
      %dma_wait3A_88 = tpu.memref_slice %arg12[%add3A_27, %dma_wait3A_87] : memref<10240x64xf32, #tpu.memory_space<vmem_shared>> -> memref<128x64xf32, #tpu.memory_space<vmem_shared>>
      %dma_wait3A_89 = arith.constant 0 : i32
      %dma_wait3A_90 = tpu.memref_slice %arg12[%add3A_27, %dma_wait3A_89] : memref<10240x64xf32, #tpu.memory_space<vmem_shared>> -> memref<128x64xf32, #tpu.memory_space<vmem_shared>>
      tpu.wait_dma2 semaphore(%run_scoped3A : memref<!tpu.dma_semaphore, #tpu.memory_space<semaphore_mem>>) src(%arg8 : memref<128x64xf32, #tpu.memory_space<vmem>>) dst(%dma_wait3A_90 : memref<128x64xf32, #tpu.memory_space<vmem_shared>>)
      tpu.yield
    }) : () -> ()
    %add3A_28 = arith.constant 512 : i32
    %add3A_29 = arith.addi %mul3A_20, %add3A_28 : i32
    "tpu.region"() ({
      %run_scoped3A = tpu.sem_alloc : memref<!tpu.dma_semaphore, #tpu.memory_space<semaphore_mem>>
      %dma_start3A_83 = arith.constant 0 : i32
      %dma_start3A_84 = tpu.memref_slice %arg12[%add3A_29, %dma_start3A_83] : memref<10240x64xf32, #tpu.memory_space<vmem_shared>> -> memref<128x64xf32, #tpu.memory_space<vmem_shared>>
      %dma_start3A_85 = arith.constant 0 : i32
      %dma_start3A_86 = tpu.memref_slice %arg12[%add3A_29, %dma_start3A_85] : memref<10240x64xf32, #tpu.memory_space<vmem_shared>> -> memref<128x64xf32, #tpu.memory_space<vmem_shared>>
      tpu.enqueue_dma source(%arg8 : memref<128x64xf32, #tpu.memory_space<vmem>>) target(%dma_start3A_86 : memref<128x64xf32, #tpu.memory_space<vmem_shared>>) target_semaphore(%run_scoped3A : memref<!tpu.dma_semaphore, #tpu.memory_space<semaphore_mem>>)
      %dma_wait3A_87 = arith.constant 0 : i32
      %dma_wait3A_88 = tpu.memref_slice %arg12[%add3A_29, %dma_wait3A_87] : memref<10240x64xf32, #tpu.memory_space<vmem_shared>> -> memref<128x64xf32, #tpu.memory_space<vmem_shared>>
      %dma_wait3A_89 = arith.constant 0 : i32
      %dma_wait3A_90 = tpu.memref_slice %arg12[%add3A_29, %dma_wait3A_89] : memref<10240x64xf32, #tpu.memory_space<vmem_shared>> -> memref<128x64xf32, #tpu.memory_space<vmem_shared>>
      tpu.wait_dma2 semaphore(%run_scoped3A : memref<!tpu.dma_semaphore, #tpu.memory_space<semaphore_mem>>) src(%arg8 : memref<128x64xf32, #tpu.memory_space<vmem>>) dst(%dma_wait3A_90 : memref<128x64xf32, #tpu.memory_space<vmem_shared>>)
      tpu.yield
    }) : () -> ()
    %dma_wait3A = arith.constant 0 : i32
    %dma_wait3A_30 = arith.constant 0 : i32
    %dma_wait3A_31 = tpu.memref_slice %arg3[%arg1, %dma_wait3A, %dma_wait3A_30] : memref<16x162x128xi32, #tpu.memory_space<hbm>> -> memref<1x162x128xi32, #tpu.memory_space<hbm>>
    %dma_wait3A_32 = tpu.memref_squeeze %dma_wait3A_31 : memref<1x162x128xi32, #tpu.memory_space<hbm>> -> memref<162x128xi32, #tpu.memory_space<hbm>>
    %dma_wait3A_33 = arith.constant 0 : i32
    %dma_wait3A_34 = arith.constant 0 : i32
    %dma_wait3A_35 = tpu.memref_slice %arg3[%arg1, %dma_wait3A_33, %dma_wait3A_34] : memref<16x162x128xi32, #tpu.memory_space<hbm>> -> memref<1x162x128xi32, #tpu.memory_space<hbm>>
    %dma_wait3A_36 = tpu.memref_squeeze %dma_wait3A_35 : memref<1x162x128xi32, #tpu.memory_space<hbm>> -> memref<162x128xi32, #tpu.memory_space<hbm>>
    tpu.wait_dma2 semaphore(%arg10 : memref<!tpu.dma_semaphore, #tpu.memory_space<semaphore_mem>>) src(%dma_wait3A_36 : memref<162x128xi32, #tpu.memory_space<hbm>>) dst(%arg6 : memref<162x128xi32, #tpu.memory_space<vmem>>)
    %dma_wait3A_37 = arith.constant 0 : i32
    %dma_wait3A_38 = arith.constant 0 : i32
    %dma_wait3A_39 = tpu.memref_slice %arg4[%arg1, %dma_wait3A_37, %dma_wait3A_38] : memref<16x162x128xi32, #tpu.memory_space<hbm>> -> memref<1x162x128xi32, #tpu.memory_space<hbm>>
    %dma_wait3A_40 = tpu.memref_squeeze %dma_wait3A_39 : memref<1x162x128xi32, #tpu.memory_space<hbm>> -> memref<162x128xi32, #tpu.memory_space<hbm>>
    %dma_wait3A_41 = arith.constant 0 : i32
    %dma_wait3A_42 = arith.constant 0 : i32
    %dma_wait3A_43 = tpu.memref_slice %arg4[%arg1, %dma_wait3A_41, %dma_wait3A_42] : memref<16x162x128xi32, #tpu.memory_space<hbm>> -> memref<1x162x128xi32, #tpu.memory_space<hbm>>
    %dma_wait3A_44 = tpu.memref_squeeze %dma_wait3A_43 : memref<1x162x128xi32, #tpu.memory_space<hbm>> -> memref<162x128xi32, #tpu.memory_space<hbm>>
    tpu.wait_dma2 semaphore(%arg11 : memref<!tpu.dma_semaphore, #tpu.memory_space<semaphore_mem>>) src(%dma_wait3A_44 : memref<162x128xi32, #tpu.memory_space<hbm>>) dst(%arg7 : memref<162x128xi32, #tpu.memory_space<vmem>>)
    %barrier3A = arith.constant 0 : index
    tpu.barrier barrier_id(%barrier3A)
    %dma_start3A_45 = arith.constant 0 : i32
    %dma_start3A_46 = arith.constant 0 : i32
    %dma_start3A_47 = tpu.memref_slice %arg6[%dma_start3A_45, %dma_start3A_46] : memref<162x128xi32, #tpu.memory_space<vmem>> -> memref<1x128xi32, #tpu.memory_space<vmem>>
    %dma_start3A_48 = tpu.memref_squeeze %dma_start3A_47 : memref<1x128xi32, #tpu.memory_space<vmem>> -> memref<128xi32, #tpu.memory_space<vmem>>
    %dma_start3A_49 = arith.constant 0 : i32
    %dma_start3A_50 = arith.constant 0 : i32
    %dma_start3A_51 = tpu.memref_slice %arg2[%arg0, %dma_start3A_49, %dma_start3A_50] : memref<2x10240x64xf32, #tpu.memory_space<hbm>> -> memref<1x10240x64xf32, #tpu.memory_space<hbm>>
    %dma_start3A_52 = tpu.memref_squeeze %dma_start3A_51 : memref<1x10240x64xf32, #tpu.memory_space<hbm>> -> memref<10240x64xf32, #tpu.memory_space<hbm>>
    %dma_start3A_53 = arith.constant 0 : i32
    %dma_start3A_54 = arith.constant 0 : i32
    %dma_start3A_55 = tpu.memref_slice %dma_start3A_52[%dma_start3A_53, %dma_start3A_54] : memref<10240x64xf32, #tpu.memory_space<hbm>> -> memref<10240x64xf32, #tpu.memory_space<hbm>>
    tpu.enqueue_indirect_dma source(%dma_start3A_55 : memref<10240x64xf32, #tpu.memory_space<hbm>>) target(%arg8 : memref<128x64xf32, #tpu.memory_space<vmem>>) offsets(%dma_start3A_48 : memref<128xi32, #tpu.memory_space<vmem>>) semaphore(%arg10 : memref<!tpu.dma_semaphore, #tpu.memory_space<semaphore_mem>>)
    %dma_start3A_56 = arith.constant 1 : i32
    %dma_start3A_57 = arith.constant 0 : i32
    %dma_start3A_58 = tpu.memref_slice %arg6[%dma_start3A_56, %dma_start3A_57] : memref<162x128xi32, #tpu.memory_space<vmem>> -> memref<1x128xi32, #tpu.memory_space<vmem>>
    %dma_start3A_59 = tpu.memref_squeeze %dma_start3A_58 : memref<1x128xi32, #tpu.memory_space<vmem>> -> memref<128xi32, #tpu.memory_space<vmem>>
    %dma_start3A_60 = arith.constant 0 : i32
    %dma_start3A_61 = arith.constant 0 : i32
    %dma_start3A_62 = tpu.memref_slice %arg2[%arg0, %dma_start3A_60, %dma_start3A_61] : memref<2x10240x64xf32, #tpu.memory_space<hbm>> -> memref<1x10240x64xf32, #tpu.memory_space<hbm>>
    %dma_start3A_63 = tpu.memref_squeeze %dma_start3A_62 : memref<1x10240x64xf32, #tpu.memory_space<hbm>> -> memref<10240x64xf32, #tpu.memory_space<hbm>>
    %dma_start3A_64 = arith.constant 0 : i32
    %dma_start3A_65 = arith.constant 0 : i32
    %dma_start3A_66 = tpu.memref_slice %dma_start3A_63[%dma_start3A_64, %dma_start3A_65] : memref<10240x64xf32, #tpu.memory_space<hbm>> -> memref<10240x64xf32, #tpu.memory_space<hbm>>
    tpu.enqueue_indirect_dma source(%dma_start3A_66 : memref<10240x64xf32, #tpu.memory_space<hbm>>) target(%arg9 : memref<128x64xf32, #tpu.memory_space<vmem>>) offsets(%dma_start3A_59 : memref<128xi32, #tpu.memory_space<vmem>>) semaphore(%arg11 : memref<!tpu.dma_semaphore, #tpu.memory_space<semaphore_mem>>)
    %scan3A_67 = arith.constant 0 : i32
    %scan3A_68 = arith.constant 81 : i32
    %scan3A_69 = arith.addi %scan3A_67, %scan3A_68 : i32
    %scan3A_70 = arith.constant 1 : i32
    scf.for %scan3A_83 = %scan3A_67 to %scan3A_69 step %scan3A_70  : i32 {
      %mul3A_84 = arith.constant 2 : i32
      %mul3A_85 = arith.muli %scan3A_83, %mul3A_84 : i32
      %add3A_86 = arith.constant 0 : i32
      %add3A_87 = arith.addi %mul3A_85, %add3A_86 : i32
      %dma_wait3A_88 = arith.constant 0 : i32
      %dma_wait3A_89 = tpu.memref_slice %arg6[%add3A_87, %dma_wait3A_88] : memref<162x128xi32, #tpu.memory_space<vmem>> -> memref<1x128xi32, #tpu.memory_space<vmem>>
      %dma_wait3A_90 = tpu.memref_squeeze %dma_wait3A_89 : memref<1x128xi32, #tpu.memory_space<vmem>> -> memref<128xi32, #tpu.memory_space<vmem>>
      %dma_wait3A_91 = arith.constant 0 : i32
      %dma_wait3A_92 = arith.constant 0 : i32
      %dma_wait3A_93 = tpu.memref_slice %arg2[%arg0, %dma_wait3A_91, %dma_wait3A_92] : memref<2x10240x64xf32, #tpu.memory_space<hbm>> -> memref<1x10240x64xf32, #tpu.memory_space<hbm>>
      %dma_wait3A_94 = tpu.memref_squeeze %dma_wait3A_93 : memref<1x10240x64xf32, #tpu.memory_space<hbm>> -> memref<10240x64xf32, #tpu.memory_space<hbm>>
      %dma_wait3A_95 = arith.constant 0 : i32
      %dma_wait3A_96 = arith.constant 0 : i32
      %dma_wait3A_97 = tpu.memref_slice %dma_wait3A_94[%dma_wait3A_95, %dma_wait3A_96] : memref<10240x64xf32, #tpu.memory_space<hbm>> -> memref<10240x64xf32, #tpu.memory_space<hbm>>
      tpu.wait_indirect_dma semaphore(%arg10 : memref<!tpu.dma_semaphore, #tpu.memory_space<semaphore_mem>>) src(%dma_wait3A_97 : memref<10240x64xf32, #tpu.memory_space<hbm>>) dst(%arg8 : memref<128x64xf32, #tpu.memory_space<vmem>>)
      "tpu.region"() ({
        %run_scoped3A = tpu.sem_alloc : memref<!tpu.dma_semaphore, #tpu.memory_space<semaphore_mem>>
        %dma_start3A_119 = arith.constant 0 : i32
        %dma_start3A_120 = tpu.memref_slice %arg7[%add3A_87, %dma_start3A_119] : memref<162x128xi32, #tpu.memory_space<vmem>> -> memref<1x128xi32, #tpu.memory_space<vmem>>
        %dma_start3A_121 = tpu.memref_squeeze %dma_start3A_120 : memref<1x128xi32, #tpu.memory_space<vmem>> -> memref<128xi32, #tpu.memory_space<vmem>>
        %dma_start3A_122 = arith.constant 0 : i32
        %dma_start3A_123 = arith.constant 0 : i32
        %dma_start3A_124 = tpu.memref_slice %arg12[%dma_start3A_122, %dma_start3A_123] : memref<10240x64xf32, #tpu.memory_space<vmem_shared>> -> memref<10240x64xf32, #tpu.memory_space<vmem_shared>>
        tpu.enqueue_indirect_dma source(%arg8 : memref<128x64xf32, #tpu.memory_space<vmem>>) target(%dma_start3A_124 : memref<10240x64xf32, #tpu.memory_space<vmem_shared>>) offsets(%dma_start3A_121 : memref<128xi32, #tpu.memory_space<vmem>>) semaphore(%run_scoped3A : memref<!tpu.dma_semaphore, #tpu.memory_space<semaphore_mem>>) {add = true}
        %dma_wait3A_125 = arith.constant 0 : i32
        %dma_wait3A_126 = tpu.memref_slice %arg7[%add3A_87, %dma_wait3A_125] : memref<162x128xi32, #tpu.memory_space<vmem>> -> memref<1x128xi32, #tpu.memory_space<vmem>>
        %dma_wait3A_127 = tpu.memref_squeeze %dma_wait3A_126 : memref<1x128xi32, #tpu.memory_space<vmem>> -> memref<128xi32, #tpu.memory_space<vmem>>
        %dma_wait3A_128 = arith.constant 0 : i32
        %dma_wait3A_129 = arith.constant 0 : i32
        %dma_wait3A_130 = tpu.memref_slice %arg12[%dma_wait3A_128, %dma_wait3A_129] : memref<10240x64xf32, #tpu.memory_space<vmem_shared>> -> memref<10240x64xf32, #tpu.memory_space<vmem_shared>>
        tpu.wait_indirect_dma semaphore(%run_scoped3A : memref<!tpu.dma_semaphore, #tpu.memory_space<semaphore_mem>>) src(%arg8 : memref<128x64xf32, #tpu.memory_space<vmem>>) dst(%dma_wait3A_130 : memref<10240x64xf32, #tpu.memory_space<vmem_shared>>)
        tpu.yield
      }) : () -> ()
      %lt3A = arith.constant 80 : i32
      %lt3A_98 = arith.cmpi slt, %scan3A_83, %lt3A : i32
      %convert_element_type3A = arith.extui %lt3A_98 : i1 to i32
      %cond3A = arith.constant 0 : i32
      %cond3A_99 = arith.cmpi ne, %convert_element_type3A, %cond3A : i32
      scf.if %cond3A_99 {
        %add3A_119 = arith.constant 2 : i32
        %add3A_120 = arith.addi %add3A_87, %add3A_119 : i32
        %dma_start3A_121 = arith.constant 0 : i32
        %dma_start3A_122 = tpu.memref_slice %arg6[%add3A_120, %dma_start3A_121] : memref<162x128xi32, #tpu.memory_space<vmem>> -> memref<1x128xi32, #tpu.memory_space<vmem>>
        %dma_start3A_123 = tpu.memref_squeeze %dma_start3A_122 : memref<1x128xi32, #tpu.memory_space<vmem>> -> memref<128xi32, #tpu.memory_space<vmem>>
        %dma_start3A_124 = arith.constant 0 : i32
        %dma_start3A_125 = arith.constant 0 : i32
        %dma_start3A_126 = tpu.memref_slice %arg2[%arg0, %dma_start3A_124, %dma_start3A_125] : memref<2x10240x64xf32, #tpu.memory_space<hbm>> -> memref<1x10240x64xf32, #tpu.memory_space<hbm>>
        %dma_start3A_127 = tpu.memref_squeeze %dma_start3A_126 : memref<1x10240x64xf32, #tpu.memory_space<hbm>> -> memref<10240x64xf32, #tpu.memory_space<hbm>>
        %dma_start3A_128 = arith.constant 0 : i32
        %dma_start3A_129 = arith.constant 0 : i32
        %dma_start3A_130 = tpu.memref_slice %dma_start3A_127[%dma_start3A_128, %dma_start3A_129] : memref<10240x64xf32, #tpu.memory_space<hbm>> -> memref<10240x64xf32, #tpu.memory_space<hbm>>
        tpu.enqueue_indirect_dma source(%dma_start3A_130 : memref<10240x64xf32, #tpu.memory_space<hbm>>) target(%arg8 : memref<128x64xf32, #tpu.memory_space<vmem>>) offsets(%dma_start3A_123 : memref<128xi32, #tpu.memory_space<vmem>>) semaphore(%arg10 : memref<!tpu.dma_semaphore, #tpu.memory_space<semaphore_mem>>)
      } else {
      }
      %mul3A_100 = arith.constant 2 : i32
      %mul3A_101 = arith.muli %scan3A_83, %mul3A_100 : i32
      %add3A_102 = arith.constant 1 : i32
      %add3A_103 = arith.addi %mul3A_101, %add3A_102 : i32
      %dma_wait3A_104 = arith.constant 0 : i32
      %dma_wait3A_105 = tpu.memref_slice %arg6[%add3A_103, %dma_wait3A_104] : memref<162x128xi32, #tpu.memory_space<vmem>> -> memref<1x128xi32, #tpu.memory_space<vmem>>
      %dma_wait3A_106 = tpu.memref_squeeze %dma_wait3A_105 : memref<1x128xi32, #tpu.memory_space<vmem>> -> memref<128xi32, #tpu.memory_space<vmem>>
      %dma_wait3A_107 = arith.constant 0 : i32
      %dma_wait3A_108 = arith.constant 0 : i32
      %dma_wait3A_109 = tpu.memref_slice %arg2[%arg0, %dma_wait3A_107, %dma_wait3A_108] : memref<2x10240x64xf32, #tpu.memory_space<hbm>> -> memref<1x10240x64xf32, #tpu.memory_space<hbm>>
      %dma_wait3A_110 = tpu.memref_squeeze %dma_wait3A_109 : memref<1x10240x64xf32, #tpu.memory_space<hbm>> -> memref<10240x64xf32, #tpu.memory_space<hbm>>
      %dma_wait3A_111 = arith.constant 0 : i32
      %dma_wait3A_112 = arith.constant 0 : i32
      %dma_wait3A_113 = tpu.memref_slice %dma_wait3A_110[%dma_wait3A_111, %dma_wait3A_112] : memref<10240x64xf32, #tpu.memory_space<hbm>> -> memref<10240x64xf32, #tpu.memory_space<hbm>>
      tpu.wait_indirect_dma semaphore(%arg11 : memref<!tpu.dma_semaphore, #tpu.memory_space<semaphore_mem>>) src(%dma_wait3A_113 : memref<10240x64xf32, #tpu.memory_space<hbm>>) dst(%arg9 : memref<128x64xf32, #tpu.memory_space<vmem>>)
      "tpu.region"() ({
        %run_scoped3A = tpu.sem_alloc : memref<!tpu.dma_semaphore, #tpu.memory_space<semaphore_mem>>
        %dma_start3A_119 = arith.constant 0 : i32
        %dma_start3A_120 = tpu.memref_slice %arg7[%add3A_103, %dma_start3A_119] : memref<162x128xi32, #tpu.memory_space<vmem>> -> memref<1x128xi32, #tpu.memory_space<vmem>>
        %dma_start3A_121 = tpu.memref_squeeze %dma_start3A_120 : memref<1x128xi32, #tpu.memory_space<vmem>> -> memref<128xi32, #tpu.memory_space<vmem>>
        %dma_start3A_122 = arith.constant 0 : i32
        %dma_start3A_123 = arith.constant 0 : i32
        %dma_start3A_124 = tpu.memref_slice %arg12[%dma_start3A_122, %dma_start3A_123] : memref<10240x64xf32, #tpu.memory_space<vmem_shared>> -> memref<10240x64xf32, #tpu.memory_space<vmem_shared>>
        tpu.enqueue_indirect_dma source(%arg9 : memref<128x64xf32, #tpu.memory_space<vmem>>) target(%dma_start3A_124 : memref<10240x64xf32, #tpu.memory_space<vmem_shared>>) offsets(%dma_start3A_121 : memref<128xi32, #tpu.memory_space<vmem>>) semaphore(%run_scoped3A : memref<!tpu.dma_semaphore, #tpu.memory_space<semaphore_mem>>) {add = true}
        %dma_wait3A_125 = arith.constant 0 : i32
        %dma_wait3A_126 = tpu.memref_slice %arg7[%add3A_103, %dma_wait3A_125] : memref<162x128xi32, #tpu.memory_space<vmem>> -> memref<1x128xi32, #tpu.memory_space<vmem>>
        %dma_wait3A_127 = tpu.memref_squeeze %dma_wait3A_126 : memref<1x128xi32, #tpu.memory_space<vmem>> -> memref<128xi32, #tpu.memory_space<vmem>>
        %dma_wait3A_128 = arith.constant 0 : i32
        %dma_wait3A_129 = arith.constant 0 : i32
        %dma_wait3A_130 = tpu.memref_slice %arg12[%dma_wait3A_128, %dma_wait3A_129] : memref<10240x64xf32, #tpu.memory_space<vmem_shared>> -> memref<10240x64xf32, #tpu.memory_space<vmem_shared>>
        tpu.wait_indirect_dma semaphore(%run_scoped3A : memref<!tpu.dma_semaphore, #tpu.memory_space<semaphore_mem>>) src(%arg9 : memref<128x64xf32, #tpu.memory_space<vmem>>) dst(%dma_wait3A_130 : memref<10240x64xf32, #tpu.memory_space<vmem_shared>>)
        tpu.yield
      }) : () -> ()
      %lt3A_114 = arith.constant 80 : i32
      %lt3A_115 = arith.cmpi slt, %scan3A_83, %lt3A_114 : i32
      %convert_element_type3A_116 = arith.extui %lt3A_115 : i1 to i32
      %cond3A_117 = arith.constant 0 : i32
      %cond3A_118 = arith.cmpi ne, %convert_element_type3A_116, %cond3A_117 : i32
      scf.if %cond3A_118 {
        %add3A_119 = arith.constant 2 : i32
        %add3A_120 = arith.addi %add3A_103, %add3A_119 : i32
        %dma_start3A_121 = arith.constant 0 : i32
        %dma_start3A_122 = tpu.memref_slice %arg6[%add3A_120, %dma_start3A_121] : memref<162x128xi32, #tpu.memory_space<vmem>> -> memref<1x128xi32, #tpu.memory_space<vmem>>
        %dma_start3A_123 = tpu.memref_squeeze %dma_start3A_122 : memref<1x128xi32, #tpu.memory_space<vmem>> -> memref<128xi32, #tpu.memory_space<vmem>>
        %dma_start3A_124 = arith.constant 0 : i32
        %dma_start3A_125 = arith.constant 0 : i32
        %dma_start3A_126 = tpu.memref_slice %arg2[%arg0, %dma_start3A_124, %dma_start3A_125] : memref<2x10240x64xf32, #tpu.memory_space<hbm>> -> memref<1x10240x64xf32, #tpu.memory_space<hbm>>
        %dma_start3A_127 = tpu.memref_squeeze %dma_start3A_126 : memref<1x10240x64xf32, #tpu.memory_space<hbm>> -> memref<10240x64xf32, #tpu.memory_space<hbm>>
        %dma_start3A_128 = arith.constant 0 : i32
        %dma_start3A_129 = arith.constant 0 : i32
        %dma_start3A_130 = tpu.memref_slice %dma_start3A_127[%dma_start3A_128, %dma_start3A_129] : memref<10240x64xf32, #tpu.memory_space<hbm>> -> memref<10240x64xf32, #tpu.memory_space<hbm>>
        tpu.enqueue_indirect_dma source(%dma_start3A_130 : memref<10240x64xf32, #tpu.memory_space<hbm>>) target(%arg9 : memref<128x64xf32, #tpu.memory_space<vmem>>) offsets(%dma_start3A_123 : memref<128xi32, #tpu.memory_space<vmem>>) semaphore(%arg11 : memref<!tpu.dma_semaphore, #tpu.memory_space<semaphore_mem>>)
      } else {
      }
    }
    %scan3A_71 = arith.constant 81 : i32
    %barrier3A_72 = arith.constant 0 : index
    tpu.barrier barrier_id(%barrier3A_72)
    %add3A_73 = arith.constant 0 : i32
    %add3A_74 = arith.addi %mul3A_20, %add3A_73 : i32
    "tpu.region"() ({
      %run_scoped3A = tpu.sem_alloc : memref<!tpu.dma_semaphore, #tpu.memory_space<semaphore_mem>>
      %dma_start3A_83 = arith.constant 0 : i32
      %dma_start3A_84 = tpu.memref_slice %arg5[%arg0, %add3A_74, %dma_start3A_83] : memref<2x10240x64xf32, #tpu.memory_space<hbm>> -> memref<1x128x64xf32, #tpu.memory_space<hbm>>
      %dma_start3A_85 = tpu.memref_squeeze %dma_start3A_84 : memref<1x128x64xf32, #tpu.memory_space<hbm>> -> memref<128x64xf32, #tpu.memory_space<hbm>>
      %dma_start3A_86 = arith.constant 0 : i32
      %dma_start3A_87 = tpu.memref_slice %arg12[%add3A_74, %dma_start3A_86] : memref<10240x64xf32, #tpu.memory_space<vmem_shared>> -> memref<128x64xf32, #tpu.memory_space<vmem_shared>>
      tpu.enqueue_dma source(%dma_start3A_87 : memref<128x64xf32, #tpu.memory_space<vmem_shared>>) target(%dma_start3A_85 : memref<128x64xf32, #tpu.memory_space<hbm>>) target_semaphore(%run_scoped3A : memref<!tpu.dma_semaphore, #tpu.memory_space<semaphore_mem>>)
      %dma_wait3A_88 = arith.constant 0 : i32
      %dma_wait3A_89 = tpu.memref_slice %arg5[%arg0, %add3A_74, %dma_wait3A_88] : memref<2x10240x64xf32, #tpu.memory_space<hbm>> -> memref<1x128x64xf32, #tpu.memory_space<hbm>>
      %dma_wait3A_90 = tpu.memref_squeeze %dma_wait3A_89 : memref<1x128x64xf32, #tpu.memory_space<hbm>> -> memref<128x64xf32, #tpu.memory_space<hbm>>
      %dma_wait3A_91 = arith.constant 0 : i32
      %dma_wait3A_92 = tpu.memref_slice %arg12[%add3A_74, %dma_wait3A_91] : memref<10240x64xf32, #tpu.memory_space<vmem_shared>> -> memref<128x64xf32, #tpu.memory_space<vmem_shared>>
      tpu.wait_dma2 semaphore(%run_scoped3A : memref<!tpu.dma_semaphore, #tpu.memory_space<semaphore_mem>>) src(%dma_wait3A_92 : memref<128x64xf32, #tpu.memory_space<vmem_shared>>) dst(%dma_wait3A_90 : memref<128x64xf32, #tpu.memory_space<hbm>>)
      tpu.yield
    }) : () -> ()
    %add3A_75 = arith.constant 128 : i32
    %add3A_76 = arith.addi %mul3A_20, %add3A_75 : i32
    "tpu.region"() ({
      %run_scoped3A = tpu.sem_alloc : memref<!tpu.dma_semaphore, #tpu.memory_space<semaphore_mem>>
      %dma_start3A_83 = arith.constant 0 : i32
      %dma_start3A_84 = tpu.memref_slice %arg5[%arg0, %add3A_76, %dma_start3A_83] : memref<2x10240x64xf32, #tpu.memory_space<hbm>> -> memref<1x128x64xf32, #tpu.memory_space<hbm>>
      %dma_start3A_85 = tpu.memref_squeeze %dma_start3A_84 : memref<1x128x64xf32, #tpu.memory_space<hbm>> -> memref<128x64xf32, #tpu.memory_space<hbm>>
      %dma_start3A_86 = arith.constant 0 : i32
      %dma_start3A_87 = tpu.memref_slice %arg12[%add3A_76, %dma_start3A_86] : memref<10240x64xf32, #tpu.memory_space<vmem_shared>> -> memref<128x64xf32, #tpu.memory_space<vmem_shared>>
      tpu.enqueue_dma source(%dma_start3A_87 : memref<128x64xf32, #tpu.memory_space<vmem_shared>>) target(%dma_start3A_85 : memref<128x64xf32, #tpu.memory_space<hbm>>) target_semaphore(%run_scoped3A : memref<!tpu.dma_semaphore, #tpu.memory_space<semaphore_mem>>)
      %dma_wait3A_88 = arith.constant 0 : i32
      %dma_wait3A_89 = tpu.memref_slice %arg5[%arg0, %add3A_76, %dma_wait3A_88] : memref<2x10240x64xf32, #tpu.memory_space<hbm>> -> memref<1x128x64xf32, #tpu.memory_space<hbm>>
      %dma_wait3A_90 = tpu.memref_squeeze %dma_wait3A_89 : memref<1x128x64xf32, #tpu.memory_space<hbm>> -> memref<128x64xf32, #tpu.memory_space<hbm>>
      %dma_wait3A_91 = arith.constant 0 : i32
      %dma_wait3A_92 = tpu.memref_slice %arg12[%add3A_76, %dma_wait3A_91] : memref<10240x64xf32, #tpu.memory_space<vmem_shared>> -> memref<128x64xf32, #tpu.memory_space<vmem_shared>>
      tpu.wait_dma2 semaphore(%run_scoped3A : memref<!tpu.dma_semaphore, #tpu.memory_space<semaphore_mem>>) src(%dma_wait3A_92 : memref<128x64xf32, #tpu.memory_space<vmem_shared>>) dst(%dma_wait3A_90 : memref<128x64xf32, #tpu.memory_space<hbm>>)
      tpu.yield
    }) : () -> ()
    %add3A_77 = arith.constant 256 : i32
    %add3A_78 = arith.addi %mul3A_20, %add3A_77 : i32
    "tpu.region"() ({
      %run_scoped3A = tpu.sem_alloc : memref<!tpu.dma_semaphore, #tpu.memory_space<semaphore_mem>>
      %dma_start3A_83 = arith.constant 0 : i32
      %dma_start3A_84 = tpu.memref_slice %arg5[%arg0, %add3A_78, %dma_start3A_83] : memref<2x10240x64xf32, #tpu.memory_space<hbm>> -> memref<1x128x64xf32, #tpu.memory_space<hbm>>
      %dma_start3A_85 = tpu.memref_squeeze %dma_start3A_84 : memref<1x128x64xf32, #tpu.memory_space<hbm>> -> memref<128x64xf32, #tpu.memory_space<hbm>>
      %dma_start3A_86 = arith.constant 0 : i32
      %dma_start3A_87 = tpu.memref_slice %arg12[%add3A_78, %dma_start3A_86] : memref<10240x64xf32, #tpu.memory_space<vmem_shared>> -> memref<128x64xf32, #tpu.memory_space<vmem_shared>>
      tpu.enqueue_dma source(%dma_start3A_87 : memref<128x64xf32, #tpu.memory_space<vmem_shared>>) target(%dma_start3A_85 : memref<128x64xf32, #tpu.memory_space<hbm>>) target_semaphore(%run_scoped3A : memref<!tpu.dma_semaphore, #tpu.memory_space<semaphore_mem>>)
      %dma_wait3A_88 = arith.constant 0 : i32
      %dma_wait3A_89 = tpu.memref_slice %arg5[%arg0, %add3A_78, %dma_wait3A_88] : memref<2x10240x64xf32, #tpu.memory_space<hbm>> -> memref<1x128x64xf32, #tpu.memory_space<hbm>>
      %dma_wait3A_90 = tpu.memref_squeeze %dma_wait3A_89 : memref<1x128x64xf32, #tpu.memory_space<hbm>> -> memref<128x64xf32, #tpu.memory_space<hbm>>
      %dma_wait3A_91 = arith.constant 0 : i32
      %dma_wait3A_92 = tpu.memref_slice %arg12[%add3A_78, %dma_wait3A_91] : memref<10240x64xf32, #tpu.memory_space<vmem_shared>> -> memref<128x64xf32, #tpu.memory_space<vmem_shared>>
      tpu.wait_dma2 semaphore(%run_scoped3A : memref<!tpu.dma_semaphore, #tpu.memory_space<semaphore_mem>>) src(%dma_wait3A_92 : memref<128x64xf32, #tpu.memory_space<vmem_shared>>) dst(%dma_wait3A_90 : memref<128x64xf32, #tpu.memory_space<hbm>>)
      tpu.yield
    }) : () -> ()
    %add3A_79 = arith.constant 384 : i32
    %add3A_80 = arith.addi %mul3A_20, %add3A_79 : i32
    "tpu.region"() ({
      %run_scoped3A = tpu.sem_alloc : memref<!tpu.dma_semaphore, #tpu.memory_space<semaphore_mem>>
      %dma_start3A_83 = arith.constant 0 : i32
      %dma_start3A_84 = tpu.memref_slice %arg5[%arg0, %add3A_80, %dma_start3A_83] : memref<2x10240x64xf32, #tpu.memory_space<hbm>> -> memref<1x128x64xf32, #tpu.memory_space<hbm>>
      %dma_start3A_85 = tpu.memref_squeeze %dma_start3A_84 : memref<1x128x64xf32, #tpu.memory_space<hbm>> -> memref<128x64xf32, #tpu.memory_space<hbm>>
      %dma_start3A_86 = arith.constant 0 : i32
      %dma_start3A_87 = tpu.memref_slice %arg12[%add3A_80, %dma_start3A_86] : memref<10240x64xf32, #tpu.memory_space<vmem_shared>> -> memref<128x64xf32, #tpu.memory_space<vmem_shared>>
      tpu.enqueue_dma source(%dma_start3A_87 : memref<128x64xf32, #tpu.memory_space<vmem_shared>>) target(%dma_start3A_85 : memref<128x64xf32, #tpu.memory_space<hbm>>) target_semaphore(%run_scoped3A : memref<!tpu.dma_semaphore, #tpu.memory_space<semaphore_mem>>)
      %dma_wait3A_88 = arith.constant 0 : i32
      %dma_wait3A_89 = tpu.memref_slice %arg5[%arg0, %add3A_80, %dma_wait3A_88] : memref<2x10240x64xf32, #tpu.memory_space<hbm>> -> memref<1x128x64xf32, #tpu.memory_space<hbm>>
      %dma_wait3A_90 = tpu.memref_squeeze %dma_wait3A_89 : memref<1x128x64xf32, #tpu.memory_space<hbm>> -> memref<128x64xf32, #tpu.memory_space<hbm>>
      %dma_wait3A_91 = arith.constant 0 : i32
      %dma_wait3A_92 = tpu.memref_slice %arg12[%add3A_80, %dma_wait3A_91] : memref<10240x64xf32, #tpu.memory_space<vmem_shared>> -> memref<128x64xf32, #tpu.memory_space<vmem_shared>>
      tpu.wait_dma2 semaphore(%run_scoped3A : memref<!tpu.dma_semaphore, #tpu.memory_space<semaphore_mem>>) src(%dma_wait3A_92 : memref<128x64xf32, #tpu.memory_space<vmem_shared>>) dst(%dma_wait3A_90 : memref<128x64xf32, #tpu.memory_space<hbm>>)
      tpu.yield
    }) : () -> ()
    %add3A_81 = arith.constant 512 : i32
    %add3A_82 = arith.addi %mul3A_20, %add3A_81 : i32
    "tpu.region"() ({
      %run_scoped3A = tpu.sem_alloc : memref<!tpu.dma_semaphore, #tpu.memory_space<semaphore_mem>>
      %dma_start3A_83 = arith.constant 0 : i32
      %dma_start3A_84 = tpu.memref_slice %arg5[%arg0, %add3A_82, %dma_start3A_83] : memref<2x10240x64xf32, #tpu.memory_space<hbm>> -> memref<1x128x64xf32, #tpu.memory_space<hbm>>
      %dma_start3A_85 = tpu.memref_squeeze %dma_start3A_84 : memref<1x128x64xf32, #tpu.memory_space<hbm>> -> memref<128x64xf32, #tpu.memory_space<hbm>>
      %dma_start3A_86 = arith.constant 0 : i32
      %dma_start3A_87 = tpu.memref_slice %arg12[%add3A_82, %dma_start3A_86] : memref<10240x64xf32, #tpu.memory_space<vmem_shared>> -> memref<128x64xf32, #tpu.memory_space<vmem_shared>>
      tpu.enqueue_dma source(%dma_start3A_87 : memref<128x64xf32, #tpu.memory_space<vmem_shared>>) target(%dma_start3A_85 : memref<128x64xf32, #tpu.memory_space<hbm>>) target_semaphore(%run_scoped3A : memref<!tpu.dma_semaphore, #tpu.memory_space<semaphore_mem>>)
      %dma_wait3A_88 = arith.constant 0 : i32
      %dma_wait3A_89 = tpu.memref_slice %arg5[%arg0, %add3A_82, %dma_wait3A_88] : memref<2x10240x64xf32, #tpu.memory_space<hbm>> -> memref<1x128x64xf32, #tpu.memory_space<hbm>>
      %dma_wait3A_90 = tpu.memref_squeeze %dma_wait3A_89 : memref<1x128x64xf32, #tpu.memory_space<hbm>> -> memref<128x64xf32, #tpu.memory_space<hbm>>
      %dma_wait3A_91 = arith.constant 0 : i32
      %dma_wait3A_92 = tpu.memref_slice %arg12[%add3A_82, %dma_wait3A_91] : memref<10240x64xf32, #tpu.memory_space<vmem_shared>> -> memref<128x64xf32, #tpu.memory_space<vmem_shared>>
      tpu.wait_dma2 semaphore(%run_scoped3A : memref<!tpu.dma_semaphore, #tpu.memory_space<semaphore_mem>>) src(%dma_wait3A_92 : memref<128x64xf32, #tpu.memory_space<vmem_shared>>) dst(%dma_wait3A_90 : memref<128x64xf32, #tpu.memory_space<hbm>>)
      tpu.yield
    }) : () -> ()
    return
  }
}

module attributes {stable_mosaic.version = 14 : i64} {
  func.func @_tc_init_body(%arg0: memref<10000x128xf32, #tpu.memory_space<vmem>>, %arg1: memref<2x10240x16xf32, #tpu.memory_space<vmem>>, %arg2: memref<128xf32, #tpu.memory_space<vmem>>, %arg3: memref<128xf32, #tpu.memory_space<vmem>>, %arg4: memref<128xf32, #tpu.memory_space<vmem>>, %arg5: memref<128x128xf32, #tpu.memory_space<vmem>>, %arg6: memref<2x10240x64xf32, #tpu.memory_space<vmem>>, %arg7: memref<10240x1xf32, #tpu.memory_space<vmem>>) attributes {dimension_semantics = [], scalar_prefetch = 0 : i64, scratch_operands = 0 : i64, tpu.core_type = #tpu.core_type<tc>} {
    %get3A = arith.constant 0 : index
    %get3A_0 = arith.constant 0 : index
    %get3A_1 = arith.constant 0 : index
    %get3A_2 = vector.load %arg1[%get3A, %get3A_0, %get3A_1] : memref<2x10240x16xf32, #tpu.memory_space<vmem>>, vector<1x10240x16xf32>
    %get3A_3 = vector.shape_cast %get3A_2 : vector<1x10240x16xf32> to vector<10240x16xf32>
    %get3A_4 = arith.constant 1 : index
    %get3A_5 = arith.constant 0 : index
    %get3A_6 = arith.constant 0 : index
    %get3A_7 = vector.load %arg1[%get3A_4, %get3A_5, %get3A_6] : memref<2x10240x16xf32, #tpu.memory_space<vmem>>, vector<1x10240x16xf32>
    %get3A_8 = vector.shape_cast %get3A_7 : vector<1x10240x16xf32> to vector<10240x16xf32>
    %add3A = arith.addf %get3A_3, %get3A_8 : vector<10240x16xf32>
    %reduce_sum3A = arith.constant dense<0.000000e+00> : vector<10240xf32>
    %reduce_sum3A_9 = vector.multi_reduction <add>, %add3A, %reduce_sum3A [1] : vector<10240x16xf32> to vector<10240xf32>
    %broadcast_in_dim3A = vector.shape_cast %reduce_sum3A_9 : vector<10240xf32> to vector<10240x1xf32>
    %mul3A = arith.constant 6.250000e-02 : f32
    %mul3A_10 = vector.broadcast %mul3A : f32 to vector<10240x1xf32>
    %mul3A_11 = arith.mulf %broadcast_in_dim3A, %mul3A_10 : vector<10240x1xf32>
    %gt3A = arith.constant 0.000000e+00 : f32
    %gt3A_12 = vector.broadcast %gt3A : f32 to vector<10240x1xf32>
    %gt3A_13 = arith.cmpf ogt, %mul3A_11, %gt3A_12 : vector<10240x1xf32>
    %max3A = arith.constant 1.000000e+00 : f32
    %max3A_14 = vector.broadcast %max3A : f32 to vector<10240x1xf32>
    %max3A_15 = arith.maximumf %mul3A_11, %max3A_14 : vector<10240x1xf32>
    %rsqrt3A = math.rsqrt %max3A_15 : vector<10240x1xf32>
    %jit3A = arith.constant 0.000000e+00 : f32
    %broadcast_in_dim3A_16 = vector.broadcast %jit3A : f32 to vector<10240x1xf32>
    %select_n3A = arith.select %gt3A_13, %rsqrt3A, %broadcast_in_dim3A_16 : vector<10240x1xi1>, vector<10240x1xf32>
    %swap3A = arith.constant 0 : index
    %swap3A_17 = arith.constant 0 : index
    %swap3A_18 = vector.load %arg7[%swap3A, %swap3A_17] : memref<10240x1xf32, #tpu.memory_space<vmem>>, vector<10240x1xf32>
    tpu.vector_store %arg7[%swap3A, %swap3A_17], %select_n3A {strides = array<i32>} : memref<10240x1xf32, #tpu.memory_space<vmem>>, vector<10240x1xf32>,
    %get3A_19 = arith.constant 0 : index
    %get3A_20 = arith.constant 0 : index
    %get3A_21 = vector.load %arg0[%get3A_19, %get3A_20] : memref<10000x128xf32, #tpu.memory_space<vmem>>, vector<10000x128xf32>
    %get3A_22 = arith.constant 0 : index
    %get3A_23 = vector.load %arg2[%get3A_22] : memref<128xf32, #tpu.memory_space<vmem>>, vector<128xf32>
    %get3A_24 = arith.constant 0 : index
    %get3A_25 = vector.load %arg3[%get3A_24] : memref<128xf32, #tpu.memory_space<vmem>>, vector<128xf32>
    %get3A_26 = arith.constant 0 : index
    %get3A_27 = vector.load %arg4[%get3A_26] : memref<128xf32, #tpu.memory_space<vmem>>, vector<128xf32>
    %reduce_sum3A_28 = arith.constant dense<0.000000e+00> : vector<128xf32>
    %reduce_sum3A_29 = vector.multi_reduction <add>, %get3A_21, %reduce_sum3A_28 [0] : vector<10000x128xf32> to vector<128xf32>
    %broadcast_in_dim3A_30 = vector.shape_cast %reduce_sum3A_29 : vector<128xf32> to vector<1x128xf32>
    %div3A = arith.constant 1.000000e+04 : f32
    %div3A_31 = vector.broadcast %div3A : f32 to vector<1x128xf32>
    %div3A_32 = arith.divf %broadcast_in_dim3A_30, %div3A_31 : vector<1x128xf32>
    %broadcast_in_dim3A_33 = vector.shape_cast %get3A_27 : vector<128xf32> to vector<1x128xf32>
    %mul3A_34 = arith.mulf %div3A_32, %broadcast_in_dim3A_33 : vector<1x128xf32>
    %sub3A = vector.broadcast %mul3A_34 : vector<1x128xf32> to vector<10000x128xf32>
    %sub3A_35 = arith.subf %get3A_21, %sub3A : vector<10000x128xf32>
    %mul3A_36 = arith.mulf %sub3A_35, %sub3A_35 : vector<10000x128xf32>
    %reduce_sum3A_37 = arith.constant dense<0.000000e+00> : vector<128xf32>
    %reduce_sum3A_38 = vector.multi_reduction <add>, %mul3A_36, %reduce_sum3A_37 [0] : vector<10000x128xf32> to vector<128xf32>
    %broadcast_in_dim3A_39 = vector.shape_cast %reduce_sum3A_38 : vector<128xf32> to vector<1x128xf32>
    %div3A_40 = arith.constant 1.000000e+04 : f32
    %div3A_41 = vector.broadcast %div3A_40 : f32 to vector<1x128xf32>
    %div3A_42 = arith.divf %broadcast_in_dim3A_39, %div3A_41 : vector<1x128xf32>
    %broadcast_in_dim3A_43 = vector.shape_cast %get3A_23 : vector<128xf32> to vector<1x128xf32>
    %mul3A_44 = vector.broadcast %broadcast_in_dim3A_43 : vector<1x128xf32> to vector<10000x128xf32>
    %mul3A_45 = arith.mulf %mul3A_44, %sub3A_35 : vector<10000x128xf32>
    %add3A_46 = arith.constant 9.99999974E-6 : f32
    %add3A_47 = vector.broadcast %add3A_46 : f32 to vector<1x128xf32>
    %add3A_48 = arith.addf %div3A_42, %add3A_47 : vector<1x128xf32>
    %rsqrt3A_49 = math.rsqrt %add3A_48 : vector<1x128xf32>
    %mul3A_50 = vector.broadcast %rsqrt3A_49 : vector<1x128xf32> to vector<10000x128xf32>
    %mul3A_51 = arith.mulf %mul3A_45, %mul3A_50 : vector<10000x128xf32>
    %broadcast_in_dim3A_52 = vector.shape_cast %get3A_25 : vector<128xf32> to vector<1x128xf32>
    %add3A_53 = vector.broadcast %broadcast_in_dim3A_52 : vector<1x128xf32> to vector<10000x128xf32>
    %add3A_54 = arith.addf %mul3A_51, %add3A_53 : vector<10000x128xf32>
    %get3A_55 = arith.constant 0 : index
    %get3A_56 = arith.constant 0 : index
    %get3A_57 = vector.load %arg5[%get3A_55, %get3A_56] : memref<128x128xf32, #tpu.memory_space<vmem>>, vector<128x128xf32>
    %dot_general3A = arith.constant dense<0.000000e+00> : vector<10000x128xf32>
    %dot_general3A_58 = tpu.matmul %add3A_54, %get3A_57, %dot_general3A {dimension_numbers = #tpu.dot_dimension_numbers<[1], [0], [0], [1], [0, 0, 1, 1], [], []>, transpose_lhs_hint = false} : vector<10000x128xf32>, vector<128x128xf32>, vector<10000x128xf32> -> vector<10000x128xf32>
    %slice3A = vector.extract_strided_slice %select_n3A {offsets = [0, 0], sizes = [10000, 1], strides = [1, 1]} : vector<10240x1xf32> to vector<10000x1xf32>
    %mul3A_59 = vector.broadcast %slice3A : vector<10000x1xf32> to vector<10000x128xf32>
    %mul3A_60 = arith.mulf %dot_general3A_58, %mul3A_59 : vector<10000x128xf32>
    %slice3A_61 = vector.extract_strided_slice %mul3A_60 {offsets = [0, 0], sizes = [10000, 64], strides = [1, 1]} : vector<10000x128xf32> to vector<10000x64xf32>
    %swap3A_62 = arith.constant 0 : index
    %swap3A_63 = arith.constant 0 : index
    %swap3A_64 = arith.constant 0 : index
    %swap3A_65 = vector.load %arg6[%swap3A_62, %swap3A_63, %swap3A_64] : memref<2x10240x64xf32, #tpu.memory_space<vmem>>, vector<1x10000x64xf32>
    %swap3A_66 = vector.shape_cast %swap3A_65 : vector<1x10000x64xf32> to vector<10000x64xf32>
    %swap3A_67 = vector.shape_cast %slice3A_61 : vector<10000x64xf32> to vector<1x10000x64xf32>
    tpu.vector_store %arg6[%swap3A_62, %swap3A_63, %swap3A_64], %swap3A_67 {strides = array<i32>} : memref<2x10240x64xf32, #tpu.memory_space<vmem>>, vector<1x10000x64xf32>,
    %slice3A_68 = vector.extract_strided_slice %mul3A_60 {offsets = [0, 64], sizes = [10000, 64], strides = [1, 1]} : vector<10000x128xf32> to vector<10000x64xf32>
    %swap3A_69 = arith.constant 1 : index
    %swap3A_70 = arith.constant 0 : index
    %swap3A_71 = arith.constant 0 : index
    %swap3A_72 = vector.load %arg6[%swap3A_69, %swap3A_70, %swap3A_71] : memref<2x10240x64xf32, #tpu.memory_space<vmem>>, vector<1x10000x64xf32>
    %swap3A_73 = vector.shape_cast %swap3A_72 : vector<1x10000x64xf32> to vector<10000x64xf32>
    %swap3A_74 = vector.shape_cast %slice3A_68 : vector<10000x64xf32> to vector<1x10000x64xf32>
    tpu.vector_store %arg6[%swap3A_69, %swap3A_70, %swap3A_71], %swap3A_74 {strides = array<i32>} : memref<2x10240x64xf32, #tpu.memory_space<vmem>>, vector<1x10000x64xf32>,
    %broadcast_in_dim3A_75 = arith.constant 0.000000e+00 : f32
    %broadcast_in_dim3A_76 = vector.broadcast %broadcast_in_dim3A_75 : f32 to vector<240x64xf32>
    %swap3A_77 = arith.constant 0 : index
    %swap3A_78 = arith.constant 10000 : index
    %swap3A_79 = arith.constant 0 : index
    %swap3A_80 = vector.load %arg6[%swap3A_77, %swap3A_78, %swap3A_79] : memref<2x10240x64xf32, #tpu.memory_space<vmem>>, vector<1x240x64xf32>
    %swap3A_81 = vector.shape_cast %swap3A_80 : vector<1x240x64xf32> to vector<240x64xf32>
    %swap3A_82 = vector.shape_cast %broadcast_in_dim3A_76 : vector<240x64xf32> to vector<1x240x64xf32>
    tpu.vector_store %arg6[%swap3A_77, %swap3A_78, %swap3A_79], %swap3A_82 {strides = array<i32>} : memref<2x10240x64xf32, #tpu.memory_space<vmem>>, vector<1x240x64xf32>,
    %swap3A_83 = arith.constant 1 : index
    %swap3A_84 = arith.constant 10000 : index
    %swap3A_85 = arith.constant 0 : index
    %swap3A_86 = vector.load %arg6[%swap3A_83, %swap3A_84, %swap3A_85] : memref<2x10240x64xf32, #tpu.memory_space<vmem>>, vector<1x240x64xf32>
    %swap3A_87 = vector.shape_cast %swap3A_86 : vector<1x240x64xf32> to vector<240x64xf32>
    %swap3A_88 = vector.shape_cast %broadcast_in_dim3A_76 : vector<240x64xf32> to vector<1x240x64xf32>
    tpu.vector_store %arg6[%swap3A_83, %swap3A_84, %swap3A_85], %swap3A_88 {strides = array<i32>} : memref<2x10240x64xf32, #tpu.memory_space<vmem>>, vector<1x240x64xf32>,
    return
  }
}

module attributes {stable_mosaic.version = 14 : i64} {
  func.func @_tc_mid_body(%arg0: memref<2x10240x64xf32, #tpu.memory_space<vmem>>, %arg1: memref<10240x1xf32, #tpu.memory_space<vmem>>, %arg2: memref<128xf32, #tpu.memory_space<vmem>>, %arg3: memref<128xf32, #tpu.memory_space<vmem>>, %arg4: memref<128xf32, #tpu.memory_space<vmem>>, %arg5: memref<128xf32, #tpu.memory_space<vmem>>, %arg6: memref<128x128xf32, #tpu.memory_space<vmem>>, %arg7: memref<2x10240x64xf32, #tpu.memory_space<vmem>>) attributes {dimension_semantics = [], scalar_prefetch = 0 : i64, scratch_operands = 0 : i64, tpu.core_type = #tpu.core_type<tc>} {
    %get3A = arith.constant 0 : index
    %get3A_0 = arith.constant 0 : index
    %get3A_1 = vector.load %arg1[%get3A, %get3A_0] : memref<10240x1xf32, #tpu.memory_space<vmem>>, vector<10000x1xf32>
    %get3A_2 = arith.constant 0 : index
    %get3A_3 = arith.constant 0 : index
    %get3A_4 = arith.constant 0 : index
    %get3A_5 = vector.load %arg0[%get3A_2, %get3A_3, %get3A_4] : memref<2x10240x64xf32, #tpu.memory_space<vmem>>, vector<1x10000x64xf32>
    %get3A_6 = vector.shape_cast %get3A_5 : vector<1x10000x64xf32> to vector<10000x64xf32>
    %get3A_7 = arith.constant 1 : index
    %get3A_8 = arith.constant 0 : index
    %get3A_9 = arith.constant 0 : index
    %get3A_10 = vector.load %arg0[%get3A_7, %get3A_8, %get3A_9] : memref<2x10240x64xf32, #tpu.memory_space<vmem>>, vector<1x10000x64xf32>
    %get3A_11 = vector.shape_cast %get3A_10 : vector<1x10000x64xf32> to vector<10000x64xf32>
    %concatenate3A = tpu.concatenate %get3A_6, %get3A_11 in 1 : vector<10000x64xf32>, vector<10000x64xf32> -> vector<10000x128xf32>
    %mul3A = vector.broadcast %get3A_1 : vector<10000x1xf32> to vector<10000x128xf32>
    %mul3A_12 = arith.mulf %concatenate3A, %mul3A : vector<10000x128xf32>
    %get3A_13 = arith.constant 0 : index
    %get3A_14 = vector.load %arg2[%get3A_13] : memref<128xf32, #tpu.memory_space<vmem>>, vector<128xf32>
    %broadcast_in_dim3A = vector.shape_cast %get3A_14 : vector<128xf32> to vector<1x128xf32>
    %add3A = vector.broadcast %broadcast_in_dim3A : vector<1x128xf32> to vector<10000x128xf32>
    %add3A_15 = arith.addf %mul3A_12, %add3A : vector<10000x128xf32>
    %ge3A = arith.constant 0.000000e+00 : f32
    %ge3A_16 = vector.broadcast %ge3A : f32 to vector<10000x128xf32>
    %ge3A_17 = arith.cmpf oge, %add3A_15, %ge3A_16 : vector<10000x128xf32>
    %mul3A_18 = arith.constant 0.00999999977 : f32
    %mul3A_19 = vector.broadcast %mul3A_18 : f32 to vector<10000x128xf32>
    %mul3A_20 = arith.mulf %mul3A_19, %add3A_15 : vector<10000x128xf32>
    %select_n3A = arith.select %ge3A_17, %add3A_15, %mul3A_20 : vector<10000x128xi1>, vector<10000x128xf32>
    %get3A_21 = arith.constant 0 : index
    %get3A_22 = vector.load %arg3[%get3A_21] : memref<128xf32, #tpu.memory_space<vmem>>, vector<128xf32>
    %get3A_23 = arith.constant 0 : index
    %get3A_24 = vector.load %arg4[%get3A_23] : memref<128xf32, #tpu.memory_space<vmem>>, vector<128xf32>
    %get3A_25 = arith.constant 0 : index
    %get3A_26 = vector.load %arg5[%get3A_25] : memref<128xf32, #tpu.memory_space<vmem>>, vector<128xf32>
    %reduce_sum3A = arith.constant dense<0.000000e+00> : vector<128xf32>
    %reduce_sum3A_27 = vector.multi_reduction <add>, %select_n3A, %reduce_sum3A [0] : vector<10000x128xf32> to vector<128xf32>
    %broadcast_in_dim3A_28 = vector.shape_cast %reduce_sum3A_27 : vector<128xf32> to vector<1x128xf32>
    %div3A = arith.constant 1.000000e+04 : f32
    %div3A_29 = vector.broadcast %div3A : f32 to vector<1x128xf32>
    %div3A_30 = arith.divf %broadcast_in_dim3A_28, %div3A_29 : vector<1x128xf32>
    %broadcast_in_dim3A_31 = vector.shape_cast %get3A_26 : vector<128xf32> to vector<1x128xf32>
    %mul3A_32 = arith.mulf %div3A_30, %broadcast_in_dim3A_31 : vector<1x128xf32>
    %sub3A = vector.broadcast %mul3A_32 : vector<1x128xf32> to vector<10000x128xf32>
    %sub3A_33 = arith.subf %select_n3A, %sub3A : vector<10000x128xf32>
    %mul3A_34 = arith.mulf %sub3A_33, %sub3A_33 : vector<10000x128xf32>
    %reduce_sum3A_35 = arith.constant dense<0.000000e+00> : vector<128xf32>
    %reduce_sum3A_36 = vector.multi_reduction <add>, %mul3A_34, %reduce_sum3A_35 [0] : vector<10000x128xf32> to vector<128xf32>
    %broadcast_in_dim3A_37 = vector.shape_cast %reduce_sum3A_36 : vector<128xf32> to vector<1x128xf32>
    %div3A_38 = arith.constant 1.000000e+04 : f32
    %div3A_39 = vector.broadcast %div3A_38 : f32 to vector<1x128xf32>
    %div3A_40 = arith.divf %broadcast_in_dim3A_37, %div3A_39 : vector<1x128xf32>
    %broadcast_in_dim3A_41 = vector.shape_cast %get3A_22 : vector<128xf32> to vector<1x128xf32>
    %mul3A_42 = vector.broadcast %broadcast_in_dim3A_41 : vector<1x128xf32> to vector<10000x128xf32>
    %mul3A_43 = arith.mulf %mul3A_42, %sub3A_33 : vector<10000x128xf32>
    %add3A_44 = arith.constant 9.99999974E-6 : f32
    %add3A_45 = vector.broadcast %add3A_44 : f32 to vector<1x128xf32>
    %add3A_46 = arith.addf %div3A_40, %add3A_45 : vector<1x128xf32>
    %rsqrt3A = math.rsqrt %add3A_46 : vector<1x128xf32>
    %mul3A_47 = vector.broadcast %rsqrt3A : vector<1x128xf32> to vector<10000x128xf32>
    %mul3A_48 = arith.mulf %mul3A_43, %mul3A_47 : vector<10000x128xf32>
    %broadcast_in_dim3A_49 = vector.shape_cast %get3A_24 : vector<128xf32> to vector<1x128xf32>
    %add3A_50 = vector.broadcast %broadcast_in_dim3A_49 : vector<1x128xf32> to vector<10000x128xf32>
    %add3A_51 = arith.addf %mul3A_48, %add3A_50 : vector<10000x128xf32>
    %get3A_52 = arith.constant 0 : index
    %get3A_53 = arith.constant 0 : index
    %get3A_54 = vector.load %arg6[%get3A_52, %get3A_53] : memref<128x128xf32, #tpu.memory_space<vmem>>, vector<128x128xf32>
    %dot_general3A = arith.constant dense<0.000000e+00> : vector<10000x128xf32>
    %dot_general3A_55 = tpu.matmul %add3A_51, %get3A_54, %dot_general3A {dimension_numbers = #tpu.dot_dimension_numbers<[1], [0], [0], [1], [0, 0, 1, 1], [], []>, transpose_lhs_hint = false} : vector<10000x128xf32>, vector<128x128xf32>, vector<10000x128xf32> -> vector<10000x128xf32>
    %mul3A_56 = vector.broadcast %get3A_1 : vector<10000x1xf32> to vector<10000x128xf32>
    %mul3A_57 = arith.mulf %dot_general3A_55, %mul3A_56 : vector<10000x128xf32>
    %slice3A = vector.extract_strided_slice %mul3A_57 {offsets = [0, 0], sizes = [10000, 64], strides = [1, 1]} : vector<10000x128xf32> to vector<10000x64xf32>
    %swap3A = arith.constant 0 : index
    %swap3A_58 = arith.constant 0 : index
    %swap3A_59 = arith.constant 0 : index
    %swap3A_60 = vector.load %arg7[%swap3A, %swap3A_58, %swap3A_59] : memref<2x10240x64xf32, #tpu.memory_space<vmem>>, vector<1x10000x64xf32>
    %swap3A_61 = vector.shape_cast %swap3A_60 : vector<1x10000x64xf32> to vector<10000x64xf32>
    %swap3A_62 = vector.shape_cast %slice3A : vector<10000x64xf32> to vector<1x10000x64xf32>
    tpu.vector_store %arg7[%swap3A, %swap3A_58, %swap3A_59], %swap3A_62 {strides = array<i32>} : memref<2x10240x64xf32, #tpu.memory_space<vmem>>, vector<1x10000x64xf32>,
    %slice3A_63 = vector.extract_strided_slice %mul3A_57 {offsets = [0, 64], sizes = [10000, 64], strides = [1, 1]} : vector<10000x128xf32> to vector<10000x64xf32>
    %swap3A_64 = arith.constant 1 : index
    %swap3A_65 = arith.constant 0 : index
    %swap3A_66 = arith.constant 0 : index
    %swap3A_67 = vector.load %arg7[%swap3A_64, %swap3A_65, %swap3A_66] : memref<2x10240x64xf32, #tpu.memory_space<vmem>>, vector<1x10000x64xf32>
    %swap3A_68 = vector.shape_cast %swap3A_67 : vector<1x10000x64xf32> to vector<10000x64xf32>
    %swap3A_69 = vector.shape_cast %slice3A_63 : vector<10000x64xf32> to vector<1x10000x64xf32>
    tpu.vector_store %arg7[%swap3A_64, %swap3A_65, %swap3A_66], %swap3A_69 {strides = array<i32>} : memref<2x10240x64xf32, #tpu.memory_space<vmem>>, vector<1x10000x64xf32>,
    %broadcast_in_dim3A_70 = arith.constant 0.000000e+00 : f32
    %broadcast_in_dim3A_71 = vector.broadcast %broadcast_in_dim3A_70 : f32 to vector<240x64xf32>
    %swap3A_72 = arith.constant 0 : index
    %swap3A_73 = arith.constant 10000 : index
    %swap3A_74 = arith.constant 0 : index
    %swap3A_75 = vector.load %arg7[%swap3A_72, %swap3A_73, %swap3A_74] : memref<2x10240x64xf32, #tpu.memory_space<vmem>>, vector<1x240x64xf32>
    %swap3A_76 = vector.shape_cast %swap3A_75 : vector<1x240x64xf32> to vector<240x64xf32>
    %swap3A_77 = vector.shape_cast %broadcast_in_dim3A_71 : vector<240x64xf32> to vector<1x240x64xf32>
    tpu.vector_store %arg7[%swap3A_72, %swap3A_73, %swap3A_74], %swap3A_77 {strides = array<i32>} : memref<2x10240x64xf32, #tpu.memory_space<vmem>>, vector<1x240x64xf32>,
    %swap3A_78 = arith.constant 1 : index
    %swap3A_79 = arith.constant 10000 : index
    %swap3A_80 = arith.constant 0 : index
    %swap3A_81 = vector.load %arg7[%swap3A_78, %swap3A_79, %swap3A_80] : memref<2x10240x64xf32, #tpu.memory_space<vmem>>, vector<1x240x64xf32>
    %swap3A_82 = vector.shape_cast %swap3A_81 : vector<1x240x64xf32> to vector<240x64xf32>
    %swap3A_83 = vector.shape_cast %broadcast_in_dim3A_71 : vector<240x64xf32> to vector<1x240x64xf32>
    tpu.vector_store %arg7[%swap3A_78, %swap3A_79, %swap3A_80], %swap3A_83 {strides = array<i32>} : memref<2x10240x64xf32, #tpu.memory_space<vmem>>, vector<1x240x64xf32>,
    return
  }
}

module attributes {stable_mosaic.version = 14 : i64} {
  func.func @_tc_final_body(%arg0: memref<2x10240x64xf32, #tpu.memory_space<vmem>>, %arg1: memref<10240x1xf32, #tpu.memory_space<vmem>>, %arg2: memref<128xf32, #tpu.memory_space<vmem>>, %arg3: memref<10000x128xf32, #tpu.memory_space<vmem>>) attributes {dimension_semantics = [], scalar_prefetch = 0 : i64, scratch_operands = 0 : i64, tpu.core_type = #tpu.core_type<tc>} {
    %get3A = arith.constant 0 : index
    %get3A_0 = arith.constant 0 : index
    %get3A_1 = vector.load %arg1[%get3A, %get3A_0] : memref<10240x1xf32, #tpu.memory_space<vmem>>, vector<10000x1xf32>
    %get3A_2 = arith.constant 0 : index
    %get3A_3 = arith.constant 0 : index
    %get3A_4 = arith.constant 0 : index
    %get3A_5 = vector.load %arg0[%get3A_2, %get3A_3, %get3A_4] : memref<2x10240x64xf32, #tpu.memory_space<vmem>>, vector<1x10000x64xf32>
    %get3A_6 = vector.shape_cast %get3A_5 : vector<1x10000x64xf32> to vector<10000x64xf32>
    %get3A_7 = arith.constant 1 : index
    %get3A_8 = arith.constant 0 : index
    %get3A_9 = arith.constant 0 : index
    %get3A_10 = vector.load %arg0[%get3A_7, %get3A_8, %get3A_9] : memref<2x10240x64xf32, #tpu.memory_space<vmem>>, vector<1x10000x64xf32>
    %get3A_11 = vector.shape_cast %get3A_10 : vector<1x10000x64xf32> to vector<10000x64xf32>
    %concatenate3A = tpu.concatenate %get3A_6, %get3A_11 in 1 : vector<10000x64xf32>, vector<10000x64xf32> -> vector<10000x128xf32>
    %mul3A = vector.broadcast %get3A_1 : vector<10000x1xf32> to vector<10000x128xf32>
    %mul3A_12 = arith.mulf %concatenate3A, %mul3A : vector<10000x128xf32>
    %get3A_13 = arith.constant 0 : index
    %get3A_14 = vector.load %arg2[%get3A_13] : memref<128xf32, #tpu.memory_space<vmem>>, vector<128xf32>
    %broadcast_in_dim3A = vector.shape_cast %get3A_14 : vector<128xf32> to vector<1x128xf32>
    %add3A = vector.broadcast %broadcast_in_dim3A : vector<1x128xf32> to vector<10000x128xf32>
    %add3A_15 = arith.addf %mul3A_12, %add3A : vector<10000x128xf32>
    %swap3A = arith.constant 0 : index
    %swap3A_16 = arith.constant 0 : index
    %swap3A_17 = vector.load %arg3[%swap3A, %swap3A_16] : memref<10000x128xf32, #tpu.memory_space<vmem>>, vector<10000x128xf32>
    tpu.vector_store %arg3[%swap3A, %swap3A_16], %add3A_15 {strides = array<i32>} : memref<10000x128xf32, #tpu.memory_space<vmem>>, vector<10000x128xf32>,
    return
  }
}

</mosaic_0001>

<sc_bundles>
// kernel: kernel.12.cloned.1.call-start
scs
__scs_entry_jumppad:
0x0: {  	(pc) =	sbr.rel $0x88, $3  }
0x1: {  	(tag) =	ssettag $0x0;
	lr =	simm.s32 $0x1  }
0x2: {  	[smem:$0x3F9A] =	sst lr;
	_ =	strace $0xD0000000  }
0x3: {  	_ = 	snop  }
0x4: {  	_ = 	snop  }
0x5: {  	_ = 	snop  }
0x6: {  	_ = 	snop  }
0x7: {  	_ = 	snop  }
__scs_overlays_trampoline_lowered:
0x8: {  	[smem:$0x3FA9] =	sst s0  }
0x9: {  	[smem:$0x3FAA] =	sst s1  }
0xa: {  	[smem:$0x3FAB] =	sst s2  }
0xb: {  	[smem:$0x3FAC] =	sst s3  }
0xc: {  	[smem:$0x3FAD] =	sst s4  }
0xd: {  	[smem:$0x3FAE] =	sst s5  }
0xe: {  	[smem:$0x3FAF] =	sst s6  }
0xf: {  	[smem:$0x3FB0] =	sst s7  }
0x10: {  	[smem:$0x3FB1] =	sst s8  }
0x11: {  	[smem:$0x3FB2] =	sst s9;
	s0 =	simm.s32 @!p0 $0x0  }
0x12: {  	s1 =	sld [smem:$0x3F98];
	s0 =	simm.s32 @p0 $0x1  }
0x13: {  	[smem:$0x3FB3] =	sst s0;
	s0 =	simm.s32 @!p1 $0x0  }
0x14: {  	s2 =	sld [smem:$0x3F97];
	s0 =	simm.s32 @p1 $0x1  }
0x15: {  	[smem:$0x3FB4] =	sst s0;
	s0 =	simm.s32 @!p2 $0x0  }
0x16: {  	s3 =	sld [smem:$0x3FDB];
	s0 =	simm.s32 @p2 $0x1  }
0x17: {  	s4 =	simm.s32 $0x1BF5;
	[smem:$0x3FB6] =	sst s0  }
0x18: {  	s0 =	sld [smem:$0x3F99];
	_ =	swait.ge [sflag:s4], $0x0  }
0x19: {  	s7 =	sld [smem:$0x3F9A]  }
0x1a: {  	s8 =	sadd.s32 $0xFFFFE003, lr  }
0x1b: {  	s9 =	sadd.s32 $0xFFFFFEF7, lr;
	s5 =	simm.s32 $0xFFFFFFFF;
	p2 =	slt.u32 s8, $0xFFFFF086  }
0x1c: {  	p1 =	slt.u32 s9, $0xF7A;
	s5 =	simm.s32 @!p2 $0x0  }
0x1d: {  	s5 =	simm.s32 @p1 $0x1;
	p0 =	seq.s32 s7, s2  }
0x1e: {  	s7 =	smul.u32 @!p0 $0xF7A, s2;
	p2 =	seq.s32 @!p0 s5, $0x0  }
0x1f: {  	s9 =	smul.u32 $0xF7A, s1;
	s8 =	simm.s32 @!p0 $0x1BF5;
	p2 =	por !p2, p0  }
0x20: {  	[sflag:s8] =	ssyncset.s32 @!p0 $0xFFFFF086;
	s6 =	sadd.s32 @!p0 s3, s7;
	s7 =	simm.s32 @!p0 $0x108  }
0x21: {  	s3 =	sadd.s32 s3, s9;
	s6 =	sadd.s32 @!p0 $0x88, s6;
	s7 =	simm.s32 @p2 $0x1082  }
0x22: {  	[simem:s7], [sflag:s8] =	dma.local @!p0 [hbm:s6], $0xF7A  }
0x23: {  	s9 =	sor.u32 $0xD0000000, s2;
	s6 =	simm.s32 $0x108;
	_ =	swait.ge @!p0 [sflag:s8], $0x0  }
0x24: {  	s3 =	sadd.s32 $0x88, s3;
	s6 =	simm.s32 @!p1 $0x1082;
	[sflag:s4] =	ssyncset.s32 $0xFFFFF086  }
0x25: {  	[simem:s6], [sflag:s4] =	dma.local [hbm:s3], $0xF7A  }
0x26: {  	[smem:$0x3F9A] =	sst s1;
	(tag) =	ssettag s2;
	_ =	strace s9  }
0x27: {  	s1 =	sld [smem:$0x3FAA]  }
0x28: {  	s2 =	sld [smem:$0x3FAB]  }
0x29: {  	s4 =	sld [smem:$0x3FAD]  }
0x2a: {  	p0 =	seq.s32 s5, $0x0;
	s5 =	sld [smem:$0x3FAE]  }
0x2b: {  	s6 =	sld [smem:$0x3FAF]  }
0x2c: {  	s7 =	sld [smem:$0x3FB0]  }
0x2d: {  	s3 =	simm.s32 $0x108;
	s8 =	sld [smem:$0x3FB1]  }
0x2e: {  	s3 =	simm.s32 @!p0 $0x1082;
	s9 =	sld [smem:$0x3FB2]  }
0x2f: {  	lr =	sadd.s32 s0, s3;
	s0 =	sld [smem:$0x3FA9]  }
0x30: {  	s3 =	sld [smem:$0x3FAC]  }
0x31: {  	[smem:$0x3FB5] =	sst s10  }
0x32: {  	s10 =	sld [smem:$0x3FB3];
	_ =	sdelay $0x3  }
0x33: {  	p0 =	seq.s32 s10, $0x1;
	s10 =	sld [smem:$0x3FB5];
	_ =	sdelay $0x3  }
0x34: {  	[smem:$0x3FB5] =	sst s10  }
0x35: {  	s10 =	sld [smem:$0x3FB4];
	_ =	sdelay $0x3  }
0x36: {  	p1 =	seq.s32 s10, $0x1;
	s10 =	sld [smem:$0x3FB5];
	_ =	sdelay $0x3  }
0x37: {  	[smem:$0x3FB5] =	sst s10  }
0x38: {  	s10 =	sld [smem:$0x3FB6]  }
0x39: {  	_ = 	snop;
	(pc) =	sbr.ind lr, $3  }
0x3a: {  	_ = 	snop  }
0x3b: {  	_ = 	snop  }
0x3c: {  	p2 =	seq.s32 s10, $0x1;
	s10 =	sld [smem:$0x3FB5]  }
0x3d: {  	_ =	shalt  }
0x3e: {  	_ =	shalt  }
0x3f: {  	_ =	shalt  }
0x40: {  	_ =	shalt  }
0x41: {  	_ =	shalt  }
0x42: {  	_ =	shalt  }
0x43: {  	_ =	shalt  }
0x44: {  	_ =	shalt  }
0x45: {  	_ =	shalt  }
0x46: {  	_ =	shalt  }
0x47: {  	_ =	shalt  }
0x48: {  	_ =	shalt  }
0x49: {  	_ =	shalt  }
0x4a: {  	_ =	shalt  }
0x4b: {  	_ =	shalt  }
0x4c: {  	_ =	shalt  }
0x4d: {  	_ =	shalt  }
0x4e: {  	_ =	shalt  }
0x4f: {  	_ =	shalt  }
0x50: {  	_ =	shalt  }
0x51: {  	_ =	shalt  }
0x52: {  	_ =	shalt  }
0x53: {  	_ =	shalt  }
0x54: {  	_ =	shalt  }
0x55: {  	_ =	shalt  }
0x56: {  	_ =	shalt  }
0x57: {  	_ =	shalt  }
0x58: {  	_ =	shalt  }
0x59: {  	_ =	shalt  }
0x5a: {  	_ =	shalt  }
0x5b: {  	_ =	shalt  }
0x5c: {  	_ =	shalt  }
0x5d: {  	_ =	shalt  }
0x5e: {  	_ =	shalt  }
0x5f: {  	_ =	shalt  }
0x60: {  	_ =	shalt  }
0x61: {  	_ =	shalt  }
0x62: {  	_ =	shalt  }
0x63: {  	_ =	shalt  }
0x64: {  	_ =	shalt  }
0x65: {  	_ =	shalt  }
0x66: {  	_ =	shalt  }
0x67: {  	_ =	shalt  }
0x68: {  	_ =	shalt  }
0x69: {  	_ =	shalt  }
0x6a: {  	_ =	shalt  }
0x6b: {  	_ =	shalt  }
0x6c: {  	_ =	shalt  }
0x6d: {  	_ =	shalt  }
0x6e: {  	_ =	shalt  }
0x6f: {  	_ =	shalt  }
0x70: {  	_ =	shalt  }
0x71: {  	_ =	shalt  }
0x72: {  	_ =	shalt  }
0x73: {  	_ =	shalt  }
0x74: {  	_ =	shalt  }
0x75: {  	_ =	shalt  }
0x76: {  	_ =	shalt  }
0x77: {  	_ =	shalt  }
0x78: {  	_ =	shalt  }
0x79: {  	_ =	shalt  }
0x7a: {  	_ =	shalt  }
0x7b: {  	_ =	shalt  }
0x7c: {  	_ =	shalt  }
0x7d: {  	_ =	shalt  }
0x7e: {  	_ =	shalt  }
0x7f: {  	_ =	shalt  }
0x80: {  	_ =	shalt  }
0x81: {  	_ =	shalt  }
0x82: {  	_ =	shalt  }
0x83: {  	_ =	shalt  }
0x84: {  	_ =	shalt  }
0x85: {  	_ =	shalt  }
0x86: {  	_ =	shalt  }
0x87: {  	_ =	shalt  }
.Lfunc_end0:
.L_simem_size_0:
called_computation_lowered:
.L_overlay_start_0:
0x88: {  	s2 =	sld [smem:$0x3FD9]  }
0x89: {  	s3 =	sld [smem:$0x3FFE];
	_ =	sdelay $0x1  }
0x8a: {  	s1 =	srdreg.scid  }
0x8b: {  	s0 =	sand.u32 $0x1, s1  }
0x8c: {  	s17 =	sshll.u32 s0, $0xA;
	s2 =	sadd.s32 s3, s2  }
0x8d: {  	s2 =	sadd.s32 s2, s17  }
0x8e: {  	[smem:$0x3FC1] =	sst s2  }
0x8f: {  	_ = 	snop  }
0x90: {  	s2 =	sld [smem:$0x3FD0];
	(tm) =	ssettm $0x1  }
0x91: {  	s18 =	sld [smem:$0x3FFB];
	_ =	sdelay $0x3  }
0x92: {  	_ =	strace s18  }
0x93: {  	s3 =	sld [smem:$0x3FFC];
	_ =	sdelay $0x3  }
0x94: {  	_ =	strace s3  }
0x95: {  	s3 =	sld [smem:$0x3FFD];
	_ =	sdelay $0x3  }
0x96: {  	_ =	strace s3  }
0x97: {  	_ =	strace $0x8FFFFFFF  }
0x98: {  	s19 =	sld [smem:$0x3FDB];
	_ =	sdelay $0x1  }
0x99: {  	s4 =	simm.s32 $_scs_section_size  }
0x9a: {  	s5 =	simm.s32 $_size__tile_overlayer_lowered;
	s6 =	simm.s32 $_tile_overlayer_lowered  }
0x9b: {  	s22 =	simm.s32 $0x1BFF;
	s21 =	sshll.u32 s6, $0x1;
	s3 =	sadd.s32 s4, s19  }
0x9c: {  	s7 =	simm.s32 $0x0;
	s20 =	sshll.u32 s5, $0x1;
	s5 =	sadd.s32 s21, s3  }
0x9d: {  	[timem:s7], [sflag:s22] =	dma.local [hbm:s5], s20  }
0x9e: {  	_ =	swait.ge [sflag:s22], s20  }
0x9f: {  	s4 =	ssub.s32 $0x0, s20;
	[sflag:s22] =	ssyncset.done $0x0  }
0xa0: {  	[sflag:s22] =	ssyncadd.s32 s4;
	_ =	sdelay $0x1  }
0xa1: {  	s23 =	simm.s32 $0x1B8B  }
0xa2: {  	_ =	swait.ge [sflag:s23], $0x1  }
0xa3: {  	[sflag:s23] =	ssyncset.done $0x0  }
0xa4: {  	s25 =	simm.s32 $0x1B8E;
	s24 =	sld [smem:$0x3FFE];
	[sflag:s23] =	ssyncadd.s32 $0xFFFFFFFF  }
0xa5: {  	s26 =	simm.s32 $execute0_lowered;
	[smem:$0x3FD2] =	sst s25  }
0xa6: {  	s5 =	sshll.u32 s26, $0x1;
	_ =	strace $0x80000046;
	[dreg:$0x1] =	wrdreg $0xFFFFFFFF  }
0xa7: {  	s28 =	simm.s32 $_size_execute0_lowered;
	s3 =	sadd.s32 s3, s5;
	[dreg:$0x0] =	wrdreg $0x0  }
0xa8: {  	s5 =	sshll.u32 s28, $0x1;
	[dreg:$0x2] =	wrdreg s3  }
0xa9: {  	[dreg:$0x3] =	wrdreg s5  }
0xaa: {  	[dreg:$0x4] =	wrdreg $0xC0  }
0xab: {  	_ =	task [dreg:s7], $0x5FFFF  }
0xac: {  	[dreg:$0x1] =	wrdreg $0xFFFFFFFF  }
0xad: {  	[dreg:$0x0] =	wrdreg $0x60  }
0xae: {  	[dreg:$0x2] =	wrdreg s2  }
0xaf: {  	[dreg:$0x3] =	wrdreg s24  }
0xb0: {  	[dreg:$0x4] =	wrdreg $0x59000  }
0xb1: {  	[dreg:$0x5] =	wrdreg $0x9  }
0xb2: {  	_ =	task.clear_ibuf [dreg:s7], $0x6FFFF;
	_ =	strace $0x90000046  }
0xb3: {  	s29 =	simm.s32 $0x9;
	_ =	strace $0x80000048  }
0xb4: {  	_ =	swait.ge [sflag:s29], $0x1  }
0xb5: {  	[sflag:s29] =	ssyncadd.s32 $0xFFFFFFFF  }
0xb6: {  	_ =	strace $0x90000048  }
0xb7: {  	_ =	sfence  }
0xb8: {  	s30 =	sld [smem:$0x0];
	_ =	sdelay $0x2  }
0xb9: {  	s31 =	sshll.u32 s1, $0xD;
	s1 =	sshrl.u32 s1, $0x2  }
0xba: {  	s3 =	sand.u32 $0x4000, s31;
	s1 =	sadd.s32 s1, s30  }
0xbb: {  	s0 =	sor.u32 s3, s0;
	s1 =	sshll.u32 s1, $0x11  }
0xbc: {  	s0 =	sor.u32 s1, s0  }
0xbd: {  	s0 =	sadd.s32 $0x8F2B, s0  }
0xbe: {  	[sflag:s0] =	ssyncadd.remote.s32 $0x1  }
0xbf: {  	_ =	sfence.sel $0xFFFF  }
0xc0: {  	[dreg:$0x0] =	wrdreg $0xFFFFFFFF;
	(pc) =	sbr.abs _section_cstart, $3  }
0xc1: {  	[dreg:$0x1] =	wrdreg $0xFFFFFFFF  }
0xc2: {  	_ =	task.clear_ibuf [dreg:s7], $0x2FFFF;
	_ =	strace $0x9FFFFFFF  }
0xc3: {  	(tm) =	ssettm $0x7FFFFFFF  }
tec
execute0_lowered:
.L_overlay_start_1:
0x0: {  	(tag) =	ssettag $0x1  }
0x1: {  	s4 =	rddreg [dreg:$0x0];
	s1 =	srdreg.scid  }
0x2: {  	s0 =	stileid.u32;
	s5 =	rddreg [dreg:$0x1]  }
0x3: {  	s2 =	rddreg [dreg:$0x2];
	s3 =	simm.s32 $0x0;
	s14 =	simm.s32 $0x2  }
0x4: {  	s15 =	simm.s32 $0x1;
	s16 =	simm.s32 $0x80;
	s6 =	smul.u32 $0x2800, s0  }
0x5: {  	s9 =	sand.u32 $0x1, s1;
	s1 =	rddreg [dreg:$0x3];
	s8 =	smul.u32 $0xA000, s0  }
0x6: {  	s19 =	simm.s32 $0x0;
	[smem:$0x7FF] =	sst s3;
	s12 =	smul.u32 $0xA20, s0  }
0x7: {  	s17 =	sshll.u32 s0, $0x6;
	s7 =	smul.u32 $0x28000, s9;
	_ =	strace $0x80000047  }
0x8: {  	s10 =	ssub.s32 $0x2, s9;
	s31 =	smul.u32 $0xA200, s9;
	s17 =	sor.u32 $0x1C02, s17  }
0x9: {  	s11 =	sshrl.u32 s10, $0x1;
	s8 =	sshrl.u32 s8, $0x2;
	s4 =	sadd.s32 s4, s12  }
0xa: {  	s7 =	sadd.s32 s6, s7;
	s11 =	ssub.s32 s10, s11;
	s30 =	sadd.s32 s8, s2  }
0xb: {  	s12 =	sshrl.u32 s31, $0x2;
	s7 =	sshrl.u32 s7, $0x3;
	s8 =	sadd.s32 $0x1800, s30  }
0xc: {  	s9 =	sadd.s32 $0x2000, s30;
	s11 =	smax.u32 s11, $0x1;
	s13 =	sadd.s32 s7, s5  }
0xd: {  	s5 =	sadd.s32 s6, s2;
	s6 =	sadd.s32 $0x800, s30;
	s7 =	sadd.s32 $0x1000, s30  }
0xe: {  	v0 =	vimm.f32 $0.0e+00;
	v1 =	vimm.f32 $1.000000000e+00;
	s10 =	sadd.s32 $0x2600, s13;
	s13 =	simm.s32 $0x5100;
	s18 =	sshrl.u32 s5, $0x3  }
.LBB2_1:
0xf: {  	[tilespmem:s3], [sflag:$0x1] =	stream.linear.gather [hbm4b:s4+s3], $0x5100, $0x38;
	[tilespmem:$0x8100] =	vst v63  }
0x10: {  	s20 =	simm.s32 $0x40;
	s21 =	simm.s32 $0x0  }
.LBB2_2:
0x11: {  	p0 =	sne.s32 s20, $0x1FC0;
	[tilespmem:s21+$0x5100] =	vst v0;
	s21 =	smov.u32 s20;
	s20 =	sadd.s32 $0x40, s20  }
.Ltmp0:
0x12: {  	(pc) =	sbr.rel @p0 .LBB2_2-.Ltmp0, $2  }
0x13: {  	_ =	sdelay $0x2  }
0x14: {  	s21 =	sshra.s32 s21, $0x2  }
0x15: {  	[tilespmem:s21+$0x5100] =	vst v0  }
0x16: {  	[spmem:s5] =	stream.linear.scatter [tilespmem:s13], [sflag:$0x2], $0x800, $0x38;
	[tilespmem:$0x8100] =	vst v63  }
0x17: {  	_ =	swait.ge [sflag:s14], $0x800  }
0x18: {  	[sflag:s14] =	ssyncset.done $0x0  }
0x19: {  	[sflag:s14] =	ssyncadd.s32 $0xFFFFF800  }
0x1a: {  	[spmem:s6] =	stream.linear.scatter [tilespmem:s13], [sflag:$0x2], $0x800, $0x38;
	[tilespmem:$0x8100] =	vst v63  }
0x1b: {  	_ =	swait.ge [sflag:s14], $0x800  }
0x1c: {  	[sflag:s14] =	ssyncset.done $0x0  }
0x1d: {  	[sflag:s14] =	ssyncadd.s32 $0xFFFFF800  }
0x1e: {  	[spmem:s7] =	stream.linear.scatter [tilespmem:s13], [sflag:$0x2], $0x800, $0x38;
	[tilespmem:$0x8100] =	vst v63  }
0x1f: {  	_ =	swait.ge [sflag:s14], $0x800  }
0x20: {  	[sflag:s14] =	ssyncset.done $0x0  }
0x21: {  	[sflag:s14] =	ssyncadd.s32 $0xFFFFF800  }
0x22: {  	[spmem:s8] =	stream.linear.scatter [tilespmem:s13], [sflag:$0x2], $0x800, $0x38;
	[tilespmem:$0x8100] =	vst v63  }
0x23: {  	_ =	swait.ge [sflag:s14], $0x800  }
0x24: {  	[sflag:s14] =	ssyncset.done $0x0  }
0x25: {  	[sflag:s14] =	ssyncadd.s32 $0xFFFFF800  }
0x26: {  	[spmem:s9] =	stream.linear.scatter [tilespmem:s13], [sflag:$0x2], $0x800, $0x38;
	[tilespmem:$0x8100] =	vst v63  }
0x27: {  	_ =	swait.ge [sflag:s14], $0x800  }
0x28: {  	[sflag:s14] =	ssyncset.done $0x0  }
0x29: {  	s20 =	simm.s32 $0x40;
	s21 =	simm.s32 $0x0;
	[sflag:s14] =	ssyncadd.s32 $0xFFFFF800  }
.LBB2_4:
0x2a: {  	p0 =	sne.s32 s20, $0x1FC0;
	[tilespmem:s21+$0x5100] =	vst v1;
	s21 =	smov.u32 s20;
	s20 =	sadd.s32 $0x40, s20  }
.Ltmp1:
0x2b: {  	(pc) =	sbr.rel @p0 .LBB2_4-.Ltmp1, $2  }
0x2c: {  	_ =	sdelay $0x2  }
0x2d: {  	s21 =	sshra.s32 s21, $0x2  }
0x2e: {  	[tilespmem:s21+$0x5100] =	vst v1  }
0x2f: {  	_ =	swait.ge [sflag:s15], $0x5100  }
0x30: {  	[sflag:s15] =	ssyncset.done $0x0  }
0x31: {  	[sflag:s15] =	ssyncadd.s32 $0xFFFFAF00  }
0x32: {  	s20 =	sadd.s32 $0x0, s12;
	[bflag:$0x0] =	sbarrier.arrive $0xFFFF  }
0x33: {  	[spmem:s2] =	stream.indirect.scatter.add.f32 [tilespmem:s13], [sflag:$0x2], $0x10, s20, s16, $0xb8;
	[tilespmem:$0x8100] =	vst v63  }
0x34: {  	s20 =	simm.s32 $0x200;
	_ =	swait.ge [sflag:s14], $0x800  }
.LBB2_6:
0x35: {  	s21 =	sshra.s32 s20, $0x2;
	[sflag:s14] =	ssyncset.done $0x0;
	p0 =	sne.s32 s20, $0xA000  }
.Ltmp2:
0x36: {  	s21 =	sadd.s32 s21, s12;
	[sflag:s14] =	ssyncadd.s32 $0xFFFFF800;
	(pc) =	sbr.rel @p0 .LBB2_6-.Ltmp2, $3  }
0x37: {  	[spmem:s2] =	stream.indirect.scatter.add.f32 [tilespmem:s13], [sflag:$0x2], $0x10, s21, s16, $0xb8;
	[tilespmem:$0x8100] =	vst v63  }
0x38: {  	s20 =	sadd.s32 $0x200, s20;
	_ =	sdelay $0x1  }
0x39: {  	_ =	swait.ge [sflag:s14], $0x800  }
0x3a: {  	[sflag:s14] =	ssyncset.done $0x0;
	s19 =	sadd.s32 $0x1, s19  }
0x3b: {  	[sflag:s14] =	ssyncadd.s32 $0xFFFFF800;
	p0 =	sne.s32 s19, s11  }
.Ltmp3:
0x3c: {  	[bflag:$0x0] =	sbarrier.arrive $0xFFFF;
	(pc) =	sbr.rel @p0 .LBB2_1-.Ltmp3, $4  }
0x3d: {  	[hbm:s10], [sflag:s17] =	dma.local [spmem:s18], $0x500  }
0x3e: {  	_ =	swait.ge [sflag:s14], $0x500  }
0x3f: {  	[sflag:s14] =	ssyncset.done $0x0  }
0x40: {  	[sflag:s14] =	ssyncadd.s32 $0xFFFFFB00  }
0x41: {  	_ =	sfence.sel $0x180000  }
0x42: {  	[bflag:$0x0] =	sbarrier.arrive $0xFFFF  }
0x43: {  	p0 =	sne.s32 s0, $0x0;
	_ =	strace $0x90000047  }
0x44: {  	s0 =	sadd.s32 @!p0 $0x100000, s1;
	[bflag:$0x2] =	sbarrier.arrive $0xFFFF  }
0x45: {  	[sflag:s0] =	ssyncadd.tile.s32 @!p0 $0x1;
	_ =	shalt  }
.Lfunc_end2:
_tile_overlayer_lowered:
.L_overlay_start_2:
0x46: {  	(tag) =	ssettag $0x2  }
0x47: {  	s0 =	rddreg [dreg:$0x0];
	s2 =	stileid.u32  }
0x48: {  	s1 =	rddreg [dreg:$0x1];
	p0 =	sne.s32 s2, $0x0  }
0x49: {  	s3 =	rddreg [dreg:$0x2];
	[bflag:$0x3] =	sbarrier.arrive $0xFFFF;
	s2 =	simm.s32 @!p0 $0x1C02  }
0x4a: {  	[timem:s3], [sflag:s2] =	dma.local @!p0 [hbm:s0], s1  }
0x4b: {  	s0 =	simm.s32 @!p0 $0x2  }
0x4c: {  	_ =	swait.ge @!p0 [sflag:s0], s1  }
0x4d: {  	s1 =	ssub.s32 @!p0 $0x0, s1;
	[sflag:s0] =	ssyncset.done @!p0 $0x0  }
0x4e: {  	[sflag:s0] =	ssyncadd.s32 @!p0 s1  }
0x4f: {  	[bflag:$0x3] =	sbarrier.arrive $0xFFFF  }
0x50: {  	_ =	shalt  }

// kernel: kernel.15.cloned.1.call-start
scs
__scs_entry_jumppad:
0x0: {  	(pc) =	sbr.rel $0x88, $3  }
0x1: {  	(tag) =	ssettag $0x0;
	lr =	simm.s32 $0x1  }
0x2: {  	[smem:$0x3F9A] =	sst lr;
	_ =	strace $0xD0000000  }
0x3: {  	_ = 	snop  }
0x4: {  	_ = 	snop  }
0x5: {  	_ = 	snop  }
0x6: {  	_ = 	snop  }
0x7: {  	_ = 	snop  }
__scs_overlays_trampoline_lowered:
0x8: {  	[smem:$0x3FA9] =	sst s0  }
0x9: {  	[smem:$0x3FAA] =	sst s1  }
0xa: {  	[smem:$0x3FAB] =	sst s2  }
0xb: {  	[smem:$0x3FAC] =	sst s3  }
0xc: {  	[smem:$0x3FAD] =	sst s4  }
0xd: {  	[smem:$0x3FAE] =	sst s5  }
0xe: {  	[smem:$0x3FAF] =	sst s6  }
0xf: {  	[smem:$0x3FB0] =	sst s7  }
0x10: {  	[smem:$0x3FB1] =	sst s8  }
0x11: {  	[smem:$0x3FB2] =	sst s9;
	s0 =	simm.s32 @!p0 $0x0  }
0x12: {  	s1 =	sld [smem:$0x3F98];
	s0 =	simm.s32 @p0 $0x1  }
0x13: {  	[smem:$0x3FB3] =	sst s0;
	s0 =	simm.s32 @!p1 $0x0  }
0x14: {  	s2 =	sld [smem:$0x3F97];
	s0 =	simm.s32 @p1 $0x1  }
0x15: {  	[smem:$0x3FB4] =	sst s0;
	s0 =	simm.s32 @!p2 $0x0  }
0x16: {  	s3 =	sld [smem:$0x3FDB];
	s0 =	simm.s32 @p2 $0x1  }
0x17: {  	s4 =	simm.s32 $0x1BF5;
	[smem:$0x3FB6] =	sst s0  }
0x18: {  	s0 =	sld [smem:$0x3F99];
	_ =	swait.ge [sflag:s4], $0x0  }
0x19: {  	s7 =	sld [smem:$0x3F9A]  }
0x1a: {  	s8 =	sadd.s32 $0xFFFFE003, lr  }
0x1b: {  	s9 =	sadd.s32 $0xFFFFFEF7, lr;
	s5 =	simm.s32 $0xFFFFFFFF;
	p2 =	slt.u32 s8, $0xFFFFF086  }
0x1c: {  	p1 =	slt.u32 s9, $0xF7A;
	s5 =	simm.s32 @!p2 $0x0  }
0x1d: {  	s5 =	simm.s32 @p1 $0x1;
	p0 =	seq.s32 s7, s2  }
0x1e: {  	s7 =	smul.u32 @!p0 $0xF7A, s2;
	p2 =	seq.s32 @!p0 s5, $0x0  }
0x1f: {  	s9 =	smul.u32 $0xF7A, s1;
	s8 =	simm.s32 @!p0 $0x1BF5;
	p2 =	por !p2, p0  }
0x20: {  	[sflag:s8] =	ssyncset.s32 @!p0 $0xFFFFF086;
	s6 =	sadd.s32 @!p0 s3, s7;
	s7 =	simm.s32 @!p0 $0x108  }
0x21: {  	s3 =	sadd.s32 s3, s9;
	s6 =	sadd.s32 @!p0 $0x88, s6;
	s7 =	simm.s32 @p2 $0x1082  }
0x22: {  	[simem:s7], [sflag:s8] =	dma.local @!p0 [hbm:s6], $0xF7A  }
0x23: {  	s9 =	sor.u32 $0xD0000000, s2;
	s6 =	simm.s32 $0x108;
	_ =	swait.ge @!p0 [sflag:s8], $0x0  }
0x24: {  	s3 =	sadd.s32 $0x88, s3;
	s6 =	simm.s32 @!p1 $0x1082;
	[sflag:s4] =	ssyncset.s32 $0xFFFFF086  }
0x25: {  	[simem:s6], [sflag:s4] =	dma.local [hbm:s3], $0xF7A  }
0x26: {  	[smem:$0x3F9A] =	sst s1;
	(tag) =	ssettag s2;
	_ =	strace s9  }
0x27: {  	s1 =	sld [smem:$0x3FAA]  }
0x28: {  	s2 =	sld [smem:$0x3FAB]  }
0x29: {  	s4 =	sld [smem:$0x3FAD]  }
0x2a: {  	p0 =	seq.s32 s5, $0x0;
	s5 =	sld [smem:$0x3FAE]  }
0x2b: {  	s6 =	sld [smem:$0x3FAF]  }
0x2c: {  	s7 =	sld [smem:$0x3FB0]  }
0x2d: {  	s3 =	simm.s32 $0x108;
	s8 =	sld [smem:$0x3FB1]  }
0x2e: {  	s3 =	simm.s32 @!p0 $0x1082;
	s9 =	sld [smem:$0x3FB2]  }
0x2f: {  	lr =	sadd.s32 s0, s3;
	s0 =	sld [smem:$0x3FA9]  }
0x30: {  	s3 =	sld [smem:$0x3FAC]  }
0x31: {  	[smem:$0x3FB5] =	sst s10  }
0x32: {  	s10 =	sld [smem:$0x3FB3];
	_ =	sdelay $0x3  }
0x33: {  	p0 =	seq.s32 s10, $0x1;
	s10 =	sld [smem:$0x3FB5];
	_ =	sdelay $0x3  }
0x34: {  	[smem:$0x3FB5] =	sst s10  }
0x35: {  	s10 =	sld [smem:$0x3FB4];
	_ =	sdelay $0x3  }
0x36: {  	p1 =	seq.s32 s10, $0x1;
	s10 =	sld [smem:$0x3FB5];
	_ =	sdelay $0x3  }
0x37: {  	[smem:$0x3FB5] =	sst s10  }
0x38: {  	s10 =	sld [smem:$0x3FB6]  }
0x39: {  	_ = 	snop;
	(pc) =	sbr.ind lr, $3  }
0x3a: {  	_ = 	snop  }
0x3b: {  	_ = 	snop  }
0x3c: {  	p2 =	seq.s32 s10, $0x1;
	s10 =	sld [smem:$0x3FB5]  }
0x3d: {  	_ =	shalt  }
0x3e: {  	_ =	shalt  }
0x3f: {  	_ =	shalt  }
0x40: {  	_ =	shalt  }
0x41: {  	_ =	shalt  }
0x42: {  	_ =	shalt  }
0x43: {  	_ =	shalt  }
0x44: {  	_ =	shalt  }
0x45: {  	_ =	shalt  }
0x46: {  	_ =	shalt  }
0x47: {  	_ =	shalt  }
0x48: {  	_ =	shalt  }
0x49: {  	_ =	shalt  }
0x4a: {  	_ =	shalt  }
0x4b: {  	_ =	shalt  }
0x4c: {  	_ =	shalt  }
0x4d: {  	_ =	shalt  }
0x4e: {  	_ =	shalt  }
0x4f: {  	_ =	shalt  }
0x50: {  	_ =	shalt  }
0x51: {  	_ =	shalt  }
0x52: {  	_ =	shalt  }
0x53: {  	_ =	shalt  }
0x54: {  	_ =	shalt  }
0x55: {  	_ =	shalt  }
0x56: {  	_ =	shalt  }
0x57: {  	_ =	shalt  }
0x58: {  	_ =	shalt  }
0x59: {  	_ =	shalt  }
0x5a: {  	_ =	shalt  }
0x5b: {  	_ =	shalt  }
0x5c: {  	_ =	shalt  }
0x5d: {  	_ =	shalt  }
0x5e: {  	_ =	shalt  }
0x5f: {  	_ =	shalt  }
0x60: {  	_ =	shalt  }
0x61: {  	_ =	shalt  }
0x62: {  	_ =	shalt  }
0x63: {  	_ =	shalt  }
0x64: {  	_ =	shalt  }
0x65: {  	_ =	shalt  }
0x66: {  	_ =	shalt  }
0x67: {  	_ =	shalt  }
0x68: {  	_ =	shalt  }
0x69: {  	_ =	shalt  }
0x6a: {  	_ =	shalt  }
0x6b: {  	_ =	shalt  }
0x6c: {  	_ =	shalt  }
0x6d: {  	_ =	shalt  }
0x6e: {  	_ =	shalt  }
0x6f: {  	_ =	shalt  }
0x70: {  	_ =	shalt  }
0x71: {  	_ =	shalt  }
0x72: {  	_ =	shalt  }
0x73: {  	_ =	shalt  }
0x74: {  	_ =	shalt  }
0x75: {  	_ =	shalt  }
0x76: {  	_ =	shalt  }
0x77: {  	_ =	shalt  }
0x78: {  	_ =	shalt  }
0x79: {  	_ =	shalt  }
0x7a: {  	_ =	shalt  }
0x7b: {  	_ =	shalt  }
0x7c: {  	_ =	shalt  }
0x7d: {  	_ =	shalt  }
0x7e: {  	_ =	shalt  }
0x7f: {  	_ =	shalt  }
0x80: {  	_ =	shalt  }
0x81: {  	_ =	shalt  }
0x82: {  	_ =	shalt  }
0x83: {  	_ =	shalt  }
0x84: {  	_ =	shalt  }
0x85: {  	_ =	shalt  }
0x86: {  	_ =	shalt  }
0x87: {  	_ =	shalt  }
.Lfunc_end0:
.L_simem_size_0:
called_computation.1_lowered:
.L_overlay_start_0:
0x88: {  	s2 =	sld [smem:$0x3FD9]  }
0x89: {  	s3 =	sld [smem:$0x3FFE];
	_ =	sdelay $0x1  }
0x8a: {  	s1 =	srdreg.scid  }
0x8b: {  	s0 =	sand.u32 $0x1, s1  }
0x8c: {  	s17 =	sshll.u32 s0, $0xA;
	s2 =	sadd.s32 s3, s2  }
0x8d: {  	s2 =	sadd.s32 s2, s17  }
0x8e: {  	[smem:$0x3FC1] =	sst s2  }
0x8f: {  	_ = 	snop  }
0x90: {  	s2 =	sld [smem:$0x3FD0];
	(tm) =	ssettm $0x1  }
0x91: {  	s18 =	sld [smem:$0x3FFB];
	_ =	sdelay $0x3  }
0x92: {  	_ =	strace s18  }
0x93: {  	s3 =	sld [smem:$0x3FFC];
	_ =	sdelay $0x3  }
0x94: {  	_ =	strace s3  }
0x95: {  	s3 =	sld [smem:$0x3FFD];
	_ =	sdelay $0x3  }
0x96: {  	_ =	strace s3  }
0x97: {  	_ =	strace $0x8FFFFFFF  }
0x98: {  	s19 =	sld [smem:$0x3FDB];
	_ =	sdelay $0x1  }
0x99: {  	s4 =	simm.s32 $_scs_section_size  }
0x9a: {  	s5 =	simm.s32 $_size__tile_overlayer_lowered;
	s6 =	simm.s32 $_tile_overlayer_lowered  }
0x9b: {  	s22 =	simm.s32 $0x1BFF;
	s21 =	sshll.u32 s6, $0x1;
	s3 =	sadd.s32 s4, s19  }
0x9c: {  	s7 =	simm.s32 $0x0;
	s20 =	sshll.u32 s5, $0x1;
	s5 =	sadd.s32 s21, s3  }
0x9d: {  	[timem:s7], [sflag:s22] =	dma.local [hbm:s5], s20  }
0x9e: {  	_ =	swait.ge [sflag:s22], s20  }
0x9f: {  	s4 =	ssub.s32 $0x0, s20;
	[sflag:s22] =	ssyncset.done $0x0  }
0xa0: {  	[sflag:s22] =	ssyncadd.s32 s4;
	_ =	sdelay $0x1  }
0xa1: {  	s23 =	simm.s32 $0x1B8B  }
0xa2: {  	_ =	swait.ge [sflag:s23], $0x1  }
0xa3: {  	[sflag:s23] =	ssyncset.done $0x0  }
0xa4: {  	s25 =	simm.s32 $0x1B8E;
	s24 =	sld [smem:$0x3FFE];
	[sflag:s23] =	ssyncadd.s32 $0xFFFFFFFF  }
0xa5: {  	s26 =	simm.s32 $execute0_lowered;
	[smem:$0x3FD2] =	sst s25  }
0xa6: {  	s5 =	sshll.u32 s26, $0x1;
	_ =	strace $0x80000049;
	[dreg:$0x1] =	wrdreg $0xFFFFFFFF  }
0xa7: {  	s28 =	simm.s32 $_size_execute0_lowered;
	s3 =	sadd.s32 s3, s5;
	[dreg:$0x0] =	wrdreg $0x0  }
0xa8: {  	s5 =	sshll.u32 s28, $0x1;
	[dreg:$0x2] =	wrdreg s3  }
0xa9: {  	[dreg:$0x3] =	wrdreg s5  }
0xaa: {  	[dreg:$0x4] =	wrdreg $0xC0  }
0xab: {  	_ =	task [dreg:s7], $0x5FFFF  }
0xac: {  	[dreg:$0x1] =	wrdreg $0xFFFFFFFF  }
0xad: {  	[dreg:$0x0] =	wrdreg $0x60  }
0xae: {  	[dreg:$0x2] =	wrdreg s24  }
0xaf: {  	[dreg:$0x3] =	wrdreg s2  }
0xb0: {  	[dreg:$0x4] =	wrdreg $0xE2000  }
0xb1: {  	[dreg:$0x5] =	wrdreg $0x9  }
0xb2: {  	_ =	task.clear_ibuf [dreg:s7], $0x6FFFF;
	_ =	strace $0x90000049  }
0xb3: {  	s29 =	simm.s32 $0x9;
	_ =	strace $0x8000004B  }
0xb4: {  	_ =	swait.ge [sflag:s29], $0x1  }
0xb5: {  	[sflag:s29] =	ssyncadd.s32 $0xFFFFFFFF  }
0xb6: {  	_ =	strace $0x9000004B  }
0xb7: {  	_ =	sfence  }
0xb8: {  	s30 =	sld [smem:$0x0];
	_ =	sdelay $0x2  }
0xb9: {  	s31 =	sshll.u32 s1, $0xD;
	s1 =	sshrl.u32 s1, $0x2  }
0xba: {  	s3 =	sand.u32 $0x4000, s31;
	s1 =	sadd.s32 s1, s30  }
0xbb: {  	s0 =	sor.u32 s3, s0;
	s1 =	sshll.u32 s1, $0x11  }
0xbc: {  	s0 =	sor.u32 s1, s0  }
0xbd: {  	s0 =	sadd.s32 $0x8F2B, s0  }
0xbe: {  	[sflag:s0] =	ssyncadd.remote.s32 $0x1  }
0xbf: {  	_ =	sfence.sel $0xFFFF  }
0xc0: {  	[dreg:$0x0] =	wrdreg $0xFFFFFFFF;
	(pc) =	sbr.abs _section_cstart, $3  }
0xc1: {  	[dreg:$0x1] =	wrdreg $0xFFFFFFFF  }
0xc2: {  	_ =	task.clear_ibuf [dreg:s7], $0x2FFFF;
	_ =	strace $0x9FFFFFFF  }
0xc3: {  	(tm) =	ssettm $0x7FFFFFFF  }
tec
execute0_lowered:
.L_overlay_start_1:
0x0: {  	(tag) =	ssettag $0x1  }
0x1: {  	s4 =	rddreg [dreg:$0x0]  }
0x2: {  	s5 =	rddreg [dreg:$0x1]  }
0x3: {  	s1 =	rddreg [dreg:$0x2];
	s2 =	srdreg.scid  }
0x4: {  	s0 =	rddreg [dreg:$0x3];
	s3 =	simm.s32 $0x0;
	s21 =	simm.s32 $0x1  }
0x5: {  	s22 =	simm.s32 $0x2;
	s23 =	simm.s32 $0x80;
	s24 =	simm.s32 $0xC200  }
0x6: {  	s25 =	simm.s32 $0xA100;
	s6 =	sand.u32 $0x1, s2;
	s2 =	stileid.u32  }
0x7: {  	s28 =	simm.s32 $0x0;
	[smem:$0x7FF] =	sst s3;
	s14 =	smul.u32 $0xA0000, s6  }
0x8: {  	s16 =	sadd.s32 $0x3E800, s4;
	s7 =	smul.u32 $0xA20, s2;
	s6 =	ssub.s32 $0x2, s6  }
0x9: {  	_ =	strace $0x8000004A;
	s10 =	smul.u32 $0xA000, s2;
	s29 =	sshrl.u32 s6, $0x1  }
0xa: {  	s8 =	sshrl.u32 s14, $0x3;
	s26 =	sadd.s32 s7, s4;
	s17 =	ssub.s32 s6, s29  }
0xb: {  	s5 =	sadd.s32 s5, s7;
	s6 =	sadd.s32 s10, s1;
	s12 =	sadd.s32 $0x2000, s10  }
0xc: {  	s15 =	sadd.s32 $0x4000, s10;
	s18 =	sadd.s32 $0x6000, s10;
	s19 =	sadd.s32 $0x8000, s10  }
0xd: {  	s13 =	sadd.s32 s10, s14;
	s11 =	sadd.s32 s8, s4;
	s4 =	sadd.s32 $0xC600, s26  }
0xe: {  	s7 =	sadd.s32 s12, s1;
	s8 =	sadd.s32 s15, s1;
	s9 =	sadd.s32 s18, s1  }
0xf: {  	s10 =	sadd.s32 s19, s1;
	s13 =	sshrl.u32 s13, $0x3;
	s20 =	sadd.s32 s14, s12  }
0x10: {  	s15 =	sadd.s32 s14, s15;
	s18 =	sadd.s32 s14, s18;
	s19 =	sadd.s32 s14, s19  }
0x11: {  	s17 =	smax.u32 s17, $0x1;
	s26 =	simm.s32 $0xA180;
	s11 =	sadd.s32 $0x16800, s11  }
0x12: {  	s12 =	sadd.s32 s16, s13;
	s30 =	sshrl.u32 s20, $0x3;
	s15 =	sshrl.u32 s15, $0x3  }
0x13: {  	s18 =	sshrl.u32 s18, $0x3;
	s31 =	sshrl.u32 s19, $0x3;
	s19 =	simm.s32 $0xA200  }
0x14: {  	s20 =	simm.s32 $0x3;
	s13 =	sadd.s32 s16, s30;
	s14 =	sadd.s32 s16, s15  }
0x15: {  	v0 =	vimm.f32 $0.0e+00;
	s15 =	sadd.s32 s16, s18;
	s16 =	sadd.s32 s16, s31;
	s18 =	simm.s32 $0x5100  }
.LBB2_1:
0x16: {  	[tilespmem:s3], [sflag:$0x1] =	stream.linear.gather [hbm4b:s4+s3], $0x5100, $0x38;
	[tilespmem:$0x18200] =	vst v63  }
0x17: {  	s30 =	simm.s32 $0x100;
	s29 =	simm.s32 $0x0  }
0x18: {  	[tilespmem:s18], [sflag:$0x2] =	stream.linear.gather [hbm4b:s5+s3], $0x5100, $0x38;
	[tilespmem:$0x18200] =	vst v63  }
.LBB2_2:
0x19: {  	p0 =	sne.s32 s30, $0x7F00;
	[tilespmem:s29+$0xA230] =	vst v0;
	s31 =	smov.u32 s30;
	s30 =	sadd.s32 $0x100, s30  }
.Ltmp0:
0x1a: {  	[tilespmem:s29+$0xA220] =	vst v0;
	(pc) =	sbr.rel @p0 .LBB2_2-.Ltmp0, $3  }
0x1b: {  	[tilespmem:s29+$0xA200] =	vst v0  }
0x1c: {  	[tilespmem:s29+$0xA210] =	vst v0;
	_ =	sdelay $0x1  }
0x1d: {  	s29 =	sshra.s32 s31, $0x2  }
0x1e: {  	[tilespmem:s29+$0xA230] =	vst v0  }
0x1f: {  	[tilespmem:s29+$0xA220] =	vst v0  }
0x20: {  	[tilespmem:s29+$0xA200] =	vst v0  }
0x21: {  	[tilespmem:s29+$0xA210] =	vst v0  }
0x22: {  	[spmem:s6] =	stream.linear.scatter [tilespmem:s19], [sflag:$0x3], $0x2000, $0x38;
	[tilespmem:$0x18200] =	vst v63  }
0x23: {  	_ =	swait.ge [sflag:s20], $0x2000  }
0x24: {  	[sflag:s20] =	ssyncset.done $0x0  }
0x25: {  	[sflag:s20] =	ssyncadd.s32 $0xFFFFE000  }
0x26: {  	[spmem:s7] =	stream.linear.scatter [tilespmem:s19], [sflag:$0x3], $0x2000, $0x38;
	[tilespmem:$0x18200] =	vst v63  }
0x27: {  	_ =	swait.ge [sflag:s20], $0x2000  }
0x28: {  	[sflag:s20] =	ssyncset.done $0x0  }
0x29: {  	[sflag:s20] =	ssyncadd.s32 $0xFFFFE000  }
0x2a: {  	[spmem:s8] =	stream.linear.scatter [tilespmem:s19], [sflag:$0x3], $0x2000, $0x38;
	[tilespmem:$0x18200] =	vst v63  }
0x2b: {  	_ =	swait.ge [sflag:s20], $0x2000  }
0x2c: {  	[sflag:s20] =	ssyncset.done $0x0  }
0x2d: {  	[sflag:s20] =	ssyncadd.s32 $0xFFFFE000  }
0x2e: {  	[spmem:s9] =	stream.linear.scatter [tilespmem:s19], [sflag:$0x3], $0x2000, $0x38;
	[tilespmem:$0x18200] =	vst v63  }
0x2f: {  	_ =	swait.ge [sflag:s20], $0x2000  }
0x30: {  	[sflag:s20] =	ssyncset.done $0x0  }
0x31: {  	[sflag:s20] =	ssyncadd.s32 $0xFFFFE000  }
0x32: {  	[spmem:s10] =	stream.linear.scatter [tilespmem:s19], [sflag:$0x3], $0x2000, $0x38;
	[tilespmem:$0x18200] =	vst v63  }
0x33: {  	_ =	swait.ge [sflag:s20], $0x2000  }
0x34: {  	[sflag:s20] =	ssyncset.done $0x0  }
0x35: {  	[sflag:s20] =	ssyncadd.s32 $0xFFFFE000  }
0x36: {  	_ =	swait.ge [sflag:s21], $0x5100  }
0x37: {  	[sflag:s21] =	ssyncset.done $0x0  }
0x38: {  	[sflag:s21] =	ssyncadd.s32 $0xFFFFAF00  }
0x39: {  	_ =	swait.ge [sflag:s22], $0x5100  }
0x3a: {  	[sflag:s22] =	ssyncset.done $0x0  }
0x3b: {  	[sflag:s22] =	ssyncadd.s32 $0xFFFFAF00  }
0x3c: {  	s29 =	simm.s32 $0x0;
	[bflag:$0x0] =	sbarrier.arrive $0xFFFF  }
0x3d: {  	[tilespmem:s19], [sflag:$0x1] =	stream.indirect.gather [hbm4b:s11+s23], $0x40, s29, s23, $0xb8;
	[tilespmem:$0x18200] =	vst v63  }
0x3e: {  	_ = 	snop  }
0x3f: {  	[tilespmem:s24], [sflag:$0x2] =	stream.indirect.gather [hbm4b:s11+s23], $0x40, s23, s23, $0xb8;
	[tilespmem:$0x18200] =	vst v63  }
0x40: {  	_ =	swait.ge [sflag:s21], $0x2000  }
0x41: {  	[sflag:s21] =	ssyncset.done $0x0  }
0x42: {  	s29 =	simm.s32 $0x5100;
	[sflag:s21] =	ssyncadd.s32 $0xFFFFE000  }
0x43: {  	[spmem:s1] =	stream.indirect.scatter.add.f32 [tilespmem:s19], [sflag:$0x3], $0x40, s29, s23, $0xb8;
	[tilespmem:$0x18200] =	vst v63  }
0x44: {  	_ =	swait.ge [sflag:s20], $0x2000  }
0x45: {  	[sflag:s20] =	ssyncset.done $0x0  }
0x46: {  	s29 =	simm.s32 $0x100;
	[sflag:s20] =	ssyncadd.s32 $0xFFFFE000  }
0x47: {  	[tilespmem:s19], [sflag:$0x1] =	stream.indirect.gather [hbm4b:s11+s23], $0x40, s29, s23, $0xb8;
	[tilespmem:$0x18200] =	vst v63  }
0x48: {  	_ =	swait.ge [sflag:s22], $0x2000  }
0x49: {  	[sflag:s22] =	ssyncset.done $0x0  }
0x4a: {  	s29 =	simm.s32 $0x5180;
	[sflag:s22] =	ssyncadd.s32 $0xFFFFE000  }
0x4b: {  	[spmem:s1] =	stream.indirect.scatter.add.f32 [tilespmem:s24], [sflag:$0x3], $0x40, s29, s23, $0xb8;
	[tilespmem:$0x18200] =	vst v63  }
0x4c: {  	_ =	swait.ge [sflag:s20], $0x2000  }
0x4d: {  	[sflag:s20] =	ssyncset.done $0x0  }
0x4e: {  	s30 =	simm.s32 $0x180;
	s29 =	simm.s32 $0x400;
	[sflag:s20] =	ssyncadd.s32 $0xFFFFE000  }
.LBB2_4:
0x4f: {  	[tilespmem:s24], [sflag:$0x2] =	stream.indirect.gather [hbm4b:s11+s23], $0x40, s30, s23, $0xb8;
	[tilespmem:$0x18200] =	vst v63  }
0x50: {  	s30 =	smov.u32 s29  }
0x51: {  	p0 =	sne.s32 s29, $0x13C00;
	s29 =	sadd.s32 $0x400, s29;
	_ =	swait.ge [sflag:s21], $0x2000  }
0x52: {  	s30 =	sshra.s32 s30, $0x2;
	[sflag:s21] =	ssyncset.done $0x0  }
0x53: {  	s31 =	sadd.s32 $0x5100, s30;
	[sflag:s21] =	ssyncadd.s32 $0xFFFFE000  }
0x54: {  	[spmem:s1] =	stream.indirect.scatter.add.f32 [tilespmem:s19], [sflag:$0x3], $0x40, s31, s23, $0xb8;
	[tilespmem:$0x18200] =	vst v63  }
0x55: {  	_ =	swait.ge [sflag:s20], $0x2000  }
0x56: {  	[sflag:s20] =	ssyncset.done $0x0  }
0x57: {  	s31 =	sadd.s32 $0x100, s30;
	[sflag:s20] =	ssyncadd.s32 $0xFFFFE000  }
0x58: {  	[tilespmem:s19], [sflag:$0x1] =	stream.indirect.gather [hbm4b:s11+s23], $0x40, s31, s23, $0xb8;
	[tilespmem:$0x18200] =	vst v63  }
0x59: {  	_ =	swait.ge [sflag:s22], $0x2000  }
0x5a: {  	[sflag:s22] =	ssyncset.done $0x0  }
.Ltmp1:
0x5b: {  	s31 =	sadd.s32 $0x5180, s30;
	[sflag:s22] =	ssyncadd.s32 $0xFFFFE000;
	(pc) =	sbr.rel @p0 .LBB2_4-.Ltmp1, $4  }
0x5c: {  	[spmem:s1] =	stream.indirect.scatter.add.f32 [tilespmem:s24], [sflag:$0x3], $0x40, s31, s23, $0xb8;
	[tilespmem:$0x18200] =	vst v63  }
0x5d: {  	_ =	swait.ge [sflag:s20], $0x2000  }
0x5e: {  	[sflag:s20] =	ssyncset.done $0x0  }
0x5f: {  	s30 =	sadd.s32 $0x180, s30;
	[sflag:s20] =	ssyncadd.s32 $0xFFFFE000  }
0x60: {  	[tilespmem:s24], [sflag:$0x2] =	stream.indirect.gather [hbm4b:s11+s23], $0x40, s30, s23, $0xb8;
	[tilespmem:$0x18200] =	vst v63  }
0x61: {  	_ =	swait.ge [sflag:s21], $0x2000  }
0x62: {  	[sflag:s21] =	ssyncset.done $0x0  }
0x63: {  	[sflag:s21] =	ssyncadd.s32 $0xFFFFE000  }
0x64: {  	[spmem:s1] =	stream.indirect.scatter.add.f32 [tilespmem:s19], [sflag:$0x3], $0x40, s25, s23, $0xb8;
	[tilespmem:$0x18200] =	vst v63  }
0x65: {  	_ =	swait.ge [sflag:s20], $0x2000  }
0x66: {  	[sflag:s20] =	ssyncset.done $0x0  }
0x67: {  	[sflag:s20] =	ssyncadd.s32 $0xFFFFE000  }
0x68: {  	_ =	swait.ge [sflag:s22], $0x2000  }
0x69: {  	[sflag:s22] =	ssyncset.done $0x0  }
0x6a: {  	[sflag:s22] =	ssyncadd.s32 $0xFFFFE000  }
0x6b: {  	[spmem:s1] =	stream.indirect.scatter.add.f32 [tilespmem:s24], [sflag:$0x3], $0x40, s26, s23, $0xb8;
	[tilespmem:$0x18200] =	vst v63  }
0x6c: {  	_ =	swait.ge [sflag:s20], $0x2000  }
0x6d: {  	[sflag:s20] =	ssyncset.done $0x0  }
0x6e: {  	s29 =	sshll.u32 s2, $0x6;
	[sflag:s20] =	ssyncadd.s32 $0xFFFFE000  }
0x6f: {  	s31 =	sshrl.u32 s6, $0x3;
	s29 =	sor.u32 $0x1C03, s29;
	[bflag:$0x0] =	sbarrier.arrive $0xFFFF  }
0x70: {  	[hbm:s12], [sflag:s29] =	dma.local [spmem:s31], $0x400  }
0x71: {  	_ =	swait.ge [sflag:s20], $0x400  }
0x72: {  	[sflag:s20] =	ssyncset.done $0x0  }
0x73: {  	s31 =	sshrl.u32 s7, $0x3;
	[sflag:s20] =	ssyncadd.s32 $0xFFFFFC00  }
0x74: {  	[hbm:s13], [sflag:s29] =	dma.local [spmem:s31], $0x400  }
0x75: {  	_ =	swait.ge [sflag:s20], $0x400  }
0x76: {  	[sflag:s20] =	ssyncset.done $0x0  }
0x77: {  	s31 =	sshrl.u32 s8, $0x3;
	[sflag:s20] =	ssyncadd.s32 $0xFFFFFC00  }
0x78: {  	[hbm:s14], [sflag:s29] =	dma.local [spmem:s31], $0x400  }
0x79: {  	_ =	swait.ge [sflag:s20], $0x400  }
0x7a: {  	[sflag:s20] =	ssyncset.done $0x0  }
0x7b: {  	s31 =	sshrl.u32 s9, $0x3;
	[sflag:s20] =	ssyncadd.s32 $0xFFFFFC00  }
0x7c: {  	[hbm:s15], [sflag:s29] =	dma.local [spmem:s31], $0x400  }
0x7d: {  	s28 =	sadd.s32 $0x1, s28;
	_ =	swait.ge [sflag:s20], $0x400  }
0x7e: {  	p0 =	sne.s32 s28, s17;
	[sflag:s20] =	ssyncset.done $0x0  }
.Ltmp2:
0x7f: {  	s31 =	sshrl.u32 s10, $0x3;
	[sflag:s20] =	ssyncadd.s32 $0xFFFFFC00;
	(pc) =	sbr.rel @p0 .LBB2_1-.Ltmp2, $4  }
0x80: {  	[hbm:s16], [sflag:s29] =	dma.local [spmem:s31], $0x400  }
0x81: {  	_ =	swait.ge [sflag:s20], $0x400  }
0x82: {  	[sflag:s20] =	ssyncset.done $0x0  }
0x83: {  	[sflag:s20] =	ssyncadd.s32 $0xFFFFFC00  }
0x84: {  	_ =	sfence.sel $0x180000  }
0x85: {  	[bflag:$0x0] =	sbarrier.arrive $0xFFFF  }
0x86: {  	p0 =	sne.s32 s2, $0x0;
	_ =	strace $0x9000004A  }
0x87: {  	s0 =	sadd.s32 @!p0 $0x100000, s0;
	[bflag:$0x2] =	sbarrier.arrive $0xFFFF  }
0x88: {  	[sflag:s0] =	ssyncadd.tile.s32 @!p0 $0x1;
	_ =	shalt  }
.Lfunc_end2:
_tile_overlayer_lowered:
.L_overlay_start_2:
0x89: {  	(tag) =	ssettag $0x2  }
0x8a: {  	s0 =	rddreg [dreg:$0x0];
	s2 =	stileid.u32  }
0x8b: {  	s1 =	rddreg [dreg:$0x1];
	p0 =	sne.s32 s2, $0x0  }
0x8c: {  	s3 =	rddreg [dreg:$0x2];
	[bflag:$0x3] =	sbarrier.arrive $0xFFFF;
	s2 =	simm.s32 @!p0 $0x1C03  }
0x8d: {  	[timem:s3], [sflag:s2] =	dma.local @!p0 [hbm:s0], s1  }
0x8e: {  	s0 =	simm.s32 @!p0 $0x3  }
0x8f: {  	_ =	swait.ge @!p0 [sflag:s0], s1  }
0x90: {  	s1 =	ssub.s32 @!p0 $0x0, s1;
	[sflag:s0] =	ssyncset.done @!p0 $0x0  }
0x91: {  	[sflag:s0] =	ssyncadd.s32 @!p0 s1  }
0x92: {  	[bflag:$0x3] =	sbarrier.arrive $0xFFFF  }
0x93: {  	_ =	shalt  }

// kernel: kernel.18.cloned.1.call-start
scs
__scs_entry_jumppad:
0x0: {  	(pc) =	sbr.rel $0x88, $3  }
0x1: {  	(tag) =	ssettag $0x0;
	lr =	simm.s32 $0x1  }
0x2: {  	[smem:$0x3F9A] =	sst lr;
	_ =	strace $0xD0000000  }
0x3: {  	_ = 	snop  }
0x4: {  	_ = 	snop  }
0x5: {  	_ = 	snop  }
0x6: {  	_ = 	snop  }
0x7: {  	_ = 	snop  }
__scs_overlays_trampoline_lowered:
0x8: {  	[smem:$0x3FA9] =	sst s0  }
0x9: {  	[smem:$0x3FAA] =	sst s1  }
0xa: {  	[smem:$0x3FAB] =	sst s2  }
0xb: {  	[smem:$0x3FAC] =	sst s3  }
0xc: {  	[smem:$0x3FAD] =	sst s4  }
0xd: {  	[smem:$0x3FAE] =	sst s5  }
0xe: {  	[smem:$0x3FAF] =	sst s6  }
0xf: {  	[smem:$0x3FB0] =	sst s7  }
0x10: {  	[smem:$0x3FB1] =	sst s8  }
0x11: {  	[smem:$0x3FB2] =	sst s9;
	s0 =	simm.s32 @!p0 $0x0  }
0x12: {  	s1 =	sld [smem:$0x3F98];
	s0 =	simm.s32 @p0 $0x1  }
0x13: {  	[smem:$0x3FB3] =	sst s0;
	s0 =	simm.s32 @!p1 $0x0  }
0x14: {  	s2 =	sld [smem:$0x3F97];
	s0 =	simm.s32 @p1 $0x1  }
0x15: {  	[smem:$0x3FB4] =	sst s0;
	s0 =	simm.s32 @!p2 $0x0  }
0x16: {  	s3 =	sld [smem:$0x3FDB];
	s0 =	simm.s32 @p2 $0x1  }
0x17: {  	s4 =	simm.s32 $0x1BF5;
	[smem:$0x3FB6] =	sst s0  }
0x18: {  	s0 =	sld [smem:$0x3F99];
	_ =	swait.ge [sflag:s4], $0x0  }
0x19: {  	s7 =	sld [smem:$0x3F9A]  }
0x1a: {  	s8 =	sadd.s32 $0xFFFFE003, lr  }
0x1b: {  	s9 =	sadd.s32 $0xFFFFFEF7, lr;
	s5 =	simm.s32 $0xFFFFFFFF;
	p2 =	slt.u32 s8, $0xFFFFF086  }
0x1c: {  	p1 =	slt.u32 s9, $0xF7A;
	s5 =	simm.s32 @!p2 $0x0  }
0x1d: {  	s5 =	simm.s32 @p1 $0x1;
	p0 =	seq.s32 s7, s2  }
0x1e: {  	s7 =	smul.u32 @!p0 $0xF7A, s2;
	p2 =	seq.s32 @!p0 s5, $0x0  }
0x1f: {  	s9 =	smul.u32 $0xF7A, s1;
	s8 =	simm.s32 @!p0 $0x1BF5;
	p2 =	por !p2, p0  }
0x20: {  	[sflag:s8] =	ssyncset.s32 @!p0 $0xFFFFF086;
	s6 =	sadd.s32 @!p0 s3, s7;
	s7 =	simm.s32 @!p0 $0x108  }
0x21: {  	s3 =	sadd.s32 s3, s9;
	s6 =	sadd.s32 @!p0 $0x88, s6;
	s7 =	simm.s32 @p2 $0x1082  }
0x22: {  	[simem:s7], [sflag:s8] =	dma.local @!p0 [hbm:s6], $0xF7A  }
0x23: {  	s9 =	sor.u32 $0xD0000000, s2;
	s6 =	simm.s32 $0x108;
	_ =	swait.ge @!p0 [sflag:s8], $0x0  }
0x24: {  	s3 =	sadd.s32 $0x88, s3;
	s6 =	simm.s32 @!p1 $0x1082;
	[sflag:s4] =	ssyncset.s32 $0xFFFFF086  }
0x25: {  	[simem:s6], [sflag:s4] =	dma.local [hbm:s3], $0xF7A  }
0x26: {  	[smem:$0x3F9A] =	sst s1;
	(tag) =	ssettag s2;
	_ =	strace s9  }
0x27: {  	s1 =	sld [smem:$0x3FAA]  }
0x28: {  	s2 =	sld [smem:$0x3FAB]  }
0x29: {  	s4 =	sld [smem:$0x3FAD]  }
0x2a: {  	p0 =	seq.s32 s5, $0x0;
	s5 =	sld [smem:$0x3FAE]  }
0x2b: {  	s6 =	sld [smem:$0x3FAF]  }
0x2c: {  	s7 =	sld [smem:$0x3FB0]  }
0x2d: {  	s3 =	simm.s32 $0x108;
	s8 =	sld [smem:$0x3FB1]  }
0x2e: {  	s3 =	simm.s32 @!p0 $0x1082;
	s9 =	sld [smem:$0x3FB2]  }
0x2f: {  	lr =	sadd.s32 s0, s3;
	s0 =	sld [smem:$0x3FA9]  }
0x30: {  	s3 =	sld [smem:$0x3FAC]  }
0x31: {  	[smem:$0x3FB5] =	sst s10  }
0x32: {  	s10 =	sld [smem:$0x3FB3];
	_ =	sdelay $0x3  }
0x33: {  	p0 =	seq.s32 s10, $0x1;
	s10 =	sld [smem:$0x3FB5];
	_ =	sdelay $0x3  }
0x34: {  	[smem:$0x3FB5] =	sst s10  }
0x35: {  	s10 =	sld [smem:$0x3FB4];
	_ =	sdelay $0x3  }
0x36: {  	p1 =	seq.s32 s10, $0x1;
	s10 =	sld [smem:$0x3FB5];
	_ =	sdelay $0x3  }
0x37: {  	[smem:$0x3FB5] =	sst s10  }
0x38: {  	s10 =	sld [smem:$0x3FB6]  }
0x39: {  	_ = 	snop;
	(pc) =	sbr.ind lr, $3  }
0x3a: {  	_ = 	snop  }
0x3b: {  	_ = 	snop  }
0x3c: {  	p2 =	seq.s32 s10, $0x1;
	s10 =	sld [smem:$0x3FB5]  }
0x3d: {  	_ =	shalt  }
0x3e: {  	_ =	shalt  }
0x3f: {  	_ =	shalt  }
0x40: {  	_ =	shalt  }
0x41: {  	_ =	shalt  }
0x42: {  	_ =	shalt  }
0x43: {  	_ =	shalt  }
0x44: {  	_ =	shalt  }
0x45: {  	_ =	shalt  }
0x46: {  	_ =	shalt  }
0x47: {  	_ =	shalt  }
0x48: {  	_ =	shalt  }
0x49: {  	_ =	shalt  }
0x4a: {  	_ =	shalt  }
0x4b: {  	_ =	shalt  }
0x4c: {  	_ =	shalt  }
0x4d: {  	_ =	shalt  }
0x4e: {  	_ =	shalt  }
0x4f: {  	_ =	shalt  }
0x50: {  	_ =	shalt  }
0x51: {  	_ =	shalt  }
0x52: {  	_ =	shalt  }
0x53: {  	_ =	shalt  }
0x54: {  	_ =	shalt  }
0x55: {  	_ =	shalt  }
0x56: {  	_ =	shalt  }
0x57: {  	_ =	shalt  }
0x58: {  	_ =	shalt  }
0x59: {  	_ =	shalt  }
0x5a: {  	_ =	shalt  }
0x5b: {  	_ =	shalt  }
0x5c: {  	_ =	shalt  }
0x5d: {  	_ =	shalt  }
0x5e: {  	_ =	shalt  }
0x5f: {  	_ =	shalt  }
0x60: {  	_ =	shalt  }
0x61: {  	_ =	shalt  }
0x62: {  	_ =	shalt  }
0x63: {  	_ =	shalt  }
0x64: {  	_ =	shalt  }
0x65: {  	_ =	shalt  }
0x66: {  	_ =	shalt  }
0x67: {  	_ =	shalt  }
0x68: {  	_ =	shalt  }
0x69: {  	_ =	shalt  }
0x6a: {  	_ =	shalt  }
0x6b: {  	_ =	shalt  }
0x6c: {  	_ =	shalt  }
0x6d: {  	_ =	shalt  }
0x6e: {  	_ =	shalt  }
0x6f: {  	_ =	shalt  }
0x70: {  	_ =	shalt  }
0x71: {  	_ =	shalt  }
0x72: {  	_ =	shalt  }
0x73: {  	_ =	shalt  }
0x74: {  	_ =	shalt  }
0x75: {  	_ =	shalt  }
0x76: {  	_ =	shalt  }
0x77: {  	_ =	shalt  }
0x78: {  	_ =	shalt  }
0x79: {  	_ =	shalt  }
0x7a: {  	_ =	shalt  }
0x7b: {  	_ =	shalt  }
0x7c: {  	_ =	shalt  }
0x7d: {  	_ =	shalt  }
0x7e: {  	_ =	shalt  }
0x7f: {  	_ =	shalt  }
0x80: {  	_ =	shalt  }
0x81: {  	_ =	shalt  }
0x82: {  	_ =	shalt  }
0x83: {  	_ =	shalt  }
0x84: {  	_ =	shalt  }
0x85: {  	_ =	shalt  }
0x86: {  	_ =	shalt  }
0x87: {  	_ =	shalt  }
.Lfunc_end0:
.L_simem_size_0:
called_computation.2_lowered:
.L_overlay_start_0:
0x88: {  	s2 =	sld [smem:$0x3FD9]  }
0x89: {  	s3 =	sld [smem:$0x3FFE];
	_ =	sdelay $0x1  }
0x8a: {  	s1 =	srdreg.scid  }
0x8b: {  	s0 =	sand.u32 $0x1, s1  }
0x8c: {  	s17 =	sshll.u32 s0, $0xA;
	s2 =	sadd.s32 s3, s2  }
0x8d: {  	s2 =	sadd.s32 s2, s17  }
0x8e: {  	[smem:$0x3FC1] =	sst s2  }
0x8f: {  	_ = 	snop  }
0x90: {  	s2 =	sld [smem:$0x3FD0];
	(tm) =	ssettm $0x1  }
0x91: {  	s18 =	sld [smem:$0x3FFB];
	_ =	sdelay $0x3  }
0x92: {  	_ =	strace s18  }
0x93: {  	s3 =	sld [smem:$0x3FFC];
	_ =	sdelay $0x3  }
0x94: {  	_ =	strace s3  }
0x95: {  	s3 =	sld [smem:$0x3FFD];
	_ =	sdelay $0x3  }
0x96: {  	_ =	strace s3  }
0x97: {  	_ =	strace $0x8FFFFFFF  }
0x98: {  	s19 =	sld [smem:$0x3FDB];
	_ =	sdelay $0x1  }
0x99: {  	s4 =	simm.s32 $_scs_section_size  }
0x9a: {  	s5 =	simm.s32 $_size__tile_overlayer_lowered;
	s6 =	simm.s32 $_tile_overlayer_lowered  }
0x9b: {  	s22 =	simm.s32 $0x1BFF;
	s21 =	sshll.u32 s6, $0x1;
	s3 =	sadd.s32 s4, s19  }
0x9c: {  	s7 =	simm.s32 $0x0;
	s20 =	sshll.u32 s5, $0x1;
	s5 =	sadd.s32 s21, s3  }
0x9d: {  	[timem:s7], [sflag:s22] =	dma.local [hbm:s5], s20  }
0x9e: {  	_ =	swait.ge [sflag:s22], s20  }
0x9f: {  	s4 =	ssub.s32 $0x0, s20;
	[sflag:s22] =	ssyncset.done $0x0  }
0xa0: {  	[sflag:s22] =	ssyncadd.s32 s4;
	_ =	sdelay $0x1  }
0xa1: {  	s23 =	simm.s32 $0x1B8B  }
0xa2: {  	_ =	swait.ge [sflag:s23], $0x1  }
0xa3: {  	[sflag:s23] =	ssyncset.done $0x0  }
0xa4: {  	s25 =	simm.s32 $0x1B8E;
	s24 =	sld [smem:$0x3FFE];
	[sflag:s23] =	ssyncadd.s32 $0xFFFFFFFF  }
0xa5: {  	s26 =	simm.s32 $execute0_lowered;
	[smem:$0x3FD2] =	sst s25  }
0xa6: {  	s5 =	sshll.u32 s26, $0x1;
	_ =	strace $0x8000004C;
	[dreg:$0x1] =	wrdreg $0xFFFFFFFF  }
0xa7: {  	s28 =	simm.s32 $_size_execute0_lowered;
	s3 =	sadd.s32 s3, s5;
	[dreg:$0x0] =	wrdreg $0x0  }
0xa8: {  	s5 =	sshll.u32 s28, $0x1;
	[dreg:$0x2] =	wrdreg s3  }
0xa9: {  	[dreg:$0x3] =	wrdreg s5  }
0xaa: {  	[dreg:$0x4] =	wrdreg $0xC0  }
0xab: {  	_ =	task [dreg:s7], $0x5FFFF  }
0xac: {  	[dreg:$0x1] =	wrdreg $0xFFFFFFFF  }
0xad: {  	[dreg:$0x0] =	wrdreg $0x60  }
0xae: {  	[dreg:$0x2] =	wrdreg s24  }
0xaf: {  	[dreg:$0x3] =	wrdreg s2  }
0xb0: {  	[dreg:$0x4] =	wrdreg $0xE2000  }
0xb1: {  	[dreg:$0x5] =	wrdreg $0x9  }
0xb2: {  	_ =	task.clear_ibuf [dreg:s7], $0x6FFFF;
	_ =	strace $0x9000004C  }
0xb3: {  	s29 =	simm.s32 $0x9;
	_ =	strace $0x8000004E  }
0xb4: {  	_ =	swait.ge [sflag:s29], $0x1  }
0xb5: {  	[sflag:s29] =	ssyncadd.s32 $0xFFFFFFFF  }
0xb6: {  	_ =	strace $0x9000004E  }
0xb7: {  	_ =	sfence  }
0xb8: {  	s30 =	sld [smem:$0x0];
	_ =	sdelay $0x2  }
0xb9: {  	s31 =	sshll.u32 s1, $0xD;
	s1 =	sshrl.u32 s1, $0x2  }
0xba: {  	s3 =	sand.u32 $0x4000, s31;
	s1 =	sadd.s32 s1, s30  }
0xbb: {  	s0 =	sor.u32 s3, s0;
	s1 =	sshll.u32 s1, $0x11  }
0xbc: {  	s0 =	sor.u32 s1, s0  }
0xbd: {  	s0 =	sadd.s32 $0x8F2B, s0  }
0xbe: {  	[sflag:s0] =	ssyncadd.remote.s32 $0x1  }
0xbf: {  	_ =	sfence.sel $0xFFFF  }
0xc0: {  	[dreg:$0x0] =	wrdreg $0xFFFFFFFF;
	(pc) =	sbr.abs _section_cstart, $3  }
0xc1: {  	[dreg:$0x1] =	wrdreg $0xFFFFFFFF  }
0xc2: {  	_ =	task.clear_ibuf [dreg:s7], $0x2FFFF;
	_ =	strace $0x9FFFFFFF  }
0xc3: {  	(tm) =	ssettm $0x7FFFFFFF  }
tec
execute0_lowered:
.L_overlay_start_1:
0x0: {  	(tag) =	ssettag $0x1  }
0x1: {  	s4 =	rddreg [dreg:$0x0]  }
0x2: {  	s5 =	rddreg [dreg:$0x1]  }
0x3: {  	s1 =	rddreg [dreg:$0x2];
	s2 =	srdreg.scid  }
0x4: {  	s0 =	rddreg [dreg:$0x3];
	s3 =	simm.s32 $0x0;
	s21 =	simm.s32 $0x1  }
0x5: {  	s22 =	simm.s32 $0x2;
	s23 =	simm.s32 $0x80;
	s24 =	simm.s32 $0xC200  }
0x6: {  	s25 =	simm.s32 $0xA100;
	s6 =	sand.u32 $0x1, s2;
	s2 =	stileid.u32  }
0x7: {  	s28 =	simm.s32 $0x0;
	[smem:$0x7FF] =	sst s3;
	s14 =	smul.u32 $0xA0000, s6  }
0x8: {  	s16 =	sadd.s32 $0x3E800, s4;
	s7 =	smul.u32 $0xA20, s2;
	s6 =	ssub.s32 $0x2, s6  }
0x9: {  	_ =	strace $0x8000004D;
	s10 =	smul.u32 $0xA000, s2;
	s29 =	sshrl.u32 s6, $0x1  }
0xa: {  	s8 =	sshrl.u32 s14, $0x3;
	s26 =	sadd.s32 s7, s4;
	s17 =	ssub.s32 s6, s29  }
0xb: {  	s5 =	sadd.s32 s5, s7;
	s6 =	sadd.s32 s10, s1;
	s12 =	sadd.s32 $0x2000, s10  }
0xc: {  	s15 =	sadd.s32 $0x4000, s10;
	s18 =	sadd.s32 $0x6000, s10;
	s19 =	sadd.s32 $0x8000, s10  }
0xd: {  	s13 =	sadd.s32 s10, s14;
	s11 =	sadd.s32 s8, s4;
	s4 =	sadd.s32 $0xC600, s26  }
0xe: {  	s7 =	sadd.s32 s12, s1;
	s8 =	sadd.s32 s15, s1;
	s9 =	sadd.s32 s18, s1  }
0xf: {  	s10 =	sadd.s32 s19, s1;
	s13 =	sshrl.u32 s13, $0x3;
	s20 =	sadd.s32 s14, s12  }
0x10: {  	s15 =	sadd.s32 s14, s15;
	s18 =	sadd.s32 s14, s18;
	s19 =	sadd.s32 s14, s19  }
0x11: {  	s17 =	smax.u32 s17, $0x1;
	s26 =	simm.s32 $0xA180;
	s11 =	sadd.s32 $0x16800, s11  }
0x12: {  	s12 =	sadd.s32 s16, s13;
	s30 =	sshrl.u32 s20, $0x3;
	s15 =	sshrl.u32 s15, $0x3  }
0x13: {  	s18 =	sshrl.u32 s18, $0x3;
	s31 =	sshrl.u32 s19, $0x3;
	s19 =	simm.s32 $0xA200  }
0x14: {  	s20 =	simm.s32 $0x3;
	s13 =	sadd.s32 s16, s30;
	s14 =	sadd.s32 s16, s15  }
0x15: {  	v0 =	vimm.f32 $0.0e+00;
	s15 =	sadd.s32 s16, s18;
	s16 =	sadd.s32 s16, s31;
	s18 =	simm.s32 $0x5100  }
.LBB2_1:
0x16: {  	[tilespmem:s3], [sflag:$0x1] =	stream.linear.gather [hbm4b:s4+s3], $0x5100, $0x38;
	[tilespmem:$0x18200] =	vst v63  }
0x17: {  	s30 =	simm.s32 $0x100;
	s29 =	simm.s32 $0x0  }
0x18: {  	[tilespmem:s18], [sflag:$0x2] =	stream.linear.gather [hbm4b:s5+s3], $0x5100, $0x38;
	[tilespmem:$0x18200] =	vst v63  }
.LBB2_2:
0x19: {  	p0 =	sne.s32 s30, $0x7F00;
	[tilespmem:s29+$0xA230] =	vst v0;
	s31 =	smov.u32 s30;
	s30 =	sadd.s32 $0x100, s30  }
.Ltmp0:
0x1a: {  	[tilespmem:s29+$0xA220] =	vst v0;
	(pc) =	sbr.rel @p0 .LBB2_2-.Ltmp0, $3  }
0x1b: {  	[tilespmem:s29+$0xA200] =	vst v0  }
0x1c: {  	[tilespmem:s29+$0xA210] =	vst v0;
	_ =	sdelay $0x1  }
0x1d: {  	s29 =	sshra.s32 s31, $0x2  }
0x1e: {  	[tilespmem:s29+$0xA230] =	vst v0  }
0x1f: {  	[tilespmem:s29+$0xA220] =	vst v0  }
0x20: {  	[tilespmem:s29+$0xA200] =	vst v0  }
0x21: {  	[tilespmem:s29+$0xA210] =	vst v0  }
0x22: {  	[spmem:s6] =	stream.linear.scatter [tilespmem:s19], [sflag:$0x3], $0x2000, $0x38;
	[tilespmem:$0x18200] =	vst v63  }
0x23: {  	_ =	swait.ge [sflag:s20], $0x2000  }
0x24: {  	[sflag:s20] =	ssyncset.done $0x0  }
0x25: {  	[sflag:s20] =	ssyncadd.s32 $0xFFFFE000  }
0x26: {  	[spmem:s7] =	stream.linear.scatter [tilespmem:s19], [sflag:$0x3], $0x2000, $0x38;
	[tilespmem:$0x18200] =	vst v63  }
0x27: {  	_ =	swait.ge [sflag:s20], $0x2000  }
0x28: {  	[sflag:s20] =	ssyncset.done $0x0  }
0x29: {  	[sflag:s20] =	ssyncadd.s32 $0xFFFFE000  }
0x2a: {  	[spmem:s8] =	stream.linear.scatter [tilespmem:s19], [sflag:$0x3], $0x2000, $0x38;
	[tilespmem:$0x18200] =	vst v63  }
0x2b: {  	_ =	swait.ge [sflag:s20], $0x2000  }
0x2c: {  	[sflag:s20] =	ssyncset.done $0x0  }
0x2d: {  	[sflag:s20] =	ssyncadd.s32 $0xFFFFE000  }
0x2e: {  	[spmem:s9] =	stream.linear.scatter [tilespmem:s19], [sflag:$0x3], $0x2000, $0x38;
	[tilespmem:$0x18200] =	vst v63  }
0x2f: {  	_ =	swait.ge [sflag:s20], $0x2000  }
0x30: {  	[sflag:s20] =	ssyncset.done $0x0  }
0x31: {  	[sflag:s20] =	ssyncadd.s32 $0xFFFFE000  }
0x32: {  	[spmem:s10] =	stream.linear.scatter [tilespmem:s19], [sflag:$0x3], $0x2000, $0x38;
	[tilespmem:$0x18200] =	vst v63  }
0x33: {  	_ =	swait.ge [sflag:s20], $0x2000  }
0x34: {  	[sflag:s20] =	ssyncset.done $0x0  }
0x35: {  	[sflag:s20] =	ssyncadd.s32 $0xFFFFE000  }
0x36: {  	_ =	swait.ge [sflag:s21], $0x5100  }
0x37: {  	[sflag:s21] =	ssyncset.done $0x0  }
0x38: {  	[sflag:s21] =	ssyncadd.s32 $0xFFFFAF00  }
0x39: {  	_ =	swait.ge [sflag:s22], $0x5100  }
0x3a: {  	[sflag:s22] =	ssyncset.done $0x0  }
0x3b: {  	[sflag:s22] =	ssyncadd.s32 $0xFFFFAF00  }
0x3c: {  	s29 =	simm.s32 $0x0;
	[bflag:$0x0] =	sbarrier.arrive $0xFFFF  }
0x3d: {  	[tilespmem:s19], [sflag:$0x1] =	stream.indirect.gather [hbm4b:s11+s23], $0x40, s29, s23, $0xb8;
	[tilespmem:$0x18200] =	vst v63  }
0x3e: {  	_ = 	snop  }
0x3f: {  	[tilespmem:s24], [sflag:$0x2] =	stream.indirect.gather [hbm4b:s11+s23], $0x40, s23, s23, $0xb8;
	[tilespmem:$0x18200] =	vst v63  }
0x40: {  	_ =	swait.ge [sflag:s21], $0x2000  }
0x41: {  	[sflag:s21] =	ssyncset.done $0x0  }
0x42: {  	s29 =	simm.s32 $0x5100;
	[sflag:s21] =	ssyncadd.s32 $0xFFFFE000  }
0x43: {  	[spmem:s1] =	stream.indirect.scatter.add.f32 [tilespmem:s19], [sflag:$0x3], $0x40, s29, s23, $0xb8;
	[tilespmem:$0x18200] =	vst v63  }
0x44: {  	_ =	swait.ge [sflag:s20], $0x2000  }
0x45: {  	[sflag:s20] =	ssyncset.done $0x0  }
0x46: {  	s29 =	simm.s32 $0x100;
	[sflag:s20] =	ssyncadd.s32 $0xFFFFE000  }
0x47: {  	[tilespmem:s19], [sflag:$0x1] =	stream.indirect.gather [hbm4b:s11+s23], $0x40, s29, s23, $0xb8;
	[tilespmem:$0x18200] =	vst v63  }
0x48: {  	_ =	swait.ge [sflag:s22], $0x2000  }
0x49: {  	[sflag:s22] =	ssyncset.done $0x0  }
0x4a: {  	s29 =	simm.s32 $0x5180;
	[sflag:s22] =	ssyncadd.s32 $0xFFFFE000  }
0x4b: {  	[spmem:s1] =	stream.indirect.scatter.add.f32 [tilespmem:s24], [sflag:$0x3], $0x40, s29, s23, $0xb8;
	[tilespmem:$0x18200] =	vst v63  }
0x4c: {  	_ =	swait.ge [sflag:s20], $0x2000  }
0x4d: {  	[sflag:s20] =	ssyncset.done $0x0  }
0x4e: {  	s30 =	simm.s32 $0x180;
	s29 =	simm.s32 $0x400;
	[sflag:s20] =	ssyncadd.s32 $0xFFFFE000  }
.LBB2_4:
0x4f: {  	[tilespmem:s24], [sflag:$0x2] =	stream.indirect.gather [hbm4b:s11+s23], $0x40, s30, s23, $0xb8;
	[tilespmem:$0x18200] =	vst v63  }
0x50: {  	s30 =	smov.u32 s29  }
0x51: {  	p0 =	sne.s32 s29, $0x13C00;
	s29 =	sadd.s32 $0x400, s29;
	_ =	swait.ge [sflag:s21], $0x2000  }
0x52: {  	s30 =	sshra.s32 s30, $0x2;
	[sflag:s21] =	ssyncset.done $0x0  }
0x53: {  	s31 =	sadd.s32 $0x5100, s30;
	[sflag:s21] =	ssyncadd.s32 $0xFFFFE000  }
0x54: {  	[spmem:s1] =	stream.indirect.scatter.add.f32 [tilespmem:s19], [sflag:$0x3], $0x40, s31, s23, $0xb8;
	[tilespmem:$0x18200] =	vst v63  }
0x55: {  	_ =	swait.ge [sflag:s20], $0x2000  }
0x56: {  	[sflag:s20] =	ssyncset.done $0x0  }
0x57: {  	s31 =	sadd.s32 $0x100, s30;
	[sflag:s20] =	ssyncadd.s32 $0xFFFFE000  }
0x58: {  	[tilespmem:s19], [sflag:$0x1] =	stream.indirect.gather [hbm4b:s11+s23], $0x40, s31, s23, $0xb8;
	[tilespmem:$0x18200] =	vst v63  }
0x59: {  	_ =	swait.ge [sflag:s22], $0x2000  }
0x5a: {  	[sflag:s22] =	ssyncset.done $0x0  }
.Ltmp1:
0x5b: {  	s31 =	sadd.s32 $0x5180, s30;
	[sflag:s22] =	ssyncadd.s32 $0xFFFFE000;
	(pc) =	sbr.rel @p0 .LBB2_4-.Ltmp1, $4  }
0x5c: {  	[spmem:s1] =	stream.indirect.scatter.add.f32 [tilespmem:s24], [sflag:$0x3], $0x40, s31, s23, $0xb8;
	[tilespmem:$0x18200] =	vst v63  }
0x5d: {  	_ =	swait.ge [sflag:s20], $0x2000  }
0x5e: {  	[sflag:s20] =	ssyncset.done $0x0  }
0x5f: {  	s30 =	sadd.s32 $0x180, s30;
	[sflag:s20] =	ssyncadd.s32 $0xFFFFE000  }
0x60: {  	[tilespmem:s24], [sflag:$0x2] =	stream.indirect.gather [hbm4b:s11+s23], $0x40, s30, s23, $0xb8;
	[tilespmem:$0x18200] =	vst v63  }
0x61: {  	_ =	swait.ge [sflag:s21], $0x2000  }
0x62: {  	[sflag:s21] =	ssyncset.done $0x0  }
0x63: {  	[sflag:s21] =	ssyncadd.s32 $0xFFFFE000  }
0x64: {  	[spmem:s1] =	stream.indirect.scatter.add.f32 [tilespmem:s19], [sflag:$0x3], $0x40, s25, s23, $0xb8;
	[tilespmem:$0x18200] =	vst v63  }
0x65: {  	_ =	swait.ge [sflag:s20], $0x2000  }
0x66: {  	[sflag:s20] =	ssyncset.done $0x0  }
0x67: {  	[sflag:s20] =	ssyncadd.s32 $0xFFFFE000  }
0x68: {  	_ =	swait.ge [sflag:s22], $0x2000  }
0x69: {  	[sflag:s22] =	ssyncset.done $0x0  }
0x6a: {  	[sflag:s22] =	ssyncadd.s32 $0xFFFFE000  }
0x6b: {  	[spmem:s1] =	stream.indirect.scatter.add.f32 [tilespmem:s24], [sflag:$0x3], $0x40, s26, s23, $0xb8;
	[tilespmem:$0x18200] =	vst v63  }
0x6c: {  	_ =	swait.ge [sflag:s20], $0x2000  }
0x6d: {  	[sflag:s20] =	ssyncset.done $0x0  }
0x6e: {  	s29 =	sshll.u32 s2, $0x6;
	[sflag:s20] =	ssyncadd.s32 $0xFFFFE000  }
0x6f: {  	s31 =	sshrl.u32 s6, $0x3;
	s29 =	sor.u32 $0x1C03, s29;
	[bflag:$0x0] =	sbarrier.arrive $0xFFFF  }
0x70: {  	[hbm:s12], [sflag:s29] =	dma.local [spmem:s31], $0x400  }
0x71: {  	_ =	swait.ge [sflag:s20], $0x400  }
0x72: {  	[sflag:s20] =	ssyncset.done $0x0  }
0x73: {  	s31 =	sshrl.u32 s7, $0x3;
	[sflag:s20] =	ssyncadd.s32 $0xFFFFFC00  }
0x74: {  	[hbm:s13], [sflag:s29] =	dma.local [spmem:s31], $0x400  }
0x75: {  	_ =	swait.ge [sflag:s20], $0x400  }
0x76: {  	[sflag:s20] =	ssyncset.done $0x0  }
0x77: {  	s31 =	sshrl.u32 s8, $0x3;
	[sflag:s20] =	ssyncadd.s32 $0xFFFFFC00  }
0x78: {  	[hbm:s14], [sflag:s29] =	dma.local [spmem:s31], $0x400  }
0x79: {  	_ =	swait.ge [sflag:s20], $0x400  }
0x7a: {  	[sflag:s20] =	ssyncset.done $0x0  }
0x7b: {  	s31 =	sshrl.u32 s9, $0x3;
	[sflag:s20] =	ssyncadd.s32 $0xFFFFFC00  }
0x7c: {  	[hbm:s15], [sflag:s29] =	dma.local [spmem:s31], $0x400  }
0x7d: {  	s28 =	sadd.s32 $0x1, s28;
	_ =	swait.ge [sflag:s20], $0x400  }
0x7e: {  	p0 =	sne.s32 s28, s17;
	[sflag:s20] =	ssyncset.done $0x0  }
.Ltmp2:
0x7f: {  	s31 =	sshrl.u32 s10, $0x3;
	[sflag:s20] =	ssyncadd.s32 $0xFFFFFC00;
	(pc) =	sbr.rel @p0 .LBB2_1-.Ltmp2, $4  }
0x80: {  	[hbm:s16], [sflag:s29] =	dma.local [spmem:s31], $0x400  }
0x81: {  	_ =	swait.ge [sflag:s20], $0x400  }
0x82: {  	[sflag:s20] =	ssyncset.done $0x0  }
0x83: {  	[sflag:s20] =	ssyncadd.s32 $0xFFFFFC00  }
0x84: {  	_ =	sfence.sel $0x180000  }
0x85: {  	[bflag:$0x0] =	sbarrier.arrive $0xFFFF  }
0x86: {  	p0 =	sne.s32 s2, $0x0;
	_ =	strace $0x9000004D  }
0x87: {  	s0 =	sadd.s32 @!p0 $0x100000, s0;
	[bflag:$0x2] =	sbarrier.arrive $0xFFFF  }
0x88: {  	[sflag:s0] =	ssyncadd.tile.s32 @!p0 $0x1;
	_ =	shalt  }
.Lfunc_end2:
_tile_overlayer_lowered:
.L_overlay_start_2:
0x89: {  	(tag) =	ssettag $0x2  }
0x8a: {  	s0 =	rddreg [dreg:$0x0];
	s2 =	stileid.u32  }
0x8b: {  	s1 =	rddreg [dreg:$0x1];
	p0 =	sne.s32 s2, $0x0  }
0x8c: {  	s3 =	rddreg [dreg:$0x2];
	[bflag:$0x3] =	sbarrier.arrive $0xFFFF;
	s2 =	simm.s32 @!p0 $0x1C03  }
0x8d: {  	[timem:s3], [sflag:s2] =	dma.local @!p0 [hbm:s0], s1  }
0x8e: {  	s0 =	simm.s32 @!p0 $0x3  }
0x8f: {  	_ =	swait.ge @!p0 [sflag:s0], s1  }
0x90: {  	s1 =	ssub.s32 @!p0 $0x0, s1;
	[sflag:s0] =	ssyncset.done @!p0 $0x0  }
0x91: {  	[sflag:s0] =	ssyncadd.s32 @!p0 s1  }
0x92: {  	[bflag:$0x3] =	sbarrier.arrive $0xFFFF  }
0x93: {  	_ =	shalt  }

// kernel: kernel.21.cloned.1.call-start
scs
__scs_entry_jumppad:
0x0: {  	(pc) =	sbr.rel $0x88, $3  }
0x1: {  	(tag) =	ssettag $0x0;
	lr =	simm.s32 $0x1  }
0x2: {  	[smem:$0x3F9A] =	sst lr;
	_ =	strace $0xD0000000  }
0x3: {  	_ = 	snop  }
0x4: {  	_ = 	snop  }
0x5: {  	_ = 	snop  }
0x6: {  	_ = 	snop  }
0x7: {  	_ = 	snop  }
__scs_overlays_trampoline_lowered:
0x8: {  	[smem:$0x3FA9] =	sst s0  }
0x9: {  	[smem:$0x3FAA] =	sst s1  }
0xa: {  	[smem:$0x3FAB] =	sst s2  }
0xb: {  	[smem:$0x3FAC] =	sst s3  }
0xc: {  	[smem:$0x3FAD] =	sst s4  }
0xd: {  	[smem:$0x3FAE] =	sst s5  }
0xe: {  	[smem:$0x3FAF] =	sst s6  }
0xf: {  	[smem:$0x3FB0] =	sst s7  }
0x10: {  	[smem:$0x3FB1] =	sst s8  }
0x11: {  	[smem:$0x3FB2] =	sst s9;
	s0 =	simm.s32 @!p0 $0x0  }
0x12: {  	s1 =	sld [smem:$0x3F98];
	s0 =	simm.s32 @p0 $0x1  }
0x13: {  	[smem:$0x3FB3] =	sst s0;
	s0 =	simm.s32 @!p1 $0x0  }
0x14: {  	s2 =	sld [smem:$0x3F97];
	s0 =	simm.s32 @p1 $0x1  }
0x15: {  	[smem:$0x3FB4] =	sst s0;
	s0 =	simm.s32 @!p2 $0x0  }
0x16: {  	s3 =	sld [smem:$0x3FDB];
	s0 =	simm.s32 @p2 $0x1  }
0x17: {  	s4 =	simm.s32 $0x1BF5;
	[smem:$0x3FB6] =	sst s0  }
0x18: {  	s0 =	sld [smem:$0x3F99];
	_ =	swait.ge [sflag:s4], $0x0  }
0x19: {  	s7 =	sld [smem:$0x3F9A]  }
0x1a: {  	s8 =	sadd.s32 $0xFFFFE003, lr  }
0x1b: {  	s9 =	sadd.s32 $0xFFFFFEF7, lr;
	s5 =	simm.s32 $0xFFFFFFFF;
	p2 =	slt.u32 s8, $0xFFFFF086  }
0x1c: {  	p1 =	slt.u32 s9, $0xF7A;
	s5 =	simm.s32 @!p2 $0x0  }
0x1d: {  	s5 =	simm.s32 @p1 $0x1;
	p0 =	seq.s32 s7, s2  }
0x1e: {  	s7 =	smul.u32 @!p0 $0xF7A, s2;
	p2 =	seq.s32 @!p0 s5, $0x0  }
0x1f: {  	s9 =	smul.u32 $0xF7A, s1;
	s8 =	simm.s32 @!p0 $0x1BF5;
	p2 =	por !p2, p0  }
0x20: {  	[sflag:s8] =	ssyncset.s32 @!p0 $0xFFFFF086;
	s6 =	sadd.s32 @!p0 s3, s7;
	s7 =	simm.s32 @!p0 $0x108  }
0x21: {  	s3 =	sadd.s32 s3, s9;
	s6 =	sadd.s32 @!p0 $0x88, s6;
	s7 =	simm.s32 @p2 $0x1082  }
0x22: {  	[simem:s7], [sflag:s8] =	dma.local @!p0 [hbm:s6], $0xF7A  }
0x23: {  	s9 =	sor.u32 $0xD0000000, s2;
	s6 =	simm.s32 $0x108;
	_ =	swait.ge @!p0 [sflag:s8], $0x0  }
0x24: {  	s3 =	sadd.s32 $0x88, s3;
	s6 =	simm.s32 @!p1 $0x1082;
	[sflag:s4] =	ssyncset.s32 $0xFFFFF086  }
0x25: {  	[simem:s6], [sflag:s4] =	dma.local [hbm:s3], $0xF7A  }
0x26: {  	[smem:$0x3F9A] =	sst s1;
	(tag) =	ssettag s2;
	_ =	strace s9  }
0x27: {  	s1 =	sld [smem:$0x3FAA]  }
0x28: {  	s2 =	sld [smem:$0x3FAB]  }
0x29: {  	s4 =	sld [smem:$0x3FAD]  }
0x2a: {  	p0 =	seq.s32 s5, $0x0;
	s5 =	sld [smem:$0x3FAE]  }
0x2b: {  	s6 =	sld [smem:$0x3FAF]  }
0x2c: {  	s7 =	sld [smem:$0x3FB0]  }
0x2d: {  	s3 =	simm.s32 $0x108;
	s8 =	sld [smem:$0x3FB1]  }
0x2e: {  	s3 =	simm.s32 @!p0 $0x1082;
	s9 =	sld [smem:$0x3FB2]  }
0x2f: {  	lr =	sadd.s32 s0, s3;
	s0 =	sld [smem:$0x3FA9]  }
0x30: {  	s3 =	sld [smem:$0x3FAC]  }
0x31: {  	[smem:$0x3FB5] =	sst s10  }
0x32: {  	s10 =	sld [smem:$0x3FB3];
	_ =	sdelay $0x3  }
0x33: {  	p0 =	seq.s32 s10, $0x1;
	s10 =	sld [smem:$0x3FB5];
	_ =	sdelay $0x3  }
0x34: {  	[smem:$0x3FB5] =	sst s10  }
0x35: {  	s10 =	sld [smem:$0x3FB4];
	_ =	sdelay $0x3  }
0x36: {  	p1 =	seq.s32 s10, $0x1;
	s10 =	sld [smem:$0x3FB5];
	_ =	sdelay $0x3  }
0x37: {  	[smem:$0x3FB5] =	sst s10  }
0x38: {  	s10 =	sld [smem:$0x3FB6]  }
0x39: {  	_ = 	snop;
	(pc) =	sbr.ind lr, $3  }
0x3a: {  	_ = 	snop  }
0x3b: {  	_ = 	snop  }
0x3c: {  	p2 =	seq.s32 s10, $0x1;
	s10 =	sld [smem:$0x3FB5]  }
0x3d: {  	_ =	shalt  }
0x3e: {  	_ =	shalt  }
0x3f: {  	_ =	shalt  }
0x40: {  	_ =	shalt  }
0x41: {  	_ =	shalt  }
0x42: {  	_ =	shalt  }
0x43: {  	_ =	shalt  }
0x44: {  	_ =	shalt  }
0x45: {  	_ =	shalt  }
0x46: {  	_ =	shalt  }
0x47: {  	_ =	shalt  }
0x48: {  	_ =	shalt  }
0x49: {  	_ =	shalt  }
0x4a: {  	_ =	shalt  }
0x4b: {  	_ =	shalt  }
0x4c: {  	_ =	shalt  }
0x4d: {  	_ =	shalt  }
0x4e: {  	_ =	shalt  }
0x4f: {  	_ =	shalt  }
0x50: {  	_ =	shalt  }
0x51: {  	_ =	shalt  }
0x52: {  	_ =	shalt  }
0x53: {  	_ =	shalt  }
0x54: {  	_ =	shalt  }
0x55: {  	_ =	shalt  }
0x56: {  	_ =	shalt  }
0x57: {  	_ =	shalt  }
0x58: {  	_ =	shalt  }
0x59: {  	_ =	shalt  }
0x5a: {  	_ =	shalt  }
0x5b: {  	_ =	shalt  }
0x5c: {  	_ =	shalt  }
0x5d: {  	_ =	shalt  }
0x5e: {  	_ =	shalt  }
0x5f: {  	_ =	shalt  }
0x60: {  	_ =	shalt  }
0x61: {  	_ =	shalt  }
0x62: {  	_ =	shalt  }
0x63: {  	_ =	shalt  }
0x64: {  	_ =	shalt  }
0x65: {  	_ =	shalt  }
0x66: {  	_ =	shalt  }
0x67: {  	_ =	shalt  }
0x68: {  	_ =	shalt  }
0x69: {  	_ =	shalt  }
0x6a: {  	_ =	shalt  }
0x6b: {  	_ =	shalt  }
0x6c: {  	_ =	shalt  }
0x6d: {  	_ =	shalt  }
0x6e: {  	_ =	shalt  }
0x6f: {  	_ =	shalt  }
0x70: {  	_ =	shalt  }
0x71: {  	_ =	shalt  }
0x72: {  	_ =	shalt  }
0x73: {  	_ =	shalt  }
0x74: {  	_ =	shalt  }
0x75: {  	_ =	shalt  }
0x76: {  	_ =	shalt  }
0x77: {  	_ =	shalt  }
0x78: {  	_ =	shalt  }
0x79: {  	_ =	shalt  }
0x7a: {  	_ =	shalt  }
0x7b: {  	_ =	shalt  }
0x7c: {  	_ =	shalt  }
0x7d: {  	_ =	shalt  }
0x7e: {  	_ =	shalt  }
0x7f: {  	_ =	shalt  }
0x80: {  	_ =	shalt  }
0x81: {  	_ =	shalt  }
0x82: {  	_ =	shalt  }
0x83: {  	_ =	shalt  }
0x84: {  	_ =	shalt  }
0x85: {  	_ =	shalt  }
0x86: {  	_ =	shalt  }
0x87: {  	_ =	shalt  }
.Lfunc_end0:
.L_simem_size_0:
called_computation.3_lowered:
.L_overlay_start_0:
0x88: {  	s2 =	sld [smem:$0x3FD9]  }
0x89: {  	s3 =	sld [smem:$0x3FFE];
	_ =	sdelay $0x1  }
0x8a: {  	s1 =	srdreg.scid  }
0x8b: {  	s0 =	sand.u32 $0x1, s1  }
0x8c: {  	s17 =	sshll.u32 s0, $0xA;
	s2 =	sadd.s32 s3, s2  }
0x8d: {  	s2 =	sadd.s32 s2, s17  }
0x8e: {  	[smem:$0x3FC1] =	sst s2  }
0x8f: {  	_ = 	snop  }
0x90: {  	s2 =	sld [smem:$0x3FD0];
	(tm) =	ssettm $0x1  }
0x91: {  	s18 =	sld [smem:$0x3FFB];
	_ =	sdelay $0x3  }
0x92: {  	_ =	strace s18  }
0x93: {  	s3 =	sld [smem:$0x3FFC];
	_ =	sdelay $0x3  }
0x94: {  	_ =	strace s3  }
0x95: {  	s3 =	sld [smem:$0x3FFD];
	_ =	sdelay $0x3  }
0x96: {  	_ =	strace s3  }
0x97: {  	_ =	strace $0x8FFFFFFF  }
0x98: {  	s19 =	sld [smem:$0x3FDB];
	_ =	sdelay $0x1  }
0x99: {  	s4 =	simm.s32 $_scs_section_size  }
0x9a: {  	s5 =	simm.s32 $_size__tile_overlayer_lowered;
	s6 =	simm.s32 $_tile_overlayer_lowered  }
0x9b: {  	s22 =	simm.s32 $0x1BFF;
	s21 =	sshll.u32 s6, $0x1;
	s3 =	sadd.s32 s4, s19  }
0x9c: {  	s7 =	simm.s32 $0x0;
	s20 =	sshll.u32 s5, $0x1;
	s5 =	sadd.s32 s21, s3  }
0x9d: {  	[timem:s7], [sflag:s22] =	dma.local [hbm:s5], s20  }
0x9e: {  	_ =	swait.ge [sflag:s22], s20  }
0x9f: {  	s4 =	ssub.s32 $0x0, s20;
	[sflag:s22] =	ssyncset.done $0x0  }
0xa0: {  	[sflag:s22] =	ssyncadd.s32 s4;
	_ =	sdelay $0x1  }
0xa1: {  	s23 =	simm.s32 $0x1B8B  }
0xa2: {  	_ =	swait.ge [sflag:s23], $0x1  }
0xa3: {  	[sflag:s23] =	ssyncset.done $0x0  }
0xa4: {  	s25 =	simm.s32 $0x1B8E;
	s24 =	sld [smem:$0x3FFE];
	[sflag:s23] =	ssyncadd.s32 $0xFFFFFFFF  }
0xa5: {  	s26 =	simm.s32 $execute0_lowered;
	[smem:$0x3FD2] =	sst s25  }
0xa6: {  	s5 =	sshll.u32 s26, $0x1;
	_ =	strace $0x8000004F;
	[dreg:$0x1] =	wrdreg $0xFFFFFFFF  }
0xa7: {  	s28 =	simm.s32 $_size_execute0_lowered;
	s3 =	sadd.s32 s3, s5;
	[dreg:$0x0] =	wrdreg $0x0  }
0xa8: {  	s5 =	sshll.u32 s28, $0x1;
	[dreg:$0x2] =	wrdreg s3  }
0xa9: {  	[dreg:$0x3] =	wrdreg s5  }
0xaa: {  	[dreg:$0x4] =	wrdreg $0xC0  }
0xab: {  	_ =	task [dreg:s7], $0x5FFFF  }
0xac: {  	[dreg:$0x1] =	wrdreg $0xFFFFFFFF  }
0xad: {  	[dreg:$0x0] =	wrdreg $0x60  }
0xae: {  	[dreg:$0x2] =	wrdreg s24  }
0xaf: {  	[dreg:$0x3] =	wrdreg s2  }
0xb0: {  	[dreg:$0x4] =	wrdreg $0xE2000  }
0xb1: {  	[dreg:$0x5] =	wrdreg $0x9  }
0xb2: {  	_ =	task.clear_ibuf [dreg:s7], $0x6FFFF;
	_ =	strace $0x9000004F  }
0xb3: {  	s29 =	simm.s32 $0x9;
	_ =	strace $0x80000051  }
0xb4: {  	_ =	swait.ge [sflag:s29], $0x1  }
0xb5: {  	[sflag:s29] =	ssyncadd.s32 $0xFFFFFFFF  }
0xb6: {  	_ =	strace $0x90000051  }
0xb7: {  	_ =	sfence  }
0xb8: {  	s30 =	sld [smem:$0x0];
	_ =	sdelay $0x2  }
0xb9: {  	s31 =	sshll.u32 s1, $0xD;
	s1 =	sshrl.u32 s1, $0x2  }
0xba: {  	s3 =	sand.u32 $0x4000, s31;
	s1 =	sadd.s32 s1, s30  }
0xbb: {  	s0 =	sor.u32 s3, s0;
	s1 =	sshll.u32 s1, $0x11  }
0xbc: {  	s0 =	sor.u32 s1, s0  }
0xbd: {  	s0 =	sadd.s32 $0x8F2B, s0  }
0xbe: {  	[sflag:s0] =	ssyncadd.remote.s32 $0x1  }
0xbf: {  	_ =	sfence.sel $0xFFFF  }
0xc0: {  	[dreg:$0x0] =	wrdreg $0xFFFFFFFF;
	(pc) =	sbr.abs _section_cstart, $3  }
0xc1: {  	[dreg:$0x1] =	wrdreg $0xFFFFFFFF  }
0xc2: {  	_ =	task.clear_ibuf [dreg:s7], $0x2FFFF;
	_ =	strace $0x9FFFFFFF  }
0xc3: {  	(tm) =	ssettm $0x7FFFFFFF  }
tec
execute0_lowered:
.L_overlay_start_1:
0x0: {  	(tag) =	ssettag $0x1  }
0x1: {  	s4 =	rddreg [dreg:$0x0]  }
0x2: {  	s5 =	rddreg [dreg:$0x1]  }
0x3: {  	s1 =	rddreg [dreg:$0x2];
	s2 =	srdreg.scid  }
0x4: {  	s0 =	rddreg [dreg:$0x3];
	s3 =	simm.s32 $0x0;
	s21 =	simm.s32 $0x1  }
0x5: {  	s22 =	simm.s32 $0x2;
	s23 =	simm.s32 $0x80;
	s24 =	simm.s32 $0xC200  }
0x6: {  	s25 =	simm.s32 $0xA100;
	s6 =	sand.u32 $0x1, s2;
	s2 =	stileid.u32  }
0x7: {  	s28 =	simm.s32 $0x0;
	[smem:$0x7FF] =	sst s3;
	s14 =	smul.u32 $0xA0000, s6  }
0x8: {  	s16 =	sadd.s32 $0x3E800, s4;
	s7 =	smul.u32 $0xA20, s2;
	s6 =	ssub.s32 $0x2, s6  }
0x9: {  	_ =	strace $0x80000050;
	s10 =	smul.u32 $0xA000, s2;
	s29 =	sshrl.u32 s6, $0x1  }
0xa: {  	s8 =	sshrl.u32 s14, $0x3;
	s26 =	sadd.s32 s7, s4;
	s17 =	ssub.s32 s6, s29  }
0xb: {  	s5 =	sadd.s32 s5, s7;
	s6 =	sadd.s32 s10, s1;
	s12 =	sadd.s32 $0x2000, s10  }
0xc: {  	s15 =	sadd.s32 $0x4000, s10;
	s18 =	sadd.s32 $0x6000, s10;
	s19 =	sadd.s32 $0x8000, s10  }
0xd: {  	s13 =	sadd.s32 s10, s14;
	s11 =	sadd.s32 s8, s4;
	s4 =	sadd.s32 $0xC600, s26  }
0xe: {  	s7 =	sadd.s32 s12, s1;
	s8 =	sadd.s32 s15, s1;
	s9 =	sadd.s32 s18, s1  }
0xf: {  	s10 =	sadd.s32 s19, s1;
	s13 =	sshrl.u32 s13, $0x3;
	s20 =	sadd.s32 s14, s12  }
0x10: {  	s15 =	sadd.s32 s14, s15;
	s18 =	sadd.s32 s14, s18;
	s19 =	sadd.s32 s14, s19  }
0x11: {  	s17 =	smax.u32 s17, $0x1;
	s26 =	simm.s32 $0xA180;
	s11 =	sadd.s32 $0x16800, s11  }
0x12: {  	s12 =	sadd.s32 s16, s13;
	s30 =	sshrl.u32 s20, $0x3;
	s15 =	sshrl.u32 s15, $0x3  }
0x13: {  	s18 =	sshrl.u32 s18, $0x3;
	s31 =	sshrl.u32 s19, $0x3;
	s19 =	simm.s32 $0xA200  }
0x14: {  	s20 =	simm.s32 $0x3;
	s13 =	sadd.s32 s16, s30;
	s14 =	sadd.s32 s16, s15  }
0x15: {  	v0 =	vimm.f32 $0.0e+00;
	s15 =	sadd.s32 s16, s18;
	s16 =	sadd.s32 s16, s31;
	s18 =	simm.s32 $0x5100  }
.LBB2_1:
0x16: {  	[tilespmem:s3], [sflag:$0x1] =	stream.linear.gather [hbm4b:s4+s3], $0x5100, $0x38;
	[tilespmem:$0x18200] =	vst v63  }
0x17: {  	s30 =	simm.s32 $0x100;
	s29 =	simm.s32 $0x0  }
0x18: {  	[tilespmem:s18], [sflag:$0x2] =	stream.linear.gather [hbm4b:s5+s3], $0x5100, $0x38;
	[tilespmem:$0x18200] =	vst v63  }
.LBB2_2:
0x19: {  	p0 =	sne.s32 s30, $0x7F00;
	[tilespmem:s29+$0xA230] =	vst v0;
	s31 =	smov.u32 s30;
	s30 =	sadd.s32 $0x100, s30  }
.Ltmp0:
0x1a: {  	[tilespmem:s29+$0xA220] =	vst v0;
	(pc) =	sbr.rel @p0 .LBB2_2-.Ltmp0, $3  }
0x1b: {  	[tilespmem:s29+$0xA200] =	vst v0  }
0x1c: {  	[tilespmem:s29+$0xA210] =	vst v0;
	_ =	sdelay $0x1  }
0x1d: {  	s29 =	sshra.s32 s31, $0x2  }
0x1e: {  	[tilespmem:s29+$0xA230] =	vst v0  }
0x1f: {  	[tilespmem:s29+$0xA220] =	vst v0  }
0x20: {  	[tilespmem:s29+$0xA200] =	vst v0  }
0x21: {  	[tilespmem:s29+$0xA210] =	vst v0  }
0x22: {  	[spmem:s6] =	stream.linear.scatter [tilespmem:s19], [sflag:$0x3], $0x2000, $0x38;
	[tilespmem:$0x18200] =	vst v63  }
0x23: {  	_ =	swait.ge [sflag:s20], $0x2000  }
0x24: {  	[sflag:s20] =	ssyncset.done $0x0  }
0x25: {  	[sflag:s20] =	ssyncadd.s32 $0xFFFFE000  }
0x26: {  	[spmem:s7] =	stream.linear.scatter [tilespmem:s19], [sflag:$0x3], $0x2000, $0x38;
	[tilespmem:$0x18200] =	vst v63  }
0x27: {  	_ =	swait.ge [sflag:s20], $0x2000  }
0x28: {  	[sflag:s20] =	ssyncset.done $0x0  }
0x29: {  	[sflag:s20] =	ssyncadd.s32 $0xFFFFE000  }
0x2a: {  	[spmem:s8] =	stream.linear.scatter [tilespmem:s19], [sflag:$0x3], $0x2000, $0x38;
	[tilespmem:$0x18200] =	vst v63  }
0x2b: {  	_ =	swait.ge [sflag:s20], $0x2000  }
0x2c: {  	[sflag:s20] =	ssyncset.done $0x0  }
0x2d: {  	[sflag:s20] =	ssyncadd.s32 $0xFFFFE000  }
0x2e: {  	[spmem:s9] =	stream.linear.scatter [tilespmem:s19], [sflag:$0x3], $0x2000, $0x38;
	[tilespmem:$0x18200] =	vst v63  }
0x2f: {  	_ =	swait.ge [sflag:s20], $0x2000  }
0x30: {  	[sflag:s20] =	ssyncset.done $0x0  }
0x31: {  	[sflag:s20] =	ssyncadd.s32 $0xFFFFE000  }
0x32: {  	[spmem:s10] =	stream.linear.scatter [tilespmem:s19], [sflag:$0x3], $0x2000, $0x38;
	[tilespmem:$0x18200] =	vst v63  }
0x33: {  	_ =	swait.ge [sflag:s20], $0x2000  }
0x34: {  	[sflag:s20] =	ssyncset.done $0x0  }
0x35: {  	[sflag:s20] =	ssyncadd.s32 $0xFFFFE000  }
0x36: {  	_ =	swait.ge [sflag:s21], $0x5100  }
0x37: {  	[sflag:s21] =	ssyncset.done $0x0  }
0x38: {  	[sflag:s21] =	ssyncadd.s32 $0xFFFFAF00  }
0x39: {  	_ =	swait.ge [sflag:s22], $0x5100  }
0x3a: {  	[sflag:s22] =	ssyncset.done $0x0  }
0x3b: {  	[sflag:s22] =	ssyncadd.s32 $0xFFFFAF00  }
0x3c: {  	s29 =	simm.s32 $0x0;
	[bflag:$0x0] =	sbarrier.arrive $0xFFFF  }
0x3d: {  	[tilespmem:s19], [sflag:$0x1] =	stream.indirect.gather [hbm4b:s11+s23], $0x40, s29, s23, $0xb8;
	[tilespmem:$0x18200] =	vst v63  }
0x3e: {  	_ = 	snop  }
0x3f: {  	[tilespmem:s24], [sflag:$0x2] =	stream.indirect.gather [hbm4b:s11+s23], $0x40, s23, s23, $0xb8;
	[tilespmem:$0x18200] =	vst v63  }
0x40: {  	_ =	swait.ge [sflag:s21], $0x2000  }
0x41: {  	[sflag:s21] =	ssyncset.done $0x0  }
0x42: {  	s29 =	simm.s32 $0x5100;
	[sflag:s21] =	ssyncadd.s32 $0xFFFFE000  }
0x43: {  	[spmem:s1] =	stream.indirect.scatter.add.f32 [tilespmem:s19], [sflag:$0x3], $0x40, s29, s23, $0xb8;
	[tilespmem:$0x18200] =	vst v63  }
0x44: {  	_ =	swait.ge [sflag:s20], $0x2000  }
0x45: {  	[sflag:s20] =	ssyncset.done $0x0  }
0x46: {  	s29 =	simm.s32 $0x100;
	[sflag:s20] =	ssyncadd.s32 $0xFFFFE000  }
0x47: {  	[tilespmem:s19], [sflag:$0x1] =	stream.indirect.gather [hbm4b:s11+s23], $0x40, s29, s23, $0xb8;
	[tilespmem:$0x18200] =	vst v63  }
0x48: {  	_ =	swait.ge [sflag:s22], $0x2000  }
0x49: {  	[sflag:s22] =	ssyncset.done $0x0  }
0x4a: {  	s29 =	simm.s32 $0x5180;
	[sflag:s22] =	ssyncadd.s32 $0xFFFFE000  }
0x4b: {  	[spmem:s1] =	stream.indirect.scatter.add.f32 [tilespmem:s24], [sflag:$0x3], $0x40, s29, s23, $0xb8;
	[tilespmem:$0x18200] =	vst v63  }
0x4c: {  	_ =	swait.ge [sflag:s20], $0x2000  }
0x4d: {  	[sflag:s20] =	ssyncset.done $0x0  }
0x4e: {  	s30 =	simm.s32 $0x180;
	s29 =	simm.s32 $0x400;
	[sflag:s20] =	ssyncadd.s32 $0xFFFFE000  }
.LBB2_4:
0x4f: {  	[tilespmem:s24], [sflag:$0x2] =	stream.indirect.gather [hbm4b:s11+s23], $0x40, s30, s23, $0xb8;
	[tilespmem:$0x18200] =	vst v63  }
0x50: {  	s30 =	smov.u32 s29  }
0x51: {  	p0 =	sne.s32 s29, $0x13C00;
	s29 =	sadd.s32 $0x400, s29;
	_ =	swait.ge [sflag:s21], $0x2000  }
0x52: {  	s30 =	sshra.s32 s30, $0x2;
	[sflag:s21] =	ssyncset.done $0x0  }
0x53: {  	s31 =	sadd.s32 $0x5100, s30;
	[sflag:s21] =	ssyncadd.s32 $0xFFFFE000  }
0x54: {  	[spmem:s1] =	stream.indirect.scatter.add.f32 [tilespmem:s19], [sflag:$0x3], $0x40, s31, s23, $0xb8;
	[tilespmem:$0x18200] =	vst v63  }
0x55: {  	_ =	swait.ge [sflag:s20], $0x2000  }
0x56: {  	[sflag:s20] =	ssyncset.done $0x0  }
0x57: {  	s31 =	sadd.s32 $0x100, s30;
	[sflag:s20] =	ssyncadd.s32 $0xFFFFE000  }
0x58: {  	[tilespmem:s19], [sflag:$0x1] =	stream.indirect.gather [hbm4b:s11+s23], $0x40, s31, s23, $0xb8;
	[tilespmem:$0x18200] =	vst v63  }
0x59: {  	_ =	swait.ge [sflag:s22], $0x2000  }
0x5a: {  	[sflag:s22] =	ssyncset.done $0x0  }
.Ltmp1:
0x5b: {  	s31 =	sadd.s32 $0x5180, s30;
	[sflag:s22] =	ssyncadd.s32 $0xFFFFE000;
	(pc) =	sbr.rel @p0 .LBB2_4-.Ltmp1, $4  }
0x5c: {  	[spmem:s1] =	stream.indirect.scatter.add.f32 [tilespmem:s24], [sflag:$0x3], $0x40, s31, s23, $0xb8;
	[tilespmem:$0x18200] =	vst v63  }
0x5d: {  	_ =	swait.ge [sflag:s20], $0x2000  }
0x5e: {  	[sflag:s20] =	ssyncset.done $0x0  }
0x5f: {  	s30 =	sadd.s32 $0x180, s30;
	[sflag:s20] =	ssyncadd.s32 $0xFFFFE000  }
0x60: {  	[tilespmem:s24], [sflag:$0x2] =	stream.indirect.gather [hbm4b:s11+s23], $0x40, s30, s23, $0xb8;
	[tilespmem:$0x18200] =	vst v63  }
0x61: {  	_ =	swait.ge [sflag:s21], $0x2000  }
0x62: {  	[sflag:s21] =	ssyncset.done $0x0  }
0x63: {  	[sflag:s21] =	ssyncadd.s32 $0xFFFFE000  }
0x64: {  	[spmem:s1] =	stream.indirect.scatter.add.f32 [tilespmem:s19], [sflag:$0x3], $0x40, s25, s23, $0xb8;
	[tilespmem:$0x18200] =	vst v63  }
0x65: {  	_ =	swait.ge [sflag:s20], $0x2000  }
0x66: {  	[sflag:s20] =	ssyncset.done $0x0  }
0x67: {  	[sflag:s20] =	ssyncadd.s32 $0xFFFFE000  }
0x68: {  	_ =	swait.ge [sflag:s22], $0x2000  }
0x69: {  	[sflag:s22] =	ssyncset.done $0x0  }
0x6a: {  	[sflag:s22] =	ssyncadd.s32 $0xFFFFE000  }
0x6b: {  	[spmem:s1] =	stream.indirect.scatter.add.f32 [tilespmem:s24], [sflag:$0x3], $0x40, s26, s23, $0xb8;
	[tilespmem:$0x18200] =	vst v63  }
0x6c: {  	_ =	swait.ge [sflag:s20], $0x2000  }
0x6d: {  	[sflag:s20] =	ssyncset.done $0x0  }
0x6e: {  	s29 =	sshll.u32 s2, $0x6;
	[sflag:s20] =	ssyncadd.s32 $0xFFFFE000  }
0x6f: {  	s31 =	sshrl.u32 s6, $0x3;
	s29 =	sor.u32 $0x1C03, s29;
	[bflag:$0x0] =	sbarrier.arrive $0xFFFF  }
0x70: {  	[hbm:s12], [sflag:s29] =	dma.local [spmem:s31], $0x400  }
0x71: {  	_ =	swait.ge [sflag:s20], $0x400  }
0x72: {  	[sflag:s20] =	ssyncset.done $0x0  }
0x73: {  	s31 =	sshrl.u32 s7, $0x3;
	[sflag:s20] =	ssyncadd.s32 $0xFFFFFC00  }
0x74: {  	[hbm:s13], [sflag:s29] =	dma.local [spmem:s31], $0x400  }
0x75: {  	_ =	swait.ge [sflag:s20], $0x400  }
0x76: {  	[sflag:s20] =	ssyncset.done $0x0  }
0x77: {  	s31 =	sshrl.u32 s8, $0x3;
	[sflag:s20] =	ssyncadd.s32 $0xFFFFFC00  }
0x78: {  	[hbm:s14], [sflag:s29] =	dma.local [spmem:s31], $0x400  }
0x79: {  	_ =	swait.ge [sflag:s20], $0x400  }
0x7a: {  	[sflag:s20] =	ssyncset.done $0x0  }
0x7b: {  	s31 =	sshrl.u32 s9, $0x3;
	[sflag:s20] =	ssyncadd.s32 $0xFFFFFC00  }
0x7c: {  	[hbm:s15], [sflag:s29] =	dma.local [spmem:s31], $0x400  }
0x7d: {  	s28 =	sadd.s32 $0x1, s28;
	_ =	swait.ge [sflag:s20], $0x400  }
0x7e: {  	p0 =	sne.s32 s28, s17;
	[sflag:s20] =	ssyncset.done $0x0  }
.Ltmp2:
0x7f: {  	s31 =	sshrl.u32 s10, $0x3;
	[sflag:s20] =	ssyncadd.s32 $0xFFFFFC00;
	(pc) =	sbr.rel @p0 .LBB2_1-.Ltmp2, $4  }
0x80: {  	[hbm:s16], [sflag:s29] =	dma.local [spmem:s31], $0x400  }
0x81: {  	_ =	swait.ge [sflag:s20], $0x400  }
0x82: {  	[sflag:s20] =	ssyncset.done $0x0  }
0x83: {  	[sflag:s20] =	ssyncadd.s32 $0xFFFFFC00  }
0x84: {  	_ =	sfence.sel $0x180000  }
0x85: {  	[bflag:$0x0] =	sbarrier.arrive $0xFFFF  }
0x86: {  	p0 =	sne.s32 s2, $0x0;
	_ =	strace $0x90000050  }
0x87: {  	s0 =	sadd.s32 @!p0 $0x100000, s0;
	[bflag:$0x2] =	sbarrier.arrive $0xFFFF  }
0x88: {  	[sflag:s0] =	ssyncadd.tile.s32 @!p0 $0x1;
	_ =	shalt  }
.Lfunc_end2:
_tile_overlayer_lowered:
.L_overlay_start_2:
0x89: {  	(tag) =	ssettag $0x2  }
0x8a: {  	s0 =	rddreg [dreg:$0x0];
	s2 =	stileid.u32  }
0x8b: {  	s1 =	rddreg [dreg:$0x1];
	p0 =	sne.s32 s2, $0x0  }
0x8c: {  	s3 =	rddreg [dreg:$0x2];
	[bflag:$0x3] =	sbarrier.arrive $0xFFFF;
	s2 =	simm.s32 @!p0 $0x1C03  }
0x8d: {  	[timem:s3], [sflag:s2] =	dma.local @!p0 [hbm:s0], s1  }
0x8e: {  	s0 =	simm.s32 @!p0 $0x3  }
0x8f: {  	_ =	swait.ge @!p0 [sflag:s0], s1  }
0x90: {  	s1 =	ssub.s32 @!p0 $0x0, s1;
	[sflag:s0] =	ssyncset.done @!p0 $0x0  }
0x91: {  	[sflag:s0] =	ssyncadd.s32 @!p0 s1  }
0x92: {  	[bflag:$0x3] =	sbarrier.arrive $0xFFFF  }
0x93: {  	_ =	shalt  }

// kernel: kernel.24.cloned.1.call-start
scs
__scs_entry_jumppad:
0x0: {  	(pc) =	sbr.rel $0x88, $3  }
0x1: {  	(tag) =	ssettag $0x0;
	lr =	simm.s32 $0x1  }
0x2: {  	[smem:$0x3F9A] =	sst lr;
	_ =	strace $0xD0000000  }
0x3: {  	_ = 	snop  }
0x4: {  	_ = 	snop  }
0x5: {  	_ = 	snop  }
0x6: {  	_ = 	snop  }
0x7: {  	_ = 	snop  }
__scs_overlays_trampoline_lowered:
0x8: {  	[smem:$0x3FA9] =	sst s0  }
0x9: {  	[smem:$0x3FAA] =	sst s1  }
0xa: {  	[smem:$0x3FAB] =	sst s2  }
0xb: {  	[smem:$0x3FAC] =	sst s3  }
0xc: {  	[smem:$0x3FAD] =	sst s4  }
0xd: {  	[smem:$0x3FAE] =	sst s5  }
0xe: {  	[smem:$0x3FAF] =	sst s6  }
0xf: {  	[smem:$0x3FB0] =	sst s7  }
0x10: {  	[smem:$0x3FB1] =	sst s8  }
0x11: {  	[smem:$0x3FB2] =	sst s9;
	s0 =	simm.s32 @!p0 $0x0  }
0x12: {  	s1 =	sld [smem:$0x3F98];
	s0 =	simm.s32 @p0 $0x1  }
0x13: {  	[smem:$0x3FB3] =	sst s0;
	s0 =	simm.s32 @!p1 $0x0  }
0x14: {  	s2 =	sld [smem:$0x3F97];
	s0 =	simm.s32 @p1 $0x1  }
0x15: {  	[smem:$0x3FB4] =	sst s0;
	s0 =	simm.s32 @!p2 $0x0  }
0x16: {  	s3 =	sld [smem:$0x3FDB];
	s0 =	simm.s32 @p2 $0x1  }
0x17: {  	s4 =	simm.s32 $0x1BF5;
	[smem:$0x3FB6] =	sst s0  }
0x18: {  	s0 =	sld [smem:$0x3F99];
	_ =	swait.ge [sflag:s4], $0x0  }
0x19: {  	s7 =	sld [smem:$0x3F9A]  }
0x1a: {  	s8 =	sadd.s32 $0xFFFFE003, lr  }
0x1b: {  	s9 =	sadd.s32 $0xFFFFFEF7, lr;
	s5 =	simm.s32 $0xFFFFFFFF;
	p2 =	slt.u32 s8, $0xFFFFF086  }
0x1c: {  	p1 =	slt.u32 s9, $0xF7A;
	s5 =	simm.s32 @!p2 $0x0  }
0x1d: {  	s5 =	simm.s32 @p1 $0x1;
	p0 =	seq.s32 s7, s2  }
0x1e: {  	s7 =	smul.u32 @!p0 $0xF7A, s2;
	p2 =	seq.s32 @!p0 s5, $0x0  }
0x1f: {  	s9 =	smul.u32 $0xF7A, s1;
	s8 =	simm.s32 @!p0 $0x1BF5;
	p2 =	por !p2, p0  }
0x20: {  	[sflag:s8] =	ssyncset.s32 @!p0 $0xFFFFF086;
	s6 =	sadd.s32 @!p0 s3, s7;
	s7 =	simm.s32 @!p0 $0x108  }
0x21: {  	s3 =	sadd.s32 s3, s9;
	s6 =	sadd.s32 @!p0 $0x88, s6;
	s7 =	simm.s32 @p2 $0x1082  }
0x22: {  	[simem:s7], [sflag:s8] =	dma.local @!p0 [hbm:s6], $0xF7A  }
0x23: {  	s9 =	sor.u32 $0xD0000000, s2;
	s6 =	simm.s32 $0x108;
	_ =	swait.ge @!p0 [sflag:s8], $0x0  }
0x24: {  	s3 =	sadd.s32 $0x88, s3;
	s6 =	simm.s32 @!p1 $0x1082;
	[sflag:s4] =	ssyncset.s32 $0xFFFFF086  }
0x25: {  	[simem:s6], [sflag:s4] =	dma.local [hbm:s3], $0xF7A  }
0x26: {  	[smem:$0x3F9A] =	sst s1;
	(tag) =	ssettag s2;
	_ =	strace s9  }
0x27: {  	s1 =	sld [smem:$0x3FAA]  }
0x28: {  	s2 =	sld [smem:$0x3FAB]  }
0x29: {  	s4 =	sld [smem:$0x3FAD]  }
0x2a: {  	p0 =	seq.s32 s5, $0x0;
	s5 =	sld [smem:$0x3FAE]  }
0x2b: {  	s6 =	sld [smem:$0x3FAF]  }
0x2c: {  	s7 =	sld [smem:$0x3FB0]  }
0x2d: {  	s3 =	simm.s32 $0x108;
	s8 =	sld [smem:$0x3FB1]  }
0x2e: {  	s3 =	simm.s32 @!p0 $0x1082;
	s9 =	sld [smem:$0x3FB2]  }
0x2f: {  	lr =	sadd.s32 s0, s3;
	s0 =	sld [smem:$0x3FA9]  }
0x30: {  	s3 =	sld [smem:$0x3FAC]  }
0x31: {  	[smem:$0x3FB5] =	sst s10  }
0x32: {  	s10 =	sld [smem:$0x3FB3];
	_ =	sdelay $0x3  }
0x33: {  	p0 =	seq.s32 s10, $0x1;
	s10 =	sld [smem:$0x3FB5];
	_ =	sdelay $0x3  }
0x34: {  	[smem:$0x3FB5] =	sst s10  }
0x35: {  	s10 =	sld [smem:$0x3FB4];
	_ =	sdelay $0x3  }
0x36: {  	p1 =	seq.s32 s10, $0x1;
	s10 =	sld [smem:$0x3FB5];
	_ =	sdelay $0x3  }
0x37: {  	[smem:$0x3FB5] =	sst s10  }
0x38: {  	s10 =	sld [smem:$0x3FB6]  }
0x39: {  	_ = 	snop;
	(pc) =	sbr.ind lr, $3  }
0x3a: {  	_ = 	snop  }
0x3b: {  	_ = 	snop  }
0x3c: {  	p2 =	seq.s32 s10, $0x1;
	s10 =	sld [smem:$0x3FB5]  }
0x3d: {  	_ =	shalt  }
0x3e: {  	_ =	shalt  }
0x3f: {  	_ =	shalt  }
0x40: {  	_ =	shalt  }
0x41: {  	_ =	shalt  }
0x42: {  	_ =	shalt  }
0x43: {  	_ =	shalt  }
0x44: {  	_ =	shalt  }
0x45: {  	_ =	shalt  }
0x46: {  	_ =	shalt  }
0x47: {  	_ =	shalt  }
0x48: {  	_ =	shalt  }
0x49: {  	_ =	shalt  }
0x4a: {  	_ =	shalt  }
0x4b: {  	_ =	shalt  }
0x4c: {  	_ =	shalt  }
0x4d: {  	_ =	shalt  }
0x4e: {  	_ =	shalt  }
0x4f: {  	_ =	shalt  }
0x50: {  	_ =	shalt  }
0x51: {  	_ =	shalt  }
0x52: {  	_ =	shalt  }
0x53: {  	_ =	shalt  }
0x54: {  	_ =	shalt  }
0x55: {  	_ =	shalt  }
0x56: {  	_ =	shalt  }
0x57: {  	_ =	shalt  }
0x58: {  	_ =	shalt  }
0x59: {  	_ =	shalt  }
0x5a: {  	_ =	shalt  }
0x5b: {  	_ =	shalt  }
0x5c: {  	_ =	shalt  }
0x5d: {  	_ =	shalt  }
0x5e: {  	_ =	shalt  }
0x5f: {  	_ =	shalt  }
0x60: {  	_ =	shalt  }
0x61: {  	_ =	shalt  }
0x62: {  	_ =	shalt  }
0x63: {  	_ =	shalt  }
0x64: {  	_ =	shalt  }
0x65: {  	_ =	shalt  }
0x66: {  	_ =	shalt  }
0x67: {  	_ =	shalt  }
0x68: {  	_ =	shalt  }
0x69: {  	_ =	shalt  }
0x6a: {  	_ =	shalt  }
0x6b: {  	_ =	shalt  }
0x6c: {  	_ =	shalt  }
0x6d: {  	_ =	shalt  }
0x6e: {  	_ =	shalt  }
0x6f: {  	_ =	shalt  }
0x70: {  	_ =	shalt  }
0x71: {  	_ =	shalt  }
0x72: {  	_ =	shalt  }
0x73: {  	_ =	shalt  }
0x74: {  	_ =	shalt  }
0x75: {  	_ =	shalt  }
0x76: {  	_ =	shalt  }
0x77: {  	_ =	shalt  }
0x78: {  	_ =	shalt  }
0x79: {  	_ =	shalt  }
0x7a: {  	_ =	shalt  }
0x7b: {  	_ =	shalt  }
0x7c: {  	_ =	shalt  }
0x7d: {  	_ =	shalt  }
0x7e: {  	_ =	shalt  }
0x7f: {  	_ =	shalt  }
0x80: {  	_ =	shalt  }
0x81: {  	_ =	shalt  }
0x82: {  	_ =	shalt  }
0x83: {  	_ =	shalt  }
0x84: {  	_ =	shalt  }
0x85: {  	_ =	shalt  }
0x86: {  	_ =	shalt  }
0x87: {  	_ =	shalt  }
.Lfunc_end0:
.L_simem_size_0:
called_computation.4_lowered:
.L_overlay_start_0:
0x88: {  	s2 =	sld [smem:$0x3FD9]  }
0x89: {  	s3 =	sld [smem:$0x3FFE];
	_ =	sdelay $0x1  }
0x8a: {  	s1 =	srdreg.scid  }
0x8b: {  	s0 =	sand.u32 $0x1, s1  }
0x8c: {  	s17 =	sshll.u32 s0, $0xA;
	s2 =	sadd.s32 s3, s2  }
0x8d: {  	s2 =	sadd.s32 s2, s17  }
0x8e: {  	[smem:$0x3FC1] =	sst s2  }
0x8f: {  	_ = 	snop  }
0x90: {  	s2 =	sld [smem:$0x3FD0];
	(tm) =	ssettm $0x1  }
0x91: {  	s18 =	sld [smem:$0x3FFB];
	_ =	sdelay $0x3  }
0x92: {  	_ =	strace s18  }
0x93: {  	s3 =	sld [smem:$0x3FFC];
	_ =	sdelay $0x3  }
0x94: {  	_ =	strace s3  }
0x95: {  	s3 =	sld [smem:$0x3FFD];
	_ =	sdelay $0x3  }
0x96: {  	_ =	strace s3  }
0x97: {  	_ =	strace $0x8FFFFFFF  }
0x98: {  	s19 =	sld [smem:$0x3FDB];
	_ =	sdelay $0x1  }
0x99: {  	s4 =	simm.s32 $_scs_section_size  }
0x9a: {  	s5 =	simm.s32 $_size__tile_overlayer_lowered;
	s6 =	simm.s32 $_tile_overlayer_lowered  }
0x9b: {  	s22 =	simm.s32 $0x1BFF;
	s21 =	sshll.u32 s6, $0x1;
	s3 =	sadd.s32 s4, s19  }
0x9c: {  	s7 =	simm.s32 $0x0;
	s20 =	sshll.u32 s5, $0x1;
	s5 =	sadd.s32 s21, s3  }
0x9d: {  	[timem:s7], [sflag:s22] =	dma.local [hbm:s5], s20  }
0x9e: {  	_ =	swait.ge [sflag:s22], s20  }
0x9f: {  	s4 =	ssub.s32 $0x0, s20;
	[sflag:s22] =	ssyncset.done $0x0  }
0xa0: {  	[sflag:s22] =	ssyncadd.s32 s4;
	_ =	sdelay $0x1  }
0xa1: {  	s23 =	simm.s32 $0x1B8B  }
0xa2: {  	_ =	swait.ge [sflag:s23], $0x1  }
0xa3: {  	[sflag:s23] =	ssyncset.done $0x0  }
0xa4: {  	s25 =	simm.s32 $0x1B8E;
	s24 =	sld [smem:$0x3FFE];
	[sflag:s23] =	ssyncadd.s32 $0xFFFFFFFF  }
0xa5: {  	s26 =	simm.s32 $execute0_lowered;
	[smem:$0x3FD2] =	sst s25  }
0xa6: {  	s5 =	sshll.u32 s26, $0x1;
	_ =	strace $0x80000052;
	[dreg:$0x1] =	wrdreg $0xFFFFFFFF  }
0xa7: {  	s28 =	simm.s32 $_size_execute0_lowered;
	s3 =	sadd.s32 s3, s5;
	[dreg:$0x0] =	wrdreg $0x0  }
0xa8: {  	s5 =	sshll.u32 s28, $0x1;
	[dreg:$0x2] =	wrdreg s3  }
0xa9: {  	[dreg:$0x3] =	wrdreg s5  }
0xaa: {  	[dreg:$0x4] =	wrdreg $0xC0  }
0xab: {  	_ =	task [dreg:s7], $0x5FFFF  }
0xac: {  	[dreg:$0x1] =	wrdreg $0xFFFFFFFF  }
0xad: {  	[dreg:$0x0] =	wrdreg $0x60  }
0xae: {  	[dreg:$0x2] =	wrdreg s24  }
0xaf: {  	[dreg:$0x3] =	wrdreg s2  }
0xb0: {  	[dreg:$0x4] =	wrdreg $0xE2000  }
0xb1: {  	[dreg:$0x5] =	wrdreg $0x9  }
0xb2: {  	_ =	task.clear_ibuf [dreg:s7], $0x6FFFF;
	_ =	strace $0x90000052  }
0xb3: {  	s29 =	simm.s32 $0x9;
	_ =	strace $0x80000054  }
0xb4: {  	_ =	swait.ge [sflag:s29], $0x1  }
0xb5: {  	[sflag:s29] =	ssyncadd.s32 $0xFFFFFFFF  }
0xb6: {  	_ =	strace $0x90000054  }
0xb7: {  	_ =	sfence  }
0xb8: {  	s30 =	sld [smem:$0x0];
	_ =	sdelay $0x2  }
0xb9: {  	s31 =	sshll.u32 s1, $0xD;
	s1 =	sshrl.u32 s1, $0x2  }
0xba: {  	s3 =	sand.u32 $0x4000, s31;
	s1 =	sadd.s32 s1, s30  }
0xbb: {  	s0 =	sor.u32 s3, s0;
	s1 =	sshll.u32 s1, $0x11  }
0xbc: {  	s0 =	sor.u32 s1, s0  }
0xbd: {  	s0 =	sadd.s32 $0x8F2B, s0  }
0xbe: {  	[sflag:s0] =	ssyncadd.remote.s32 $0x1  }
0xbf: {  	_ =	sfence.sel $0xFFFF  }
0xc0: {  	[dreg:$0x0] =	wrdreg $0xFFFFFFFF;
	(pc) =	sbr.abs _section_cstart, $3  }
0xc1: {  	[dreg:$0x1] =	wrdreg $0xFFFFFFFF  }
0xc2: {  	_ =	task.clear_ibuf [dreg:s7], $0x2FFFF;
	_ =	strace $0x9FFFFFFF  }
0xc3: {  	(tm) =	ssettm $0x7FFFFFFF  }
tec
execute0_lowered:
.L_overlay_start_1:
0x0: {  	(tag) =	ssettag $0x1  }
0x1: {  	s4 =	rddreg [dreg:$0x0]  }
0x2: {  	s5 =	rddreg [dreg:$0x1]  }
0x3: {  	s1 =	rddreg [dreg:$0x2];
	s2 =	srdreg.scid  }
0x4: {  	s0 =	rddreg [dreg:$0x3];
	s3 =	simm.s32 $0x0;
	s21 =	simm.s32 $0x1  }
0x5: {  	s22 =	simm.s32 $0x2;
	s23 =	simm.s32 $0x80;
	s24 =	simm.s32 $0xC200  }
0x6: {  	s25 =	simm.s32 $0xA100;
	s6 =	sand.u32 $0x1, s2;
	s2 =	stileid.u32  }
0x7: {  	s28 =	simm.s32 $0x0;
	[smem:$0x7FF] =	sst s3;
	s14 =	smul.u32 $0xA0000, s6  }
0x8: {  	s16 =	sadd.s32 $0x3E800, s4;
	s7 =	smul.u32 $0xA20, s2;
	s6 =	ssub.s32 $0x2, s6  }
0x9: {  	_ =	strace $0x80000053;
	s10 =	smul.u32 $0xA000, s2;
	s29 =	sshrl.u32 s6, $0x1  }
0xa: {  	s8 =	sshrl.u32 s14, $0x3;
	s26 =	sadd.s32 s7, s4;
	s17 =	ssub.s32 s6, s29  }
0xb: {  	s5 =	sadd.s32 s5, s7;
	s6 =	sadd.s32 s10, s1;
	s12 =	sadd.s32 $0x2000, s10  }
0xc: {  	s15 =	sadd.s32 $0x4000, s10;
	s18 =	sadd.s32 $0x6000, s10;
	s19 =	sadd.s32 $0x8000, s10  }
0xd: {  	s13 =	sadd.s32 s10, s14;
	s11 =	sadd.s32 s8, s4;
	s4 =	sadd.s32 $0xC600, s26  }
0xe: {  	s7 =	sadd.s32 s12, s1;
	s8 =	sadd.s32 s15, s1;
	s9 =	sadd.s32 s18, s1  }
0xf: {  	s10 =	sadd.s32 s19, s1;
	s13 =	sshrl.u32 s13, $0x3;
	s20 =	sadd.s32 s14, s12  }
0x10: {  	s15 =	sadd.s32 s14, s15;
	s18 =	sadd.s32 s14, s18;
	s19 =	sadd.s32 s14, s19  }
0x11: {  	s17 =	smax.u32 s17, $0x1;
	s26 =	simm.s32 $0xA180;
	s11 =	sadd.s32 $0x16800, s11  }
0x12: {  	s12 =	sadd.s32 s16, s13;
	s30 =	sshrl.u32 s20, $0x3;
	s15 =	sshrl.u32 s15, $0x3  }
0x13: {  	s18 =	sshrl.u32 s18, $0x3;
	s31 =	sshrl.u32 s19, $0x3;
	s19 =	simm.s32 $0xA200  }
0x14: {  	s20 =	simm.s32 $0x3;
	s13 =	sadd.s32 s16, s30;
	s14 =	sadd.s32 s16, s15  }
0x15: {  	v0 =	vimm.f32 $0.0e+00;
	s15 =	sadd.s32 s16, s18;
	s16 =	sadd.s32 s16, s31;
	s18 =	simm.s32 $0x5100  }
.LBB2_1:
0x16: {  	[tilespmem:s3], [sflag:$0x1] =	stream.linear.gather [hbm4b:s4+s3], $0x5100, $0x38;
	[tilespmem:$0x18200] =	vst v63  }
0x17: {  	s30 =	simm.s32 $0x100;
	s29 =	simm.s32 $0x0  }
0x18: {  	[tilespmem:s18], [sflag:$0x2] =	stream.linear.gather [hbm4b:s5+s3], $0x5100, $0x38;
	[tilespmem:$0x18200] =	vst v63  }
.LBB2_2:
0x19: {  	p0 =	sne.s32 s30, $0x7F00;
	[tilespmem:s29+$0xA230] =	vst v0;
	s31 =	smov.u32 s30;
	s30 =	sadd.s32 $0x100, s30  }
.Ltmp0:
0x1a: {  	[tilespmem:s29+$0xA220] =	vst v0;
	(pc) =	sbr.rel @p0 .LBB2_2-.Ltmp0, $3  }
0x1b: {  	[tilespmem:s29+$0xA200] =	vst v0  }
0x1c: {  	[tilespmem:s29+$0xA210] =	vst v0;
	_ =	sdelay $0x1  }
0x1d: {  	s29 =	sshra.s32 s31, $0x2  }
0x1e: {  	[tilespmem:s29+$0xA230] =	vst v0  }
0x1f: {  	[tilespmem:s29+$0xA220] =	vst v0  }
0x20: {  	[tilespmem:s29+$0xA200] =	vst v0  }
0x21: {  	[tilespmem:s29+$0xA210] =	vst v0  }
0x22: {  	[spmem:s6] =	stream.linear.scatter [tilespmem:s19], [sflag:$0x3], $0x2000, $0x38;
	[tilespmem:$0x18200] =	vst v63  }
0x23: {  	_ =	swait.ge [sflag:s20], $0x2000  }
0x24: {  	[sflag:s20] =	ssyncset.done $0x0  }
0x25: {  	[sflag:s20] =	ssyncadd.s32 $0xFFFFE000  }
0x26: {  	[spmem:s7] =	stream.linear.scatter [tilespmem:s19], [sflag:$0x3], $0x2000, $0x38;
	[tilespmem:$0x18200] =	vst v63  }
0x27: {  	_ =	swait.ge [sflag:s20], $0x2000  }
0x28: {  	[sflag:s20] =	ssyncset.done $0x0  }
0x29: {  	[sflag:s20] =	ssyncadd.s32 $0xFFFFE000  }
0x2a: {  	[spmem:s8] =	stream.linear.scatter [tilespmem:s19], [sflag:$0x3], $0x2000, $0x38;
	[tilespmem:$0x18200] =	vst v63  }
0x2b: {  	_ =	swait.ge [sflag:s20], $0x2000  }
0x2c: {  	[sflag:s20] =	ssyncset.done $0x0  }
0x2d: {  	[sflag:s20] =	ssyncadd.s32 $0xFFFFE000  }
0x2e: {  	[spmem:s9] =	stream.linear.scatter [tilespmem:s19], [sflag:$0x3], $0x2000, $0x38;
	[tilespmem:$0x18200] =	vst v63  }
0x2f: {  	_ =	swait.ge [sflag:s20], $0x2000  }
0x30: {  	[sflag:s20] =	ssyncset.done $0x0  }
0x31: {  	[sflag:s20] =	ssyncadd.s32 $0xFFFFE000  }
0x32: {  	[spmem:s10] =	stream.linear.scatter [tilespmem:s19], [sflag:$0x3], $0x2000, $0x38;
	[tilespmem:$0x18200] =	vst v63  }
0x33: {  	_ =	swait.ge [sflag:s20], $0x2000  }
0x34: {  	[sflag:s20] =	ssyncset.done $0x0  }
0x35: {  	[sflag:s20] =	ssyncadd.s32 $0xFFFFE000  }
0x36: {  	_ =	swait.ge [sflag:s21], $0x5100  }
0x37: {  	[sflag:s21] =	ssyncset.done $0x0  }
0x38: {  	[sflag:s21] =	ssyncadd.s32 $0xFFFFAF00  }
0x39: {  	_ =	swait.ge [sflag:s22], $0x5100  }
0x3a: {  	[sflag:s22] =	ssyncset.done $0x0  }
0x3b: {  	[sflag:s22] =	ssyncadd.s32 $0xFFFFAF00  }
0x3c: {  	s29 =	simm.s32 $0x0;
	[bflag:$0x0] =	sbarrier.arrive $0xFFFF  }
0x3d: {  	[tilespmem:s19], [sflag:$0x1] =	stream.indirect.gather [hbm4b:s11+s23], $0x40, s29, s23, $0xb8;
	[tilespmem:$0x18200] =	vst v63  }
0x3e: {  	_ = 	snop  }
0x3f: {  	[tilespmem:s24], [sflag:$0x2] =	stream.indirect.gather [hbm4b:s11+s23], $0x40, s23, s23, $0xb8;
	[tilespmem:$0x18200] =	vst v63  }
0x40: {  	_ =	swait.ge [sflag:s21], $0x2000  }
0x41: {  	[sflag:s21] =	ssyncset.done $0x0  }
0x42: {  	s29 =	simm.s32 $0x5100;
	[sflag:s21] =	ssyncadd.s32 $0xFFFFE000  }
0x43: {  	[spmem:s1] =	stream.indirect.scatter.add.f32 [tilespmem:s19], [sflag:$0x3], $0x40, s29, s23, $0xb8;
	[tilespmem:$0x18200] =	vst v63  }
0x44: {  	_ =	swait.ge [sflag:s20], $0x2000  }
0x45: {  	[sflag:s20] =	ssyncset.done $0x0  }
0x46: {  	s29 =	simm.s32 $0x100;
	[sflag:s20] =	ssyncadd.s32 $0xFFFFE000  }
0x47: {  	[tilespmem:s19], [sflag:$0x1] =	stream.indirect.gather [hbm4b:s11+s23], $0x40, s29, s23, $0xb8;
	[tilespmem:$0x18200] =	vst v63  }
0x48: {  	_ =	swait.ge [sflag:s22], $0x2000  }
0x49: {  	[sflag:s22] =	ssyncset.done $0x0  }
0x4a: {  	s29 =	simm.s32 $0x5180;
	[sflag:s22] =	ssyncadd.s32 $0xFFFFE000  }
0x4b: {  	[spmem:s1] =	stream.indirect.scatter.add.f32 [tilespmem:s24], [sflag:$0x3], $0x40, s29, s23, $0xb8;
	[tilespmem:$0x18200] =	vst v63  }
0x4c: {  	_ =	swait.ge [sflag:s20], $0x2000  }
0x4d: {  	[sflag:s20] =	ssyncset.done $0x0  }
0x4e: {  	s30 =	simm.s32 $0x180;
	s29 =	simm.s32 $0x400;
	[sflag:s20] =	ssyncadd.s32 $0xFFFFE000  }
.LBB2_4:
0x4f: {  	[tilespmem:s24], [sflag:$0x2] =	stream.indirect.gather [hbm4b:s11+s23], $0x40, s30, s23, $0xb8;
	[tilespmem:$0x18200] =	vst v63  }
0x50: {  	s30 =	smov.u32 s29  }
0x51: {  	p0 =	sne.s32 s29, $0x13C00;
	s29 =	sadd.s32 $0x400, s29;
	_ =	swait.ge [sflag:s21], $0x2000  }
0x52: {  	s30 =	sshra.s32 s30, $0x2;
	[sflag:s21] =	ssyncset.done $0x0  }
0x53: {  	s31 =	sadd.s32 $0x5100, s30;
	[sflag:s21] =	ssyncadd.s32 $0xFFFFE000  }
0x54: {  	[spmem:s1] =	stream.indirect.scatter.add.f32 [tilespmem:s19], [sflag:$0x3], $0x40, s31, s23, $0xb8;
	[tilespmem:$0x18200] =	vst v63  }
0x55: {  	_ =	swait.ge [sflag:s20], $0x2000  }
0x56: {  	[sflag:s20] =	ssyncset.done $0x0  }
0x57: {  	s31 =	sadd.s32 $0x100, s30;
	[sflag:s20] =	ssyncadd.s32 $0xFFFFE000  }
0x58: {  	[tilespmem:s19], [sflag:$0x1] =	stream.indirect.gather [hbm4b:s11+s23], $0x40, s31, s23, $0xb8;
	[tilespmem:$0x18200] =	vst v63  }
0x59: {  	_ =	swait.ge [sflag:s22], $0x2000  }
0x5a: {  	[sflag:s22] =	ssyncset.done $0x0  }
.Ltmp1:
0x5b: {  	s31 =	sadd.s32 $0x5180, s30;
	[sflag:s22] =	ssyncadd.s32 $0xFFFFE000;
	(pc) =	sbr.rel @p0 .LBB2_4-.Ltmp1, $4  }
0x5c: {  	[spmem:s1] =	stream.indirect.scatter.add.f32 [tilespmem:s24], [sflag:$0x3], $0x40, s31, s23, $0xb8;
	[tilespmem:$0x18200] =	vst v63  }
0x5d: {  	_ =	swait.ge [sflag:s20], $0x2000  }
0x5e: {  	[sflag:s20] =	ssyncset.done $0x0  }
0x5f: {  	s30 =	sadd.s32 $0x180, s30;
	[sflag:s20] =	ssyncadd.s32 $0xFFFFE000  }
0x60: {  	[tilespmem:s24], [sflag:$0x2] =	stream.indirect.gather [hbm4b:s11+s23], $0x40, s30, s23, $0xb8;
	[tilespmem:$0x18200] =	vst v63  }
0x61: {  	_ =	swait.ge [sflag:s21], $0x2000  }
0x62: {  	[sflag:s21] =	ssyncset.done $0x0  }
0x63: {  	[sflag:s21] =	ssyncadd.s32 $0xFFFFE000  }
0x64: {  	[spmem:s1] =	stream.indirect.scatter.add.f32 [tilespmem:s19], [sflag:$0x3], $0x40, s25, s23, $0xb8;
	[tilespmem:$0x18200] =	vst v63  }
0x65: {  	_ =	swait.ge [sflag:s20], $0x2000  }
0x66: {  	[sflag:s20] =	ssyncset.done $0x0  }
0x67: {  	[sflag:s20] =	ssyncadd.s32 $0xFFFFE000  }
0x68: {  	_ =	swait.ge [sflag:s22], $0x2000  }
0x69: {  	[sflag:s22] =	ssyncset.done $0x0  }
0x6a: {  	[sflag:s22] =	ssyncadd.s32 $0xFFFFE000  }
0x6b: {  	[spmem:s1] =	stream.indirect.scatter.add.f32 [tilespmem:s24], [sflag:$0x3], $0x40, s26, s23, $0xb8;
	[tilespmem:$0x18200] =	vst v63  }
0x6c: {  	_ =	swait.ge [sflag:s20], $0x2000  }
0x6d: {  	[sflag:s20] =	ssyncset.done $0x0  }
0x6e: {  	s29 =	sshll.u32 s2, $0x6;
	[sflag:s20] =	ssyncadd.s32 $0xFFFFE000  }
0x6f: {  	s31 =	sshrl.u32 s6, $0x3;
	s29 =	sor.u32 $0x1C03, s29;
	[bflag:$0x0] =	sbarrier.arrive $0xFFFF  }
0x70: {  	[hbm:s12], [sflag:s29] =	dma.local [spmem:s31], $0x400  }
0x71: {  	_ =	swait.ge [sflag:s20], $0x400  }
0x72: {  	[sflag:s20] =	ssyncset.done $0x0  }
0x73: {  	s31 =	sshrl.u32 s7, $0x3;
	[sflag:s20] =	ssyncadd.s32 $0xFFFFFC00  }
0x74: {  	[hbm:s13], [sflag:s29] =	dma.local [spmem:s31], $0x400  }
0x75: {  	_ =	swait.ge [sflag:s20], $0x400  }
0x76: {  	[sflag:s20] =	ssyncset.done $0x0  }
0x77: {  	s31 =	sshrl.u32 s8, $0x3;
	[sflag:s20] =	ssyncadd.s32 $0xFFFFFC00  }
0x78: {  	[hbm:s14], [sflag:s29] =	dma.local [spmem:s31], $0x400  }
0x79: {  	_ =	swait.ge [sflag:s20], $0x400  }
0x7a: {  	[sflag:s20] =	ssyncset.done $0x0  }
0x7b: {  	s31 =	sshrl.u32 s9, $0x3;
	[sflag:s20] =	ssyncadd.s32 $0xFFFFFC00  }
0x7c: {  	[hbm:s15], [sflag:s29] =	dma.local [spmem:s31], $0x400  }
0x7d: {  	s28 =	sadd.s32 $0x1, s28;
	_ =	swait.ge [sflag:s20], $0x400  }
0x7e: {  	p0 =	sne.s32 s28, s17;
	[sflag:s20] =	ssyncset.done $0x0  }
.Ltmp2:
0x7f: {  	s31 =	sshrl.u32 s10, $0x3;
	[sflag:s20] =	ssyncadd.s32 $0xFFFFFC00;
	(pc) =	sbr.rel @p0 .LBB2_1-.Ltmp2, $4  }
0x80: {  	[hbm:s16], [sflag:s29] =	dma.local [spmem:s31], $0x400  }
0x81: {  	_ =	swait.ge [sflag:s20], $0x400  }
0x82: {  	[sflag:s20] =	ssyncset.done $0x0  }
0x83: {  	[sflag:s20] =	ssyncadd.s32 $0xFFFFFC00  }
0x84: {  	_ =	sfence.sel $0x180000  }
0x85: {  	[bflag:$0x0] =	sbarrier.arrive $0xFFFF  }
0x86: {  	p0 =	sne.s32 s2, $0x0;
	_ =	strace $0x90000053  }
0x87: {  	s0 =	sadd.s32 @!p0 $0x100000, s0;
	[bflag:$0x2] =	sbarrier.arrive $0xFFFF  }
0x88: {  	[sflag:s0] =	ssyncadd.tile.s32 @!p0 $0x1;
	_ =	shalt  }
.Lfunc_end2:
_tile_overlayer_lowered:
.L_overlay_start_2:
0x89: {  	(tag) =	ssettag $0x2  }
0x8a: {  	s0 =	rddreg [dreg:$0x0];
	s2 =	stileid.u32  }
0x8b: {  	s1 =	rddreg [dreg:$0x1];
	p0 =	sne.s32 s2, $0x0  }
0x8c: {  	s3 =	rddreg [dreg:$0x2];
	[bflag:$0x3] =	sbarrier.arrive $0xFFFF;
	s2 =	simm.s32 @!p0 $0x1C03  }
0x8d: {  	[timem:s3], [sflag:s2] =	dma.local @!p0 [hbm:s0], s1  }
0x8e: {  	s0 =	simm.s32 @!p0 $0x3  }
0x8f: {  	_ =	swait.ge @!p0 [sflag:s0], s1  }
0x90: {  	s1 =	ssub.s32 @!p0 $0x0, s1;
	[sflag:s0] =	ssyncset.done @!p0 $0x0  }
0x91: {  	[sflag:s0] =	ssyncadd.s32 @!p0 s1  }
0x92: {  	[bflag:$0x3] =	sbarrier.arrive $0xFFFF  }
0x93: {  	_ =	shalt  }

</sc_bundles>
